<compile_context>
chip_gen: v7x
topology: tpu7x:2x2x1
jax: 0.10.2.dev20260603
libtpu: 0.0.44.dev20260713+nightly
codegen_flags: <defaults>
</compile_context>

<pallas_src>
import jax
import jax.numpy as jnp
from jax import lax
from jax.experimental import pallas as pl
from jax.experimental.pallas import tpu as pltpu
from jax.experimental.pallas import tpu_sc as plsc

_B = 4
_S = 2048
_D = 768
_NC = 2
_NS = 16
_NW = _NC * _NS
_SW = _S // _NW
_C = 8
_R = _C * _B
_NG = _SW // _C
_NBUF = 4
_J = _D // 16


def _body(idx_hbm, table_hbm, pos_hbm, out_hbm, idx_v, in_v, pos_v,
          sem_g, sem_o):
    wid = lax.axis_index("s") * _NC + lax.axis_index("c")
    s_base = wid * _SW

    pre = [
        pltpu.async_copy(idx_hbm.at[b, pl.ds(s_base, _SW)], idx_v.at[b],
                         sem_g)
        for b in range(_B)
    ]
    for cp in pre:
        cp.wait()

    gathers = {}
    stores = {}

    def start(i):
        slot = i % _NBUF
        gathers[i] = [
            pltpu.async_copy(
                table_hbm.at[idx_v.at[b, pl.ds(i * _C, _C)]],
                in_v.at[slot, b], sem_g)
            for b in range(_B)
        ] + [
            pltpu.async_copy(
                pos_hbm.at[pl.ds(s_base + i * _C, _C)], pos_v.at[slot],
                sem_g),
        ]

    for i in range(_NBUF - 1):
        start(i)
    for i in range(_NG):
        slot = i % _NBUF
        for cp in gathers.pop(i):
            cp.wait()

        def add_s(s, c, slot=slot):
            @plsc.parallel_loop(0, _J, 1, unroll=8)
            def add_j(j):
                sl = pl.ds(j * 16, 16)
                p = pos_v[slot, s, sl]
                for b in range(_B):
                    in_v[slot, b, s, sl] = in_v[slot, b, s, sl] + p
            return c

        lax.fori_loop(0, _C, add_s, 0)

        stores[i] = [
            pltpu.async_copy(
                in_v.at[slot],
                out_hbm.at[:, pl.ds(s_base + i * _C, _C)], sem_o)
        ]
        if i + _NBUF - 1 < _NG:
            if i >= 1:
                for cp in stores.pop(i - 1):
                    cp.wait()
            start(i + _NBUF - 1)
    for i in sorted(stores):
        for cp in stores.pop(i):
            cp.wait()


@jax.jit
def kernel(inputs, embed_table, pos_table):
    idx = inputs.astype(jnp.int32)
    mesh = plsc.VectorSubcoreMesh(core_axis_name="c", subcore_axis_name="s")
    out = pl.kernel(
        _body,
        out_type=jax.ShapeDtypeStruct((_B, _S, _D), jnp.float32),
        mesh=mesh,
        scratch_types=[
            pltpu.VMEM((_B, _SW), jnp.int32),
            pltpu.VMEM((_NBUF, _B, _C, _D), jnp.float32),
            pltpu.VMEM((_NBUF, _C, _D), jnp.float32),
            pltpu.SemaphoreType.DMA,
            pltpu.SemaphoreType.DMA,
        ],
    )(idx, embed_table, pos_table)
    return out

# --- scband reference (transcript-rebuilt; emitter-appended) ---
"""Pipeline reference for scband-perceiver-text-preprocessor-42451456754123 (READ-ONLY COPY).

The authoritative reference and input builder live on the scoring server;
editing this copy changes nothing except your own understanding.
"""

import jax, jax.numpy as jnp
import numpy as np

VOCAB = 100000
D_MODEL = 768
SEQ_LEN = 2048
BATCH = 4

def setup_inputs(seed: int = 0) -> dict:
    key = jax.random.key(seed)
    k1, k2, k3 = jax.random.split(key, 3)
    inputs = jax.random.randint(k1, (BATCH, SEQ_LEN), 0, VOCAB, dtype=jnp.int64 if jax.config.jax_enable_x64 else jnp.int32)
    embed_table = jax.random.normal(k2, (VOCAB, D_MODEL), dtype=jnp.float32) * 0.02
    pos_table = jax.random.normal(k3, (SEQ_LEN, D_MODEL), dtype=jnp.float32) * 0.02
    return {"inputs": inputs, "embed_table": embed_table, "pos_table": pos_table}

def reference(inputs, embed_table, pos_table):
    # token embedding lookup (gather)
    embeddings = jnp.take(embed_table, inputs, axis=0)  # [B, S, D]
    # position embedding lookup
    position_ids = jnp.arange(0, SEQ_LEN)
    pos_emb = jnp.take(pos_table, position_ids, axis=0)  # [S, D]
    embeddings = embeddings + pos_emb[None, :, :]
    return embeddings

if __name__ == "__main__":
    import jax
    _d = setup_inputs()
    print(jax.jit(kernel)(*tuple(_d.values())))

</pallas_src>

<mosaic_0001>
#map = affine_map<(d0, d1) -> (0, 0)>
#map1 = affine_map<(d0, d1) -> (0, 0, 0)>
module attributes {stable_mosaic.version = 14 : i64} {
  func.func @_body(%arg0: i32, %arg1: i32, %arg2: memref<4x2048xi32, #tpu.memory_space<hbm>>, %arg3: memref<100000x768xf32, #tpu.memory_space<hbm>>, %arg4: memref<2048x768xf32, #tpu.memory_space<hbm>>, %arg5: memref<4x2048x768xf32, #tpu.memory_space<hbm>>, %arg6: memref<4x64xi32, #tpu.memory_space<vmem>>, %arg7: memref<4x4x8x768xf32, #tpu.memory_space<vmem>>, %arg8: memref<4x8x768xf32, #tpu.memory_space<vmem>>, %arg9: memref<!tpu.dma_semaphore, #tpu.memory_space<semaphore_mem>>, %arg10: memref<!tpu.dma_semaphore, #tpu.memory_space<semaphore_mem>>) attributes {dimension_semantics = [#tpu.dimension_semantics<core_parallel>, #tpu.dimension_semantics<subcore_parallel>], iteration_bounds = array<i64: 2, 16>, scalar_prefetch = 0 : i64, scratch_operands = 5 : i64, tpu.core_type = #tpu.core_type<sc_vector_subcore>, window_params = [{transform_indices = #map}, {transform_indices = #map}, {transform_indices = #map}, {transform_indices = #map1}]} {
    %mul3A = arith.constant 2 : i32
    %mul3A_0 = arith.muli %arg1, %mul3A : i32
    %add3A = arith.addi %mul3A_0, %arg0 : i32
    %mul3A_1 = arith.constant 64 : i32
    %mul3A_2 = arith.muli %add3A, %mul3A_1 : i32
    %dma_start3A = arith.constant 0 : i32
    %dma_start3A_3 = arith.constant 0 : i32
    %dma_start3A_4 = arith.constant 0 : i32
    %dma_start3A_5 = tpu.memref_slice %arg6[%dma_start3A_3, %dma_start3A_4] : memref<4x64xi32, #tpu.memory_space<vmem>> -> memref<1x64xi32, #tpu.memory_space<vmem>>
    %dma_start3A_6 = tpu.memref_squeeze %dma_start3A_5 : memref<1x64xi32, #tpu.memory_space<vmem>> -> memref<64xi32, #tpu.memory_space<vmem>>
    %dma_start3A_7 = tpu.memref_slice %arg2[%dma_start3A, %mul3A_2] : memref<4x2048xi32, #tpu.memory_space<hbm>> -> memref<1x64xi32, #tpu.memory_space<hbm>>
    %dma_start3A_8 = tpu.memref_squeeze %dma_start3A_7 : memref<1x64xi32, #tpu.memory_space<hbm>> -> memref<64xi32, #tpu.memory_space<hbm>>
    %dma_start3A_9 = arith.constant 0 : i32
    %dma_start3A_10 = tpu.memref_slice %arg6[%dma_start3A_3, %dma_start3A_9] : memref<4x64xi32, #tpu.memory_space<vmem>> -> memref<1x64xi32, #tpu.memory_space<vmem>>
    %dma_start3A_11 = tpu.memref_squeeze %dma_start3A_10 : memref<1x64xi32, #tpu.memory_space<vmem>> -> memref<64xi32, #tpu.memory_space<vmem>>
    %dma_start3A_12 = tpu.memref_slice %arg2[%dma_start3A, %mul3A_2] : memref<4x2048xi32, #tpu.memory_space<hbm>> -> memref<1x64xi32, #tpu.memory_space<hbm>>
    %dma_start3A_13 = tpu.memref_squeeze %dma_start3A_12 : memref<1x64xi32, #tpu.memory_space<hbm>> -> memref<64xi32, #tpu.memory_space<hbm>>
    tpu.enqueue_dma source(%dma_start3A_13 : memref<64xi32, #tpu.memory_space<hbm>>) target(%dma_start3A_11 : memref<64xi32, #tpu.memory_space<vmem>>) target_semaphore(%arg9 : memref<!tpu.dma_semaphore, #tpu.memory_space<semaphore_mem>>)
    %dma_start3A_14 = arith.constant 1 : i32
    %dma_start3A_15 = arith.constant 1 : i32
    %dma_start3A_16 = arith.constant 0 : i32
    %dma_start3A_17 = tpu.memref_slice %arg6[%dma_start3A_15, %dma_start3A_16] : memref<4x64xi32, #tpu.memory_space<vmem>> -> memref<1x64xi32, #tpu.memory_space<vmem>>
    %dma_start3A_18 = tpu.memref_squeeze %dma_start3A_17 : memref<1x64xi32, #tpu.memory_space<vmem>> -> memref<64xi32, #tpu.memory_space<vmem>>
    %dma_start3A_19 = tpu.memref_slice %arg2[%dma_start3A_14, %mul3A_2] : memref<4x2048xi32, #tpu.memory_space<hbm>> -> memref<1x64xi32, #tpu.memory_space<hbm>>
    %dma_start3A_20 = tpu.memref_squeeze %dma_start3A_19 : memref<1x64xi32, #tpu.memory_space<hbm>> -> memref<64xi32, #tpu.memory_space<hbm>>
    %dma_start3A_21 = arith.constant 0 : i32
    %dma_start3A_22 = tpu.memref_slice %arg6[%dma_start3A_15, %dma_start3A_21] : memref<4x64xi32, #tpu.memory_space<vmem>> -> memref<1x64xi32, #tpu.memory_space<vmem>>
    %dma_start3A_23 = tpu.memref_squeeze %dma_start3A_22 : memref<1x64xi32, #tpu.memory_space<vmem>> -> memref<64xi32, #tpu.memory_space<vmem>>
    %dma_start3A_24 = tpu.memref_slice %arg2[%dma_start3A_14, %mul3A_2] : memref<4x2048xi32, #tpu.memory_space<hbm>> -> memref<1x64xi32, #tpu.memory_space<hbm>>
    %dma_start3A_25 = tpu.memref_squeeze %dma_start3A_24 : memref<1x64xi32, #tpu.memory_space<hbm>> -> memref<64xi32, #tpu.memory_space<hbm>>
    tpu.enqueue_dma source(%dma_start3A_25 : memref<64xi32, #tpu.memory_space<hbm>>) target(%dma_start3A_23 : memref<64xi32, #tpu.memory_space<vmem>>) target_semaphore(%arg9 : memref<!tpu.dma_semaphore, #tpu.memory_space<semaphore_mem>>)
    %dma_start3A_26 = arith.constant 2 : i32
    %dma_start3A_27 = arith.constant 2 : i32
    %dma_start3A_28 = arith.constant 0 : i32
    %dma_start3A_29 = tpu.memref_slice %arg6[%dma_start3A_27, %dma_start3A_28] : memref<4x64xi32, #tpu.memory_space<vmem>> -> memref<1x64xi32, #tpu.memory_space<vmem>>
    %dma_start3A_30 = tpu.memref_squeeze %dma_start3A_29 : memref<1x64xi32, #tpu.memory_space<vmem>> -> memref<64xi32, #tpu.memory_space<vmem>>
    %dma_start3A_31 = tpu.memref_slice %arg2[%dma_start3A_26, %mul3A_2] : memref<4x2048xi32, #tpu.memory_space<hbm>> -> memref<1x64xi32, #tpu.memory_space<hbm>>
    %dma_start3A_32 = tpu.memref_squeeze %dma_start3A_31 : memref<1x64xi32, #tpu.memory_space<hbm>> -> memref<64xi32, #tpu.memory_space<hbm>>
    %dma_start3A_33 = arith.constant 0 : i32
    %dma_start3A_34 = tpu.memref_slice %arg6[%dma_start3A_27, %dma_start3A_33] : memref<4x64xi32, #tpu.memory_space<vmem>> -> memref<1x64xi32, #tpu.memory_space<vmem>>
    %dma_start3A_35 = tpu.memref_squeeze %dma_start3A_34 : memref<1x64xi32, #tpu.memory_space<vmem>> -> memref<64xi32, #tpu.memory_space<vmem>>
    %dma_start3A_36 = tpu.memref_slice %arg2[%dma_start3A_26, %mul3A_2] : memref<4x2048xi32, #tpu.memory_space<hbm>> -> memref<1x64xi32, #tpu.memory_space<hbm>>
    %dma_start3A_37 = tpu.memref_squeeze %dma_start3A_36 : memref<1x64xi32, #tpu.memory_space<hbm>> -> memref<64xi32, #tpu.memory_space<hbm>>
    tpu.enqueue_dma source(%dma_start3A_37 : memref<64xi32, #tpu.memory_space<hbm>>) target(%dma_start3A_35 : memref<64xi32, #tpu.memory_space<vmem>>) target_semaphore(%arg9 : memref<!tpu.dma_semaphore, #tpu.memory_space<semaphore_mem>>)
    %dma_start3A_38 = arith.constant 3 : i32
    %dma_start3A_39 = arith.constant 3 : i32
    %dma_start3A_40 = arith.constant 0 : i32
    %dma_start3A_41 = tpu.memref_slice %arg6[%dma_start3A_39, %dma_start3A_40] : memref<4x64xi32, #tpu.memory_space<vmem>> -> memref<1x64xi32, #tpu.memory_space<vmem>>
    %dma_start3A_42 = tpu.memref_squeeze %dma_start3A_41 : memref<1x64xi32, #tpu.memory_space<vmem>> -> memref<64xi32, #tpu.memory_space<vmem>>
    %dma_start3A_43 = tpu.memref_slice %arg2[%dma_start3A_38, %mul3A_2] : memref<4x2048xi32, #tpu.memory_space<hbm>> -> memref<1x64xi32, #tpu.memory_space<hbm>>
    %dma_start3A_44 = tpu.memref_squeeze %dma_start3A_43 : memref<1x64xi32, #tpu.memory_space<hbm>> -> memref<64xi32, #tpu.memory_space<hbm>>
    %dma_start3A_45 = arith.constant 0 : i32
    %dma_start3A_46 = tpu.memref_slice %arg6[%dma_start3A_39, %dma_start3A_45] : memref<4x64xi32, #tpu.memory_space<vmem>> -> memref<1x64xi32, #tpu.memory_space<vmem>>
    %dma_start3A_47 = tpu.memref_squeeze %dma_start3A_46 : memref<1x64xi32, #tpu.memory_space<vmem>> -> memref<64xi32, #tpu.memory_space<vmem>>
    %dma_start3A_48 = tpu.memref_slice %arg2[%dma_start3A_38, %mul3A_2] : memref<4x2048xi32, #tpu.memory_space<hbm>> -> memref<1x64xi32, #tpu.memory_space<hbm>>
    %dma_start3A_49 = tpu.memref_squeeze %dma_start3A_48 : memref<1x64xi32, #tpu.memory_space<hbm>> -> memref<64xi32, #tpu.memory_space<hbm>>
    tpu.enqueue_dma source(%dma_start3A_49 : memref<64xi32, #tpu.memory_space<hbm>>) target(%dma_start3A_47 : memref<64xi32, #tpu.memory_space<vmem>>) target_semaphore(%arg9 : memref<!tpu.dma_semaphore, #tpu.memory_space<semaphore_mem>>)
    %dma_wait3A = arith.constant 0 : i32
    %dma_wait3A_50 = arith.constant 0 : i32
    %dma_wait3A_51 = arith.constant 0 : i32
    %dma_wait3A_52 = tpu.memref_slice %arg6[%dma_wait3A_50, %dma_wait3A_51] : memref<4x64xi32, #tpu.memory_space<vmem>> -> memref<1x64xi32, #tpu.memory_space<vmem>>
    %dma_wait3A_53 = tpu.memref_squeeze %dma_wait3A_52 : memref<1x64xi32, #tpu.memory_space<vmem>> -> memref<64xi32, #tpu.memory_space<vmem>>
    %dma_wait3A_54 = tpu.memref_slice %arg2[%dma_wait3A, %mul3A_2] : memref<4x2048xi32, #tpu.memory_space<hbm>> -> memref<1x64xi32, #tpu.memory_space<hbm>>
    %dma_wait3A_55 = tpu.memref_squeeze %dma_wait3A_54 : memref<1x64xi32, #tpu.memory_space<hbm>> -> memref<64xi32, #tpu.memory_space<hbm>>
    %dma_wait3A_56 = arith.constant 0 : i32
    %dma_wait3A_57 = tpu.memref_slice %arg6[%dma_wait3A_50, %dma_wait3A_56] : memref<4x64xi32, #tpu.memory_space<vmem>> -> memref<1x64xi32, #tpu.memory_space<vmem>>
    %dma_wait3A_58 = tpu.memref_squeeze %dma_wait3A_57 : memref<1x64xi32, #tpu.memory_space<vmem>> -> memref<64xi32, #tpu.memory_space<vmem>>
    %dma_wait3A_59 = tpu.memref_slice %arg2[%dma_wait3A, %mul3A_2] : memref<4x2048xi32, #tpu.memory_space<hbm>> -> memref<1x64xi32, #tpu.memory_space<hbm>>
    %dma_wait3A_60 = tpu.memref_squeeze %dma_wait3A_59 : memref<1x64xi32, #tpu.memory_space<hbm>> -> memref<64xi32, #tpu.memory_space<hbm>>
    tpu.wait_dma2 semaphore(%arg9 : memref<!tpu.dma_semaphore, #tpu.memory_space<semaphore_mem>>) src(%dma_wait3A_60 : memref<64xi32, #tpu.memory_space<hbm>>) dst(%dma_wait3A_58 : memref<64xi32, #tpu.memory_space<vmem>>)
    %dma_wait3A_61 = arith.constant 1 : i32
    %dma_wait3A_62 = arith.constant 1 : i32
    %dma_wait3A_63 = arith.constant 0 : i32
    %dma_wait3A_64 = tpu.memref_slice %arg6[%dma_wait3A_62, %dma_wait3A_63] : memref<4x64xi32, #tpu.memory_space<vmem>> -> memref<1x64xi32, #tpu.memory_space<vmem>>
    %dma_wait3A_65 = tpu.memref_squeeze %dma_wait3A_64 : memref<1x64xi32, #tpu.memory_space<vmem>> -> memref<64xi32, #tpu.memory_space<vmem>>
    %dma_wait3A_66 = tpu.memref_slice %arg2[%dma_wait3A_61, %mul3A_2] : memref<4x2048xi32, #tpu.memory_space<hbm>> -> memref<1x64xi32, #tpu.memory_space<hbm>>
    %dma_wait3A_67 = tpu.memref_squeeze %dma_wait3A_66 : memref<1x64xi32, #tpu.memory_space<hbm>> -> memref<64xi32, #tpu.memory_space<hbm>>
    %dma_wait3A_68 = arith.constant 0 : i32
    %dma_wait3A_69 = tpu.memref_slice %arg6[%dma_wait3A_62, %dma_wait3A_68] : memref<4x64xi32, #tpu.memory_space<vmem>> -> memref<1x64xi32, #tpu.memory_space<vmem>>
    %dma_wait3A_70 = tpu.memref_squeeze %dma_wait3A_69 : memref<1x64xi32, #tpu.memory_space<vmem>> -> memref<64xi32, #tpu.memory_space<vmem>>
    %dma_wait3A_71 = tpu.memref_slice %arg2[%dma_wait3A_61, %mul3A_2] : memref<4x2048xi32, #tpu.memory_space<hbm>> -> memref<1x64xi32, #tpu.memory_space<hbm>>
    %dma_wait3A_72 = tpu.memref_squeeze %dma_wait3A_71 : memref<1x64xi32, #tpu.memory_space<hbm>> -> memref<64xi32, #tpu.memory_space<hbm>>
    tpu.wait_dma2 semaphore(%arg9 : memref<!tpu.dma_semaphore, #tpu.memory_space<semaphore_mem>>) src(%dma_wait3A_72 : memref<64xi32, #tpu.memory_space<hbm>>) dst(%dma_wait3A_70 : memref<64xi32, #tpu.memory_space<vmem>>)
    %dma_wait3A_73 = arith.constant 2 : i32
    %dma_wait3A_74 = arith.constant 2 : i32
    %dma_wait3A_75 = arith.constant 0 : i32
    %dma_wait3A_76 = tpu.memref_slice %arg6[%dma_wait3A_74, %dma_wait3A_75] : memref<4x64xi32, #tpu.memory_space<vmem>> -> memref<1x64xi32, #tpu.memory_space<vmem>>
    %dma_wait3A_77 = tpu.memref_squeeze %dma_wait3A_76 : memref<1x64xi32, #tpu.memory_space<vmem>> -> memref<64xi32, #tpu.memory_space<vmem>>
    %dma_wait3A_78 = tpu.memref_slice %arg2[%dma_wait3A_73, %mul3A_2] : memref<4x2048xi32, #tpu.memory_space<hbm>> -> memref<1x64xi32, #tpu.memory_space<hbm>>
    %dma_wait3A_79 = tpu.memref_squeeze %dma_wait3A_78 : memref<1x64xi32, #tpu.memory_space<hbm>> -> memref<64xi32, #tpu.memory_space<hbm>>
    %dma_wait3A_80 = arith.constant 0 : i32
    %dma_wait3A_81 = tpu.memref_slice %arg6[%dma_wait3A_74, %dma_wait3A_80] : memref<4x64xi32, #tpu.memory_space<vmem>> -> memref<1x64xi32, #tpu.memory_space<vmem>>
    %dma_wait3A_82 = tpu.memref_squeeze %dma_wait3A_81 : memref<1x64xi32, #tpu.memory_space<vmem>> -> memref<64xi32, #tpu.memory_space<vmem>>
    %dma_wait3A_83 = tpu.memref_slice %arg2[%dma_wait3A_73, %mul3A_2] : memref<4x2048xi32, #tpu.memory_space<hbm>> -> memref<1x64xi32, #tpu.memory_space<hbm>>
    %dma_wait3A_84 = tpu.memref_squeeze %dma_wait3A_83 : memref<1x64xi32, #tpu.memory_space<hbm>> -> memref<64xi32, #tpu.memory_space<hbm>>
    tpu.wait_dma2 semaphore(%arg9 : memref<!tpu.dma_semaphore, #tpu.memory_space<semaphore_mem>>) src(%dma_wait3A_84 : memref<64xi32, #tpu.memory_space<hbm>>) dst(%dma_wait3A_82 : memref<64xi32, #tpu.memory_space<vmem>>)
    %dma_wait3A_85 = arith.constant 3 : i32
    %dma_wait3A_86 = arith.constant 3 : i32
    %dma_wait3A_87 = arith.constant 0 : i32
    %dma_wait3A_88 = tpu.memref_slice %arg6[%dma_wait3A_86, %dma_wait3A_87] : memref<4x64xi32, #tpu.memory_space<vmem>> -> memref<1x64xi32, #tpu.memory_space<vmem>>
    %dma_wait3A_89 = tpu.memref_squeeze %dma_wait3A_88 : memref<1x64xi32, #tpu.memory_space<vmem>> -> memref<64xi32, #tpu.memory_space<vmem>>
    %dma_wait3A_90 = tpu.memref_slice %arg2[%dma_wait3A_85, %mul3A_2] : memref<4x2048xi32, #tpu.memory_space<hbm>> -> memref<1x64xi32, #tpu.memory_space<hbm>>
    %dma_wait3A_91 = tpu.memref_squeeze %dma_wait3A_90 : memref<1x64xi32, #tpu.memory_space<hbm>> -> memref<64xi32, #tpu.memory_space<hbm>>
    %dma_wait3A_92 = arith.constant 0 : i32
    %dma_wait3A_93 = tpu.memref_slice %arg6[%dma_wait3A_86, %dma_wait3A_92] : memref<4x64xi32, #tpu.memory_space<vmem>> -> memref<1x64xi32, #tpu.memory_space<vmem>>
    %dma_wait3A_94 = tpu.memref_squeeze %dma_wait3A_93 : memref<1x64xi32, #tpu.memory_space<vmem>> -> memref<64xi32, #tpu.memory_space<vmem>>
    %dma_wait3A_95 = tpu.memref_slice %arg2[%dma_wait3A_85, %mul3A_2] : memref<4x2048xi32, #tpu.memory_space<hbm>> -> memref<1x64xi32, #tpu.memory_space<hbm>>
    %dma_wait3A_96 = tpu.memref_squeeze %dma_wait3A_95 : memref<1x64xi32, #tpu.memory_space<hbm>> -> memref<64xi32, #tpu.memory_space<hbm>>
    tpu.wait_dma2 semaphore(%arg9 : memref<!tpu.dma_semaphore, #tpu.memory_space<semaphore_mem>>) src(%dma_wait3A_96 : memref<64xi32, #tpu.memory_space<hbm>>) dst(%dma_wait3A_94 : memref<64xi32, #tpu.memory_space<vmem>>)
    %dma_start3A_97 = arith.constant 0 : i32
    %dma_start3A_98 = arith.constant 0 : i32
    %dma_start3A_99 = arith.constant 0 : i32
    %dma_start3A_100 = arith.constant 0 : i32
    %dma_start3A_101 = arith.constant 0 : i32
    %dma_start3A_102 = tpu.memref_slice %arg7[%dma_start3A_98, %dma_start3A_99, %dma_start3A_100, %dma_start3A_101] : memref<4x4x8x768xf32, #tpu.memory_space<vmem>> -> memref<1x1x8x768xf32, #tpu.memory_space<vmem>>
    %dma_start3A_103 = tpu.memref_squeeze %dma_start3A_102 : memref<1x1x8x768xf32, #tpu.memory_space<vmem>> -> memref<8x768xf32, #tpu.memory_space<vmem>>
    %dma_start3A_104 = arith.constant 0 : i32
    %dma_start3A_105 = tpu.memref_slice %arg6[%dma_start3A_97, %dma_start3A_104] : memref<4x64xi32, #tpu.memory_space<vmem>> -> memref<1x8xi32, #tpu.memory_space<vmem>>
    %dma_start3A_106 = tpu.memref_squeeze %dma_start3A_105 : memref<1x8xi32, #tpu.memory_space<vmem>> -> memref<8xi32, #tpu.memory_space<vmem>>
    %dma_start3A_107 = arith.constant 0 : i32
    %dma_start3A_108 = arith.constant 0 : i32
    %dma_start3A_109 = tpu.memref_slice %arg3[%dma_start3A_107, %dma_start3A_108] : memref<100000x768xf32, #tpu.memory_space<hbm>> -> memref<100000x768xf32, #tpu.memory_space<hbm>>
    tpu.enqueue_indirect_dma source(%dma_start3A_109 : memref<100000x768xf32, #tpu.memory_space<hbm>>) target(%dma_start3A_103 : memref<8x768xf32, #tpu.memory_space<vmem>>) offsets(%dma_start3A_106 : memref<8xi32, #tpu.memory_space<vmem>>) semaphore(%arg9 : memref<!tpu.dma_semaphore, #tpu.memory_space<semaphore_mem>>)
    %dma_start3A_110 = arith.constant 1 : i32
    %dma_start3A_111 = arith.constant 0 : i32
    %dma_start3A_112 = arith.constant 1 : i32
    %dma_start3A_113 = arith.constant 0 : i32
    %dma_start3A_114 = arith.constant 0 : i32
    %dma_start3A_115 = tpu.memref_slice %arg7[%dma_start3A_111, %dma_start3A_112, %dma_start3A_113, %dma_start3A_114] : memref<4x4x8x768xf32, #tpu.memory_space<vmem>> -> memref<1x1x8x768xf32, #tpu.memory_space<vmem>>
    %dma_start3A_116 = tpu.memref_squeeze %dma_start3A_115 : memref<1x1x8x768xf32, #tpu.memory_space<vmem>> -> memref<8x768xf32, #tpu.memory_space<vmem>>
    %dma_start3A_117 = arith.constant 0 : i32
    %dma_start3A_118 = tpu.memref_slice %arg6[%dma_start3A_110, %dma_start3A_117] : memref<4x64xi32, #tpu.memory_space<vmem>> -> memref<1x8xi32, #tpu.memory_space<vmem>>
    %dma_start3A_119 = tpu.memref_squeeze %dma_start3A_118 : memref<1x8xi32, #tpu.memory_space<vmem>> -> memref<8xi32, #tpu.memory_space<vmem>>
    %dma_start3A_120 = arith.constant 0 : i32
    %dma_start3A_121 = arith.constant 0 : i32
    %dma_start3A_122 = tpu.memref_slice %arg3[%dma_start3A_120, %dma_start3A_121] : memref<100000x768xf32, #tpu.memory_space<hbm>> -> memref<100000x768xf32, #tpu.memory_space<hbm>>
    tpu.enqueue_indirect_dma source(%dma_start3A_122 : memref<100000x768xf32, #tpu.memory_space<hbm>>) target(%dma_start3A_116 : memref<8x768xf32, #tpu.memory_space<vmem>>) offsets(%dma_start3A_119 : memref<8xi32, #tpu.memory_space<vmem>>) semaphore(%arg9 : memref<!tpu.dma_semaphore, #tpu.memory_space<semaphore_mem>>)
    %dma_start3A_123 = arith.constant 2 : i32
    %dma_start3A_124 = arith.constant 0 : i32
    %dma_start3A_125 = arith.constant 2 : i32
    %dma_start3A_126 = arith.constant 0 : i32
    %dma_start3A_127 = arith.constant 0 : i32
    %dma_start3A_128 = tpu.memref_slice %arg7[%dma_start3A_124, %dma_start3A_125, %dma_start3A_126, %dma_start3A_127] : memref<4x4x8x768xf32, #tpu.memory_space<vmem>> -> memref<1x1x8x768xf32, #tpu.memory_space<vmem>>
    %dma_start3A_129 = tpu.memref_squeeze %dma_start3A_128 : memref<1x1x8x768xf32, #tpu.memory_space<vmem>> -> memref<8x768xf32, #tpu.memory_space<vmem>>
    %dma_start3A_130 = arith.constant 0 : i32
    %dma_start3A_131 = tpu.memref_slice %arg6[%dma_start3A_123, %dma_start3A_130] : memref<4x64xi32, #tpu.memory_space<vmem>> -> memref<1x8xi32, #tpu.memory_space<vmem>>
    %dma_start3A_132 = tpu.memref_squeeze %dma_start3A_131 : memref<1x8xi32, #tpu.memory_space<vmem>> -> memref<8xi32, #tpu.memory_space<vmem>>
    %dma_start3A_133 = arith.constant 0 : i32
    %dma_start3A_134 = arith.constant 0 : i32
    %dma_start3A_135 = tpu.memref_slice %arg3[%dma_start3A_133, %dma_start3A_134] : memref<100000x768xf32, #tpu.memory_space<hbm>> -> memref<100000x768xf32, #tpu.memory_space<hbm>>
    tpu.enqueue_indirect_dma source(%dma_start3A_135 : memref<100000x768xf32, #tpu.memory_space<hbm>>) target(%dma_start3A_129 : memref<8x768xf32, #tpu.memory_space<vmem>>) offsets(%dma_start3A_132 : memref<8xi32, #tpu.memory_space<vmem>>) semaphore(%arg9 : memref<!tpu.dma_semaphore, #tpu.memory_space<semaphore_mem>>)
    %dma_start3A_136 = arith.constant 3 : i32
    %dma_start3A_137 = arith.constant 0 : i32
    %dma_start3A_138 = arith.constant 3 : i32
    %dma_start3A_139 = arith.constant 0 : i32
    %dma_start3A_140 = arith.constant 0 : i32
    %dma_start3A_141 = tpu.memref_slice %arg7[%dma_start3A_137, %dma_start3A_138, %dma_start3A_139, %dma_start3A_140] : memref<4x4x8x768xf32, #tpu.memory_space<vmem>> -> memref<1x1x8x768xf32, #tpu.memory_space<vmem>>
    %dma_start3A_142 = tpu.memref_squeeze %dma_start3A_141 : memref<1x1x8x768xf32, #tpu.memory_space<vmem>> -> memref<8x768xf32, #tpu.memory_space<vmem>>
    %dma_start3A_143 = arith.constant 0 : i32
    %dma_start3A_144 = tpu.memref_slice %arg6[%dma_start3A_136, %dma_start3A_143] : memref<4x64xi32, #tpu.memory_space<vmem>> -> memref<1x8xi32, #tpu.memory_space<vmem>>
    %dma_start3A_145 = tpu.memref_squeeze %dma_start3A_144 : memref<1x8xi32, #tpu.memory_space<vmem>> -> memref<8xi32, #tpu.memory_space<vmem>>
    %dma_start3A_146 = arith.constant 0 : i32
    %dma_start3A_147 = arith.constant 0 : i32
    %dma_start3A_148 = tpu.memref_slice %arg3[%dma_start3A_146, %dma_start3A_147] : memref<100000x768xf32, #tpu.memory_space<hbm>> -> memref<100000x768xf32, #tpu.memory_space<hbm>>
    tpu.enqueue_indirect_dma source(%dma_start3A_148 : memref<100000x768xf32, #tpu.memory_space<hbm>>) target(%dma_start3A_142 : memref<8x768xf32, #tpu.memory_space<vmem>>) offsets(%dma_start3A_145 : memref<8xi32, #tpu.memory_space<vmem>>) semaphore(%arg9 : memref<!tpu.dma_semaphore, #tpu.memory_space<semaphore_mem>>)
    %add3A_149 = arith.constant 0 : i32
    %add3A_150 = arith.addi %mul3A_2, %add3A_149 : i32
    %dma_start3A_151 = arith.constant 0 : i32
    %dma_start3A_152 = arith.constant 0 : i32
    %dma_start3A_153 = arith.constant 0 : i32
    %dma_start3A_154 = tpu.memref_slice %arg8[%dma_start3A_151, %dma_start3A_152, %dma_start3A_153] : memref<4x8x768xf32, #tpu.memory_space<vmem>> -> memref<1x8x768xf32, #tpu.memory_space<vmem>>
    %dma_start3A_155 = tpu.memref_squeeze %dma_start3A_154 : memref<1x8x768xf32, #tpu.memory_space<vmem>> -> memref<8x768xf32, #tpu.memory_space<vmem>>
    %dma_start3A_156 = arith.constant 0 : i32
    %dma_start3A_157 = tpu.memref_slice %arg4[%add3A_150, %dma_start3A_156] : memref<2048x768xf32, #tpu.memory_space<hbm>> -> memref<8x768xf32, #tpu.memory_space<hbm>>
    %dma_start3A_158 = arith.constant 0 : i32
    %dma_start3A_159 = arith.constant 0 : i32
    %dma_start3A_160 = tpu.memref_slice %arg8[%dma_start3A_151, %dma_start3A_158, %dma_start3A_159] : memref<4x8x768xf32, #tpu.memory_space<vmem>> -> memref<1x8x768xf32, #tpu.memory_space<vmem>>
    %dma_start3A_161 = tpu.memref_squeeze %dma_start3A_160 : memref<1x8x768xf32, #tpu.memory_space<vmem>> -> memref<8x768xf32, #tpu.memory_space<vmem>>
    %dma_start3A_162 = arith.constant 0 : i32
    %dma_start3A_163 = tpu.memref_slice %arg4[%add3A_150, %dma_start3A_162] : memref<2048x768xf32, #tpu.memory_space<hbm>> -> memref<8x768xf32, #tpu.memory_space<hbm>>
    tpu.enqueue_dma source(%dma_start3A_163 : memref<8x768xf32, #tpu.memory_space<hbm>>) target(%dma_start3A_161 : memref<8x768xf32, #tpu.memory_space<vmem>>) target_semaphore(%arg9 : memref<!tpu.dma_semaphore, #tpu.memory_space<semaphore_mem>>)
    %dma_start3A_164 = arith.constant 0 : i32
    %dma_start3A_165 = arith.constant 1 : i32
    %dma_start3A_166 = arith.constant 0 : i32
    %dma_start3A_167 = arith.constant 0 : i32
    %dma_start3A_168 = arith.constant 0 : i32
    %dma_start3A_169 = tpu.memref_slice %arg7[%dma_start3A_165, %dma_start3A_166, %dma_start3A_167, %dma_start3A_168] : memref<4x4x8x768xf32, #tpu.memory_space<vmem>> -> memref<1x1x8x768xf32, #tpu.memory_space<vmem>>
    %dma_start3A_170 = tpu.memref_squeeze %dma_start3A_169 : memref<1x1x8x768xf32, #tpu.memory_space<vmem>> -> memref<8x768xf32, #tpu.memory_space<vmem>>
    %dma_start3A_171 = arith.constant 8 : i32
    %dma_start3A_172 = tpu.memref_slice %arg6[%dma_start3A_164, %dma_start3A_171] : memref<4x64xi32, #tpu.memory_space<vmem>> -> memref<1x8xi32, #tpu.memory_space<vmem>>
    %dma_start3A_173 = tpu.memref_squeeze %dma_start3A_172 : memref<1x8xi32, #tpu.memory_space<vmem>> -> memref<8xi32, #tpu.memory_space<vmem>>
    %dma_start3A_174 = arith.constant 0 : i32
    %dma_start3A_175 = arith.constant 0 : i32
    %dma_start3A_176 = tpu.memref_slice %arg3[%dma_start3A_174, %dma_start3A_175] : memref<100000x768xf32, #tpu.memory_space<hbm>> -> memref<100000x768xf32, #tpu.memory_space<hbm>>
    tpu.enqueue_indirect_dma source(%dma_start3A_176 : memref<100000x768xf32, #tpu.memory_space<hbm>>) target(%dma_start3A_170 : memref<8x768xf32, #tpu.memory_space<vmem>>) offsets(%dma_start3A_173 : memref<8xi32, #tpu.memory_space<vmem>>) semaphore(%arg9 : memref<!tpu.dma_semaphore, #tpu.memory_space<semaphore_mem>>)
    %dma_start3A_177 = arith.constant 1 : i32
    %dma_start3A_178 = arith.constant 1 : i32
    %dma_start3A_179 = arith.constant 1 : i32
    %dma_start3A_180 = arith.constant 0 : i32
    %dma_start3A_181 = arith.constant 0 : i32
    %dma_start3A_182 = tpu.memref_slice %arg7[%dma_start3A_178, %dma_start3A_179, %dma_start3A_180, %dma_start3A_181] : memref<4x4x8x768xf32, #tpu.memory_space<vmem>> -> memref<1x1x8x768xf32, #tpu.memory_space<vmem>>
    %dma_start3A_183 = tpu.memref_squeeze %dma_start3A_182 : memref<1x1x8x768xf32, #tpu.memory_space<vmem>> -> memref<8x768xf32, #tpu.memory_space<vmem>>
    %dma_start3A_184 = arith.constant 8 : i32
    %dma_start3A_185 = tpu.memref_slice %arg6[%dma_start3A_177, %dma_start3A_184] : memref<4x64xi32, #tpu.memory_space<vmem>> -> memref<1x8xi32, #tpu.memory_space<vmem>>
    %dma_start3A_186 = tpu.memref_squeeze %dma_start3A_185 : memref<1x8xi32, #tpu.memory_space<vmem>> -> memref<8xi32, #tpu.memory_space<vmem>>
    %dma_start3A_187 = arith.constant 0 : i32
    %dma_start3A_188 = arith.constant 0 : i32
    %dma_start3A_189 = tpu.memref_slice %arg3[%dma_start3A_187, %dma_start3A_188] : memref<100000x768xf32, #tpu.memory_space<hbm>> -> memref<100000x768xf32, #tpu.memory_space<hbm>>
    tpu.enqueue_indirect_dma source(%dma_start3A_189 : memref<100000x768xf32, #tpu.memory_space<hbm>>) target(%dma_start3A_183 : memref<8x768xf32, #tpu.memory_space<vmem>>) offsets(%dma_start3A_186 : memref<8xi32, #tpu.memory_space<vmem>>) semaphore(%arg9 : memref<!tpu.dma_semaphore, #tpu.memory_space<semaphore_mem>>)
    %dma_start3A_190 = arith.constant 2 : i32
    %dma_start3A_191 = arith.constant 1 : i32
    %dma_start3A_192 = arith.constant 2 : i32
    %dma_start3A_193 = arith.constant 0 : i32
    %dma_start3A_194 = arith.constant 0 : i32
    %dma_start3A_195 = tpu.memref_slice %arg7[%dma_start3A_191, %dma_start3A_192, %dma_start3A_193, %dma_start3A_194] : memref<4x4x8x768xf32, #tpu.memory_space<vmem>> -> memref<1x1x8x768xf32, #tpu.memory_space<vmem>>
    %dma_start3A_196 = tpu.memref_squeeze %dma_start3A_195 : memref<1x1x8x768xf32, #tpu.memory_space<vmem>> -> memref<8x768xf32, #tpu.memory_space<vmem>>
    %dma_start3A_197 = arith.constant 8 : i32
    %dma_start3A_198 = tpu.memref_slice %arg6[%dma_start3A_190, %dma_start3A_197] : memref<4x64xi32, #tpu.memory_space<vmem>> -> memref<1x8xi32, #tpu.memory_space<vmem>>
    %dma_start3A_199 = tpu.memref_squeeze %dma_start3A_198 : memref<1x8xi32, #tpu.memory_space<vmem>> -> memref<8xi32, #tpu.memory_space<vmem>>
    %dma_start3A_200 = arith.constant 0 : i32
    %dma_start3A_201 = arith.constant 0 : i32
    %dma_start3A_202 = tpu.memref_slice %arg3[%dma_start3A_200, %dma_start3A_201] : memref<100000x768xf32, #tpu.memory_space<hbm>> -> memref<100000x768xf32, #tpu.memory_space<hbm>>
    tpu.enqueue_indirect_dma source(%dma_start3A_202 : memref<100000x768xf32, #tpu.memory_space<hbm>>) target(%dma_start3A_196 : memref<8x768xf32, #tpu.memory_space<vmem>>) offsets(%dma_start3A_199 : memref<8xi32, #tpu.memory_space<vmem>>) semaphore(%arg9 : memref<!tpu.dma_semaphore, #tpu.memory_space<semaphore_mem>>)
    %dma_start3A_203 = arith.constant 3 : i32
    %dma_start3A_204 = arith.constant 1 : i32
    %dma_start3A_205 = arith.constant 3 : i32
    %dma_start3A_206 = arith.constant 0 : i32
    %dma_start3A_207 = arith.constant 0 : i32
    %dma_start3A_208 = tpu.memref_slice %arg7[%dma_start3A_204, %dma_start3A_205, %dma_start3A_206, %dma_start3A_207] : memref<4x4x8x768xf32, #tpu.memory_space<vmem>> -> memref<1x1x8x768xf32, #tpu.memory_space<vmem>>
    %dma_start3A_209 = tpu.memref_squeeze %dma_start3A_208 : memref<1x1x8x768xf32, #tpu.memory_space<vmem>> -> memref<8x768xf32, #tpu.memory_space<vmem>>
    %dma_start3A_210 = arith.constant 8 : i32
    %dma_start3A_211 = tpu.memref_slice %arg6[%dma_start3A_203, %dma_start3A_210] : memref<4x64xi32, #tpu.memory_space<vmem>> -> memref<1x8xi32, #tpu.memory_space<vmem>>
    %dma_start3A_212 = tpu.memref_squeeze %dma_start3A_211 : memref<1x8xi32, #tpu.memory_space<vmem>> -> memref<8xi32, #tpu.memory_space<vmem>>
    %dma_start3A_213 = arith.constant 0 : i32
    %dma_start3A_214 = arith.constant 0 : i32
    %dma_start3A_215 = tpu.memref_slice %arg3[%dma_start3A_213, %dma_start3A_214] : memref<100000x768xf32, #tpu.memory_space<hbm>> -> memref<100000x768xf32, #tpu.memory_space<hbm>>
    tpu.enqueue_indirect_dma source(%dma_start3A_215 : memref<100000x768xf32, #tpu.memory_space<hbm>>) target(%dma_start3A_209 : memref<8x768xf32, #tpu.memory_space<vmem>>) offsets(%dma_start3A_212 : memref<8xi32, #tpu.memory_space<vmem>>) semaphore(%arg9 : memref<!tpu.dma_semaphore, #tpu.memory_space<semaphore_mem>>)
    %add3A_216 = arith.constant 8 : i32
    %add3A_217 = arith.addi %mul3A_2, %add3A_216 : i32
    %dma_start3A_218 = arith.constant 1 : i32
    %dma_start3A_219 = arith.constant 0 : i32
    %dma_start3A_220 = arith.constant 0 : i32
    %dma_start3A_221 = tpu.memref_slice %arg8[%dma_start3A_218, %dma_start3A_219, %dma_start3A_220] : memref<4x8x768xf32, #tpu.memory_space<vmem>> -> memref<1x8x768xf32, #tpu.memory_space<vmem>>
    %dma_start3A_222 = tpu.memref_squeeze %dma_start3A_221 : memref<1x8x768xf32, #tpu.memory_space<vmem>> -> memref<8x768xf32, #tpu.memory_space<vmem>>
    %dma_start3A_223 = arith.constant 0 : i32
    %dma_start3A_224 = tpu.memref_slice %arg4[%add3A_217, %dma_start3A_223] : memref<2048x768xf32, #tpu.memory_space<hbm>> -> memref<8x768xf32, #tpu.memory_space<hbm>>
    %dma_start3A_225 = arith.constant 0 : i32
    %dma_start3A_226 = arith.constant 0 : i32
    %dma_start3A_227 = tpu.memref_slice %arg8[%dma_start3A_218, %dma_start3A_225, %dma_start3A_226] : memref<4x8x768xf32, #tpu.memory_space<vmem>> -> memref<1x8x768xf32, #tpu.memory_space<vmem>>
    %dma_start3A_228 = tpu.memref_squeeze %dma_start3A_227 : memref<1x8x768xf32, #tpu.memory_space<vmem>> -> memref<8x768xf32, #tpu.memory_space<vmem>>
    %dma_start3A_229 = arith.constant 0 : i32
    %dma_start3A_230 = tpu.memref_slice %arg4[%add3A_217, %dma_start3A_229] : memref<2048x768xf32, #tpu.memory_space<hbm>> -> memref<8x768xf32, #tpu.memory_space<hbm>>
    tpu.enqueue_dma source(%dma_start3A_230 : memref<8x768xf32, #tpu.memory_space<hbm>>) target(%dma_start3A_228 : memref<8x768xf32, #tpu.memory_space<vmem>>) target_semaphore(%arg9 : memref<!tpu.dma_semaphore, #tpu.memory_space<semaphore_mem>>)
    %dma_start3A_231 = arith.constant 0 : i32
    %dma_start3A_232 = arith.constant 2 : i32
    %dma_start3A_233 = arith.constant 0 : i32
    %dma_start3A_234 = arith.constant 0 : i32
    %dma_start3A_235 = arith.constant 0 : i32
    %dma_start3A_236 = tpu.memref_slice %arg7[%dma_start3A_232, %dma_start3A_233, %dma_start3A_234, %dma_start3A_235] : memref<4x4x8x768xf32, #tpu.memory_space<vmem>> -> memref<1x1x8x768xf32, #tpu.memory_space<vmem>>
    %dma_start3A_237 = tpu.memref_squeeze %dma_start3A_236 : memref<1x1x8x768xf32, #tpu.memory_space<vmem>> -> memref<8x768xf32, #tpu.memory_space<vmem>>
    %dma_start3A_238 = arith.constant 16 : i32
    %dma_start3A_239 = tpu.memref_slice %arg6[%dma_start3A_231, %dma_start3A_238] : memref<4x64xi32, #tpu.memory_space<vmem>> -> memref<1x8xi32, #tpu.memory_space<vmem>>
    %dma_start3A_240 = tpu.memref_squeeze %dma_start3A_239 : memref<1x8xi32, #tpu.memory_space<vmem>> -> memref<8xi32, #tpu.memory_space<vmem>>
    %dma_start3A_241 = arith.constant 0 : i32
    %dma_start3A_242 = arith.constant 0 : i32
    %dma_start3A_243 = tpu.memref_slice %arg3[%dma_start3A_241, %dma_start3A_242] : memref<100000x768xf32, #tpu.memory_space<hbm>> -> memref<100000x768xf32, #tpu.memory_space<hbm>>
    tpu.enqueue_indirect_dma source(%dma_start3A_243 : memref<100000x768xf32, #tpu.memory_space<hbm>>) target(%dma_start3A_237 : memref<8x768xf32, #tpu.memory_space<vmem>>) offsets(%dma_start3A_240 : memref<8xi32, #tpu.memory_space<vmem>>) semaphore(%arg9 : memref<!tpu.dma_semaphore, #tpu.memory_space<semaphore_mem>>)
    %dma_start3A_244 = arith.constant 1 : i32
    %dma_start3A_245 = arith.constant 2 : i32
    %dma_start3A_246 = arith.constant 1 : i32
    %dma_start3A_247 = arith.constant 0 : i32
    %dma_start3A_248 = arith.constant 0 : i32
    %dma_start3A_249 = tpu.memref_slice %arg7[%dma_start3A_245, %dma_start3A_246, %dma_start3A_247, %dma_start3A_248] : memref<4x4x8x768xf32, #tpu.memory_space<vmem>> -> memref<1x1x8x768xf32, #tpu.memory_space<vmem>>
    %dma_start3A_250 = tpu.memref_squeeze %dma_start3A_249 : memref<1x1x8x768xf32, #tpu.memory_space<vmem>> -> memref<8x768xf32, #tpu.memory_space<vmem>>
    %dma_start3A_251 = arith.constant 16 : i32
    %dma_start3A_252 = tpu.memref_slice %arg6[%dma_start3A_244, %dma_start3A_251] : memref<4x64xi32, #tpu.memory_space<vmem>> -> memref<1x8xi32, #tpu.memory_space<vmem>>
    %dma_start3A_253 = tpu.memref_squeeze %dma_start3A_252 : memref<1x8xi32, #tpu.memory_space<vmem>> -> memref<8xi32, #tpu.memory_space<vmem>>
    %dma_start3A_254 = arith.constant 0 : i32
    %dma_start3A_255 = arith.constant 0 : i32
    %dma_start3A_256 = tpu.memref_slice %arg3[%dma_start3A_254, %dma_start3A_255] : memref<100000x768xf32, #tpu.memory_space<hbm>> -> memref<100000x768xf32, #tpu.memory_space<hbm>>
    tpu.enqueue_indirect_dma source(%dma_start3A_256 : memref<100000x768xf32, #tpu.memory_space<hbm>>) target(%dma_start3A_250 : memref<8x768xf32, #tpu.memory_space<vmem>>) offsets(%dma_start3A_253 : memref<8xi32, #tpu.memory_space<vmem>>) semaphore(%arg9 : memref<!tpu.dma_semaphore, #tpu.memory_space<semaphore_mem>>)
    %dma_start3A_257 = arith.constant 2 : i32
    %dma_start3A_258 = arith.constant 2 : i32
    %dma_start3A_259 = arith.constant 2 : i32
    %dma_start3A_260 = arith.constant 0 : i32
    %dma_start3A_261 = arith.constant 0 : i32
    %dma_start3A_262 = tpu.memref_slice %arg7[%dma_start3A_258, %dma_start3A_259, %dma_start3A_260, %dma_start3A_261] : memref<4x4x8x768xf32, #tpu.memory_space<vmem>> -> memref<1x1x8x768xf32, #tpu.memory_space<vmem>>
    %dma_start3A_263 = tpu.memref_squeeze %dma_start3A_262 : memref<1x1x8x768xf32, #tpu.memory_space<vmem>> -> memref<8x768xf32, #tpu.memory_space<vmem>>
    %dma_start3A_264 = arith.constant 16 : i32
    %dma_start3A_265 = tpu.memref_slice %arg6[%dma_start3A_257, %dma_start3A_264] : memref<4x64xi32, #tpu.memory_space<vmem>> -> memref<1x8xi32, #tpu.memory_space<vmem>>
    %dma_start3A_266 = tpu.memref_squeeze %dma_start3A_265 : memref<1x8xi32, #tpu.memory_space<vmem>> -> memref<8xi32, #tpu.memory_space<vmem>>
    %dma_start3A_267 = arith.constant 0 : i32
    %dma_start3A_268 = arith.constant 0 : i32
    %dma_start3A_269 = tpu.memref_slice %arg3[%dma_start3A_267, %dma_start3A_268] : memref<100000x768xf32, #tpu.memory_space<hbm>> -> memref<100000x768xf32, #tpu.memory_space<hbm>>
    tpu.enqueue_indirect_dma source(%dma_start3A_269 : memref<100000x768xf32, #tpu.memory_space<hbm>>) target(%dma_start3A_263 : memref<8x768xf32, #tpu.memory_space<vmem>>) offsets(%dma_start3A_266 : memref<8xi32, #tpu.memory_space<vmem>>) semaphore(%arg9 : memref<!tpu.dma_semaphore, #tpu.memory_space<semaphore_mem>>)
    %dma_start3A_270 = arith.constant 3 : i32
    %dma_start3A_271 = arith.constant 2 : i32
    %dma_start3A_272 = arith.constant 3 : i32
    %dma_start3A_273 = arith.constant 0 : i32
    %dma_start3A_274 = arith.constant 0 : i32
    %dma_start3A_275 = tpu.memref_slice %arg7[%dma_start3A_271, %dma_start3A_272, %dma_start3A_273, %dma_start3A_274] : memref<4x4x8x768xf32, #tpu.memory_space<vmem>> -> memref<1x1x8x768xf32, #tpu.memory_space<vmem>>
    %dma_start3A_276 = tpu.memref_squeeze %dma_start3A_275 : memref<1x1x8x768xf32, #tpu.memory_space<vmem>> -> memref<8x768xf32, #tpu.memory_space<vmem>>
    %dma_start3A_277 = arith.constant 16 : i32
    %dma_start3A_278 = tpu.memref_slice %arg6[%dma_start3A_270, %dma_start3A_277] : memref<4x64xi32, #tpu.memory_space<vmem>> -> memref<1x8xi32, #tpu.memory_space<vmem>>
    %dma_start3A_279 = tpu.memref_squeeze %dma_start3A_278 : memref<1x8xi32, #tpu.memory_space<vmem>> -> memref<8xi32, #tpu.memory_space<vmem>>
    %dma_start3A_280 = arith.constant 0 : i32
    %dma_start3A_281 = arith.constant 0 : i32
    %dma_start3A_282 = tpu.memref_slice %arg3[%dma_start3A_280, %dma_start3A_281] : memref<100000x768xf32, #tpu.memory_space<hbm>> -> memref<100000x768xf32, #tpu.memory_space<hbm>>
    tpu.enqueue_indirect_dma source(%dma_start3A_282 : memref<100000x768xf32, #tpu.memory_space<hbm>>) target(%dma_start3A_276 : memref<8x768xf32, #tpu.memory_space<vmem>>) offsets(%dma_start3A_279 : memref<8xi32, #tpu.memory_space<vmem>>) semaphore(%arg9 : memref<!tpu.dma_semaphore, #tpu.memory_space<semaphore_mem>>)
    %add3A_283 = arith.constant 16 : i32
    %add3A_284 = arith.addi %mul3A_2, %add3A_283 : i32
    %dma_start3A_285 = arith.constant 2 : i32
    %dma_start3A_286 = arith.constant 0 : i32
    %dma_start3A_287 = arith.constant 0 : i32
    %dma_start3A_288 = tpu.memref_slice %arg8[%dma_start3A_285, %dma_start3A_286, %dma_start3A_287] : memref<4x8x768xf32, #tpu.memory_space<vmem>> -> memref<1x8x768xf32, #tpu.memory_space<vmem>>
    %dma_start3A_289 = tpu.memref_squeeze %dma_start3A_288 : memref<1x8x768xf32, #tpu.memory_space<vmem>> -> memref<8x768xf32, #tpu.memory_space<vmem>>
    %dma_start3A_290 = arith.constant 0 : i32
    %dma_start3A_291 = tpu.memref_slice %arg4[%add3A_284, %dma_start3A_290] : memref<2048x768xf32, #tpu.memory_space<hbm>> -> memref<8x768xf32, #tpu.memory_space<hbm>>
    %dma_start3A_292 = arith.constant 0 : i32
    %dma_start3A_293 = arith.constant 0 : i32
    %dma_start3A_294 = tpu.memref_slice %arg8[%dma_start3A_285, %dma_start3A_292, %dma_start3A_293] : memref<4x8x768xf32, #tpu.memory_space<vmem>> -> memref<1x8x768xf32, #tpu.memory_space<vmem>>
    %dma_start3A_295 = tpu.memref_squeeze %dma_start3A_294 : memref<1x8x768xf32, #tpu.memory_space<vmem>> -> memref<8x768xf32, #tpu.memory_space<vmem>>
    %dma_start3A_296 = arith.constant 0 : i32
    %dma_start3A_297 = tpu.memref_slice %arg4[%add3A_284, %dma_start3A_296] : memref<2048x768xf32, #tpu.memory_space<hbm>> -> memref<8x768xf32, #tpu.memory_space<hbm>>
    tpu.enqueue_dma source(%dma_start3A_297 : memref<8x768xf32, #tpu.memory_space<hbm>>) target(%dma_start3A_295 : memref<8x768xf32, #tpu.memory_space<vmem>>) target_semaphore(%arg9 : memref<!tpu.dma_semaphore, #tpu.memory_space<semaphore_mem>>)
    %dma_wait3A_298 = arith.constant 0 : i32
    %dma_wait3A_299 = arith.constant 0 : i32
    %dma_wait3A_300 = arith.constant 0 : i32
    %dma_wait3A_301 = arith.constant 0 : i32
    %dma_wait3A_302 = arith.constant 0 : i32
    %dma_wait3A_303 = tpu.memref_slice %arg7[%dma_wait3A_299, %dma_wait3A_300, %dma_wait3A_301, %dma_wait3A_302] : memref<4x4x8x768xf32, #tpu.memory_space<vmem>> -> memref<1x1x8x768xf32, #tpu.memory_space<vmem>>
    %dma_wait3A_304 = tpu.memref_squeeze %dma_wait3A_303 : memref<1x1x8x768xf32, #tpu.memory_space<vmem>> -> memref<8x768xf32, #tpu.memory_space<vmem>>
    %dma_wait3A_305 = arith.constant 0 : i32
    %dma_wait3A_306 = tpu.memref_slice %arg6[%dma_wait3A_298, %dma_wait3A_305] : memref<4x64xi32, #tpu.memory_space<vmem>> -> memref<1x8xi32, #tpu.memory_space<vmem>>
    %dma_wait3A_307 = tpu.memref_squeeze %dma_wait3A_306 : memref<1x8xi32, #tpu.memory_space<vmem>> -> memref<8xi32, #tpu.memory_space<vmem>>
    %dma_wait3A_308 = arith.constant 0 : i32
    %dma_wait3A_309 = arith.constant 0 : i32
    %dma_wait3A_310 = tpu.memref_slice %arg3[%dma_wait3A_308, %dma_wait3A_309] : memref<100000x768xf32, #tpu.memory_space<hbm>> -> memref<100000x768xf32, #tpu.memory_space<hbm>>
    tpu.wait_indirect_dma semaphore(%arg9 : memref<!tpu.dma_semaphore, #tpu.memory_space<semaphore_mem>>) src(%dma_wait3A_310 : memref<100000x768xf32, #tpu.memory_space<hbm>>) dst(%dma_wait3A_304 : memref<8x768xf32, #tpu.memory_space<vmem>>)
    %dma_wait3A_311 = arith.constant 1 : i32
    %dma_wait3A_312 = arith.constant 0 : i32
    %dma_wait3A_313 = arith.constant 1 : i32
    %dma_wait3A_314 = arith.constant 0 : i32
    %dma_wait3A_315 = arith.constant 0 : i32
    %dma_wait3A_316 = tpu.memref_slice %arg7[%dma_wait3A_312, %dma_wait3A_313, %dma_wait3A_314, %dma_wait3A_315] : memref<4x4x8x768xf32, #tpu.memory_space<vmem>> -> memref<1x1x8x768xf32, #tpu.memory_space<vmem>>
    %dma_wait3A_317 = tpu.memref_squeeze %dma_wait3A_316 : memref<1x1x8x768xf32, #tpu.memory_space<vmem>> -> memref<8x768xf32, #tpu.memory_space<vmem>>
    %dma_wait3A_318 = arith.constant 0 : i32
    %dma_wait3A_319 = tpu.memref_slice %arg6[%dma_wait3A_311, %dma_wait3A_318] : memref<4x64xi32, #tpu.memory_space<vmem>> -> memref<1x8xi32, #tpu.memory_space<vmem>>
    %dma_wait3A_320 = tpu.memref_squeeze %dma_wait3A_319 : memref<1x8xi32, #tpu.memory_space<vmem>> -> memref<8xi32, #tpu.memory_space<vmem>>
    %dma_wait3A_321 = arith.constant 0 : i32
    %dma_wait3A_322 = arith.constant 0 : i32
    %dma_wait3A_323 = tpu.memref_slice %arg3[%dma_wait3A_321, %dma_wait3A_322] : memref<100000x768xf32, #tpu.memory_space<hbm>> -> memref<100000x768xf32, #tpu.memory_space<hbm>>
    tpu.wait_indirect_dma semaphore(%arg9 : memref<!tpu.dma_semaphore, #tpu.memory_space<semaphore_mem>>) src(%dma_wait3A_323 : memref<100000x768xf32, #tpu.memory_space<hbm>>) dst(%dma_wait3A_317 : memref<8x768xf32, #tpu.memory_space<vmem>>)
    %dma_wait3A_324 = arith.constant 2 : i32
    %dma_wait3A_325 = arith.constant 0 : i32
    %dma_wait3A_326 = arith.constant 2 : i32
    %dma_wait3A_327 = arith.constant 0 : i32
    %dma_wait3A_328 = arith.constant 0 : i32
    %dma_wait3A_329 = tpu.memref_slice %arg7[%dma_wait3A_325, %dma_wait3A_326, %dma_wait3A_327, %dma_wait3A_328] : memref<4x4x8x768xf32, #tpu.memory_space<vmem>> -> memref<1x1x8x768xf32, #tpu.memory_space<vmem>>
    %dma_wait3A_330 = tpu.memref_squeeze %dma_wait3A_329 : memref<1x1x8x768xf32, #tpu.memory_space<vmem>> -> memref<8x768xf32, #tpu.memory_space<vmem>>
    %dma_wait3A_331 = arith.constant 0 : i32
    %dma_wait3A_332 = tpu.memref_slice %arg6[%dma_wait3A_324, %dma_wait3A_331] : memref<4x64xi32, #tpu.memory_space<vmem>> -> memref<1x8xi32, #tpu.memory_space<vmem>>
    %dma_wait3A_333 = tpu.memref_squeeze %dma_wait3A_332 : memref<1x8xi32, #tpu.memory_space<vmem>> -> memref<8xi32, #tpu.memory_space<vmem>>
    %dma_wait3A_334 = arith.constant 0 : i32
    %dma_wait3A_335 = arith.constant 0 : i32
    %dma_wait3A_336 = tpu.memref_slice %arg3[%dma_wait3A_334, %dma_wait3A_335] : memref<100000x768xf32, #tpu.memory_space<hbm>> -> memref<100000x768xf32, #tpu.memory_space<hbm>>
    tpu.wait_indirect_dma semaphore(%arg9 : memref<!tpu.dma_semaphore, #tpu.memory_space<semaphore_mem>>) src(%dma_wait3A_336 : memref<100000x768xf32, #tpu.memory_space<hbm>>) dst(%dma_wait3A_330 : memref<8x768xf32, #tpu.memory_space<vmem>>)
    %dma_wait3A_337 = arith.constant 3 : i32
    %dma_wait3A_338 = arith.constant 0 : i32
    %dma_wait3A_339 = arith.constant 3 : i32
    %dma_wait3A_340 = arith.constant 0 : i32
    %dma_wait3A_341 = arith.constant 0 : i32
    %dma_wait3A_342 = tpu.memref_slice %arg7[%dma_wait3A_338, %dma_wait3A_339, %dma_wait3A_340, %dma_wait3A_341] : memref<4x4x8x768xf32, #tpu.memory_space<vmem>> -> memref<1x1x8x768xf32, #tpu.memory_space<vmem>>
    %dma_wait3A_343 = tpu.memref_squeeze %dma_wait3A_342 : memref<1x1x8x768xf32, #tpu.memory_space<vmem>> -> memref<8x768xf32, #tpu.memory_space<vmem>>
    %dma_wait3A_344 = arith.constant 0 : i32
    %dma_wait3A_345 = tpu.memref_slice %arg6[%dma_wait3A_337, %dma_wait3A_344] : memref<4x64xi32, #tpu.memory_space<vmem>> -> memref<1x8xi32, #tpu.memory_space<vmem>>
    %dma_wait3A_346 = tpu.memref_squeeze %dma_wait3A_345 : memref<1x8xi32, #tpu.memory_space<vmem>> -> memref<8xi32, #tpu.memory_space<vmem>>
    %dma_wait3A_347 = arith.constant 0 : i32
    %dma_wait3A_348 = arith.constant 0 : i32
    %dma_wait3A_349 = tpu.memref_slice %arg3[%dma_wait3A_347, %dma_wait3A_348] : memref<100000x768xf32, #tpu.memory_space<hbm>> -> memref<100000x768xf32, #tpu.memory_space<hbm>>
    tpu.wait_indirect_dma semaphore(%arg9 : memref<!tpu.dma_semaphore, #tpu.memory_space<semaphore_mem>>) src(%dma_wait3A_349 : memref<100000x768xf32, #tpu.memory_space<hbm>>) dst(%dma_wait3A_343 : memref<8x768xf32, #tpu.memory_space<vmem>>)
    %dma_wait3A_350 = arith.constant 0 : i32
    %dma_wait3A_351 = arith.constant 0 : i32
    %dma_wait3A_352 = arith.constant 0 : i32
    %dma_wait3A_353 = tpu.memref_slice %arg8[%dma_wait3A_350, %dma_wait3A_351, %dma_wait3A_352] : memref<4x8x768xf32, #tpu.memory_space<vmem>> -> memref<1x8x768xf32, #tpu.memory_space<vmem>>
    %dma_wait3A_354 = tpu.memref_squeeze %dma_wait3A_353 : memref<1x8x768xf32, #tpu.memory_space<vmem>> -> memref<8x768xf32, #tpu.memory_space<vmem>>
    %dma_wait3A_355 = arith.constant 0 : i32
    %dma_wait3A_356 = tpu.memref_slice %arg4[%add3A_150, %dma_wait3A_355] : memref<2048x768xf32, #tpu.memory_space<hbm>> -> memref<8x768xf32, #tpu.memory_space<hbm>>
    %dma_wait3A_357 = arith.constant 0 : i32
    %dma_wait3A_358 = arith.constant 0 : i32
    %dma_wait3A_359 = tpu.memref_slice %arg8[%dma_wait3A_350, %dma_wait3A_357, %dma_wait3A_358] : memref<4x8x768xf32, #tpu.memory_space<vmem>> -> memref<1x8x768xf32, #tpu.memory_space<vmem>>
    %dma_wait3A_360 = tpu.memref_squeeze %dma_wait3A_359 : memref<1x8x768xf32, #tpu.memory_space<vmem>> -> memref<8x768xf32, #tpu.memory_space<vmem>>
    %dma_wait3A_361 = arith.constant 0 : i32
    %dma_wait3A_362 = tpu.memref_slice %arg4[%add3A_150, %dma_wait3A_361] : memref<2048x768xf32, #tpu.memory_space<hbm>> -> memref<8x768xf32, #tpu.memory_space<hbm>>
    tpu.wait_dma2 semaphore(%arg9 : memref<!tpu.dma_semaphore, #tpu.memory_space<semaphore_mem>>) src(%dma_wait3A_362 : memref<8x768xf32, #tpu.memory_space<hbm>>) dst(%dma_wait3A_360 : memref<8x768xf32, #tpu.memory_space<vmem>>)
    %scan3A = arith.constant 0 : i32
    %scan3A_363 = arith.constant 0 : i32
    %scan3A_364 = arith.constant 8 : i32
    %scan3A_365 = arith.addi %scan3A_363, %scan3A_364 : i32
    %scan3A_366 = arith.constant 1 : i32
    scf.for %scan3A_1488 = %scan3A_363 to %scan3A_365 step %scan3A_366  : i32 {
      %parallel_loop3A = arith.constant 0 : i32
      %parallel_loop3A_1489 = arith.constant 48 : i32
      %parallel_loop3A_1490 = arith.constant 1 : i32
      scf.for %parallel_loop3A_1491 = %parallel_loop3A to %parallel_loop3A_1489 step %parallel_loop3A_1490  : i32 {
        %parallel_loop3A_1492 = arith.constant 16 : i32
        %parallel_loop3A_1493 = arith.muli %parallel_loop3A_1491, %parallel_loop3A_1492 : i32
        %parallel_loop3A_1494 = arith.constant 0 : i32
        %parallel_loop3A_1495 = arith.index_cast %parallel_loop3A_1494 : i32 to index
        %parallel_loop3A_1496 = arith.index_cast %scan3A_1488 : i32 to index
        %parallel_loop3A_1497 = arith.index_cast %parallel_loop3A_1493 : i32 to index
        %parallel_loop3A_1498 = tpu.vector_load %arg8[%parallel_loop3A_1495, %parallel_loop3A_1496, %parallel_loop3A_1497] {strides = array<i32>} : memref<4x8x768xf32, #tpu.memory_space<vmem>>, vector<1x1x16xf32>,
        %parallel_loop3A_1499 = vector.shape_cast %parallel_loop3A_1498 : vector<1x1x16xf32> to vector<16xf32>
        %parallel_loop3A_1500 = arith.constant 0 : i32
        %parallel_loop3A_1501 = arith.constant 0 : i32
        %parallel_loop3A_1502 = arith.index_cast %parallel_loop3A_1500 : i32 to index
        %parallel_loop3A_1503 = arith.index_cast %parallel_loop3A_1501 : i32 to index
        %parallel_loop3A_1504 = arith.index_cast %scan3A_1488 : i32 to index
        %parallel_loop3A_1505 = arith.index_cast %parallel_loop3A_1493 : i32 to index
        %parallel_loop3A_1506 = tpu.vector_load %arg7[%parallel_loop3A_1502, %parallel_loop3A_1503, %parallel_loop3A_1504, %parallel_loop3A_1505] {strides = array<i32>} : memref<4x4x8x768xf32, #tpu.memory_space<vmem>>, vector<1x1x1x16xf32>,
        %parallel_loop3A_1507 = vector.shape_cast %parallel_loop3A_1506 : vector<1x1x1x16xf32> to vector<16xf32>
        %parallel_loop3A_1508 = arith.addf %parallel_loop3A_1507, %parallel_loop3A_1499 : vector<16xf32>
        %parallel_loop3A_1509 = arith.constant 0 : i32
        %parallel_loop3A_1510 = arith.constant 0 : i32
        %parallel_loop3A_1511 = arith.index_cast %parallel_loop3A_1509 : i32 to index
        %parallel_loop3A_1512 = arith.index_cast %parallel_loop3A_1510 : i32 to index
        %parallel_loop3A_1513 = arith.index_cast %scan3A_1488 : i32 to index
        %parallel_loop3A_1514 = arith.index_cast %parallel_loop3A_1493 : i32 to index
        %parallel_loop3A_1515 = tpu.vector_load %arg7[%parallel_loop3A_1511, %parallel_loop3A_1512, %parallel_loop3A_1513, %parallel_loop3A_1514] {strides = array<i32>} : memref<4x4x8x768xf32, #tpu.memory_space<vmem>>, vector<1x1x1x16xf32>,
        %parallel_loop3A_1516 = vector.shape_cast %parallel_loop3A_1515 : vector<1x1x1x16xf32> to vector<16xf32>
        %parallel_loop3A_1517 = vector.shape_cast %parallel_loop3A_1508 : vector<16xf32> to vector<1x1x1x16xf32>
        tpu.vector_store %arg7[%parallel_loop3A_1511, %parallel_loop3A_1512, %parallel_loop3A_1513, %parallel_loop3A_1514], %parallel_loop3A_1517 {strides = array<i32>} : memref<4x4x8x768xf32, #tpu.memory_space<vmem>>, vector<1x1x1x16xf32>,
        %parallel_loop3A_1518 = arith.constant 0 : i32
        %parallel_loop3A_1519 = arith.constant 1 : i32
        %parallel_loop3A_1520 = arith.index_cast %parallel_loop3A_1518 : i32 to index
        %parallel_loop3A_1521 = arith.index_cast %parallel_loop3A_1519 : i32 to index
        %parallel_loop3A_1522 = arith.index_cast %scan3A_1488 : i32 to index
        %parallel_loop3A_1523 = arith.index_cast %parallel_loop3A_1493 : i32 to index
        %parallel_loop3A_1524 = tpu.vector_load %arg7[%parallel_loop3A_1520, %parallel_loop3A_1521, %parallel_loop3A_1522, %parallel_loop3A_1523] {strides = array<i32>} : memref<4x4x8x768xf32, #tpu.memory_space<vmem>>, vector<1x1x1x16xf32>,
        %parallel_loop3A_1525 = vector.shape_cast %parallel_loop3A_1524 : vector<1x1x1x16xf32> to vector<16xf32>
        %parallel_loop3A_1526 = arith.addf %parallel_loop3A_1525, %parallel_loop3A_1499 : vector<16xf32>
        %parallel_loop3A_1527 = arith.constant 0 : i32
        %parallel_loop3A_1528 = arith.constant 1 : i32
        %parallel_loop3A_1529 = arith.index_cast %parallel_loop3A_1527 : i32 to index
        %parallel_loop3A_1530 = arith.index_cast %parallel_loop3A_1528 : i32 to index
        %parallel_loop3A_1531 = arith.index_cast %scan3A_1488 : i32 to index
        %parallel_loop3A_1532 = arith.index_cast %parallel_loop3A_1493 : i32 to index
        %parallel_loop3A_1533 = tpu.vector_load %arg7[%parallel_loop3A_1529, %parallel_loop3A_1530, %parallel_loop3A_1531, %parallel_loop3A_1532] {strides = array<i32>} : memref<4x4x8x768xf32, #tpu.memory_space<vmem>>, vector<1x1x1x16xf32>,
        %parallel_loop3A_1534 = vector.shape_cast %parallel_loop3A_1533 : vector<1x1x1x16xf32> to vector<16xf32>
        %parallel_loop3A_1535 = vector.shape_cast %parallel_loop3A_1526 : vector<16xf32> to vector<1x1x1x16xf32>
        tpu.vector_store %arg7[%parallel_loop3A_1529, %parallel_loop3A_1530, %parallel_loop3A_1531, %parallel_loop3A_1532], %parallel_loop3A_1535 {strides = array<i32>} : memref<4x4x8x768xf32, #tpu.memory_space<vmem>>, vector<1x1x1x16xf32>,
        %parallel_loop3A_1536 = arith.constant 0 : i32
        %parallel_loop3A_1537 = arith.constant 2 : i32
        %parallel_loop3A_1538 = arith.index_cast %parallel_loop3A_1536 : i32 to index
        %parallel_loop3A_1539 = arith.index_cast %parallel_loop3A_1537 : i32 to index
        %parallel_loop3A_1540 = arith.index_cast %scan3A_1488 : i32 to index
        %parallel_loop3A_1541 = arith.index_cast %parallel_loop3A_1493 : i32 to index
        %parallel_loop3A_1542 = tpu.vector_load %arg7[%parallel_loop3A_1538, %parallel_loop3A_1539, %parallel_loop3A_1540, %parallel_loop3A_1541] {strides = array<i32>} : memref<4x4x8x768xf32, #tpu.memory_space<vmem>>, vector<1x1x1x16xf32>,
        %parallel_loop3A_1543 = vector.shape_cast %parallel_loop3A_1542 : vector<1x1x1x16xf32> to vector<16xf32>
        %parallel_loop3A_1544 = arith.addf %parallel_loop3A_1543, %parallel_loop3A_1499 : vector<16xf32>
        %parallel_loop3A_1545 = arith.constant 0 : i32
        %parallel_loop3A_1546 = arith.constant 2 : i32
        %parallel_loop3A_1547 = arith.index_cast %parallel_loop3A_1545 : i32 to index
        %parallel_loop3A_1548 = arith.index_cast %parallel_loop3A_1546 : i32 to index
        %parallel_loop3A_1549 = arith.index_cast %scan3A_1488 : i32 to index
        %parallel_loop3A_1550 = arith.index_cast %parallel_loop3A_1493 : i32 to index
        %parallel_loop3A_1551 = tpu.vector_load %arg7[%parallel_loop3A_1547, %parallel_loop3A_1548, %parallel_loop3A_1549, %parallel_loop3A_1550] {strides = array<i32>} : memref<4x4x8x768xf32, #tpu.memory_space<vmem>>, vector<1x1x1x16xf32>,
        %parallel_loop3A_1552 = vector.shape_cast %parallel_loop3A_1551 : vector<1x1x1x16xf32> to vector<16xf32>
        %parallel_loop3A_1553 = vector.shape_cast %parallel_loop3A_1544 : vector<16xf32> to vector<1x1x1x16xf32>
        tpu.vector_store %arg7[%parallel_loop3A_1547, %parallel_loop3A_1548, %parallel_loop3A_1549, %parallel_loop3A_1550], %parallel_loop3A_1553 {strides = array<i32>} : memref<4x4x8x768xf32, #tpu.memory_space<vmem>>, vector<1x1x1x16xf32>,
        %parallel_loop3A_1554 = arith.constant 0 : i32
        %parallel_loop3A_1555 = arith.constant 3 : i32
        %parallel_loop3A_1556 = arith.index_cast %parallel_loop3A_1554 : i32 to index
        %parallel_loop3A_1557 = arith.index_cast %parallel_loop3A_1555 : i32 to index
        %parallel_loop3A_1558 = arith.index_cast %scan3A_1488 : i32 to index
        %parallel_loop3A_1559 = arith.index_cast %parallel_loop3A_1493 : i32 to index
        %parallel_loop3A_1560 = tpu.vector_load %arg7[%parallel_loop3A_1556, %parallel_loop3A_1557, %parallel_loop3A_1558, %parallel_loop3A_1559] {strides = array<i32>} : memref<4x4x8x768xf32, #tpu.memory_space<vmem>>, vector<1x1x1x16xf32>,
        %parallel_loop3A_1561 = vector.shape_cast %parallel_loop3A_1560 : vector<1x1x1x16xf32> to vector<16xf32>
        %parallel_loop3A_1562 = arith.addf %parallel_loop3A_1561, %parallel_loop3A_1499 : vector<16xf32>
        %parallel_loop3A_1563 = arith.constant 0 : i32
        %parallel_loop3A_1564 = arith.constant 3 : i32
        %parallel_loop3A_1565 = arith.index_cast %parallel_loop3A_1563 : i32 to index
        %parallel_loop3A_1566 = arith.index_cast %parallel_loop3A_1564 : i32 to index
        %parallel_loop3A_1567 = arith.index_cast %scan3A_1488 : i32 to index
        %parallel_loop3A_1568 = arith.index_cast %parallel_loop3A_1493 : i32 to index
        %parallel_loop3A_1569 = tpu.vector_load %arg7[%parallel_loop3A_1565, %parallel_loop3A_1566, %parallel_loop3A_1567, %parallel_loop3A_1568] {strides = array<i32>} : memref<4x4x8x768xf32, #tpu.memory_space<vmem>>, vector<1x1x1x16xf32>,
        %parallel_loop3A_1570 = vector.shape_cast %parallel_loop3A_1569 : vector<1x1x1x16xf32> to vector<16xf32>
        %parallel_loop3A_1571 = vector.shape_cast %parallel_loop3A_1562 : vector<16xf32> to vector<1x1x1x16xf32>
        tpu.vector_store %arg7[%parallel_loop3A_1565, %parallel_loop3A_1566, %parallel_loop3A_1567, %parallel_loop3A_1568], %parallel_loop3A_1571 {strides = array<i32>} : memref<4x4x8x768xf32, #tpu.memory_space<vmem>>, vector<1x1x1x16xf32>,
      } {sc.loop_unroll_factor = 8 : i64, sc.parallel_access}
    }
    %scan3A_367 = arith.constant 8 : i32
    %add3A_368 = arith.constant 0 : i32
    %add3A_369 = arith.addi %mul3A_2, %add3A_368 : i32
    %dma_start3A_370 = arith.constant 0 : i32
    %dma_start3A_371 = arith.constant 0 : i32
    %dma_start3A_372 = arith.constant 0 : i32
    %dma_start3A_373 = arith.constant 0 : i32
    %dma_start3A_374 = tpu.memref_slice %arg7[%dma_start3A_370, %dma_start3A_371, %dma_start3A_372, %dma_start3A_373] : memref<4x4x8x768xf32, #tpu.memory_space<vmem>> -> memref<1x4x8x768xf32, #tpu.memory_space<vmem>>
    %dma_start3A_375 = tpu.memref_squeeze %dma_start3A_374 : memref<1x4x8x768xf32, #tpu.memory_space<vmem>> -> memref<4x8x768xf32, #tpu.memory_space<vmem>>
    %dma_start3A_376 = arith.constant 0 : i32
    %dma_start3A_377 = arith.constant 0 : i32
    %dma_start3A_378 = tpu.memref_slice %arg5[%dma_start3A_376, %add3A_369, %dma_start3A_377] : memref<4x2048x768xf32, #tpu.memory_space<hbm>> -> memref<4x8x768xf32, #tpu.memory_space<hbm>>
    %dma_start3A_379 = arith.constant 0 : i32
    %dma_start3A_380 = arith.constant 0 : i32
    %dma_start3A_381 = tpu.memref_slice %arg5[%dma_start3A_379, %add3A_369, %dma_start3A_380] : memref<4x2048x768xf32, #tpu.memory_space<hbm>> -> memref<4x8x768xf32, #tpu.memory_space<hbm>>
    %dma_start3A_382 = arith.constant 0 : i32
    %dma_start3A_383 = arith.constant 0 : i32
    %dma_start3A_384 = arith.constant 0 : i32
    %dma_start3A_385 = tpu.memref_slice %arg7[%dma_start3A_370, %dma_start3A_382, %dma_start3A_383, %dma_start3A_384] : memref<4x4x8x768xf32, #tpu.memory_space<vmem>> -> memref<1x4x8x768xf32, #tpu.memory_space<vmem>>
    %dma_start3A_386 = tpu.memref_squeeze %dma_start3A_385 : memref<1x4x8x768xf32, #tpu.memory_space<vmem>> -> memref<4x8x768xf32, #tpu.memory_space<vmem>>
    tpu.enqueue_dma source(%dma_start3A_386 : memref<4x8x768xf32, #tpu.memory_space<vmem>>) target(%dma_start3A_381 : memref<4x8x768xf32, #tpu.memory_space<hbm>>) target_semaphore(%arg10 : memref<!tpu.dma_semaphore, #tpu.memory_space<semaphore_mem>>)
    %dma_start3A_387 = arith.constant 0 : i32
    %dma_start3A_388 = arith.constant 3 : i32
    %dma_start3A_389 = arith.constant 0 : i32
    %dma_start3A_390 = arith.constant 0 : i32
    %dma_start3A_391 = arith.constant 0 : i32
    %dma_start3A_392 = tpu.memref_slice %arg7[%dma_start3A_388, %dma_start3A_389, %dma_start3A_390, %dma_start3A_391] : memref<4x4x8x768xf32, #tpu.memory_space<vmem>> -> memref<1x1x8x768xf32, #tpu.memory_space<vmem>>
    %dma_start3A_393 = tpu.memref_squeeze %dma_start3A_392 : memref<1x1x8x768xf32, #tpu.memory_space<vmem>> -> memref<8x768xf32, #tpu.memory_space<vmem>>
    %dma_start3A_394 = arith.constant 24 : i32
    %dma_start3A_395 = tpu.memref_slice %arg6[%dma_start3A_387, %dma_start3A_394] : memref<4x64xi32, #tpu.memory_space<vmem>> -> memref<1x8xi32, #tpu.memory_space<vmem>>
    %dma_start3A_396 = tpu.memref_squeeze %dma_start3A_395 : memref<1x8xi32, #tpu.memory_space<vmem>> -> memref<8xi32, #tpu.memory_space<vmem>>
    %dma_start3A_397 = arith.constant 0 : i32
    %dma_start3A_398 = arith.constant 0 : i32
    %dma_start3A_399 = tpu.memref_slice %arg3[%dma_start3A_397, %dma_start3A_398] : memref<100000x768xf32, #tpu.memory_space<hbm>> -> memref<100000x768xf32, #tpu.memory_space<hbm>>
    tpu.enqueue_indirect_dma source(%dma_start3A_399 : memref<100000x768xf32, #tpu.memory_space<hbm>>) target(%dma_start3A_393 : memref<8x768xf32, #tpu.memory_space<vmem>>) offsets(%dma_start3A_396 : memref<8xi32, #tpu.memory_space<vmem>>) semaphore(%arg9 : memref<!tpu.dma_semaphore, #tpu.memory_space<semaphore_mem>>)
    %dma_start3A_400 = arith.constant 1 : i32
    %dma_start3A_401 = arith.constant 3 : i32
    %dma_start3A_402 = arith.constant 1 : i32
    %dma_start3A_403 = arith.constant 0 : i32
    %dma_start3A_404 = arith.constant 0 : i32
    %dma_start3A_405 = tpu.memref_slice %arg7[%dma_start3A_401, %dma_start3A_402, %dma_start3A_403, %dma_start3A_404] : memref<4x4x8x768xf32, #tpu.memory_space<vmem>> -> memref<1x1x8x768xf32, #tpu.memory_space<vmem>>
    %dma_start3A_406 = tpu.memref_squeeze %dma_start3A_405 : memref<1x1x8x768xf32, #tpu.memory_space<vmem>> -> memref<8x768xf32, #tpu.memory_space<vmem>>
    %dma_start3A_407 = arith.constant 24 : i32
    %dma_start3A_408 = tpu.memref_slice %arg6[%dma_start3A_400, %dma_start3A_407] : memref<4x64xi32, #tpu.memory_space<vmem>> -> memref<1x8xi32, #tpu.memory_space<vmem>>
    %dma_start3A_409 = tpu.memref_squeeze %dma_start3A_408 : memref<1x8xi32, #tpu.memory_space<vmem>> -> memref<8xi32, #tpu.memory_space<vmem>>
    %dma_start3A_410 = arith.constant 0 : i32
    %dma_start3A_411 = arith.constant 0 : i32
    %dma_start3A_412 = tpu.memref_slice %arg3[%dma_start3A_410, %dma_start3A_411] : memref<100000x768xf32, #tpu.memory_space<hbm>> -> memref<100000x768xf32, #tpu.memory_space<hbm>>
    tpu.enqueue_indirect_dma source(%dma_start3A_412 : memref<100000x768xf32, #tpu.memory_space<hbm>>) target(%dma_start3A_406 : memref<8x768xf32, #tpu.memory_space<vmem>>) offsets(%dma_start3A_409 : memref<8xi32, #tpu.memory_space<vmem>>) semaphore(%arg9 : memref<!tpu.dma_semaphore, #tpu.memory_space<semaphore_mem>>)
    %dma_start3A_413 = arith.constant 2 : i32
    %dma_start3A_414 = arith.constant 3 : i32
    %dma_start3A_415 = arith.constant 2 : i32
    %dma_start3A_416 = arith.constant 0 : i32
    %dma_start3A_417 = arith.constant 0 : i32
    %dma_start3A_418 = tpu.memref_slice %arg7[%dma_start3A_414, %dma_start3A_415, %dma_start3A_416, %dma_start3A_417] : memref<4x4x8x768xf32, #tpu.memory_space<vmem>> -> memref<1x1x8x768xf32, #tpu.memory_space<vmem>>
    %dma_start3A_419 = tpu.memref_squeeze %dma_start3A_418 : memref<1x1x8x768xf32, #tpu.memory_space<vmem>> -> memref<8x768xf32, #tpu.memory_space<vmem>>
    %dma_start3A_420 = arith.constant 24 : i32
    %dma_start3A_421 = tpu.memref_slice %arg6[%dma_start3A_413, %dma_start3A_420] : memref<4x64xi32, #tpu.memory_space<vmem>> -> memref<1x8xi32, #tpu.memory_space<vmem>>
    %dma_start3A_422 = tpu.memref_squeeze %dma_start3A_421 : memref<1x8xi32, #tpu.memory_space<vmem>> -> memref<8xi32, #tpu.memory_space<vmem>>
    %dma_start3A_423 = arith.constant 0 : i32
    %dma_start3A_424 = arith.constant 0 : i32
    %dma_start3A_425 = tpu.memref_slice %arg3[%dma_start3A_423, %dma_start3A_424] : memref<100000x768xf32, #tpu.memory_space<hbm>> -> memref<100000x768xf32, #tpu.memory_space<hbm>>
    tpu.enqueue_indirect_dma source(%dma_start3A_425 : memref<100000x768xf32, #tpu.memory_space<hbm>>) target(%dma_start3A_419 : memref<8x768xf32, #tpu.memory_space<vmem>>) offsets(%dma_start3A_422 : memref<8xi32, #tpu.memory_space<vmem>>) semaphore(%arg9 : memref<!tpu.dma_semaphore, #tpu.memory_space<semaphore_mem>>)
    %dma_start3A_426 = arith.constant 3 : i32
    %dma_start3A_427 = arith.constant 3 : i32
    %dma_start3A_428 = arith.constant 3 : i32
    %dma_start3A_429 = arith.constant 0 : i32
    %dma_start3A_430 = arith.constant 0 : i32
    %dma_start3A_431 = tpu.memref_slice %arg7[%dma_start3A_427, %dma_start3A_428, %dma_start3A_429, %dma_start3A_430] : memref<4x4x8x768xf32, #tpu.memory_space<vmem>> -> memref<1x1x8x768xf32, #tpu.memory_space<vmem>>
    %dma_start3A_432 = tpu.memref_squeeze %dma_start3A_431 : memref<1x1x8x768xf32, #tpu.memory_space<vmem>> -> memref<8x768xf32, #tpu.memory_space<vmem>>
    %dma_start3A_433 = arith.constant 24 : i32
    %dma_start3A_434 = tpu.memref_slice %arg6[%dma_start3A_426, %dma_start3A_433] : memref<4x64xi32, #tpu.memory_space<vmem>> -> memref<1x8xi32, #tpu.memory_space<vmem>>
    %dma_start3A_435 = tpu.memref_squeeze %dma_start3A_434 : memref<1x8xi32, #tpu.memory_space<vmem>> -> memref<8xi32, #tpu.memory_space<vmem>>
    %dma_start3A_436 = arith.constant 0 : i32
    %dma_start3A_437 = arith.constant 0 : i32
    %dma_start3A_438 = tpu.memref_slice %arg3[%dma_start3A_436, %dma_start3A_437] : memref<100000x768xf32, #tpu.memory_space<hbm>> -> memref<100000x768xf32, #tpu.memory_space<hbm>>
    tpu.enqueue_indirect_dma source(%dma_start3A_438 : memref<100000x768xf32, #tpu.memory_space<hbm>>) target(%dma_start3A_432 : memref<8x768xf32, #tpu.memory_space<vmem>>) offsets(%dma_start3A_435 : memref<8xi32, #tpu.memory_space<vmem>>) semaphore(%arg9 : memref<!tpu.dma_semaphore, #tpu.memory_space<semaphore_mem>>)
    %add3A_439 = arith.constant 24 : i32
    %add3A_440 = arith.addi %mul3A_2, %add3A_439 : i32
    %dma_start3A_441 = arith.constant 3 : i32
    %dma_start3A_442 = arith.constant 0 : i32
    %dma_start3A_443 = arith.constant 0 : i32
    %dma_start3A_444 = tpu.memref_slice %arg8[%dma_start3A_441, %dma_start3A_442, %dma_start3A_443] : memref<4x8x768xf32, #tpu.memory_space<vmem>> -> memref<1x8x768xf32, #tpu.memory_space<vmem>>
    %dma_start3A_445 = tpu.memref_squeeze %dma_start3A_444 : memref<1x8x768xf32, #tpu.memory_space<vmem>> -> memref<8x768xf32, #tpu.memory_space<vmem>>
    %dma_start3A_446 = arith.constant 0 : i32
    %dma_start3A_447 = tpu.memref_slice %arg4[%add3A_440, %dma_start3A_446] : memref<2048x768xf32, #tpu.memory_space<hbm>> -> memref<8x768xf32, #tpu.memory_space<hbm>>
    %dma_start3A_448 = arith.constant 0 : i32
    %dma_start3A_449 = arith.constant 0 : i32
    %dma_start3A_450 = tpu.memref_slice %arg8[%dma_start3A_441, %dma_start3A_448, %dma_start3A_449] : memref<4x8x768xf32, #tpu.memory_space<vmem>> -> memref<1x8x768xf32, #tpu.memory_space<vmem>>
    %dma_start3A_451 = tpu.memref_squeeze %dma_start3A_450 : memref<1x8x768xf32, #tpu.memory_space<vmem>> -> memref<8x768xf32, #tpu.memory_space<vmem>>
    %dma_start3A_452 = arith.constant 0 : i32
    %dma_start3A_453 = tpu.memref_slice %arg4[%add3A_440, %dma_start3A_452] : memref<2048x768xf32, #tpu.memory_space<hbm>> -> memref<8x768xf32, #tpu.memory_space<hbm>>
    tpu.enqueue_dma source(%dma_start3A_453 : memref<8x768xf32, #tpu.memory_space<hbm>>) target(%dma_start3A_451 : memref<8x768xf32, #tpu.memory_space<vmem>>) target_semaphore(%arg9 : memref<!tpu.dma_semaphore, #tpu.memory_space<semaphore_mem>>)
    %dma_wait3A_454 = arith.constant 0 : i32
    %dma_wait3A_455 = arith.constant 1 : i32
    %dma_wait3A_456 = arith.constant 0 : i32
    %dma_wait3A_457 = arith.constant 0 : i32
    %dma_wait3A_458 = arith.constant 0 : i32
    %dma_wait3A_459 = tpu.memref_slice %arg7[%dma_wait3A_455, %dma_wait3A_456, %dma_wait3A_457, %dma_wait3A_458] : memref<4x4x8x768xf32, #tpu.memory_space<vmem>> -> memref<1x1x8x768xf32, #tpu.memory_space<vmem>>
    %dma_wait3A_460 = tpu.memref_squeeze %dma_wait3A_459 : memref<1x1x8x768xf32, #tpu.memory_space<vmem>> -> memref<8x768xf32, #tpu.memory_space<vmem>>
    %dma_wait3A_461 = arith.constant 8 : i32
    %dma_wait3A_462 = tpu.memref_slice %arg6[%dma_wait3A_454, %dma_wait3A_461] : memref<4x64xi32, #tpu.memory_space<vmem>> -> memref<1x8xi32, #tpu.memory_space<vmem>>
    %dma_wait3A_463 = tpu.memref_squeeze %dma_wait3A_462 : memref<1x8xi32, #tpu.memory_space<vmem>> -> memref<8xi32, #tpu.memory_space<vmem>>
    %dma_wait3A_464 = arith.constant 0 : i32
    %dma_wait3A_465 = arith.constant 0 : i32
    %dma_wait3A_466 = tpu.memref_slice %arg3[%dma_wait3A_464, %dma_wait3A_465] : memref<100000x768xf32, #tpu.memory_space<hbm>> -> memref<100000x768xf32, #tpu.memory_space<hbm>>
    tpu.wait_indirect_dma semaphore(%arg9 : memref<!tpu.dma_semaphore, #tpu.memory_space<semaphore_mem>>) src(%dma_wait3A_466 : memref<100000x768xf32, #tpu.memory_space<hbm>>) dst(%dma_wait3A_460 : memref<8x768xf32, #tpu.memory_space<vmem>>)
    %dma_wait3A_467 = arith.constant 1 : i32
    %dma_wait3A_468 = arith.constant 1 : i32
    %dma_wait3A_469 = arith.constant 1 : i32
    %dma_wait3A_470 = arith.constant 0 : i32
    %dma_wait3A_471 = arith.constant 0 : i32
    %dma_wait3A_472 = tpu.memref_slice %arg7[%dma_wait3A_468, %dma_wait3A_469, %dma_wait3A_470, %dma_wait3A_471] : memref<4x4x8x768xf32, #tpu.memory_space<vmem>> -> memref<1x1x8x768xf32, #tpu.memory_space<vmem>>
    %dma_wait3A_473 = tpu.memref_squeeze %dma_wait3A_472 : memref<1x1x8x768xf32, #tpu.memory_space<vmem>> -> memref<8x768xf32, #tpu.memory_space<vmem>>
    %dma_wait3A_474 = arith.constant 8 : i32
    %dma_wait3A_475 = tpu.memref_slice %arg6[%dma_wait3A_467, %dma_wait3A_474] : memref<4x64xi32, #tpu.memory_space<vmem>> -> memref<1x8xi32, #tpu.memory_space<vmem>>
    %dma_wait3A_476 = tpu.memref_squeeze %dma_wait3A_475 : memref<1x8xi32, #tpu.memory_space<vmem>> -> memref<8xi32, #tpu.memory_space<vmem>>
    %dma_wait3A_477 = arith.constant 0 : i32
    %dma_wait3A_478 = arith.constant 0 : i32
    %dma_wait3A_479 = tpu.memref_slice %arg3[%dma_wait3A_477, %dma_wait3A_478] : memref<100000x768xf32, #tpu.memory_space<hbm>> -> memref<100000x768xf32, #tpu.memory_space<hbm>>
    tpu.wait_indirect_dma semaphore(%arg9 : memref<!tpu.dma_semaphore, #tpu.memory_space<semaphore_mem>>) src(%dma_wait3A_479 : memref<100000x768xf32, #tpu.memory_space<hbm>>) dst(%dma_wait3A_473 : memref<8x768xf32, #tpu.memory_space<vmem>>)
    %dma_wait3A_480 = arith.constant 2 : i32
    %dma_wait3A_481 = arith.constant 1 : i32
    %dma_wait3A_482 = arith.constant 2 : i32
    %dma_wait3A_483 = arith.constant 0 : i32
    %dma_wait3A_484 = arith.constant 0 : i32
    %dma_wait3A_485 = tpu.memref_slice %arg7[%dma_wait3A_481, %dma_wait3A_482, %dma_wait3A_483, %dma_wait3A_484] : memref<4x4x8x768xf32, #tpu.memory_space<vmem>> -> memref<1x1x8x768xf32, #tpu.memory_space<vmem>>
    %dma_wait3A_486 = tpu.memref_squeeze %dma_wait3A_485 : memref<1x1x8x768xf32, #tpu.memory_space<vmem>> -> memref<8x768xf32, #tpu.memory_space<vmem>>
    %dma_wait3A_487 = arith.constant 8 : i32
    %dma_wait3A_488 = tpu.memref_slice %arg6[%dma_wait3A_480, %dma_wait3A_487] : memref<4x64xi32, #tpu.memory_space<vmem>> -> memref<1x8xi32, #tpu.memory_space<vmem>>
    %dma_wait3A_489 = tpu.memref_squeeze %dma_wait3A_488 : memref<1x8xi32, #tpu.memory_space<vmem>> -> memref<8xi32, #tpu.memory_space<vmem>>
    %dma_wait3A_490 = arith.constant 0 : i32
    %dma_wait3A_491 = arith.constant 0 : i32
    %dma_wait3A_492 = tpu.memref_slice %arg3[%dma_wait3A_490, %dma_wait3A_491] : memref<100000x768xf32, #tpu.memory_space<hbm>> -> memref<100000x768xf32, #tpu.memory_space<hbm>>
    tpu.wait_indirect_dma semaphore(%arg9 : memref<!tpu.dma_semaphore, #tpu.memory_space<semaphore_mem>>) src(%dma_wait3A_492 : memref<100000x768xf32, #tpu.memory_space<hbm>>) dst(%dma_wait3A_486 : memref<8x768xf32, #tpu.memory_space<vmem>>)
    %dma_wait3A_493 = arith.constant 3 : i32
    %dma_wait3A_494 = arith.constant 1 : i32
    %dma_wait3A_495 = arith.constant 3 : i32
    %dma_wait3A_496 = arith.constant 0 : i32
    %dma_wait3A_497 = arith.constant 0 : i32
    %dma_wait3A_498 = tpu.memref_slice %arg7[%dma_wait3A_494, %dma_wait3A_495, %dma_wait3A_496, %dma_wait3A_497] : memref<4x4x8x768xf32, #tpu.memory_space<vmem>> -> memref<1x1x8x768xf32, #tpu.memory_space<vmem>>
    %dma_wait3A_499 = tpu.memref_squeeze %dma_wait3A_498 : memref<1x1x8x768xf32, #tpu.memory_space<vmem>> -> memref<8x768xf32, #tpu.memory_space<vmem>>
    %dma_wait3A_500 = arith.constant 8 : i32
    %dma_wait3A_501 = tpu.memref_slice %arg6[%dma_wait3A_493, %dma_wait3A_500] : memref<4x64xi32, #tpu.memory_space<vmem>> -> memref<1x8xi32, #tpu.memory_space<vmem>>
    %dma_wait3A_502 = tpu.memref_squeeze %dma_wait3A_501 : memref<1x8xi32, #tpu.memory_space<vmem>> -> memref<8xi32, #tpu.memory_space<vmem>>
    %dma_wait3A_503 = arith.constant 0 : i32
    %dma_wait3A_504 = arith.constant 0 : i32
    %dma_wait3A_505 = tpu.memref_slice %arg3[%dma_wait3A_503, %dma_wait3A_504] : memref<100000x768xf32, #tpu.memory_space<hbm>> -> memref<100000x768xf32, #tpu.memory_space<hbm>>
    tpu.wait_indirect_dma semaphore(%arg9 : memref<!tpu.dma_semaphore, #tpu.memory_space<semaphore_mem>>) src(%dma_wait3A_505 : memref<100000x768xf32, #tpu.memory_space<hbm>>) dst(%dma_wait3A_499 : memref<8x768xf32, #tpu.memory_space<vmem>>)
    %dma_wait3A_506 = arith.constant 1 : i32
    %dma_wait3A_507 = arith.constant 0 : i32
    %dma_wait3A_508 = arith.constant 0 : i32
    %dma_wait3A_509 = tpu.memref_slice %arg8[%dma_wait3A_506, %dma_wait3A_507, %dma_wait3A_508] : memref<4x8x768xf32, #tpu.memory_space<vmem>> -> memref<1x8x768xf32, #tpu.memory_space<vmem>>
    %dma_wait3A_510 = tpu.memref_squeeze %dma_wait3A_509 : memref<1x8x768xf32, #tpu.memory_space<vmem>> -> memref<8x768xf32, #tpu.memory_space<vmem>>
    %dma_wait3A_511 = arith.constant 0 : i32
    %dma_wait3A_512 = tpu.memref_slice %arg4[%add3A_217, %dma_wait3A_511] : memref<2048x768xf32, #tpu.memory_space<hbm>> -> memref<8x768xf32, #tpu.memory_space<hbm>>
    %dma_wait3A_513 = arith.constant 0 : i32
    %dma_wait3A_514 = arith.constant 0 : i32
    %dma_wait3A_515 = tpu.memref_slice %arg8[%dma_wait3A_506, %dma_wait3A_513, %dma_wait3A_514] : memref<4x8x768xf32, #tpu.memory_space<vmem>> -> memref<1x8x768xf32, #tpu.memory_space<vmem>>
    %dma_wait3A_516 = tpu.memref_squeeze %dma_wait3A_515 : memref<1x8x768xf32, #tpu.memory_space<vmem>> -> memref<8x768xf32, #tpu.memory_space<vmem>>
    %dma_wait3A_517 = arith.constant 0 : i32
    %dma_wait3A_518 = tpu.memref_slice %arg4[%add3A_217, %dma_wait3A_517] : memref<2048x768xf32, #tpu.memory_space<hbm>> -> memref<8x768xf32, #tpu.memory_space<hbm>>
    tpu.wait_dma2 semaphore(%arg9 : memref<!tpu.dma_semaphore, #tpu.memory_space<semaphore_mem>>) src(%dma_wait3A_518 : memref<8x768xf32, #tpu.memory_space<hbm>>) dst(%dma_wait3A_516 : memref<8x768xf32, #tpu.memory_space<vmem>>)
    %scan3A_519 = arith.constant 0 : i32
    %scan3A_520 = arith.constant 0 : i32
    %scan3A_521 = arith.constant 8 : i32
    %scan3A_522 = arith.addi %scan3A_520, %scan3A_521 : i32
    %scan3A_523 = arith.constant 1 : i32
    scf.for %scan3A_1488 = %scan3A_520 to %scan3A_522 step %scan3A_523  : i32 {
      %parallel_loop3A = arith.constant 0 : i32
      %parallel_loop3A_1489 = arith.constant 48 : i32
      %parallel_loop3A_1490 = arith.constant 1 : i32
      scf.for %parallel_loop3A_1491 = %parallel_loop3A to %parallel_loop3A_1489 step %parallel_loop3A_1490  : i32 {
        %parallel_loop3A_1492 = arith.constant 16 : i32
        %parallel_loop3A_1493 = arith.muli %parallel_loop3A_1491, %parallel_loop3A_1492 : i32
        %parallel_loop3A_1494 = arith.constant 1 : i32
        %parallel_loop3A_1495 = arith.index_cast %parallel_loop3A_1494 : i32 to index
        %parallel_loop3A_1496 = arith.index_cast %scan3A_1488 : i32 to index
        %parallel_loop3A_1497 = arith.index_cast %parallel_loop3A_1493 : i32 to index
        %parallel_loop3A_1498 = tpu.vector_load %arg8[%parallel_loop3A_1495, %parallel_loop3A_1496, %parallel_loop3A_1497] {strides = array<i32>} : memref<4x8x768xf32, #tpu.memory_space<vmem>>, vector<1x1x16xf32>,
        %parallel_loop3A_1499 = vector.shape_cast %parallel_loop3A_1498 : vector<1x1x16xf32> to vector<16xf32>
        %parallel_loop3A_1500 = arith.constant 1 : i32
        %parallel_loop3A_1501 = arith.constant 0 : i32
        %parallel_loop3A_1502 = arith.index_cast %parallel_loop3A_1500 : i32 to index
        %parallel_loop3A_1503 = arith.index_cast %parallel_loop3A_1501 : i32 to index
        %parallel_loop3A_1504 = arith.index_cast %scan3A_1488 : i32 to index
        %parallel_loop3A_1505 = arith.index_cast %parallel_loop3A_1493 : i32 to index
        %parallel_loop3A_1506 = tpu.vector_load %arg7[%parallel_loop3A_1502, %parallel_loop3A_1503, %parallel_loop3A_1504, %parallel_loop3A_1505] {strides = array<i32>} : memref<4x4x8x768xf32, #tpu.memory_space<vmem>>, vector<1x1x1x16xf32>,
        %parallel_loop3A_1507 = vector.shape_cast %parallel_loop3A_1506 : vector<1x1x1x16xf32> to vector<16xf32>
        %parallel_loop3A_1508 = arith.addf %parallel_loop3A_1507, %parallel_loop3A_1499 : vector<16xf32>
        %parallel_loop3A_1509 = arith.constant 1 : i32
        %parallel_loop3A_1510 = arith.constant 0 : i32
        %parallel_loop3A_1511 = arith.index_cast %parallel_loop3A_1509 : i32 to index
        %parallel_loop3A_1512 = arith.index_cast %parallel_loop3A_1510 : i32 to index
        %parallel_loop3A_1513 = arith.index_cast %scan3A_1488 : i32 to index
        %parallel_loop3A_1514 = arith.index_cast %parallel_loop3A_1493 : i32 to index
        %parallel_loop3A_1515 = tpu.vector_load %arg7[%parallel_loop3A_1511, %parallel_loop3A_1512, %parallel_loop3A_1513, %parallel_loop3A_1514] {strides = array<i32>} : memref<4x4x8x768xf32, #tpu.memory_space<vmem>>, vector<1x1x1x16xf32>,
        %parallel_loop3A_1516 = vector.shape_cast %parallel_loop3A_1515 : vector<1x1x1x16xf32> to vector<16xf32>
        %parallel_loop3A_1517 = vector.shape_cast %parallel_loop3A_1508 : vector<16xf32> to vector<1x1x1x16xf32>
        tpu.vector_store %arg7[%parallel_loop3A_1511, %parallel_loop3A_1512, %parallel_loop3A_1513, %parallel_loop3A_1514], %parallel_loop3A_1517 {strides = array<i32>} : memref<4x4x8x768xf32, #tpu.memory_space<vmem>>, vector<1x1x1x16xf32>,
        %parallel_loop3A_1518 = arith.constant 1 : i32
        %parallel_loop3A_1519 = arith.constant 1 : i32
        %parallel_loop3A_1520 = arith.index_cast %parallel_loop3A_1518 : i32 to index
        %parallel_loop3A_1521 = arith.index_cast %parallel_loop3A_1519 : i32 to index
        %parallel_loop3A_1522 = arith.index_cast %scan3A_1488 : i32 to index
        %parallel_loop3A_1523 = arith.index_cast %parallel_loop3A_1493 : i32 to index
        %parallel_loop3A_1524 = tpu.vector_load %arg7[%parallel_loop3A_1520, %parallel_loop3A_1521, %parallel_loop3A_1522, %parallel_loop3A_1523] {strides = array<i32>} : memref<4x4x8x768xf32, #tpu.memory_space<vmem>>, vector<1x1x1x16xf32>,
        %parallel_loop3A_1525 = vector.shape_cast %parallel_loop3A_1524 : vector<1x1x1x16xf32> to vector<16xf32>
        %parallel_loop3A_1526 = arith.addf %parallel_loop3A_1525, %parallel_loop3A_1499 : vector<16xf32>
        %parallel_loop3A_1527 = arith.constant 1 : i32
        %parallel_loop3A_1528 = arith.constant 1 : i32
        %parallel_loop3A_1529 = arith.index_cast %parallel_loop3A_1527 : i32 to index
        %parallel_loop3A_1530 = arith.index_cast %parallel_loop3A_1528 : i32 to index
        %parallel_loop3A_1531 = arith.index_cast %scan3A_1488 : i32 to index
        %parallel_loop3A_1532 = arith.index_cast %parallel_loop3A_1493 : i32 to index
        %parallel_loop3A_1533 = tpu.vector_load %arg7[%parallel_loop3A_1529, %parallel_loop3A_1530, %parallel_loop3A_1531, %parallel_loop3A_1532] {strides = array<i32>} : memref<4x4x8x768xf32, #tpu.memory_space<vmem>>, vector<1x1x1x16xf32>,
        %parallel_loop3A_1534 = vector.shape_cast %parallel_loop3A_1533 : vector<1x1x1x16xf32> to vector<16xf32>
        %parallel_loop3A_1535 = vector.shape_cast %parallel_loop3A_1526 : vector<16xf32> to vector<1x1x1x16xf32>
        tpu.vector_store %arg7[%parallel_loop3A_1529, %parallel_loop3A_1530, %parallel_loop3A_1531, %parallel_loop3A_1532], %parallel_loop3A_1535 {strides = array<i32>} : memref<4x4x8x768xf32, #tpu.memory_space<vmem>>, vector<1x1x1x16xf32>,
        %parallel_loop3A_1536 = arith.constant 1 : i32
        %parallel_loop3A_1537 = arith.constant 2 : i32
        %parallel_loop3A_1538 = arith.index_cast %parallel_loop3A_1536 : i32 to index
        %parallel_loop3A_1539 = arith.index_cast %parallel_loop3A_1537 : i32 to index
        %parallel_loop3A_1540 = arith.index_cast %scan3A_1488 : i32 to index
        %parallel_loop3A_1541 = arith.index_cast %parallel_loop3A_1493 : i32 to index
        %parallel_loop3A_1542 = tpu.vector_load %arg7[%parallel_loop3A_1538, %parallel_loop3A_1539, %parallel_loop3A_1540, %parallel_loop3A_1541] {strides = array<i32>} : memref<4x4x8x768xf32, #tpu.memory_space<vmem>>, vector<1x1x1x16xf32>,
        %parallel_loop3A_1543 = vector.shape_cast %parallel_loop3A_1542 : vector<1x1x1x16xf32> to vector<16xf32>
        %parallel_loop3A_1544 = arith.addf %parallel_loop3A_1543, %parallel_loop3A_1499 : vector<16xf32>
        %parallel_loop3A_1545 = arith.constant 1 : i32
        %parallel_loop3A_1546 = arith.constant 2 : i32
        %parallel_loop3A_1547 = arith.index_cast %parallel_loop3A_1545 : i32 to index
        %parallel_loop3A_1548 = arith.index_cast %parallel_loop3A_1546 : i32 to index
        %parallel_loop3A_1549 = arith.index_cast %scan3A_1488 : i32 to index
        %parallel_loop3A_1550 = arith.index_cast %parallel_loop3A_1493 : i32 to index
        %parallel_loop3A_1551 = tpu.vector_load %arg7[%parallel_loop3A_1547, %parallel_loop3A_1548, %parallel_loop3A_1549, %parallel_loop3A_1550] {strides = array<i32>} : memref<4x4x8x768xf32, #tpu.memory_space<vmem>>, vector<1x1x1x16xf32>,
        %parallel_loop3A_1552 = vector.shape_cast %parallel_loop3A_1551 : vector<1x1x1x16xf32> to vector<16xf32>
        %parallel_loop3A_1553 = vector.shape_cast %parallel_loop3A_1544 : vector<16xf32> to vector<1x1x1x16xf32>
        tpu.vector_store %arg7[%parallel_loop3A_1547, %parallel_loop3A_1548, %parallel_loop3A_1549, %parallel_loop3A_1550], %parallel_loop3A_1553 {strides = array<i32>} : memref<4x4x8x768xf32, #tpu.memory_space<vmem>>, vector<1x1x1x16xf32>,
        %parallel_loop3A_1554 = arith.constant 1 : i32
        %parallel_loop3A_1555 = arith.constant 3 : i32
        %parallel_loop3A_1556 = arith.index_cast %parallel_loop3A_1554 : i32 to index
        %parallel_loop3A_1557 = arith.index_cast %parallel_loop3A_1555 : i32 to index
        %parallel_loop3A_1558 = arith.index_cast %scan3A_1488 : i32 to index
        %parallel_loop3A_1559 = arith.index_cast %parallel_loop3A_1493 : i32 to index
        %parallel_loop3A_1560 = tpu.vector_load %arg7[%parallel_loop3A_1556, %parallel_loop3A_1557, %parallel_loop3A_1558, %parallel_loop3A_1559] {strides = array<i32>} : memref<4x4x8x768xf32, #tpu.memory_space<vmem>>, vector<1x1x1x16xf32>,
        %parallel_loop3A_1561 = vector.shape_cast %parallel_loop3A_1560 : vector<1x1x1x16xf32> to vector<16xf32>
        %parallel_loop3A_1562 = arith.addf %parallel_loop3A_1561, %parallel_loop3A_1499 : vector<16xf32>
        %parallel_loop3A_1563 = arith.constant 1 : i32
        %parallel_loop3A_1564 = arith.constant 3 : i32
        %parallel_loop3A_1565 = arith.index_cast %parallel_loop3A_1563 : i32 to index
        %parallel_loop3A_1566 = arith.index_cast %parallel_loop3A_1564 : i32 to index
        %parallel_loop3A_1567 = arith.index_cast %scan3A_1488 : i32 to index
        %parallel_loop3A_1568 = arith.index_cast %parallel_loop3A_1493 : i32 to index
        %parallel_loop3A_1569 = tpu.vector_load %arg7[%parallel_loop3A_1565, %parallel_loop3A_1566, %parallel_loop3A_1567, %parallel_loop3A_1568] {strides = array<i32>} : memref<4x4x8x768xf32, #tpu.memory_space<vmem>>, vector<1x1x1x16xf32>,
        %parallel_loop3A_1570 = vector.shape_cast %parallel_loop3A_1569 : vector<1x1x1x16xf32> to vector<16xf32>
        %parallel_loop3A_1571 = vector.shape_cast %parallel_loop3A_1562 : vector<16xf32> to vector<1x1x1x16xf32>
        tpu.vector_store %arg7[%parallel_loop3A_1565, %parallel_loop3A_1566, %parallel_loop3A_1567, %parallel_loop3A_1568], %parallel_loop3A_1571 {strides = array<i32>} : memref<4x4x8x768xf32, #tpu.memory_space<vmem>>, vector<1x1x1x16xf32>,
      } {sc.loop_unroll_factor = 8 : i64, sc.parallel_access}
    }
    %scan3A_524 = arith.constant 8 : i32
    %add3A_525 = arith.constant 8 : i32
    %add3A_526 = arith.addi %mul3A_2, %add3A_525 : i32
    %dma_start3A_527 = arith.constant 1 : i32
    %dma_start3A_528 = arith.constant 0 : i32
    %dma_start3A_529 = arith.constant 0 : i32
    %dma_start3A_530 = arith.constant 0 : i32
    %dma_start3A_531 = tpu.memref_slice %arg7[%dma_start3A_527, %dma_start3A_528, %dma_start3A_529, %dma_start3A_530] : memref<4x4x8x768xf32, #tpu.memory_space<vmem>> -> memref<1x4x8x768xf32, #tpu.memory_space<vmem>>
    %dma_start3A_532 = tpu.memref_squeeze %dma_start3A_531 : memref<1x4x8x768xf32, #tpu.memory_space<vmem>> -> memref<4x8x768xf32, #tpu.memory_space<vmem>>
    %dma_start3A_533 = arith.constant 0 : i32
    %dma_start3A_534 = arith.constant 0 : i32
    %dma_start3A_535 = tpu.memref_slice %arg5[%dma_start3A_533, %add3A_526, %dma_start3A_534] : memref<4x2048x768xf32, #tpu.memory_space<hbm>> -> memref<4x8x768xf32, #tpu.memory_space<hbm>>
    %dma_start3A_536 = arith.constant 0 : i32
    %dma_start3A_537 = arith.constant 0 : i32
    %dma_start3A_538 = tpu.memref_slice %arg5[%dma_start3A_536, %add3A_526, %dma_start3A_537] : memref<4x2048x768xf32, #tpu.memory_space<hbm>> -> memref<4x8x768xf32, #tpu.memory_space<hbm>>
    %dma_start3A_539 = arith.constant 0 : i32
    %dma_start3A_540 = arith.constant 0 : i32
    %dma_start3A_541 = arith.constant 0 : i32
    %dma_start3A_542 = tpu.memref_slice %arg7[%dma_start3A_527, %dma_start3A_539, %dma_start3A_540, %dma_start3A_541] : memref<4x4x8x768xf32, #tpu.memory_space<vmem>> -> memref<1x4x8x768xf32, #tpu.memory_space<vmem>>
    %dma_start3A_543 = tpu.memref_squeeze %dma_start3A_542 : memref<1x4x8x768xf32, #tpu.memory_space<vmem>> -> memref<4x8x768xf32, #tpu.memory_space<vmem>>
    tpu.enqueue_dma source(%dma_start3A_543 : memref<4x8x768xf32, #tpu.memory_space<vmem>>) target(%dma_start3A_538 : memref<4x8x768xf32, #tpu.memory_space<hbm>>) target_semaphore(%arg10 : memref<!tpu.dma_semaphore, #tpu.memory_space<semaphore_mem>>)
    %dma_wait3A_544 = arith.constant 0 : i32
    %dma_wait3A_545 = arith.constant 0 : i32
    %dma_wait3A_546 = arith.constant 0 : i32
    %dma_wait3A_547 = arith.constant 0 : i32
    %dma_wait3A_548 = tpu.memref_slice %arg7[%dma_wait3A_544, %dma_wait3A_545, %dma_wait3A_546, %dma_wait3A_547] : memref<4x4x8x768xf32, #tpu.memory_space<vmem>> -> memref<1x4x8x768xf32, #tpu.memory_space<vmem>>
    %dma_wait3A_549 = tpu.memref_squeeze %dma_wait3A_548 : memref<1x4x8x768xf32, #tpu.memory_space<vmem>> -> memref<4x8x768xf32, #tpu.memory_space<vmem>>
    %dma_wait3A_550 = arith.constant 0 : i32
    %dma_wait3A_551 = arith.constant 0 : i32
    %dma_wait3A_552 = tpu.memref_slice %arg5[%dma_wait3A_550, %add3A_369, %dma_wait3A_551] : memref<4x2048x768xf32, #tpu.memory_space<hbm>> -> memref<4x8x768xf32, #tpu.memory_space<hbm>>
    %dma_wait3A_553 = arith.constant 0 : i32
    %dma_wait3A_554 = arith.constant 0 : i32
    %dma_wait3A_555 = tpu.memref_slice %arg5[%dma_wait3A_553, %add3A_369, %dma_wait3A_554] : memref<4x2048x768xf32, #tpu.memory_space<hbm>> -> memref<4x8x768xf32, #tpu.memory_space<hbm>>
    %dma_wait3A_556 = arith.constant 0 : i32
    %dma_wait3A_557 = arith.constant 0 : i32
    %dma_wait3A_558 = arith.constant 0 : i32
    %dma_wait3A_559 = tpu.memref_slice %arg7[%dma_wait3A_544, %dma_wait3A_556, %dma_wait3A_557, %dma_wait3A_558] : memref<4x4x8x768xf32, #tpu.memory_space<vmem>> -> memref<1x4x8x768xf32, #tpu.memory_space<vmem>>
    %dma_wait3A_560 = tpu.memref_squeeze %dma_wait3A_559 : memref<1x4x8x768xf32, #tpu.memory_space<vmem>> -> memref<4x8x768xf32, #tpu.memory_space<vmem>>
    tpu.wait_dma2 semaphore(%arg10 : memref<!tpu.dma_semaphore, #tpu.memory_space<semaphore_mem>>) src(%dma_wait3A_560 : memref<4x8x768xf32, #tpu.memory_space<vmem>>) dst(%dma_wait3A_555 : memref<4x8x768xf32, #tpu.memory_space<hbm>>)
    %dma_start3A_561 = arith.constant 0 : i32
    %dma_start3A_562 = arith.constant 0 : i32
    %dma_start3A_563 = arith.constant 0 : i32
    %dma_start3A_564 = arith.constant 0 : i32
    %dma_start3A_565 = arith.constant 0 : i32
    %dma_start3A_566 = tpu.memref_slice %arg7[%dma_start3A_562, %dma_start3A_563, %dma_start3A_564, %dma_start3A_565] : memref<4x4x8x768xf32, #tpu.memory_space<vmem>> -> memref<1x1x8x768xf32, #tpu.memory_space<vmem>>
    %dma_start3A_567 = tpu.memref_squeeze %dma_start3A_566 : memref<1x1x8x768xf32, #tpu.memory_space<vmem>> -> memref<8x768xf32, #tpu.memory_space<vmem>>
    %dma_start3A_568 = arith.constant 32 : i32
    %dma_start3A_569 = tpu.memref_slice %arg6[%dma_start3A_561, %dma_start3A_568] : memref<4x64xi32, #tpu.memory_space<vmem>> -> memref<1x8xi32, #tpu.memory_space<vmem>>
    %dma_start3A_570 = tpu.memref_squeeze %dma_start3A_569 : memref<1x8xi32, #tpu.memory_space<vmem>> -> memref<8xi32, #tpu.memory_space<vmem>>
    %dma_start3A_571 = arith.constant 0 : i32
    %dma_start3A_572 = arith.constant 0 : i32
    %dma_start3A_573 = tpu.memref_slice %arg3[%dma_start3A_571, %dma_start3A_572] : memref<100000x768xf32, #tpu.memory_space<hbm>> -> memref<100000x768xf32, #tpu.memory_space<hbm>>
    tpu.enqueue_indirect_dma source(%dma_start3A_573 : memref<100000x768xf32, #tpu.memory_space<hbm>>) target(%dma_start3A_567 : memref<8x768xf32, #tpu.memory_space<vmem>>) offsets(%dma_start3A_570 : memref<8xi32, #tpu.memory_space<vmem>>) semaphore(%arg9 : memref<!tpu.dma_semaphore, #tpu.memory_space<semaphore_mem>>)
    %dma_start3A_574 = arith.constant 1 : i32
    %dma_start3A_575 = arith.constant 0 : i32
    %dma_start3A_576 = arith.constant 1 : i32
    %dma_start3A_577 = arith.constant 0 : i32
    %dma_start3A_578 = arith.constant 0 : i32
    %dma_start3A_579 = tpu.memref_slice %arg7[%dma_start3A_575, %dma_start3A_576, %dma_start3A_577, %dma_start3A_578] : memref<4x4x8x768xf32, #tpu.memory_space<vmem>> -> memref<1x1x8x768xf32, #tpu.memory_space<vmem>>
    %dma_start3A_580 = tpu.memref_squeeze %dma_start3A_579 : memref<1x1x8x768xf32, #tpu.memory_space<vmem>> -> memref<8x768xf32, #tpu.memory_space<vmem>>
    %dma_start3A_581 = arith.constant 32 : i32
    %dma_start3A_582 = tpu.memref_slice %arg6[%dma_start3A_574, %dma_start3A_581] : memref<4x64xi32, #tpu.memory_space<vmem>> -> memref<1x8xi32, #tpu.memory_space<vmem>>
    %dma_start3A_583 = tpu.memref_squeeze %dma_start3A_582 : memref<1x8xi32, #tpu.memory_space<vmem>> -> memref<8xi32, #tpu.memory_space<vmem>>
    %dma_start3A_584 = arith.constant 0 : i32
    %dma_start3A_585 = arith.constant 0 : i32
    %dma_start3A_586 = tpu.memref_slice %arg3[%dma_start3A_584, %dma_start3A_585] : memref<100000x768xf32, #tpu.memory_space<hbm>> -> memref<100000x768xf32, #tpu.memory_space<hbm>>
    tpu.enqueue_indirect_dma source(%dma_start3A_586 : memref<100000x768xf32, #tpu.memory_space<hbm>>) target(%dma_start3A_580 : memref<8x768xf32, #tpu.memory_space<vmem>>) offsets(%dma_start3A_583 : memref<8xi32, #tpu.memory_space<vmem>>) semaphore(%arg9 : memref<!tpu.dma_semaphore, #tpu.memory_space<semaphore_mem>>)
    %dma_start3A_587 = arith.constant 2 : i32
    %dma_start3A_588 = arith.constant 0 : i32
    %dma_start3A_589 = arith.constant 2 : i32
    %dma_start3A_590 = arith.constant 0 : i32
    %dma_start3A_591 = arith.constant 0 : i32
    %dma_start3A_592 = tpu.memref_slice %arg7[%dma_start3A_588, %dma_start3A_589, %dma_start3A_590, %dma_start3A_591] : memref<4x4x8x768xf32, #tpu.memory_space<vmem>> -> memref<1x1x8x768xf32, #tpu.memory_space<vmem>>
    %dma_start3A_593 = tpu.memref_squeeze %dma_start3A_592 : memref<1x1x8x768xf32, #tpu.memory_space<vmem>> -> memref<8x768xf32, #tpu.memory_space<vmem>>
    %dma_start3A_594 = arith.constant 32 : i32
    %dma_start3A_595 = tpu.memref_slice %arg6[%dma_start3A_587, %dma_start3A_594] : memref<4x64xi32, #tpu.memory_space<vmem>> -> memref<1x8xi32, #tpu.memory_space<vmem>>
    %dma_start3A_596 = tpu.memref_squeeze %dma_start3A_595 : memref<1x8xi32, #tpu.memory_space<vmem>> -> memref<8xi32, #tpu.memory_space<vmem>>
    %dma_start3A_597 = arith.constant 0 : i32
    %dma_start3A_598 = arith.constant 0 : i32
    %dma_start3A_599 = tpu.memref_slice %arg3[%dma_start3A_597, %dma_start3A_598] : memref<100000x768xf32, #tpu.memory_space<hbm>> -> memref<100000x768xf32, #tpu.memory_space<hbm>>
    tpu.enqueue_indirect_dma source(%dma_start3A_599 : memref<100000x768xf32, #tpu.memory_space<hbm>>) target(%dma_start3A_593 : memref<8x768xf32, #tpu.memory_space<vmem>>) offsets(%dma_start3A_596 : memref<8xi32, #tpu.memory_space<vmem>>) semaphore(%arg9 : memref<!tpu.dma_semaphore, #tpu.memory_space<semaphore_mem>>)
    %dma_start3A_600 = arith.constant 3 : i32
    %dma_start3A_601 = arith.constant 0 : i32
    %dma_start3A_602 = arith.constant 3 : i32
    %dma_start3A_603 = arith.constant 0 : i32
    %dma_start3A_604 = arith.constant 0 : i32
    %dma_start3A_605 = tpu.memref_slice %arg7[%dma_start3A_601, %dma_start3A_602, %dma_start3A_603, %dma_start3A_604] : memref<4x4x8x768xf32, #tpu.memory_space<vmem>> -> memref<1x1x8x768xf32, #tpu.memory_space<vmem>>
    %dma_start3A_606 = tpu.memref_squeeze %dma_start3A_605 : memref<1x1x8x768xf32, #tpu.memory_space<vmem>> -> memref<8x768xf32, #tpu.memory_space<vmem>>
    %dma_start3A_607 = arith.constant 32 : i32
    %dma_start3A_608 = tpu.memref_slice %arg6[%dma_start3A_600, %dma_start3A_607] : memref<4x64xi32, #tpu.memory_space<vmem>> -> memref<1x8xi32, #tpu.memory_space<vmem>>
    %dma_start3A_609 = tpu.memref_squeeze %dma_start3A_608 : memref<1x8xi32, #tpu.memory_space<vmem>> -> memref<8xi32, #tpu.memory_space<vmem>>
    %dma_start3A_610 = arith.constant 0 : i32
    %dma_start3A_611 = arith.constant 0 : i32
    %dma_start3A_612 = tpu.memref_slice %arg3[%dma_start3A_610, %dma_start3A_611] : memref<100000x768xf32, #tpu.memory_space<hbm>> -> memref<100000x768xf32, #tpu.memory_space<hbm>>
    tpu.enqueue_indirect_dma source(%dma_start3A_612 : memref<100000x768xf32, #tpu.memory_space<hbm>>) target(%dma_start3A_606 : memref<8x768xf32, #tpu.memory_space<vmem>>) offsets(%dma_start3A_609 : memref<8xi32, #tpu.memory_space<vmem>>) semaphore(%arg9 : memref<!tpu.dma_semaphore, #tpu.memory_space<semaphore_mem>>)
    %add3A_613 = arith.constant 32 : i32
    %add3A_614 = arith.addi %mul3A_2, %add3A_613 : i32
    %dma_start3A_615 = arith.constant 0 : i32
    %dma_start3A_616 = arith.constant 0 : i32
    %dma_start3A_617 = arith.constant 0 : i32
    %dma_start3A_618 = tpu.memref_slice %arg8[%dma_start3A_615, %dma_start3A_616, %dma_start3A_617] : memref<4x8x768xf32, #tpu.memory_space<vmem>> -> memref<1x8x768xf32, #tpu.memory_space<vmem>>
    %dma_start3A_619 = tpu.memref_squeeze %dma_start3A_618 : memref<1x8x768xf32, #tpu.memory_space<vmem>> -> memref<8x768xf32, #tpu.memory_space<vmem>>
    %dma_start3A_620 = arith.constant 0 : i32
    %dma_start3A_621 = tpu.memref_slice %arg4[%add3A_614, %dma_start3A_620] : memref<2048x768xf32, #tpu.memory_space<hbm>> -> memref<8x768xf32, #tpu.memory_space<hbm>>
    %dma_start3A_622 = arith.constant 0 : i32
    %dma_start3A_623 = arith.constant 0 : i32
    %dma_start3A_624 = tpu.memref_slice %arg8[%dma_start3A_615, %dma_start3A_622, %dma_start3A_623] : memref<4x8x768xf32, #tpu.memory_space<vmem>> -> memref<1x8x768xf32, #tpu.memory_space<vmem>>
    %dma_start3A_625 = tpu.memref_squeeze %dma_start3A_624 : memref<1x8x768xf32, #tpu.memory_space<vmem>> -> memref<8x768xf32, #tpu.memory_space<vmem>>
    %dma_start3A_626 = arith.constant 0 : i32
    %dma_start3A_627 = tpu.memref_slice %arg4[%add3A_614, %dma_start3A_626] : memref<2048x768xf32, #tpu.memory_space<hbm>> -> memref<8x768xf32, #tpu.memory_space<hbm>>
    tpu.enqueue_dma source(%dma_start3A_627 : memref<8x768xf32, #tpu.memory_space<hbm>>) target(%dma_start3A_625 : memref<8x768xf32, #tpu.memory_space<vmem>>) target_semaphore(%arg9 : memref<!tpu.dma_semaphore, #tpu.memory_space<semaphore_mem>>)
    %dma_wait3A_628 = arith.constant 0 : i32
    %dma_wait3A_629 = arith.constant 2 : i32
    %dma_wait3A_630 = arith.constant 0 : i32
    %dma_wait3A_631 = arith.constant 0 : i32
    %dma_wait3A_632 = arith.constant 0 : i32
    %dma_wait3A_633 = tpu.memref_slice %arg7[%dma_wait3A_629, %dma_wait3A_630, %dma_wait3A_631, %dma_wait3A_632] : memref<4x4x8x768xf32, #tpu.memory_space<vmem>> -> memref<1x1x8x768xf32, #tpu.memory_space<vmem>>
    %dma_wait3A_634 = tpu.memref_squeeze %dma_wait3A_633 : memref<1x1x8x768xf32, #tpu.memory_space<vmem>> -> memref<8x768xf32, #tpu.memory_space<vmem>>
    %dma_wait3A_635 = arith.constant 16 : i32
    %dma_wait3A_636 = tpu.memref_slice %arg6[%dma_wait3A_628, %dma_wait3A_635] : memref<4x64xi32, #tpu.memory_space<vmem>> -> memref<1x8xi32, #tpu.memory_space<vmem>>
    %dma_wait3A_637 = tpu.memref_squeeze %dma_wait3A_636 : memref<1x8xi32, #tpu.memory_space<vmem>> -> memref<8xi32, #tpu.memory_space<vmem>>
    %dma_wait3A_638 = arith.constant 0 : i32
    %dma_wait3A_639 = arith.constant 0 : i32
    %dma_wait3A_640 = tpu.memref_slice %arg3[%dma_wait3A_638, %dma_wait3A_639] : memref<100000x768xf32, #tpu.memory_space<hbm>> -> memref<100000x768xf32, #tpu.memory_space<hbm>>
    tpu.wait_indirect_dma semaphore(%arg9 : memref<!tpu.dma_semaphore, #tpu.memory_space<semaphore_mem>>) src(%dma_wait3A_640 : memref<100000x768xf32, #tpu.memory_space<hbm>>) dst(%dma_wait3A_634 : memref<8x768xf32, #tpu.memory_space<vmem>>)
    %dma_wait3A_641 = arith.constant 1 : i32
    %dma_wait3A_642 = arith.constant 2 : i32
    %dma_wait3A_643 = arith.constant 1 : i32
    %dma_wait3A_644 = arith.constant 0 : i32
    %dma_wait3A_645 = arith.constant 0 : i32
    %dma_wait3A_646 = tpu.memref_slice %arg7[%dma_wait3A_642, %dma_wait3A_643, %dma_wait3A_644, %dma_wait3A_645] : memref<4x4x8x768xf32, #tpu.memory_space<vmem>> -> memref<1x1x8x768xf32, #tpu.memory_space<vmem>>
    %dma_wait3A_647 = tpu.memref_squeeze %dma_wait3A_646 : memref<1x1x8x768xf32, #tpu.memory_space<vmem>> -> memref<8x768xf32, #tpu.memory_space<vmem>>
    %dma_wait3A_648 = arith.constant 16 : i32
    %dma_wait3A_649 = tpu.memref_slice %arg6[%dma_wait3A_641, %dma_wait3A_648] : memref<4x64xi32, #tpu.memory_space<vmem>> -> memref<1x8xi32, #tpu.memory_space<vmem>>
    %dma_wait3A_650 = tpu.memref_squeeze %dma_wait3A_649 : memref<1x8xi32, #tpu.memory_space<vmem>> -> memref<8xi32, #tpu.memory_space<vmem>>
    %dma_wait3A_651 = arith.constant 0 : i32
    %dma_wait3A_652 = arith.constant 0 : i32
    %dma_wait3A_653 = tpu.memref_slice %arg3[%dma_wait3A_651, %dma_wait3A_652] : memref<100000x768xf32, #tpu.memory_space<hbm>> -> memref<100000x768xf32, #tpu.memory_space<hbm>>
    tpu.wait_indirect_dma semaphore(%arg9 : memref<!tpu.dma_semaphore, #tpu.memory_space<semaphore_mem>>) src(%dma_wait3A_653 : memref<100000x768xf32, #tpu.memory_space<hbm>>) dst(%dma_wait3A_647 : memref<8x768xf32, #tpu.memory_space<vmem>>)
    %dma_wait3A_654 = arith.constant 2 : i32
    %dma_wait3A_655 = arith.constant 2 : i32
    %dma_wait3A_656 = arith.constant 2 : i32
    %dma_wait3A_657 = arith.constant 0 : i32
    %dma_wait3A_658 = arith.constant 0 : i32
    %dma_wait3A_659 = tpu.memref_slice %arg7[%dma_wait3A_655, %dma_wait3A_656, %dma_wait3A_657, %dma_wait3A_658] : memref<4x4x8x768xf32, #tpu.memory_space<vmem>> -> memref<1x1x8x768xf32, #tpu.memory_space<vmem>>
    %dma_wait3A_660 = tpu.memref_squeeze %dma_wait3A_659 : memref<1x1x8x768xf32, #tpu.memory_space<vmem>> -> memref<8x768xf32, #tpu.memory_space<vmem>>
    %dma_wait3A_661 = arith.constant 16 : i32
    %dma_wait3A_662 = tpu.memref_slice %arg6[%dma_wait3A_654, %dma_wait3A_661] : memref<4x64xi32, #tpu.memory_space<vmem>> -> memref<1x8xi32, #tpu.memory_space<vmem>>
    %dma_wait3A_663 = tpu.memref_squeeze %dma_wait3A_662 : memref<1x8xi32, #tpu.memory_space<vmem>> -> memref<8xi32, #tpu.memory_space<vmem>>
    %dma_wait3A_664 = arith.constant 0 : i32
    %dma_wait3A_665 = arith.constant 0 : i32
    %dma_wait3A_666 = tpu.memref_slice %arg3[%dma_wait3A_664, %dma_wait3A_665] : memref<100000x768xf32, #tpu.memory_space<hbm>> -> memref<100000x768xf32, #tpu.memory_space<hbm>>
    tpu.wait_indirect_dma semaphore(%arg9 : memref<!tpu.dma_semaphore, #tpu.memory_space<semaphore_mem>>) src(%dma_wait3A_666 : memref<100000x768xf32, #tpu.memory_space<hbm>>) dst(%dma_wait3A_660 : memref<8x768xf32, #tpu.memory_space<vmem>>)
    %dma_wait3A_667 = arith.constant 3 : i32
    %dma_wait3A_668 = arith.constant 2 : i32
    %dma_wait3A_669 = arith.constant 3 : i32
    %dma_wait3A_670 = arith.constant 0 : i32
    %dma_wait3A_671 = arith.constant 0 : i32
    %dma_wait3A_672 = tpu.memref_slice %arg7[%dma_wait3A_668, %dma_wait3A_669, %dma_wait3A_670, %dma_wait3A_671] : memref<4x4x8x768xf32, #tpu.memory_space<vmem>> -> memref<1x1x8x768xf32, #tpu.memory_space<vmem>>
    %dma_wait3A_673 = tpu.memref_squeeze %dma_wait3A_672 : memref<1x1x8x768xf32, #tpu.memory_space<vmem>> -> memref<8x768xf32, #tpu.memory_space<vmem>>
    %dma_wait3A_674 = arith.constant 16 : i32
    %dma_wait3A_675 = tpu.memref_slice %arg6[%dma_wait3A_667, %dma_wait3A_674] : memref<4x64xi32, #tpu.memory_space<vmem>> -> memref<1x8xi32, #tpu.memory_space<vmem>>
    %dma_wait3A_676 = tpu.memref_squeeze %dma_wait3A_675 : memref<1x8xi32, #tpu.memory_space<vmem>> -> memref<8xi32, #tpu.memory_space<vmem>>
    %dma_wait3A_677 = arith.constant 0 : i32
    %dma_wait3A_678 = arith.constant 0 : i32
    %dma_wait3A_679 = tpu.memref_slice %arg3[%dma_wait3A_677, %dma_wait3A_678] : memref<100000x768xf32, #tpu.memory_space<hbm>> -> memref<100000x768xf32, #tpu.memory_space<hbm>>
    tpu.wait_indirect_dma semaphore(%arg9 : memref<!tpu.dma_semaphore, #tpu.memory_space<semaphore_mem>>) src(%dma_wait3A_679 : memref<100000x768xf32, #tpu.memory_space<hbm>>) dst(%dma_wait3A_673 : memref<8x768xf32, #tpu.memory_space<vmem>>)
    %dma_wait3A_680 = arith.constant 2 : i32
    %dma_wait3A_681 = arith.constant 0 : i32
    %dma_wait3A_682 = arith.constant 0 : i32
    %dma_wait3A_683 = tpu.memref_slice %arg8[%dma_wait3A_680, %dma_wait3A_681, %dma_wait3A_682] : memref<4x8x768xf32, #tpu.memory_space<vmem>> -> memref<1x8x768xf32, #tpu.memory_space<vmem>>
    %dma_wait3A_684 = tpu.memref_squeeze %dma_wait3A_683 : memref<1x8x768xf32, #tpu.memory_space<vmem>> -> memref<8x768xf32, #tpu.memory_space<vmem>>
    %dma_wait3A_685 = arith.constant 0 : i32
    %dma_wait3A_686 = tpu.memref_slice %arg4[%add3A_284, %dma_wait3A_685] : memref<2048x768xf32, #tpu.memory_space<hbm>> -> memref<8x768xf32, #tpu.memory_space<hbm>>
    %dma_wait3A_687 = arith.constant 0 : i32
    %dma_wait3A_688 = arith.constant 0 : i32
    %dma_wait3A_689 = tpu.memref_slice %arg8[%dma_wait3A_680, %dma_wait3A_687, %dma_wait3A_688] : memref<4x8x768xf32, #tpu.memory_space<vmem>> -> memref<1x8x768xf32, #tpu.memory_space<vmem>>
    %dma_wait3A_690 = tpu.memref_squeeze %dma_wait3A_689 : memref<1x8x768xf32, #tpu.memory_space<vmem>> -> memref<8x768xf32, #tpu.memory_space<vmem>>
    %dma_wait3A_691 = arith.constant 0 : i32
    %dma_wait3A_692 = tpu.memref_slice %arg4[%add3A_284, %dma_wait3A_691] : memref<2048x768xf32, #tpu.memory_space<hbm>> -> memref<8x768xf32, #tpu.memory_space<hbm>>
    tpu.wait_dma2 semaphore(%arg9 : memref<!tpu.dma_semaphore, #tpu.memory_space<semaphore_mem>>) src(%dma_wait3A_692 : memref<8x768xf32, #tpu.memory_space<hbm>>) dst(%dma_wait3A_690 : memref<8x768xf32, #tpu.memory_space<vmem>>)
    %scan3A_693 = arith.constant 0 : i32
    %scan3A_694 = arith.constant 0 : i32
    %scan3A_695 = arith.constant 8 : i32
    %scan3A_696 = arith.addi %scan3A_694, %scan3A_695 : i32
    %scan3A_697 = arith.constant 1 : i32
    scf.for %scan3A_1488 = %scan3A_694 to %scan3A_696 step %scan3A_697  : i32 {
      %parallel_loop3A = arith.constant 0 : i32
      %parallel_loop3A_1489 = arith.constant 48 : i32
      %parallel_loop3A_1490 = arith.constant 1 : i32
      scf.for %parallel_loop3A_1491 = %parallel_loop3A to %parallel_loop3A_1489 step %parallel_loop3A_1490  : i32 {
        %parallel_loop3A_1492 = arith.constant 16 : i32
        %parallel_loop3A_1493 = arith.muli %parallel_loop3A_1491, %parallel_loop3A_1492 : i32
        %parallel_loop3A_1494 = arith.constant 2 : i32
        %parallel_loop3A_1495 = arith.index_cast %parallel_loop3A_1494 : i32 to index
        %parallel_loop3A_1496 = arith.index_cast %scan3A_1488 : i32 to index
        %parallel_loop3A_1497 = arith.index_cast %parallel_loop3A_1493 : i32 to index
        %parallel_loop3A_1498 = tpu.vector_load %arg8[%parallel_loop3A_1495, %parallel_loop3A_1496, %parallel_loop3A_1497] {strides = array<i32>} : memref<4x8x768xf32, #tpu.memory_space<vmem>>, vector<1x1x16xf32>,
        %parallel_loop3A_1499 = vector.shape_cast %parallel_loop3A_1498 : vector<1x1x16xf32> to vector<16xf32>
        %parallel_loop3A_1500 = arith.constant 2 : i32
        %parallel_loop3A_1501 = arith.constant 0 : i32
        %parallel_loop3A_1502 = arith.index_cast %parallel_loop3A_1500 : i32 to index
        %parallel_loop3A_1503 = arith.index_cast %parallel_loop3A_1501 : i32 to index
        %parallel_loop3A_1504 = arith.index_cast %scan3A_1488 : i32 to index
        %parallel_loop3A_1505 = arith.index_cast %parallel_loop3A_1493 : i32 to index
        %parallel_loop3A_1506 = tpu.vector_load %arg7[%parallel_loop3A_1502, %parallel_loop3A_1503, %parallel_loop3A_1504, %parallel_loop3A_1505] {strides = array<i32>} : memref<4x4x8x768xf32, #tpu.memory_space<vmem>>, vector<1x1x1x16xf32>,
        %parallel_loop3A_1507 = vector.shape_cast %parallel_loop3A_1506 : vector<1x1x1x16xf32> to vector<16xf32>
        %parallel_loop3A_1508 = arith.addf %parallel_loop3A_1507, %parallel_loop3A_1499 : vector<16xf32>
        %parallel_loop3A_1509 = arith.constant 2 : i32
        %parallel_loop3A_1510 = arith.constant 0 : i32
        %parallel_loop3A_1511 = arith.index_cast %parallel_loop3A_1509 : i32 to index
        %parallel_loop3A_1512 = arith.index_cast %parallel_loop3A_1510 : i32 to index
        %parallel_loop3A_1513 = arith.index_cast %scan3A_1488 : i32 to index
        %parallel_loop3A_1514 = arith.index_cast %parallel_loop3A_1493 : i32 to index
        %parallel_loop3A_1515 = tpu.vector_load %arg7[%parallel_loop3A_1511, %parallel_loop3A_1512, %parallel_loop3A_1513, %parallel_loop3A_1514] {strides = array<i32>} : memref<4x4x8x768xf32, #tpu.memory_space<vmem>>, vector<1x1x1x16xf32>,
        %parallel_loop3A_1516 = vector.shape_cast %parallel_loop3A_1515 : vector<1x1x1x16xf32> to vector<16xf32>
        %parallel_loop3A_1517 = vector.shape_cast %parallel_loop3A_1508 : vector<16xf32> to vector<1x1x1x16xf32>
        tpu.vector_store %arg7[%parallel_loop3A_1511, %parallel_loop3A_1512, %parallel_loop3A_1513, %parallel_loop3A_1514], %parallel_loop3A_1517 {strides = array<i32>} : memref<4x4x8x768xf32, #tpu.memory_space<vmem>>, vector<1x1x1x16xf32>,
        %parallel_loop3A_1518 = arith.constant 2 : i32
        %parallel_loop3A_1519 = arith.constant 1 : i32
        %parallel_loop3A_1520 = arith.index_cast %parallel_loop3A_1518 : i32 to index
        %parallel_loop3A_1521 = arith.index_cast %parallel_loop3A_1519 : i32 to index
        %parallel_loop3A_1522 = arith.index_cast %scan3A_1488 : i32 to index
        %parallel_loop3A_1523 = arith.index_cast %parallel_loop3A_1493 : i32 to index
        %parallel_loop3A_1524 = tpu.vector_load %arg7[%parallel_loop3A_1520, %parallel_loop3A_1521, %parallel_loop3A_1522, %parallel_loop3A_1523] {strides = array<i32>} : memref<4x4x8x768xf32, #tpu.memory_space<vmem>>, vector<1x1x1x16xf32>,
        %parallel_loop3A_1525 = vector.shape_cast %parallel_loop3A_1524 : vector<1x1x1x16xf32> to vector<16xf32>
        %parallel_loop3A_1526 = arith.addf %parallel_loop3A_1525, %parallel_loop3A_1499 : vector<16xf32>
        %parallel_loop3A_1527 = arith.constant 2 : i32
        %parallel_loop3A_1528 = arith.constant 1 : i32
        %parallel_loop3A_1529 = arith.index_cast %parallel_loop3A_1527 : i32 to index
        %parallel_loop3A_1530 = arith.index_cast %parallel_loop3A_1528 : i32 to index
        %parallel_loop3A_1531 = arith.index_cast %scan3A_1488 : i32 to index
        %parallel_loop3A_1532 = arith.index_cast %parallel_loop3A_1493 : i32 to index
        %parallel_loop3A_1533 = tpu.vector_load %arg7[%parallel_loop3A_1529, %parallel_loop3A_1530, %parallel_loop3A_1531, %parallel_loop3A_1532] {strides = array<i32>} : memref<4x4x8x768xf32, #tpu.memory_space<vmem>>, vector<1x1x1x16xf32>,
        %parallel_loop3A_1534 = vector.shape_cast %parallel_loop3A_1533 : vector<1x1x1x16xf32> to vector<16xf32>
        %parallel_loop3A_1535 = vector.shape_cast %parallel_loop3A_1526 : vector<16xf32> to vector<1x1x1x16xf32>
        tpu.vector_store %arg7[%parallel_loop3A_1529, %parallel_loop3A_1530, %parallel_loop3A_1531, %parallel_loop3A_1532], %parallel_loop3A_1535 {strides = array<i32>} : memref<4x4x8x768xf32, #tpu.memory_space<vmem>>, vector<1x1x1x16xf32>,
        %parallel_loop3A_1536 = arith.constant 2 : i32
        %parallel_loop3A_1537 = arith.constant 2 : i32
        %parallel_loop3A_1538 = arith.index_cast %parallel_loop3A_1536 : i32 to index
        %parallel_loop3A_1539 = arith.index_cast %parallel_loop3A_1537 : i32 to index
        %parallel_loop3A_1540 = arith.index_cast %scan3A_1488 : i32 to index
        %parallel_loop3A_1541 = arith.index_cast %parallel_loop3A_1493 : i32 to index
        %parallel_loop3A_1542 = tpu.vector_load %arg7[%parallel_loop3A_1538, %parallel_loop3A_1539, %parallel_loop3A_1540, %parallel_loop3A_1541] {strides = array<i32>} : memref<4x4x8x768xf32, #tpu.memory_space<vmem>>, vector<1x1x1x16xf32>,
        %parallel_loop3A_1543 = vector.shape_cast %parallel_loop3A_1542 : vector<1x1x1x16xf32> to vector<16xf32>
        %parallel_loop3A_1544 = arith.addf %parallel_loop3A_1543, %parallel_loop3A_1499 : vector<16xf32>
        %parallel_loop3A_1545 = arith.constant 2 : i32
        %parallel_loop3A_1546 = arith.constant 2 : i32
        %parallel_loop3A_1547 = arith.index_cast %parallel_loop3A_1545 : i32 to index
        %parallel_loop3A_1548 = arith.index_cast %parallel_loop3A_1546 : i32 to index
        %parallel_loop3A_1549 = arith.index_cast %scan3A_1488 : i32 to index
        %parallel_loop3A_1550 = arith.index_cast %parallel_loop3A_1493 : i32 to index
        %parallel_loop3A_1551 = tpu.vector_load %arg7[%parallel_loop3A_1547, %parallel_loop3A_1548, %parallel_loop3A_1549, %parallel_loop3A_1550] {strides = array<i32>} : memref<4x4x8x768xf32, #tpu.memory_space<vmem>>, vector<1x1x1x16xf32>,
        %parallel_loop3A_1552 = vector.shape_cast %parallel_loop3A_1551 : vector<1x1x1x16xf32> to vector<16xf32>
        %parallel_loop3A_1553 = vector.shape_cast %parallel_loop3A_1544 : vector<16xf32> to vector<1x1x1x16xf32>
        tpu.vector_store %arg7[%parallel_loop3A_1547, %parallel_loop3A_1548, %parallel_loop3A_1549, %parallel_loop3A_1550], %parallel_loop3A_1553 {strides = array<i32>} : memref<4x4x8x768xf32, #tpu.memory_space<vmem>>, vector<1x1x1x16xf32>,
        %parallel_loop3A_1554 = arith.constant 2 : i32
        %parallel_loop3A_1555 = arith.constant 3 : i32
        %parallel_loop3A_1556 = arith.index_cast %parallel_loop3A_1554 : i32 to index
        %parallel_loop3A_1557 = arith.index_cast %parallel_loop3A_1555 : i32 to index
        %parallel_loop3A_1558 = arith.index_cast %scan3A_1488 : i32 to index
        %parallel_loop3A_1559 = arith.index_cast %parallel_loop3A_1493 : i32 to index
        %parallel_loop3A_1560 = tpu.vector_load %arg7[%parallel_loop3A_1556, %parallel_loop3A_1557, %parallel_loop3A_1558, %parallel_loop3A_1559] {strides = array<i32>} : memref<4x4x8x768xf32, #tpu.memory_space<vmem>>, vector<1x1x1x16xf32>,
        %parallel_loop3A_1561 = vector.shape_cast %parallel_loop3A_1560 : vector<1x1x1x16xf32> to vector<16xf32>
        %parallel_loop3A_1562 = arith.addf %parallel_loop3A_1561, %parallel_loop3A_1499 : vector<16xf32>
        %parallel_loop3A_1563 = arith.constant 2 : i32
        %parallel_loop3A_1564 = arith.constant 3 : i32
        %parallel_loop3A_1565 = arith.index_cast %parallel_loop3A_1563 : i32 to index
        %parallel_loop3A_1566 = arith.index_cast %parallel_loop3A_1564 : i32 to index
        %parallel_loop3A_1567 = arith.index_cast %scan3A_1488 : i32 to index
        %parallel_loop3A_1568 = arith.index_cast %parallel_loop3A_1493 : i32 to index
        %parallel_loop3A_1569 = tpu.vector_load %arg7[%parallel_loop3A_1565, %parallel_loop3A_1566, %parallel_loop3A_1567, %parallel_loop3A_1568] {strides = array<i32>} : memref<4x4x8x768xf32, #tpu.memory_space<vmem>>, vector<1x1x1x16xf32>,
        %parallel_loop3A_1570 = vector.shape_cast %parallel_loop3A_1569 : vector<1x1x1x16xf32> to vector<16xf32>
        %parallel_loop3A_1571 = vector.shape_cast %parallel_loop3A_1562 : vector<16xf32> to vector<1x1x1x16xf32>
        tpu.vector_store %arg7[%parallel_loop3A_1565, %parallel_loop3A_1566, %parallel_loop3A_1567, %parallel_loop3A_1568], %parallel_loop3A_1571 {strides = array<i32>} : memref<4x4x8x768xf32, #tpu.memory_space<vmem>>, vector<1x1x1x16xf32>,
      } {sc.loop_unroll_factor = 8 : i64, sc.parallel_access}
    }
    %scan3A_698 = arith.constant 8 : i32
    %add3A_699 = arith.constant 16 : i32
    %add3A_700 = arith.addi %mul3A_2, %add3A_699 : i32
    %dma_start3A_701 = arith.constant 2 : i32
    %dma_start3A_702 = arith.constant 0 : i32
    %dma_start3A_703 = arith.constant 0 : i32
    %dma_start3A_704 = arith.constant 0 : i32
    %dma_start3A_705 = tpu.memref_slice %arg7[%dma_start3A_701, %dma_start3A_702, %dma_start3A_703, %dma_start3A_704] : memref<4x4x8x768xf32, #tpu.memory_space<vmem>> -> memref<1x4x8x768xf32, #tpu.memory_space<vmem>>
    %dma_start3A_706 = tpu.memref_squeeze %dma_start3A_705 : memref<1x4x8x768xf32, #tpu.memory_space<vmem>> -> memref<4x8x768xf32, #tpu.memory_space<vmem>>
    %dma_start3A_707 = arith.constant 0 : i32
    %dma_start3A_708 = arith.constant 0 : i32
    %dma_start3A_709 = tpu.memref_slice %arg5[%dma_start3A_707, %add3A_700, %dma_start3A_708] : memref<4x2048x768xf32, #tpu.memory_space<hbm>> -> memref<4x8x768xf32, #tpu.memory_space<hbm>>
    %dma_start3A_710 = arith.constant 0 : i32
    %dma_start3A_711 = arith.constant 0 : i32
    %dma_start3A_712 = tpu.memref_slice %arg5[%dma_start3A_710, %add3A_700, %dma_start3A_711] : memref<4x2048x768xf32, #tpu.memory_space<hbm>> -> memref<4x8x768xf32, #tpu.memory_space<hbm>>
    %dma_start3A_713 = arith.constant 0 : i32
    %dma_start3A_714 = arith.constant 0 : i32
    %dma_start3A_715 = arith.constant 0 : i32
    %dma_start3A_716 = tpu.memref_slice %arg7[%dma_start3A_701, %dma_start3A_713, %dma_start3A_714, %dma_start3A_715] : memref<4x4x8x768xf32, #tpu.memory_space<vmem>> -> memref<1x4x8x768xf32, #tpu.memory_space<vmem>>
    %dma_start3A_717 = tpu.memref_squeeze %dma_start3A_716 : memref<1x4x8x768xf32, #tpu.memory_space<vmem>> -> memref<4x8x768xf32, #tpu.memory_space<vmem>>
    tpu.enqueue_dma source(%dma_start3A_717 : memref<4x8x768xf32, #tpu.memory_space<vmem>>) target(%dma_start3A_712 : memref<4x8x768xf32, #tpu.memory_space<hbm>>) target_semaphore(%arg10 : memref<!tpu.dma_semaphore, #tpu.memory_space<semaphore_mem>>)
    %dma_wait3A_718 = arith.constant 1 : i32
    %dma_wait3A_719 = arith.constant 0 : i32
    %dma_wait3A_720 = arith.constant 0 : i32
    %dma_wait3A_721 = arith.constant 0 : i32
    %dma_wait3A_722 = tpu.memref_slice %arg7[%dma_wait3A_718, %dma_wait3A_719, %dma_wait3A_720, %dma_wait3A_721] : memref<4x4x8x768xf32, #tpu.memory_space<vmem>> -> memref<1x4x8x768xf32, #tpu.memory_space<vmem>>
    %dma_wait3A_723 = tpu.memref_squeeze %dma_wait3A_722 : memref<1x4x8x768xf32, #tpu.memory_space<vmem>> -> memref<4x8x768xf32, #tpu.memory_space<vmem>>
    %dma_wait3A_724 = arith.constant 0 : i32
    %dma_wait3A_725 = arith.constant 0 : i32
    %dma_wait3A_726 = tpu.memref_slice %arg5[%dma_wait3A_724, %add3A_526, %dma_wait3A_725] : memref<4x2048x768xf32, #tpu.memory_space<hbm>> -> memref<4x8x768xf32, #tpu.memory_space<hbm>>
    %dma_wait3A_727 = arith.constant 0 : i32
    %dma_wait3A_728 = arith.constant 0 : i32
    %dma_wait3A_729 = tpu.memref_slice %arg5[%dma_wait3A_727, %add3A_526, %dma_wait3A_728] : memref<4x2048x768xf32, #tpu.memory_space<hbm>> -> memref<4x8x768xf32, #tpu.memory_space<hbm>>
    %dma_wait3A_730 = arith.constant 0 : i32
    %dma_wait3A_731 = arith.constant 0 : i32
    %dma_wait3A_732 = arith.constant 0 : i32
    %dma_wait3A_733 = tpu.memref_slice %arg7[%dma_wait3A_718, %dma_wait3A_730, %dma_wait3A_731, %dma_wait3A_732] : memref<4x4x8x768xf32, #tpu.memory_space<vmem>> -> memref<1x4x8x768xf32, #tpu.memory_space<vmem>>
    %dma_wait3A_734 = tpu.memref_squeeze %dma_wait3A_733 : memref<1x4x8x768xf32, #tpu.memory_space<vmem>> -> memref<4x8x768xf32, #tpu.memory_space<vmem>>
    tpu.wait_dma2 semaphore(%arg10 : memref<!tpu.dma_semaphore, #tpu.memory_space<semaphore_mem>>) src(%dma_wait3A_734 : memref<4x8x768xf32, #tpu.memory_space<vmem>>) dst(%dma_wait3A_729 : memref<4x8x768xf32, #tpu.memory_space<hbm>>)
    %dma_start3A_735 = arith.constant 0 : i32
    %dma_start3A_736 = arith.constant 1 : i32
    %dma_start3A_737 = arith.constant 0 : i32
    %dma_start3A_738 = arith.constant 0 : i32
    %dma_start3A_739 = arith.constant 0 : i32
    %dma_start3A_740 = tpu.memref_slice %arg7[%dma_start3A_736, %dma_start3A_737, %dma_start3A_738, %dma_start3A_739] : memref<4x4x8x768xf32, #tpu.memory_space<vmem>> -> memref<1x1x8x768xf32, #tpu.memory_space<vmem>>
    %dma_start3A_741 = tpu.memref_squeeze %dma_start3A_740 : memref<1x1x8x768xf32, #tpu.memory_space<vmem>> -> memref<8x768xf32, #tpu.memory_space<vmem>>
    %dma_start3A_742 = arith.constant 40 : i32
    %dma_start3A_743 = tpu.memref_slice %arg6[%dma_start3A_735, %dma_start3A_742] : memref<4x64xi32, #tpu.memory_space<vmem>> -> memref<1x8xi32, #tpu.memory_space<vmem>>
    %dma_start3A_744 = tpu.memref_squeeze %dma_start3A_743 : memref<1x8xi32, #tpu.memory_space<vmem>> -> memref<8xi32, #tpu.memory_space<vmem>>
    %dma_start3A_745 = arith.constant 0 : i32
    %dma_start3A_746 = arith.constant 0 : i32
    %dma_start3A_747 = tpu.memref_slice %arg3[%dma_start3A_745, %dma_start3A_746] : memref<100000x768xf32, #tpu.memory_space<hbm>> -> memref<100000x768xf32, #tpu.memory_space<hbm>>
    tpu.enqueue_indirect_dma source(%dma_start3A_747 : memref<100000x768xf32, #tpu.memory_space<hbm>>) target(%dma_start3A_741 : memref<8x768xf32, #tpu.memory_space<vmem>>) offsets(%dma_start3A_744 : memref<8xi32, #tpu.memory_space<vmem>>) semaphore(%arg9 : memref<!tpu.dma_semaphore, #tpu.memory_space<semaphore_mem>>)
    %dma_start3A_748 = arith.constant 1 : i32
    %dma_start3A_749 = arith.constant 1 : i32
    %dma_start3A_750 = arith.constant 1 : i32
    %dma_start3A_751 = arith.constant 0 : i32
    %dma_start3A_752 = arith.constant 0 : i32
    %dma_start3A_753 = tpu.memref_slice %arg7[%dma_start3A_749, %dma_start3A_750, %dma_start3A_751, %dma_start3A_752] : memref<4x4x8x768xf32, #tpu.memory_space<vmem>> -> memref<1x1x8x768xf32, #tpu.memory_space<vmem>>
    %dma_start3A_754 = tpu.memref_squeeze %dma_start3A_753 : memref<1x1x8x768xf32, #tpu.memory_space<vmem>> -> memref<8x768xf32, #tpu.memory_space<vmem>>
    %dma_start3A_755 = arith.constant 40 : i32
    %dma_start3A_756 = tpu.memref_slice %arg6[%dma_start3A_748, %dma_start3A_755] : memref<4x64xi32, #tpu.memory_space<vmem>> -> memref<1x8xi32, #tpu.memory_space<vmem>>
    %dma_start3A_757 = tpu.memref_squeeze %dma_start3A_756 : memref<1x8xi32, #tpu.memory_space<vmem>> -> memref<8xi32, #tpu.memory_space<vmem>>
    %dma_start3A_758 = arith.constant 0 : i32
    %dma_start3A_759 = arith.constant 0 : i32
    %dma_start3A_760 = tpu.memref_slice %arg3[%dma_start3A_758, %dma_start3A_759] : memref<100000x768xf32, #tpu.memory_space<hbm>> -> memref<100000x768xf32, #tpu.memory_space<hbm>>
    tpu.enqueue_indirect_dma source(%dma_start3A_760 : memref<100000x768xf32, #tpu.memory_space<hbm>>) target(%dma_start3A_754 : memref<8x768xf32, #tpu.memory_space<vmem>>) offsets(%dma_start3A_757 : memref<8xi32, #tpu.memory_space<vmem>>) semaphore(%arg9 : memref<!tpu.dma_semaphore, #tpu.memory_space<semaphore_mem>>)
    %dma_start3A_761 = arith.constant 2 : i32
    %dma_start3A_762 = arith.constant 1 : i32
    %dma_start3A_763 = arith.constant 2 : i32
    %dma_start3A_764 = arith.constant 0 : i32
    %dma_start3A_765 = arith.constant 0 : i32
    %dma_start3A_766 = tpu.memref_slice %arg7[%dma_start3A_762, %dma_start3A_763, %dma_start3A_764, %dma_start3A_765] : memref<4x4x8x768xf32, #tpu.memory_space<vmem>> -> memref<1x1x8x768xf32, #tpu.memory_space<vmem>>
    %dma_start3A_767 = tpu.memref_squeeze %dma_start3A_766 : memref<1x1x8x768xf32, #tpu.memory_space<vmem>> -> memref<8x768xf32, #tpu.memory_space<vmem>>
    %dma_start3A_768 = arith.constant 40 : i32
    %dma_start3A_769 = tpu.memref_slice %arg6[%dma_start3A_761, %dma_start3A_768] : memref<4x64xi32, #tpu.memory_space<vmem>> -> memref<1x8xi32, #tpu.memory_space<vmem>>
    %dma_start3A_770 = tpu.memref_squeeze %dma_start3A_769 : memref<1x8xi32, #tpu.memory_space<vmem>> -> memref<8xi32, #tpu.memory_space<vmem>>
    %dma_start3A_771 = arith.constant 0 : i32
    %dma_start3A_772 = arith.constant 0 : i32
    %dma_start3A_773 = tpu.memref_slice %arg3[%dma_start3A_771, %dma_start3A_772] : memref<100000x768xf32, #tpu.memory_space<hbm>> -> memref<100000x768xf32, #tpu.memory_space<hbm>>
    tpu.enqueue_indirect_dma source(%dma_start3A_773 : memref<100000x768xf32, #tpu.memory_space<hbm>>) target(%dma_start3A_767 : memref<8x768xf32, #tpu.memory_space<vmem>>) offsets(%dma_start3A_770 : memref<8xi32, #tpu.memory_space<vmem>>) semaphore(%arg9 : memref<!tpu.dma_semaphore, #tpu.memory_space<semaphore_mem>>)
    %dma_start3A_774 = arith.constant 3 : i32
    %dma_start3A_775 = arith.constant 1 : i32
    %dma_start3A_776 = arith.constant 3 : i32
    %dma_start3A_777 = arith.constant 0 : i32
    %dma_start3A_778 = arith.constant 0 : i32
    %dma_start3A_779 = tpu.memref_slice %arg7[%dma_start3A_775, %dma_start3A_776, %dma_start3A_777, %dma_start3A_778] : memref<4x4x8x768xf32, #tpu.memory_space<vmem>> -> memref<1x1x8x768xf32, #tpu.memory_space<vmem>>
    %dma_start3A_780 = tpu.memref_squeeze %dma_start3A_779 : memref<1x1x8x768xf32, #tpu.memory_space<vmem>> -> memref<8x768xf32, #tpu.memory_space<vmem>>
    %dma_start3A_781 = arith.constant 40 : i32
    %dma_start3A_782 = tpu.memref_slice %arg6[%dma_start3A_774, %dma_start3A_781] : memref<4x64xi32, #tpu.memory_space<vmem>> -> memref<1x8xi32, #tpu.memory_space<vmem>>
    %dma_start3A_783 = tpu.memref_squeeze %dma_start3A_782 : memref<1x8xi32, #tpu.memory_space<vmem>> -> memref<8xi32, #tpu.memory_space<vmem>>
    %dma_start3A_784 = arith.constant 0 : i32
    %dma_start3A_785 = arith.constant 0 : i32
    %dma_start3A_786 = tpu.memref_slice %arg3[%dma_start3A_784, %dma_start3A_785] : memref<100000x768xf32, #tpu.memory_space<hbm>> -> memref<100000x768xf32, #tpu.memory_space<hbm>>
    tpu.enqueue_indirect_dma source(%dma_start3A_786 : memref<100000x768xf32, #tpu.memory_space<hbm>>) target(%dma_start3A_780 : memref<8x768xf32, #tpu.memory_space<vmem>>) offsets(%dma_start3A_783 : memref<8xi32, #tpu.memory_space<vmem>>) semaphore(%arg9 : memref<!tpu.dma_semaphore, #tpu.memory_space<semaphore_mem>>)
    %add3A_787 = arith.constant 40 : i32
    %add3A_788 = arith.addi %mul3A_2, %add3A_787 : i32
    %dma_start3A_789 = arith.constant 1 : i32
    %dma_start3A_790 = arith.constant 0 : i32
    %dma_start3A_791 = arith.constant 0 : i32
    %dma_start3A_792 = tpu.memref_slice %arg8[%dma_start3A_789, %dma_start3A_790, %dma_start3A_791] : memref<4x8x768xf32, #tpu.memory_space<vmem>> -> memref<1x8x768xf32, #tpu.memory_space<vmem>>
    %dma_start3A_793 = tpu.memref_squeeze %dma_start3A_792 : memref<1x8x768xf32, #tpu.memory_space<vmem>> -> memref<8x768xf32, #tpu.memory_space<vmem>>
    %dma_start3A_794 = arith.constant 0 : i32
    %dma_start3A_795 = tpu.memref_slice %arg4[%add3A_788, %dma_start3A_794] : memref<2048x768xf32, #tpu.memory_space<hbm>> -> memref<8x768xf32, #tpu.memory_space<hbm>>
    %dma_start3A_796 = arith.constant 0 : i32
    %dma_start3A_797 = arith.constant 0 : i32
    %dma_start3A_798 = tpu.memref_slice %arg8[%dma_start3A_789, %dma_start3A_796, %dma_start3A_797] : memref<4x8x768xf32, #tpu.memory_space<vmem>> -> memref<1x8x768xf32, #tpu.memory_space<vmem>>
    %dma_start3A_799 = tpu.memref_squeeze %dma_start3A_798 : memref<1x8x768xf32, #tpu.memory_space<vmem>> -> memref<8x768xf32, #tpu.memory_space<vmem>>
    %dma_start3A_800 = arith.constant 0 : i32
    %dma_start3A_801 = tpu.memref_slice %arg4[%add3A_788, %dma_start3A_800] : memref<2048x768xf32, #tpu.memory_space<hbm>> -> memref<8x768xf32, #tpu.memory_space<hbm>>
    tpu.enqueue_dma source(%dma_start3A_801 : memref<8x768xf32, #tpu.memory_space<hbm>>) target(%dma_start3A_799 : memref<8x768xf32, #tpu.memory_space<vmem>>) target_semaphore(%arg9 : memref<!tpu.dma_semaphore, #tpu.memory_space<semaphore_mem>>)
    %dma_wait3A_802 = arith.constant 0 : i32
    %dma_wait3A_803 = arith.constant 3 : i32
    %dma_wait3A_804 = arith.constant 0 : i32
    %dma_wait3A_805 = arith.constant 0 : i32
    %dma_wait3A_806 = arith.constant 0 : i32
    %dma_wait3A_807 = tpu.memref_slice %arg7[%dma_wait3A_803, %dma_wait3A_804, %dma_wait3A_805, %dma_wait3A_806] : memref<4x4x8x768xf32, #tpu.memory_space<vmem>> -> memref<1x1x8x768xf32, #tpu.memory_space<vmem>>
    %dma_wait3A_808 = tpu.memref_squeeze %dma_wait3A_807 : memref<1x1x8x768xf32, #tpu.memory_space<vmem>> -> memref<8x768xf32, #tpu.memory_space<vmem>>
    %dma_wait3A_809 = arith.constant 24 : i32
    %dma_wait3A_810 = tpu.memref_slice %arg6[%dma_wait3A_802, %dma_wait3A_809] : memref<4x64xi32, #tpu.memory_space<vmem>> -> memref<1x8xi32, #tpu.memory_space<vmem>>
    %dma_wait3A_811 = tpu.memref_squeeze %dma_wait3A_810 : memref<1x8xi32, #tpu.memory_space<vmem>> -> memref<8xi32, #tpu.memory_space<vmem>>
    %dma_wait3A_812 = arith.constant 0 : i32
    %dma_wait3A_813 = arith.constant 0 : i32
    %dma_wait3A_814 = tpu.memref_slice %arg3[%dma_wait3A_812, %dma_wait3A_813] : memref<100000x768xf32, #tpu.memory_space<hbm>> -> memref<100000x768xf32, #tpu.memory_space<hbm>>
    tpu.wait_indirect_dma semaphore(%arg9 : memref<!tpu.dma_semaphore, #tpu.memory_space<semaphore_mem>>) src(%dma_wait3A_814 : memref<100000x768xf32, #tpu.memory_space<hbm>>) dst(%dma_wait3A_808 : memref<8x768xf32, #tpu.memory_space<vmem>>)
    %dma_wait3A_815 = arith.constant 1 : i32
    %dma_wait3A_816 = arith.constant 3 : i32
    %dma_wait3A_817 = arith.constant 1 : i32
    %dma_wait3A_818 = arith.constant 0 : i32
    %dma_wait3A_819 = arith.constant 0 : i32
    %dma_wait3A_820 = tpu.memref_slice %arg7[%dma_wait3A_816, %dma_wait3A_817, %dma_wait3A_818, %dma_wait3A_819] : memref<4x4x8x768xf32, #tpu.memory_space<vmem>> -> memref<1x1x8x768xf32, #tpu.memory_space<vmem>>
    %dma_wait3A_821 = tpu.memref_squeeze %dma_wait3A_820 : memref<1x1x8x768xf32, #tpu.memory_space<vmem>> -> memref<8x768xf32, #tpu.memory_space<vmem>>
    %dma_wait3A_822 = arith.constant 24 : i32
    %dma_wait3A_823 = tpu.memref_slice %arg6[%dma_wait3A_815, %dma_wait3A_822] : memref<4x64xi32, #tpu.memory_space<vmem>> -> memref<1x8xi32, #tpu.memory_space<vmem>>
    %dma_wait3A_824 = tpu.memref_squeeze %dma_wait3A_823 : memref<1x8xi32, #tpu.memory_space<vmem>> -> memref<8xi32, #tpu.memory_space<vmem>>
    %dma_wait3A_825 = arith.constant 0 : i32
    %dma_wait3A_826 = arith.constant 0 : i32
    %dma_wait3A_827 = tpu.memref_slice %arg3[%dma_wait3A_825, %dma_wait3A_826] : memref<100000x768xf32, #tpu.memory_space<hbm>> -> memref<100000x768xf32, #tpu.memory_space<hbm>>
    tpu.wait_indirect_dma semaphore(%arg9 : memref<!tpu.dma_semaphore, #tpu.memory_space<semaphore_mem>>) src(%dma_wait3A_827 : memref<100000x768xf32, #tpu.memory_space<hbm>>) dst(%dma_wait3A_821 : memref<8x768xf32, #tpu.memory_space<vmem>>)
    %dma_wait3A_828 = arith.constant 2 : i32
    %dma_wait3A_829 = arith.constant 3 : i32
    %dma_wait3A_830 = arith.constant 2 : i32
    %dma_wait3A_831 = arith.constant 0 : i32
    %dma_wait3A_832 = arith.constant 0 : i32
    %dma_wait3A_833 = tpu.memref_slice %arg7[%dma_wait3A_829, %dma_wait3A_830, %dma_wait3A_831, %dma_wait3A_832] : memref<4x4x8x768xf32, #tpu.memory_space<vmem>> -> memref<1x1x8x768xf32, #tpu.memory_space<vmem>>
    %dma_wait3A_834 = tpu.memref_squeeze %dma_wait3A_833 : memref<1x1x8x768xf32, #tpu.memory_space<vmem>> -> memref<8x768xf32, #tpu.memory_space<vmem>>
    %dma_wait3A_835 = arith.constant 24 : i32
    %dma_wait3A_836 = tpu.memref_slice %arg6[%dma_wait3A_828, %dma_wait3A_835] : memref<4x64xi32, #tpu.memory_space<vmem>> -> memref<1x8xi32, #tpu.memory_space<vmem>>
    %dma_wait3A_837 = tpu.memref_squeeze %dma_wait3A_836 : memref<1x8xi32, #tpu.memory_space<vmem>> -> memref<8xi32, #tpu.memory_space<vmem>>
    %dma_wait3A_838 = arith.constant 0 : i32
    %dma_wait3A_839 = arith.constant 0 : i32
    %dma_wait3A_840 = tpu.memref_slice %arg3[%dma_wait3A_838, %dma_wait3A_839] : memref<100000x768xf32, #tpu.memory_space<hbm>> -> memref<100000x768xf32, #tpu.memory_space<hbm>>
    tpu.wait_indirect_dma semaphore(%arg9 : memref<!tpu.dma_semaphore, #tpu.memory_space<semaphore_mem>>) src(%dma_wait3A_840 : memref<100000x768xf32, #tpu.memory_space<hbm>>) dst(%dma_wait3A_834 : memref<8x768xf32, #tpu.memory_space<vmem>>)
    %dma_wait3A_841 = arith.constant 3 : i32
    %dma_wait3A_842 = arith.constant 3 : i32
    %dma_wait3A_843 = arith.constant 3 : i32
    %dma_wait3A_844 = arith.constant 0 : i32
    %dma_wait3A_845 = arith.constant 0 : i32
    %dma_wait3A_846 = tpu.memref_slice %arg7[%dma_wait3A_842, %dma_wait3A_843, %dma_wait3A_844, %dma_wait3A_845] : memref<4x4x8x768xf32, #tpu.memory_space<vmem>> -> memref<1x1x8x768xf32, #tpu.memory_space<vmem>>
    %dma_wait3A_847 = tpu.memref_squeeze %dma_wait3A_846 : memref<1x1x8x768xf32, #tpu.memory_space<vmem>> -> memref<8x768xf32, #tpu.memory_space<vmem>>
    %dma_wait3A_848 = arith.constant 24 : i32
    %dma_wait3A_849 = tpu.memref_slice %arg6[%dma_wait3A_841, %dma_wait3A_848] : memref<4x64xi32, #tpu.memory_space<vmem>> -> memref<1x8xi32, #tpu.memory_space<vmem>>
    %dma_wait3A_850 = tpu.memref_squeeze %dma_wait3A_849 : memref<1x8xi32, #tpu.memory_space<vmem>> -> memref<8xi32, #tpu.memory_space<vmem>>
    %dma_wait3A_851 = arith.constant 0 : i32
    %dma_wait3A_852 = arith.constant 0 : i32
    %dma_wait3A_853 = tpu.memref_slice %arg3[%dma_wait3A_851, %dma_wait3A_852] : memref<100000x768xf32, #tpu.memory_space<hbm>> -> memref<100000x768xf32, #tpu.memory_space<hbm>>
    tpu.wait_indirect_dma semaphore(%arg9 : memref<!tpu.dma_semaphore, #tpu.memory_space<semaphore_mem>>) src(%dma_wait3A_853 : memref<100000x768xf32, #tpu.memory_space<hbm>>) dst(%dma_wait3A_847 : memref<8x768xf32, #tpu.memory_space<vmem>>)
    %dma_wait3A_854 = arith.constant 3 : i32
    %dma_wait3A_855 = arith.constant 0 : i32
    %dma_wait3A_856 = arith.constant 0 : i32
    %dma_wait3A_857 = tpu.memref_slice %arg8[%dma_wait3A_854, %dma_wait3A_855, %dma_wait3A_856] : memref<4x8x768xf32, #tpu.memory_space<vmem>> -> memref<1x8x768xf32, #tpu.memory_space<vmem>>
    %dma_wait3A_858 = tpu.memref_squeeze %dma_wait3A_857 : memref<1x8x768xf32, #tpu.memory_space<vmem>> -> memref<8x768xf32, #tpu.memory_space<vmem>>
    %dma_wait3A_859 = arith.constant 0 : i32
    %dma_wait3A_860 = tpu.memref_slice %arg4[%add3A_440, %dma_wait3A_859] : memref<2048x768xf32, #tpu.memory_space<hbm>> -> memref<8x768xf32, #tpu.memory_space<hbm>>
    %dma_wait3A_861 = arith.constant 0 : i32
    %dma_wait3A_862 = arith.constant 0 : i32
    %dma_wait3A_863 = tpu.memref_slice %arg8[%dma_wait3A_854, %dma_wait3A_861, %dma_wait3A_862] : memref<4x8x768xf32, #tpu.memory_space<vmem>> -> memref<1x8x768xf32, #tpu.memory_space<vmem>>
    %dma_wait3A_864 = tpu.memref_squeeze %dma_wait3A_863 : memref<1x8x768xf32, #tpu.memory_space<vmem>> -> memref<8x768xf32, #tpu.memory_space<vmem>>
    %dma_wait3A_865 = arith.constant 0 : i32
    %dma_wait3A_866 = tpu.memref_slice %arg4[%add3A_440, %dma_wait3A_865] : memref<2048x768xf32, #tpu.memory_space<hbm>> -> memref<8x768xf32, #tpu.memory_space<hbm>>
    tpu.wait_dma2 semaphore(%arg9 : memref<!tpu.dma_semaphore, #tpu.memory_space<semaphore_mem>>) src(%dma_wait3A_866 : memref<8x768xf32, #tpu.memory_space<hbm>>) dst(%dma_wait3A_864 : memref<8x768xf32, #tpu.memory_space<vmem>>)
    %scan3A_867 = arith.constant 0 : i32
    %scan3A_868 = arith.constant 0 : i32
    %scan3A_869 = arith.constant 8 : i32
    %scan3A_870 = arith.addi %scan3A_868, %scan3A_869 : i32
    %scan3A_871 = arith.constant 1 : i32
    scf.for %scan3A_1488 = %scan3A_868 to %scan3A_870 step %scan3A_871  : i32 {
      %parallel_loop3A = arith.constant 0 : i32
      %parallel_loop3A_1489 = arith.constant 48 : i32
      %parallel_loop3A_1490 = arith.constant 1 : i32
      scf.for %parallel_loop3A_1491 = %parallel_loop3A to %parallel_loop3A_1489 step %parallel_loop3A_1490  : i32 {
        %parallel_loop3A_1492 = arith.constant 16 : i32
        %parallel_loop3A_1493 = arith.muli %parallel_loop3A_1491, %parallel_loop3A_1492 : i32
        %parallel_loop3A_1494 = arith.constant 3 : i32
        %parallel_loop3A_1495 = arith.index_cast %parallel_loop3A_1494 : i32 to index
        %parallel_loop3A_1496 = arith.index_cast %scan3A_1488 : i32 to index
        %parallel_loop3A_1497 = arith.index_cast %parallel_loop3A_1493 : i32 to index
        %parallel_loop3A_1498 = tpu.vector_load %arg8[%parallel_loop3A_1495, %parallel_loop3A_1496, %parallel_loop3A_1497] {strides = array<i32>} : memref<4x8x768xf32, #tpu.memory_space<vmem>>, vector<1x1x16xf32>,
        %parallel_loop3A_1499 = vector.shape_cast %parallel_loop3A_1498 : vector<1x1x16xf32> to vector<16xf32>
        %parallel_loop3A_1500 = arith.constant 3 : i32
        %parallel_loop3A_1501 = arith.constant 0 : i32
        %parallel_loop3A_1502 = arith.index_cast %parallel_loop3A_1500 : i32 to index
        %parallel_loop3A_1503 = arith.index_cast %parallel_loop3A_1501 : i32 to index
        %parallel_loop3A_1504 = arith.index_cast %scan3A_1488 : i32 to index
        %parallel_loop3A_1505 = arith.index_cast %parallel_loop3A_1493 : i32 to index
        %parallel_loop3A_1506 = tpu.vector_load %arg7[%parallel_loop3A_1502, %parallel_loop3A_1503, %parallel_loop3A_1504, %parallel_loop3A_1505] {strides = array<i32>} : memref<4x4x8x768xf32, #tpu.memory_space<vmem>>, vector<1x1x1x16xf32>,
        %parallel_loop3A_1507 = vector.shape_cast %parallel_loop3A_1506 : vector<1x1x1x16xf32> to vector<16xf32>
        %parallel_loop3A_1508 = arith.addf %parallel_loop3A_1507, %parallel_loop3A_1499 : vector<16xf32>
        %parallel_loop3A_1509 = arith.constant 3 : i32
        %parallel_loop3A_1510 = arith.constant 0 : i32
        %parallel_loop3A_1511 = arith.index_cast %parallel_loop3A_1509 : i32 to index
        %parallel_loop3A_1512 = arith.index_cast %parallel_loop3A_1510 : i32 to index
        %parallel_loop3A_1513 = arith.index_cast %scan3A_1488 : i32 to index
        %parallel_loop3A_1514 = arith.index_cast %parallel_loop3A_1493 : i32 to index
        %parallel_loop3A_1515 = tpu.vector_load %arg7[%parallel_loop3A_1511, %parallel_loop3A_1512, %parallel_loop3A_1513, %parallel_loop3A_1514] {strides = array<i32>} : memref<4x4x8x768xf32, #tpu.memory_space<vmem>>, vector<1x1x1x16xf32>,
        %parallel_loop3A_1516 = vector.shape_cast %parallel_loop3A_1515 : vector<1x1x1x16xf32> to vector<16xf32>
        %parallel_loop3A_1517 = vector.shape_cast %parallel_loop3A_1508 : vector<16xf32> to vector<1x1x1x16xf32>
        tpu.vector_store %arg7[%parallel_loop3A_1511, %parallel_loop3A_1512, %parallel_loop3A_1513, %parallel_loop3A_1514], %parallel_loop3A_1517 {strides = array<i32>} : memref<4x4x8x768xf32, #tpu.memory_space<vmem>>, vector<1x1x1x16xf32>,
        %parallel_loop3A_1518 = arith.constant 3 : i32
        %parallel_loop3A_1519 = arith.constant 1 : i32
        %parallel_loop3A_1520 = arith.index_cast %parallel_loop3A_1518 : i32 to index
        %parallel_loop3A_1521 = arith.index_cast %parallel_loop3A_1519 : i32 to index
        %parallel_loop3A_1522 = arith.index_cast %scan3A_1488 : i32 to index
        %parallel_loop3A_1523 = arith.index_cast %parallel_loop3A_1493 : i32 to index
        %parallel_loop3A_1524 = tpu.vector_load %arg7[%parallel_loop3A_1520, %parallel_loop3A_1521, %parallel_loop3A_1522, %parallel_loop3A_1523] {strides = array<i32>} : memref<4x4x8x768xf32, #tpu.memory_space<vmem>>, vector<1x1x1x16xf32>,
        %parallel_loop3A_1525 = vector.shape_cast %parallel_loop3A_1524 : vector<1x1x1x16xf32> to vector<16xf32>
        %parallel_loop3A_1526 = arith.addf %parallel_loop3A_1525, %parallel_loop3A_1499 : vector<16xf32>
        %parallel_loop3A_1527 = arith.constant 3 : i32
        %parallel_loop3A_1528 = arith.constant 1 : i32
        %parallel_loop3A_1529 = arith.index_cast %parallel_loop3A_1527 : i32 to index
        %parallel_loop3A_1530 = arith.index_cast %parallel_loop3A_1528 : i32 to index
        %parallel_loop3A_1531 = arith.index_cast %scan3A_1488 : i32 to index
        %parallel_loop3A_1532 = arith.index_cast %parallel_loop3A_1493 : i32 to index
        %parallel_loop3A_1533 = tpu.vector_load %arg7[%parallel_loop3A_1529, %parallel_loop3A_1530, %parallel_loop3A_1531, %parallel_loop3A_1532] {strides = array<i32>} : memref<4x4x8x768xf32, #tpu.memory_space<vmem>>, vector<1x1x1x16xf32>,
        %parallel_loop3A_1534 = vector.shape_cast %parallel_loop3A_1533 : vector<1x1x1x16xf32> to vector<16xf32>
        %parallel_loop3A_1535 = vector.shape_cast %parallel_loop3A_1526 : vector<16xf32> to vector<1x1x1x16xf32>
        tpu.vector_store %arg7[%parallel_loop3A_1529, %parallel_loop3A_1530, %parallel_loop3A_1531, %parallel_loop3A_1532], %parallel_loop3A_1535 {strides = array<i32>} : memref<4x4x8x768xf32, #tpu.memory_space<vmem>>, vector<1x1x1x16xf32>,
        %parallel_loop3A_1536 = arith.constant 3 : i32
        %parallel_loop3A_1537 = arith.constant 2 : i32
        %parallel_loop3A_1538 = arith.index_cast %parallel_loop3A_1536 : i32 to index
        %parallel_loop3A_1539 = arith.index_cast %parallel_loop3A_1537 : i32 to index
        %parallel_loop3A_1540 = arith.index_cast %scan3A_1488 : i32 to index
        %parallel_loop3A_1541 = arith.index_cast %parallel_loop3A_1493 : i32 to index
        %parallel_loop3A_1542 = tpu.vector_load %arg7[%parallel_loop3A_1538, %parallel_loop3A_1539, %parallel_loop3A_1540, %parallel_loop3A_1541] {strides = array<i32>} : memref<4x4x8x768xf32, #tpu.memory_space<vmem>>, vector<1x1x1x16xf32>,
        %parallel_loop3A_1543 = vector.shape_cast %parallel_loop3A_1542 : vector<1x1x1x16xf32> to vector<16xf32>
        %parallel_loop3A_1544 = arith.addf %parallel_loop3A_1543, %parallel_loop3A_1499 : vector<16xf32>
        %parallel_loop3A_1545 = arith.constant 3 : i32
        %parallel_loop3A_1546 = arith.constant 2 : i32
        %parallel_loop3A_1547 = arith.index_cast %parallel_loop3A_1545 : i32 to index
        %parallel_loop3A_1548 = arith.index_cast %parallel_loop3A_1546 : i32 to index
        %parallel_loop3A_1549 = arith.index_cast %scan3A_1488 : i32 to index
        %parallel_loop3A_1550 = arith.index_cast %parallel_loop3A_1493 : i32 to index
        %parallel_loop3A_1551 = tpu.vector_load %arg7[%parallel_loop3A_1547, %parallel_loop3A_1548, %parallel_loop3A_1549, %parallel_loop3A_1550] {strides = array<i32>} : memref<4x4x8x768xf32, #tpu.memory_space<vmem>>, vector<1x1x1x16xf32>,
        %parallel_loop3A_1552 = vector.shape_cast %parallel_loop3A_1551 : vector<1x1x1x16xf32> to vector<16xf32>
        %parallel_loop3A_1553 = vector.shape_cast %parallel_loop3A_1544 : vector<16xf32> to vector<1x1x1x16xf32>
        tpu.vector_store %arg7[%parallel_loop3A_1547, %parallel_loop3A_1548, %parallel_loop3A_1549, %parallel_loop3A_1550], %parallel_loop3A_1553 {strides = array<i32>} : memref<4x4x8x768xf32, #tpu.memory_space<vmem>>, vector<1x1x1x16xf32>,
        %parallel_loop3A_1554 = arith.constant 3 : i32
        %parallel_loop3A_1555 = arith.constant 3 : i32
        %parallel_loop3A_1556 = arith.index_cast %parallel_loop3A_1554 : i32 to index
        %parallel_loop3A_1557 = arith.index_cast %parallel_loop3A_1555 : i32 to index
        %parallel_loop3A_1558 = arith.index_cast %scan3A_1488 : i32 to index
        %parallel_loop3A_1559 = arith.index_cast %parallel_loop3A_1493 : i32 to index
        %parallel_loop3A_1560 = tpu.vector_load %arg7[%parallel_loop3A_1556, %parallel_loop3A_1557, %parallel_loop3A_1558, %parallel_loop3A_1559] {strides = array<i32>} : memref<4x4x8x768xf32, #tpu.memory_space<vmem>>, vector<1x1x1x16xf32>,
        %parallel_loop3A_1561 = vector.shape_cast %parallel_loop3A_1560 : vector<1x1x1x16xf32> to vector<16xf32>
        %parallel_loop3A_1562 = arith.addf %parallel_loop3A_1561, %parallel_loop3A_1499 : vector<16xf32>
        %parallel_loop3A_1563 = arith.constant 3 : i32
        %parallel_loop3A_1564 = arith.constant 3 : i32
        %parallel_loop3A_1565 = arith.index_cast %parallel_loop3A_1563 : i32 to index
        %parallel_loop3A_1566 = arith.index_cast %parallel_loop3A_1564 : i32 to index
        %parallel_loop3A_1567 = arith.index_cast %scan3A_1488 : i32 to index
        %parallel_loop3A_1568 = arith.index_cast %parallel_loop3A_1493 : i32 to index
        %parallel_loop3A_1569 = tpu.vector_load %arg7[%parallel_loop3A_1565, %parallel_loop3A_1566, %parallel_loop3A_1567, %parallel_loop3A_1568] {strides = array<i32>} : memref<4x4x8x768xf32, #tpu.memory_space<vmem>>, vector<1x1x1x16xf32>,
        %parallel_loop3A_1570 = vector.shape_cast %parallel_loop3A_1569 : vector<1x1x1x16xf32> to vector<16xf32>
        %parallel_loop3A_1571 = vector.shape_cast %parallel_loop3A_1562 : vector<16xf32> to vector<1x1x1x16xf32>
        tpu.vector_store %arg7[%parallel_loop3A_1565, %parallel_loop3A_1566, %parallel_loop3A_1567, %parallel_loop3A_1568], %parallel_loop3A_1571 {strides = array<i32>} : memref<4x4x8x768xf32, #tpu.memory_space<vmem>>, vector<1x1x1x16xf32>,
      } {sc.loop_unroll_factor = 8 : i64, sc.parallel_access}
    }
    %scan3A_872 = arith.constant 8 : i32
    %add3A_873 = arith.constant 24 : i32
    %add3A_874 = arith.addi %mul3A_2, %add3A_873 : i32
    %dma_start3A_875 = arith.constant 3 : i32
    %dma_start3A_876 = arith.constant 0 : i32
    %dma_start3A_877 = arith.constant 0 : i32
    %dma_start3A_878 = arith.constant 0 : i32
    %dma_start3A_879 = tpu.memref_slice %arg7[%dma_start3A_875, %dma_start3A_876, %dma_start3A_877, %dma_start3A_878] : memref<4x4x8x768xf32, #tpu.memory_space<vmem>> -> memref<1x4x8x768xf32, #tpu.memory_space<vmem>>
    %dma_start3A_880 = tpu.memref_squeeze %dma_start3A_879 : memref<1x4x8x768xf32, #tpu.memory_space<vmem>> -> memref<4x8x768xf32, #tpu.memory_space<vmem>>
    %dma_start3A_881 = arith.constant 0 : i32
    %dma_start3A_882 = arith.constant 0 : i32
    %dma_start3A_883 = tpu.memref_slice %arg5[%dma_start3A_881, %add3A_874, %dma_start3A_882] : memref<4x2048x768xf32, #tpu.memory_space<hbm>> -> memref<4x8x768xf32, #tpu.memory_space<hbm>>
    %dma_start3A_884 = arith.constant 0 : i32
    %dma_start3A_885 = arith.constant 0 : i32
    %dma_start3A_886 = tpu.memref_slice %arg5[%dma_start3A_884, %add3A_874, %dma_start3A_885] : memref<4x2048x768xf32, #tpu.memory_space<hbm>> -> memref<4x8x768xf32, #tpu.memory_space<hbm>>
    %dma_start3A_887 = arith.constant 0 : i32
    %dma_start3A_888 = arith.constant 0 : i32
    %dma_start3A_889 = arith.constant 0 : i32
    %dma_start3A_890 = tpu.memref_slice %arg7[%dma_start3A_875, %dma_start3A_887, %dma_start3A_888, %dma_start3A_889] : memref<4x4x8x768xf32, #tpu.memory_space<vmem>> -> memref<1x4x8x768xf32, #tpu.memory_space<vmem>>
    %dma_start3A_891 = tpu.memref_squeeze %dma_start3A_890 : memref<1x4x8x768xf32, #tpu.memory_space<vmem>> -> memref<4x8x768xf32, #tpu.memory_space<vmem>>
    tpu.enqueue_dma source(%dma_start3A_891 : memref<4x8x768xf32, #tpu.memory_space<vmem>>) target(%dma_start3A_886 : memref<4x8x768xf32, #tpu.memory_space<hbm>>) target_semaphore(%arg10 : memref<!tpu.dma_semaphore, #tpu.memory_space<semaphore_mem>>)
    %dma_wait3A_892 = arith.constant 2 : i32
    %dma_wait3A_893 = arith.constant 0 : i32
    %dma_wait3A_894 = arith.constant 0 : i32
    %dma_wait3A_895 = arith.constant 0 : i32
    %dma_wait3A_896 = tpu.memref_slice %arg7[%dma_wait3A_892, %dma_wait3A_893, %dma_wait3A_894, %dma_wait3A_895] : memref<4x4x8x768xf32, #tpu.memory_space<vmem>> -> memref<1x4x8x768xf32, #tpu.memory_space<vmem>>
    %dma_wait3A_897 = tpu.memref_squeeze %dma_wait3A_896 : memref<1x4x8x768xf32, #tpu.memory_space<vmem>> -> memref<4x8x768xf32, #tpu.memory_space<vmem>>
    %dma_wait3A_898 = arith.constant 0 : i32
    %dma_wait3A_899 = arith.constant 0 : i32
    %dma_wait3A_900 = tpu.memref_slice %arg5[%dma_wait3A_898, %add3A_700, %dma_wait3A_899] : memref<4x2048x768xf32, #tpu.memory_space<hbm>> -> memref<4x8x768xf32, #tpu.memory_space<hbm>>
    %dma_wait3A_901 = arith.constant 0 : i32
    %dma_wait3A_902 = arith.constant 0 : i32
    %dma_wait3A_903 = tpu.memref_slice %arg5[%dma_wait3A_901, %add3A_700, %dma_wait3A_902] : memref<4x2048x768xf32, #tpu.memory_space<hbm>> -> memref<4x8x768xf32, #tpu.memory_space<hbm>>
    %dma_wait3A_904 = arith.constant 0 : i32
    %dma_wait3A_905 = arith.constant 0 : i32
    %dma_wait3A_906 = arith.constant 0 : i32
    %dma_wait3A_907 = tpu.memref_slice %arg7[%dma_wait3A_892, %dma_wait3A_904, %dma_wait3A_905, %dma_wait3A_906] : memref<4x4x8x768xf32, #tpu.memory_space<vmem>> -> memref<1x4x8x768xf32, #tpu.memory_space<vmem>>
    %dma_wait3A_908 = tpu.memref_squeeze %dma_wait3A_907 : memref<1x4x8x768xf32, #tpu.memory_space<vmem>> -> memref<4x8x768xf32, #tpu.memory_space<vmem>>
    tpu.wait_dma2 semaphore(%arg10 : memref<!tpu.dma_semaphore, #tpu.memory_space<semaphore_mem>>) src(%dma_wait3A_908 : memref<4x8x768xf32, #tpu.memory_space<vmem>>) dst(%dma_wait3A_903 : memref<4x8x768xf32, #tpu.memory_space<hbm>>)
    %dma_start3A_909 = arith.constant 0 : i32
    %dma_start3A_910 = arith.constant 2 : i32
    %dma_start3A_911 = arith.constant 0 : i32
    %dma_start3A_912 = arith.constant 0 : i32
    %dma_start3A_913 = arith.constant 0 : i32
    %dma_start3A_914 = tpu.memref_slice %arg7[%dma_start3A_910, %dma_start3A_911, %dma_start3A_912, %dma_start3A_913] : memref<4x4x8x768xf32, #tpu.memory_space<vmem>> -> memref<1x1x8x768xf32, #tpu.memory_space<vmem>>
    %dma_start3A_915 = tpu.memref_squeeze %dma_start3A_914 : memref<1x1x8x768xf32, #tpu.memory_space<vmem>> -> memref<8x768xf32, #tpu.memory_space<vmem>>
    %dma_start3A_916 = arith.constant 48 : i32
    %dma_start3A_917 = tpu.memref_slice %arg6[%dma_start3A_909, %dma_start3A_916] : memref<4x64xi32, #tpu.memory_space<vmem>> -> memref<1x8xi32, #tpu.memory_space<vmem>>
    %dma_start3A_918 = tpu.memref_squeeze %dma_start3A_917 : memref<1x8xi32, #tpu.memory_space<vmem>> -> memref<8xi32, #tpu.memory_space<vmem>>
    %dma_start3A_919 = arith.constant 0 : i32
    %dma_start3A_920 = arith.constant 0 : i32
    %dma_start3A_921 = tpu.memref_slice %arg3[%dma_start3A_919, %dma_start3A_920] : memref<100000x768xf32, #tpu.memory_space<hbm>> -> memref<100000x768xf32, #tpu.memory_space<hbm>>
    tpu.enqueue_indirect_dma source(%dma_start3A_921 : memref<100000x768xf32, #tpu.memory_space<hbm>>) target(%dma_start3A_915 : memref<8x768xf32, #tpu.memory_space<vmem>>) offsets(%dma_start3A_918 : memref<8xi32, #tpu.memory_space<vmem>>) semaphore(%arg9 : memref<!tpu.dma_semaphore, #tpu.memory_space<semaphore_mem>>)
    %dma_start3A_922 = arith.constant 1 : i32
    %dma_start3A_923 = arith.constant 2 : i32
    %dma_start3A_924 = arith.constant 1 : i32
    %dma_start3A_925 = arith.constant 0 : i32
    %dma_start3A_926 = arith.constant 0 : i32
    %dma_start3A_927 = tpu.memref_slice %arg7[%dma_start3A_923, %dma_start3A_924, %dma_start3A_925, %dma_start3A_926] : memref<4x4x8x768xf32, #tpu.memory_space<vmem>> -> memref<1x1x8x768xf32, #tpu.memory_space<vmem>>
    %dma_start3A_928 = tpu.memref_squeeze %dma_start3A_927 : memref<1x1x8x768xf32, #tpu.memory_space<vmem>> -> memref<8x768xf32, #tpu.memory_space<vmem>>
    %dma_start3A_929 = arith.constant 48 : i32
    %dma_start3A_930 = tpu.memref_slice %arg6[%dma_start3A_922, %dma_start3A_929] : memref<4x64xi32, #tpu.memory_space<vmem>> -> memref<1x8xi32, #tpu.memory_space<vmem>>
    %dma_start3A_931 = tpu.memref_squeeze %dma_start3A_930 : memref<1x8xi32, #tpu.memory_space<vmem>> -> memref<8xi32, #tpu.memory_space<vmem>>
    %dma_start3A_932 = arith.constant 0 : i32
    %dma_start3A_933 = arith.constant 0 : i32
    %dma_start3A_934 = tpu.memref_slice %arg3[%dma_start3A_932, %dma_start3A_933] : memref<100000x768xf32, #tpu.memory_space<hbm>> -> memref<100000x768xf32, #tpu.memory_space<hbm>>
    tpu.enqueue_indirect_dma source(%dma_start3A_934 : memref<100000x768xf32, #tpu.memory_space<hbm>>) target(%dma_start3A_928 : memref<8x768xf32, #tpu.memory_space<vmem>>) offsets(%dma_start3A_931 : memref<8xi32, #tpu.memory_space<vmem>>) semaphore(%arg9 : memref<!tpu.dma_semaphore, #tpu.memory_space<semaphore_mem>>)
    %dma_start3A_935 = arith.constant 2 : i32
    %dma_start3A_936 = arith.constant 2 : i32
    %dma_start3A_937 = arith.constant 2 : i32
    %dma_start3A_938 = arith.constant 0 : i32
    %dma_start3A_939 = arith.constant 0 : i32
    %dma_start3A_940 = tpu.memref_slice %arg7[%dma_start3A_936, %dma_start3A_937, %dma_start3A_938, %dma_start3A_939] : memref<4x4x8x768xf32, #tpu.memory_space<vmem>> -> memref<1x1x8x768xf32, #tpu.memory_space<vmem>>
    %dma_start3A_941 = tpu.memref_squeeze %dma_start3A_940 : memref<1x1x8x768xf32, #tpu.memory_space<vmem>> -> memref<8x768xf32, #tpu.memory_space<vmem>>
    %dma_start3A_942 = arith.constant 48 : i32
    %dma_start3A_943 = tpu.memref_slice %arg6[%dma_start3A_935, %dma_start3A_942] : memref<4x64xi32, #tpu.memory_space<vmem>> -> memref<1x8xi32, #tpu.memory_space<vmem>>
    %dma_start3A_944 = tpu.memref_squeeze %dma_start3A_943 : memref<1x8xi32, #tpu.memory_space<vmem>> -> memref<8xi32, #tpu.memory_space<vmem>>
    %dma_start3A_945 = arith.constant 0 : i32
    %dma_start3A_946 = arith.constant 0 : i32
    %dma_start3A_947 = tpu.memref_slice %arg3[%dma_start3A_945, %dma_start3A_946] : memref<100000x768xf32, #tpu.memory_space<hbm>> -> memref<100000x768xf32, #tpu.memory_space<hbm>>
    tpu.enqueue_indirect_dma source(%dma_start3A_947 : memref<100000x768xf32, #tpu.memory_space<hbm>>) target(%dma_start3A_941 : memref<8x768xf32, #tpu.memory_space<vmem>>) offsets(%dma_start3A_944 : memref<8xi32, #tpu.memory_space<vmem>>) semaphore(%arg9 : memref<!tpu.dma_semaphore, #tpu.memory_space<semaphore_mem>>)
    %dma_start3A_948 = arith.constant 3 : i32
    %dma_start3A_949 = arith.constant 2 : i32
    %dma_start3A_950 = arith.constant 3 : i32
    %dma_start3A_951 = arith.constant 0 : i32
    %dma_start3A_952 = arith.constant 0 : i32
    %dma_start3A_953 = tpu.memref_slice %arg7[%dma_start3A_949, %dma_start3A_950, %dma_start3A_951, %dma_start3A_952] : memref<4x4x8x768xf32, #tpu.memory_space<vmem>> -> memref<1x1x8x768xf32, #tpu.memory_space<vmem>>
    %dma_start3A_954 = tpu.memref_squeeze %dma_start3A_953 : memref<1x1x8x768xf32, #tpu.memory_space<vmem>> -> memref<8x768xf32, #tpu.memory_space<vmem>>
    %dma_start3A_955 = arith.constant 48 : i32
    %dma_start3A_956 = tpu.memref_slice %arg6[%dma_start3A_948, %dma_start3A_955] : memref<4x64xi32, #tpu.memory_space<vmem>> -> memref<1x8xi32, #tpu.memory_space<vmem>>
    %dma_start3A_957 = tpu.memref_squeeze %dma_start3A_956 : memref<1x8xi32, #tpu.memory_space<vmem>> -> memref<8xi32, #tpu.memory_space<vmem>>
    %dma_start3A_958 = arith.constant 0 : i32
    %dma_start3A_959 = arith.constant 0 : i32
    %dma_start3A_960 = tpu.memref_slice %arg3[%dma_start3A_958, %dma_start3A_959] : memref<100000x768xf32, #tpu.memory_space<hbm>> -> memref<100000x768xf32, #tpu.memory_space<hbm>>
    tpu.enqueue_indirect_dma source(%dma_start3A_960 : memref<100000x768xf32, #tpu.memory_space<hbm>>) target(%dma_start3A_954 : memref<8x768xf32, #tpu.memory_space<vmem>>) offsets(%dma_start3A_957 : memref<8xi32, #tpu.memory_space<vmem>>) semaphore(%arg9 : memref<!tpu.dma_semaphore, #tpu.memory_space<semaphore_mem>>)
    %add3A_961 = arith.constant 48 : i32
    %add3A_962 = arith.addi %mul3A_2, %add3A_961 : i32
    %dma_start3A_963 = arith.constant 2 : i32
    %dma_start3A_964 = arith.constant 0 : i32
    %dma_start3A_965 = arith.constant 0 : i32
    %dma_start3A_966 = tpu.memref_slice %arg8[%dma_start3A_963, %dma_start3A_964, %dma_start3A_965] : memref<4x8x768xf32, #tpu.memory_space<vmem>> -> memref<1x8x768xf32, #tpu.memory_space<vmem>>
    %dma_start3A_967 = tpu.memref_squeeze %dma_start3A_966 : memref<1x8x768xf32, #tpu.memory_space<vmem>> -> memref<8x768xf32, #tpu.memory_space<vmem>>
    %dma_start3A_968 = arith.constant 0 : i32
    %dma_start3A_969 = tpu.memref_slice %arg4[%add3A_962, %dma_start3A_968] : memref<2048x768xf32, #tpu.memory_space<hbm>> -> memref<8x768xf32, #tpu.memory_space<hbm>>
    %dma_start3A_970 = arith.constant 0 : i32
    %dma_start3A_971 = arith.constant 0 : i32
    %dma_start3A_972 = tpu.memref_slice %arg8[%dma_start3A_963, %dma_start3A_970, %dma_start3A_971] : memref<4x8x768xf32, #tpu.memory_space<vmem>> -> memref<1x8x768xf32, #tpu.memory_space<vmem>>
    %dma_start3A_973 = tpu.memref_squeeze %dma_start3A_972 : memref<1x8x768xf32, #tpu.memory_space<vmem>> -> memref<8x768xf32, #tpu.memory_space<vmem>>
    %dma_start3A_974 = arith.constant 0 : i32
    %dma_start3A_975 = tpu.memref_slice %arg4[%add3A_962, %dma_start3A_974] : memref<2048x768xf32, #tpu.memory_space<hbm>> -> memref<8x768xf32, #tpu.memory_space<hbm>>
    tpu.enqueue_dma source(%dma_start3A_975 : memref<8x768xf32, #tpu.memory_space<hbm>>) target(%dma_start3A_973 : memref<8x768xf32, #tpu.memory_space<vmem>>) target_semaphore(%arg9 : memref<!tpu.dma_semaphore, #tpu.memory_space<semaphore_mem>>)
    %dma_wait3A_976 = arith.constant 0 : i32
    %dma_wait3A_977 = arith.constant 0 : i32
    %dma_wait3A_978 = arith.constant 0 : i32
    %dma_wait3A_979 = arith.constant 0 : i32
    %dma_wait3A_980 = arith.constant 0 : i32
    %dma_wait3A_981 = tpu.memref_slice %arg7[%dma_wait3A_977, %dma_wait3A_978, %dma_wait3A_979, %dma_wait3A_980] : memref<4x4x8x768xf32, #tpu.memory_space<vmem>> -> memref<1x1x8x768xf32, #tpu.memory_space<vmem>>
    %dma_wait3A_982 = tpu.memref_squeeze %dma_wait3A_981 : memref<1x1x8x768xf32, #tpu.memory_space<vmem>> -> memref<8x768xf32, #tpu.memory_space<vmem>>
    %dma_wait3A_983 = arith.constant 32 : i32
    %dma_wait3A_984 = tpu.memref_slice %arg6[%dma_wait3A_976, %dma_wait3A_983] : memref<4x64xi32, #tpu.memory_space<vmem>> -> memref<1x8xi32, #tpu.memory_space<vmem>>
    %dma_wait3A_985 = tpu.memref_squeeze %dma_wait3A_984 : memref<1x8xi32, #tpu.memory_space<vmem>> -> memref<8xi32, #tpu.memory_space<vmem>>
    %dma_wait3A_986 = arith.constant 0 : i32
    %dma_wait3A_987 = arith.constant 0 : i32
    %dma_wait3A_988 = tpu.memref_slice %arg3[%dma_wait3A_986, %dma_wait3A_987] : memref<100000x768xf32, #tpu.memory_space<hbm>> -> memref<100000x768xf32, #tpu.memory_space<hbm>>
    tpu.wait_indirect_dma semaphore(%arg9 : memref<!tpu.dma_semaphore, #tpu.memory_space<semaphore_mem>>) src(%dma_wait3A_988 : memref<100000x768xf32, #tpu.memory_space<hbm>>) dst(%dma_wait3A_982 : memref<8x768xf32, #tpu.memory_space<vmem>>)
    %dma_wait3A_989 = arith.constant 1 : i32
    %dma_wait3A_990 = arith.constant 0 : i32
    %dma_wait3A_991 = arith.constant 1 : i32
    %dma_wait3A_992 = arith.constant 0 : i32
    %dma_wait3A_993 = arith.constant 0 : i32
    %dma_wait3A_994 = tpu.memref_slice %arg7[%dma_wait3A_990, %dma_wait3A_991, %dma_wait3A_992, %dma_wait3A_993] : memref<4x4x8x768xf32, #tpu.memory_space<vmem>> -> memref<1x1x8x768xf32, #tpu.memory_space<vmem>>
    %dma_wait3A_995 = tpu.memref_squeeze %dma_wait3A_994 : memref<1x1x8x768xf32, #tpu.memory_space<vmem>> -> memref<8x768xf32, #tpu.memory_space<vmem>>
    %dma_wait3A_996 = arith.constant 32 : i32
    %dma_wait3A_997 = tpu.memref_slice %arg6[%dma_wait3A_989, %dma_wait3A_996] : memref<4x64xi32, #tpu.memory_space<vmem>> -> memref<1x8xi32, #tpu.memory_space<vmem>>
    %dma_wait3A_998 = tpu.memref_squeeze %dma_wait3A_997 : memref<1x8xi32, #tpu.memory_space<vmem>> -> memref<8xi32, #tpu.memory_space<vmem>>
    %dma_wait3A_999 = arith.constant 0 : i32
    %dma_wait3A_1000 = arith.constant 0 : i32
    %dma_wait3A_1001 = tpu.memref_slice %arg3[%dma_wait3A_999, %dma_wait3A_1000] : memref<100000x768xf32, #tpu.memory_space<hbm>> -> memref<100000x768xf32, #tpu.memory_space<hbm>>
    tpu.wait_indirect_dma semaphore(%arg9 : memref<!tpu.dma_semaphore, #tpu.memory_space<semaphore_mem>>) src(%dma_wait3A_1001 : memref<100000x768xf32, #tpu.memory_space<hbm>>) dst(%dma_wait3A_995 : memref<8x768xf32, #tpu.memory_space<vmem>>)
    %dma_wait3A_1002 = arith.constant 2 : i32
    %dma_wait3A_1003 = arith.constant 0 : i32
    %dma_wait3A_1004 = arith.constant 2 : i32
    %dma_wait3A_1005 = arith.constant 0 : i32
    %dma_wait3A_1006 = arith.constant 0 : i32
    %dma_wait3A_1007 = tpu.memref_slice %arg7[%dma_wait3A_1003, %dma_wait3A_1004, %dma_wait3A_1005, %dma_wait3A_1006] : memref<4x4x8x768xf32, #tpu.memory_space<vmem>> -> memref<1x1x8x768xf32, #tpu.memory_space<vmem>>
    %dma_wait3A_1008 = tpu.memref_squeeze %dma_wait3A_1007 : memref<1x1x8x768xf32, #tpu.memory_space<vmem>> -> memref<8x768xf32, #tpu.memory_space<vmem>>
    %dma_wait3A_1009 = arith.constant 32 : i32
    %dma_wait3A_1010 = tpu.memref_slice %arg6[%dma_wait3A_1002, %dma_wait3A_1009] : memref<4x64xi32, #tpu.memory_space<vmem>> -> memref<1x8xi32, #tpu.memory_space<vmem>>
    %dma_wait3A_1011 = tpu.memref_squeeze %dma_wait3A_1010 : memref<1x8xi32, #tpu.memory_space<vmem>> -> memref<8xi32, #tpu.memory_space<vmem>>
    %dma_wait3A_1012 = arith.constant 0 : i32
    %dma_wait3A_1013 = arith.constant 0 : i32
    %dma_wait3A_1014 = tpu.memref_slice %arg3[%dma_wait3A_1012, %dma_wait3A_1013] : memref<100000x768xf32, #tpu.memory_space<hbm>> -> memref<100000x768xf32, #tpu.memory_space<hbm>>
    tpu.wait_indirect_dma semaphore(%arg9 : memref<!tpu.dma_semaphore, #tpu.memory_space<semaphore_mem>>) src(%dma_wait3A_1014 : memref<100000x768xf32, #tpu.memory_space<hbm>>) dst(%dma_wait3A_1008 : memref<8x768xf32, #tpu.memory_space<vmem>>)
    %dma_wait3A_1015 = arith.constant 3 : i32
    %dma_wait3A_1016 = arith.constant 0 : i32
    %dma_wait3A_1017 = arith.constant 3 : i32
    %dma_wait3A_1018 = arith.constant 0 : i32
    %dma_wait3A_1019 = arith.constant 0 : i32
    %dma_wait3A_1020 = tpu.memref_slice %arg7[%dma_wait3A_1016, %dma_wait3A_1017, %dma_wait3A_1018, %dma_wait3A_1019] : memref<4x4x8x768xf32, #tpu.memory_space<vmem>> -> memref<1x1x8x768xf32, #tpu.memory_space<vmem>>
    %dma_wait3A_1021 = tpu.memref_squeeze %dma_wait3A_1020 : memref<1x1x8x768xf32, #tpu.memory_space<vmem>> -> memref<8x768xf32, #tpu.memory_space<vmem>>
    %dma_wait3A_1022 = arith.constant 32 : i32
    %dma_wait3A_1023 = tpu.memref_slice %arg6[%dma_wait3A_1015, %dma_wait3A_1022] : memref<4x64xi32, #tpu.memory_space<vmem>> -> memref<1x8xi32, #tpu.memory_space<vmem>>
    %dma_wait3A_1024 = tpu.memref_squeeze %dma_wait3A_1023 : memref<1x8xi32, #tpu.memory_space<vmem>> -> memref<8xi32, #tpu.memory_space<vmem>>
    %dma_wait3A_1025 = arith.constant 0 : i32
    %dma_wait3A_1026 = arith.constant 0 : i32
    %dma_wait3A_1027 = tpu.memref_slice %arg3[%dma_wait3A_1025, %dma_wait3A_1026] : memref<100000x768xf32, #tpu.memory_space<hbm>> -> memref<100000x768xf32, #tpu.memory_space<hbm>>
    tpu.wait_indirect_dma semaphore(%arg9 : memref<!tpu.dma_semaphore, #tpu.memory_space<semaphore_mem>>) src(%dma_wait3A_1027 : memref<100000x768xf32, #tpu.memory_space<hbm>>) dst(%dma_wait3A_1021 : memref<8x768xf32, #tpu.memory_space<vmem>>)
    %dma_wait3A_1028 = arith.constant 0 : i32
    %dma_wait3A_1029 = arith.constant 0 : i32
    %dma_wait3A_1030 = arith.constant 0 : i32
    %dma_wait3A_1031 = tpu.memref_slice %arg8[%dma_wait3A_1028, %dma_wait3A_1029, %dma_wait3A_1030] : memref<4x8x768xf32, #tpu.memory_space<vmem>> -> memref<1x8x768xf32, #tpu.memory_space<vmem>>
    %dma_wait3A_1032 = tpu.memref_squeeze %dma_wait3A_1031 : memref<1x8x768xf32, #tpu.memory_space<vmem>> -> memref<8x768xf32, #tpu.memory_space<vmem>>
    %dma_wait3A_1033 = arith.constant 0 : i32
    %dma_wait3A_1034 = tpu.memref_slice %arg4[%add3A_614, %dma_wait3A_1033] : memref<2048x768xf32, #tpu.memory_space<hbm>> -> memref<8x768xf32, #tpu.memory_space<hbm>>
    %dma_wait3A_1035 = arith.constant 0 : i32
    %dma_wait3A_1036 = arith.constant 0 : i32
    %dma_wait3A_1037 = tpu.memref_slice %arg8[%dma_wait3A_1028, %dma_wait3A_1035, %dma_wait3A_1036] : memref<4x8x768xf32, #tpu.memory_space<vmem>> -> memref<1x8x768xf32, #tpu.memory_space<vmem>>
    %dma_wait3A_1038 = tpu.memref_squeeze %dma_wait3A_1037 : memref<1x8x768xf32, #tpu.memory_space<vmem>> -> memref<8x768xf32, #tpu.memory_space<vmem>>
    %dma_wait3A_1039 = arith.constant 0 : i32
    %dma_wait3A_1040 = tpu.memref_slice %arg4[%add3A_614, %dma_wait3A_1039] : memref<2048x768xf32, #tpu.memory_space<hbm>> -> memref<8x768xf32, #tpu.memory_space<hbm>>
    tpu.wait_dma2 semaphore(%arg9 : memref<!tpu.dma_semaphore, #tpu.memory_space<semaphore_mem>>) src(%dma_wait3A_1040 : memref<8x768xf32, #tpu.memory_space<hbm>>) dst(%dma_wait3A_1038 : memref<8x768xf32, #tpu.memory_space<vmem>>)
    %scan3A_1041 = arith.constant 0 : i32
    %scan3A_1042 = arith.constant 0 : i32
    %scan3A_1043 = arith.constant 8 : i32
    %scan3A_1044 = arith.addi %scan3A_1042, %scan3A_1043 : i32
    %scan3A_1045 = arith.constant 1 : i32
    scf.for %scan3A_1488 = %scan3A_1042 to %scan3A_1044 step %scan3A_1045  : i32 {
      %parallel_loop3A = arith.constant 0 : i32
      %parallel_loop3A_1489 = arith.constant 48 : i32
      %parallel_loop3A_1490 = arith.constant 1 : i32
      scf.for %parallel_loop3A_1491 = %parallel_loop3A to %parallel_loop3A_1489 step %parallel_loop3A_1490  : i32 {
        %parallel_loop3A_1492 = arith.constant 16 : i32
        %parallel_loop3A_1493 = arith.muli %parallel_loop3A_1491, %parallel_loop3A_1492 : i32
        %parallel_loop3A_1494 = arith.constant 0 : i32
        %parallel_loop3A_1495 = arith.index_cast %parallel_loop3A_1494 : i32 to index
        %parallel_loop3A_1496 = arith.index_cast %scan3A_1488 : i32 to index
        %parallel_loop3A_1497 = arith.index_cast %parallel_loop3A_1493 : i32 to index
        %parallel_loop3A_1498 = tpu.vector_load %arg8[%parallel_loop3A_1495, %parallel_loop3A_1496, %parallel_loop3A_1497] {strides = array<i32>} : memref<4x8x768xf32, #tpu.memory_space<vmem>>, vector<1x1x16xf32>,
        %parallel_loop3A_1499 = vector.shape_cast %parallel_loop3A_1498 : vector<1x1x16xf32> to vector<16xf32>
        %parallel_loop3A_1500 = arith.constant 0 : i32
        %parallel_loop3A_1501 = arith.constant 0 : i32
        %parallel_loop3A_1502 = arith.index_cast %parallel_loop3A_1500 : i32 to index
        %parallel_loop3A_1503 = arith.index_cast %parallel_loop3A_1501 : i32 to index
        %parallel_loop3A_1504 = arith.index_cast %scan3A_1488 : i32 to index
        %parallel_loop3A_1505 = arith.index_cast %parallel_loop3A_1493 : i32 to index
        %parallel_loop3A_1506 = tpu.vector_load %arg7[%parallel_loop3A_1502, %parallel_loop3A_1503, %parallel_loop3A_1504, %parallel_loop3A_1505] {strides = array<i32>} : memref<4x4x8x768xf32, #tpu.memory_space<vmem>>, vector<1x1x1x16xf32>,
        %parallel_loop3A_1507 = vector.shape_cast %parallel_loop3A_1506 : vector<1x1x1x16xf32> to vector<16xf32>
        %parallel_loop3A_1508 = arith.addf %parallel_loop3A_1507, %parallel_loop3A_1499 : vector<16xf32>
        %parallel_loop3A_1509 = arith.constant 0 : i32
        %parallel_loop3A_1510 = arith.constant 0 : i32
        %parallel_loop3A_1511 = arith.index_cast %parallel_loop3A_1509 : i32 to index
        %parallel_loop3A_1512 = arith.index_cast %parallel_loop3A_1510 : i32 to index
        %parallel_loop3A_1513 = arith.index_cast %scan3A_1488 : i32 to index
        %parallel_loop3A_1514 = arith.index_cast %parallel_loop3A_1493 : i32 to index
        %parallel_loop3A_1515 = tpu.vector_load %arg7[%parallel_loop3A_1511, %parallel_loop3A_1512, %parallel_loop3A_1513, %parallel_loop3A_1514] {strides = array<i32>} : memref<4x4x8x768xf32, #tpu.memory_space<vmem>>, vector<1x1x1x16xf32>,
        %parallel_loop3A_1516 = vector.shape_cast %parallel_loop3A_1515 : vector<1x1x1x16xf32> to vector<16xf32>
        %parallel_loop3A_1517 = vector.shape_cast %parallel_loop3A_1508 : vector<16xf32> to vector<1x1x1x16xf32>
        tpu.vector_store %arg7[%parallel_loop3A_1511, %parallel_loop3A_1512, %parallel_loop3A_1513, %parallel_loop3A_1514], %parallel_loop3A_1517 {strides = array<i32>} : memref<4x4x8x768xf32, #tpu.memory_space<vmem>>, vector<1x1x1x16xf32>,
        %parallel_loop3A_1518 = arith.constant 0 : i32
        %parallel_loop3A_1519 = arith.constant 1 : i32
        %parallel_loop3A_1520 = arith.index_cast %parallel_loop3A_1518 : i32 to index
        %parallel_loop3A_1521 = arith.index_cast %parallel_loop3A_1519 : i32 to index
        %parallel_loop3A_1522 = arith.index_cast %scan3A_1488 : i32 to index
        %parallel_loop3A_1523 = arith.index_cast %parallel_loop3A_1493 : i32 to index
        %parallel_loop3A_1524 = tpu.vector_load %arg7[%parallel_loop3A_1520, %parallel_loop3A_1521, %parallel_loop3A_1522, %parallel_loop3A_1523] {strides = array<i32>} : memref<4x4x8x768xf32, #tpu.memory_space<vmem>>, vector<1x1x1x16xf32>,
        %parallel_loop3A_1525 = vector.shape_cast %parallel_loop3A_1524 : vector<1x1x1x16xf32> to vector<16xf32>
        %parallel_loop3A_1526 = arith.addf %parallel_loop3A_1525, %parallel_loop3A_1499 : vector<16xf32>
        %parallel_loop3A_1527 = arith.constant 0 : i32
        %parallel_loop3A_1528 = arith.constant 1 : i32
        %parallel_loop3A_1529 = arith.index_cast %parallel_loop3A_1527 : i32 to index
        %parallel_loop3A_1530 = arith.index_cast %parallel_loop3A_1528 : i32 to index
        %parallel_loop3A_1531 = arith.index_cast %scan3A_1488 : i32 to index
        %parallel_loop3A_1532 = arith.index_cast %parallel_loop3A_1493 : i32 to index
        %parallel_loop3A_1533 = tpu.vector_load %arg7[%parallel_loop3A_1529, %parallel_loop3A_1530, %parallel_loop3A_1531, %parallel_loop3A_1532] {strides = array<i32>} : memref<4x4x8x768xf32, #tpu.memory_space<vmem>>, vector<1x1x1x16xf32>,
        %parallel_loop3A_1534 = vector.shape_cast %parallel_loop3A_1533 : vector<1x1x1x16xf32> to vector<16xf32>
        %parallel_loop3A_1535 = vector.shape_cast %parallel_loop3A_1526 : vector<16xf32> to vector<1x1x1x16xf32>
        tpu.vector_store %arg7[%parallel_loop3A_1529, %parallel_loop3A_1530, %parallel_loop3A_1531, %parallel_loop3A_1532], %parallel_loop3A_1535 {strides = array<i32>} : memref<4x4x8x768xf32, #tpu.memory_space<vmem>>, vector<1x1x1x16xf32>,
        %parallel_loop3A_1536 = arith.constant 0 : i32
        %parallel_loop3A_1537 = arith.constant 2 : i32
        %parallel_loop3A_1538 = arith.index_cast %parallel_loop3A_1536 : i32 to index
        %parallel_loop3A_1539 = arith.index_cast %parallel_loop3A_1537 : i32 to index
        %parallel_loop3A_1540 = arith.index_cast %scan3A_1488 : i32 to index
        %parallel_loop3A_1541 = arith.index_cast %parallel_loop3A_1493 : i32 to index
        %parallel_loop3A_1542 = tpu.vector_load %arg7[%parallel_loop3A_1538, %parallel_loop3A_1539, %parallel_loop3A_1540, %parallel_loop3A_1541] {strides = array<i32>} : memref<4x4x8x768xf32, #tpu.memory_space<vmem>>, vector<1x1x1x16xf32>,
        %parallel_loop3A_1543 = vector.shape_cast %parallel_loop3A_1542 : vector<1x1x1x16xf32> to vector<16xf32>
        %parallel_loop3A_1544 = arith.addf %parallel_loop3A_1543, %parallel_loop3A_1499 : vector<16xf32>
        %parallel_loop3A_1545 = arith.constant 0 : i32
        %parallel_loop3A_1546 = arith.constant 2 : i32
        %parallel_loop3A_1547 = arith.index_cast %parallel_loop3A_1545 : i32 to index
        %parallel_loop3A_1548 = arith.index_cast %parallel_loop3A_1546 : i32 to index
        %parallel_loop3A_1549 = arith.index_cast %scan3A_1488 : i32 to index
        %parallel_loop3A_1550 = arith.index_cast %parallel_loop3A_1493 : i32 to index
        %parallel_loop3A_1551 = tpu.vector_load %arg7[%parallel_loop3A_1547, %parallel_loop3A_1548, %parallel_loop3A_1549, %parallel_loop3A_1550] {strides = array<i32>} : memref<4x4x8x768xf32, #tpu.memory_space<vmem>>, vector<1x1x1x16xf32>,
        %parallel_loop3A_1552 = vector.shape_cast %parallel_loop3A_1551 : vector<1x1x1x16xf32> to vector<16xf32>
        %parallel_loop3A_1553 = vector.shape_cast %parallel_loop3A_1544 : vector<16xf32> to vector<1x1x1x16xf32>
        tpu.vector_store %arg7[%parallel_loop3A_1547, %parallel_loop3A_1548, %parallel_loop3A_1549, %parallel_loop3A_1550], %parallel_loop3A_1553 {strides = array<i32>} : memref<4x4x8x768xf32, #tpu.memory_space<vmem>>, vector<1x1x1x16xf32>,
        %parallel_loop3A_1554 = arith.constant 0 : i32
        %parallel_loop3A_1555 = arith.constant 3 : i32
        %parallel_loop3A_1556 = arith.index_cast %parallel_loop3A_1554 : i32 to index
        %parallel_loop3A_1557 = arith.index_cast %parallel_loop3A_1555 : i32 to index
        %parallel_loop3A_1558 = arith.index_cast %scan3A_1488 : i32 to index
        %parallel_loop3A_1559 = arith.index_cast %parallel_loop3A_1493 : i32 to index
        %parallel_loop3A_1560 = tpu.vector_load %arg7[%parallel_loop3A_1556, %parallel_loop3A_1557, %parallel_loop3A_1558, %parallel_loop3A_1559] {strides = array<i32>} : memref<4x4x8x768xf32, #tpu.memory_space<vmem>>, vector<1x1x1x16xf32>,
        %parallel_loop3A_1561 = vector.shape_cast %parallel_loop3A_1560 : vector<1x1x1x16xf32> to vector<16xf32>
        %parallel_loop3A_1562 = arith.addf %parallel_loop3A_1561, %parallel_loop3A_1499 : vector<16xf32>
        %parallel_loop3A_1563 = arith.constant 0 : i32
        %parallel_loop3A_1564 = arith.constant 3 : i32
        %parallel_loop3A_1565 = arith.index_cast %parallel_loop3A_1563 : i32 to index
        %parallel_loop3A_1566 = arith.index_cast %parallel_loop3A_1564 : i32 to index
        %parallel_loop3A_1567 = arith.index_cast %scan3A_1488 : i32 to index
        %parallel_loop3A_1568 = arith.index_cast %parallel_loop3A_1493 : i32 to index
        %parallel_loop3A_1569 = tpu.vector_load %arg7[%parallel_loop3A_1565, %parallel_loop3A_1566, %parallel_loop3A_1567, %parallel_loop3A_1568] {strides = array<i32>} : memref<4x4x8x768xf32, #tpu.memory_space<vmem>>, vector<1x1x1x16xf32>,
        %parallel_loop3A_1570 = vector.shape_cast %parallel_loop3A_1569 : vector<1x1x1x16xf32> to vector<16xf32>
        %parallel_loop3A_1571 = vector.shape_cast %parallel_loop3A_1562 : vector<16xf32> to vector<1x1x1x16xf32>
        tpu.vector_store %arg7[%parallel_loop3A_1565, %parallel_loop3A_1566, %parallel_loop3A_1567, %parallel_loop3A_1568], %parallel_loop3A_1571 {strides = array<i32>} : memref<4x4x8x768xf32, #tpu.memory_space<vmem>>, vector<1x1x1x16xf32>,
      } {sc.loop_unroll_factor = 8 : i64, sc.parallel_access}
    }
    %scan3A_1046 = arith.constant 8 : i32
    %add3A_1047 = arith.constant 32 : i32
    %add3A_1048 = arith.addi %mul3A_2, %add3A_1047 : i32
    %dma_start3A_1049 = arith.constant 0 : i32
    %dma_start3A_1050 = arith.constant 0 : i32
    %dma_start3A_1051 = arith.constant 0 : i32
    %dma_start3A_1052 = arith.constant 0 : i32
    %dma_start3A_1053 = tpu.memref_slice %arg7[%dma_start3A_1049, %dma_start3A_1050, %dma_start3A_1051, %dma_start3A_1052] : memref<4x4x8x768xf32, #tpu.memory_space<vmem>> -> memref<1x4x8x768xf32, #tpu.memory_space<vmem>>
    %dma_start3A_1054 = tpu.memref_squeeze %dma_start3A_1053 : memref<1x4x8x768xf32, #tpu.memory_space<vmem>> -> memref<4x8x768xf32, #tpu.memory_space<vmem>>
    %dma_start3A_1055 = arith.constant 0 : i32
    %dma_start3A_1056 = arith.constant 0 : i32
    %dma_start3A_1057 = tpu.memref_slice %arg5[%dma_start3A_1055, %add3A_1048, %dma_start3A_1056] : memref<4x2048x768xf32, #tpu.memory_space<hbm>> -> memref<4x8x768xf32, #tpu.memory_space<hbm>>
    %dma_start3A_1058 = arith.constant 0 : i32
    %dma_start3A_1059 = arith.constant 0 : i32
    %dma_start3A_1060 = tpu.memref_slice %arg5[%dma_start3A_1058, %add3A_1048, %dma_start3A_1059] : memref<4x2048x768xf32, #tpu.memory_space<hbm>> -> memref<4x8x768xf32, #tpu.memory_space<hbm>>
    %dma_start3A_1061 = arith.constant 0 : i32
    %dma_start3A_1062 = arith.constant 0 : i32
    %dma_start3A_1063 = arith.constant 0 : i32
    %dma_start3A_1064 = tpu.memref_slice %arg7[%dma_start3A_1049, %dma_start3A_1061, %dma_start3A_1062, %dma_start3A_1063] : memref<4x4x8x768xf32, #tpu.memory_space<vmem>> -> memref<1x4x8x768xf32, #tpu.memory_space<vmem>>
    %dma_start3A_1065 = tpu.memref_squeeze %dma_start3A_1064 : memref<1x4x8x768xf32, #tpu.memory_space<vmem>> -> memref<4x8x768xf32, #tpu.memory_space<vmem>>
    tpu.enqueue_dma source(%dma_start3A_1065 : memref<4x8x768xf32, #tpu.memory_space<vmem>>) target(%dma_start3A_1060 : memref<4x8x768xf32, #tpu.memory_space<hbm>>) target_semaphore(%arg10 : memref<!tpu.dma_semaphore, #tpu.memory_space<semaphore_mem>>)
    %dma_wait3A_1066 = arith.constant 3 : i32
    %dma_wait3A_1067 = arith.constant 0 : i32
    %dma_wait3A_1068 = arith.constant 0 : i32
    %dma_wait3A_1069 = arith.constant 0 : i32
    %dma_wait3A_1070 = tpu.memref_slice %arg7[%dma_wait3A_1066, %dma_wait3A_1067, %dma_wait3A_1068, %dma_wait3A_1069] : memref<4x4x8x768xf32, #tpu.memory_space<vmem>> -> memref<1x4x8x768xf32, #tpu.memory_space<vmem>>
    %dma_wait3A_1071 = tpu.memref_squeeze %dma_wait3A_1070 : memref<1x4x8x768xf32, #tpu.memory_space<vmem>> -> memref<4x8x768xf32, #tpu.memory_space<vmem>>
    %dma_wait3A_1072 = arith.constant 0 : i32
    %dma_wait3A_1073 = arith.constant 0 : i32
    %dma_wait3A_1074 = tpu.memref_slice %arg5[%dma_wait3A_1072, %add3A_874, %dma_wait3A_1073] : memref<4x2048x768xf32, #tpu.memory_space<hbm>> -> memref<4x8x768xf32, #tpu.memory_space<hbm>>
    %dma_wait3A_1075 = arith.constant 0 : i32
    %dma_wait3A_1076 = arith.constant 0 : i32
    %dma_wait3A_1077 = tpu.memref_slice %arg5[%dma_wait3A_1075, %add3A_874, %dma_wait3A_1076] : memref<4x2048x768xf32, #tpu.memory_space<hbm>> -> memref<4x8x768xf32, #tpu.memory_space<hbm>>
    %dma_wait3A_1078 = arith.constant 0 : i32
    %dma_wait3A_1079 = arith.constant 0 : i32
    %dma_wait3A_1080 = arith.constant 0 : i32
    %dma_wait3A_1081 = tpu.memref_slice %arg7[%dma_wait3A_1066, %dma_wait3A_1078, %dma_wait3A_1079, %dma_wait3A_1080] : memref<4x4x8x768xf32, #tpu.memory_space<vmem>> -> memref<1x4x8x768xf32, #tpu.memory_space<vmem>>
    %dma_wait3A_1082 = tpu.memref_squeeze %dma_wait3A_1081 : memref<1x4x8x768xf32, #tpu.memory_space<vmem>> -> memref<4x8x768xf32, #tpu.memory_space<vmem>>
    tpu.wait_dma2 semaphore(%arg10 : memref<!tpu.dma_semaphore, #tpu.memory_space<semaphore_mem>>) src(%dma_wait3A_1082 : memref<4x8x768xf32, #tpu.memory_space<vmem>>) dst(%dma_wait3A_1077 : memref<4x8x768xf32, #tpu.memory_space<hbm>>)
    %dma_start3A_1083 = arith.constant 0 : i32
    %dma_start3A_1084 = arith.constant 3 : i32
    %dma_start3A_1085 = arith.constant 0 : i32
    %dma_start3A_1086 = arith.constant 0 : i32
    %dma_start3A_1087 = arith.constant 0 : i32
    %dma_start3A_1088 = tpu.memref_slice %arg7[%dma_start3A_1084, %dma_start3A_1085, %dma_start3A_1086, %dma_start3A_1087] : memref<4x4x8x768xf32, #tpu.memory_space<vmem>> -> memref<1x1x8x768xf32, #tpu.memory_space<vmem>>
    %dma_start3A_1089 = tpu.memref_squeeze %dma_start3A_1088 : memref<1x1x8x768xf32, #tpu.memory_space<vmem>> -> memref<8x768xf32, #tpu.memory_space<vmem>>
    %dma_start3A_1090 = arith.constant 56 : i32
    %dma_start3A_1091 = tpu.memref_slice %arg6[%dma_start3A_1083, %dma_start3A_1090] : memref<4x64xi32, #tpu.memory_space<vmem>> -> memref<1x8xi32, #tpu.memory_space<vmem>>
    %dma_start3A_1092 = tpu.memref_squeeze %dma_start3A_1091 : memref<1x8xi32, #tpu.memory_space<vmem>> -> memref<8xi32, #tpu.memory_space<vmem>>
    %dma_start3A_1093 = arith.constant 0 : i32
    %dma_start3A_1094 = arith.constant 0 : i32
    %dma_start3A_1095 = tpu.memref_slice %arg3[%dma_start3A_1093, %dma_start3A_1094] : memref<100000x768xf32, #tpu.memory_space<hbm>> -> memref<100000x768xf32, #tpu.memory_space<hbm>>
    tpu.enqueue_indirect_dma source(%dma_start3A_1095 : memref<100000x768xf32, #tpu.memory_space<hbm>>) target(%dma_start3A_1089 : memref<8x768xf32, #tpu.memory_space<vmem>>) offsets(%dma_start3A_1092 : memref<8xi32, #tpu.memory_space<vmem>>) semaphore(%arg9 : memref<!tpu.dma_semaphore, #tpu.memory_space<semaphore_mem>>)
    %dma_start3A_1096 = arith.constant 1 : i32
    %dma_start3A_1097 = arith.constant 3 : i32
    %dma_start3A_1098 = arith.constant 1 : i32
    %dma_start3A_1099 = arith.constant 0 : i32
    %dma_start3A_1100 = arith.constant 0 : i32
    %dma_start3A_1101 = tpu.memref_slice %arg7[%dma_start3A_1097, %dma_start3A_1098, %dma_start3A_1099, %dma_start3A_1100] : memref<4x4x8x768xf32, #tpu.memory_space<vmem>> -> memref<1x1x8x768xf32, #tpu.memory_space<vmem>>
    %dma_start3A_1102 = tpu.memref_squeeze %dma_start3A_1101 : memref<1x1x8x768xf32, #tpu.memory_space<vmem>> -> memref<8x768xf32, #tpu.memory_space<vmem>>
    %dma_start3A_1103 = arith.constant 56 : i32
    %dma_start3A_1104 = tpu.memref_slice %arg6[%dma_start3A_1096, %dma_start3A_1103] : memref<4x64xi32, #tpu.memory_space<vmem>> -> memref<1x8xi32, #tpu.memory_space<vmem>>
    %dma_start3A_1105 = tpu.memref_squeeze %dma_start3A_1104 : memref<1x8xi32, #tpu.memory_space<vmem>> -> memref<8xi32, #tpu.memory_space<vmem>>
    %dma_start3A_1106 = arith.constant 0 : i32
    %dma_start3A_1107 = arith.constant 0 : i32
    %dma_start3A_1108 = tpu.memref_slice %arg3[%dma_start3A_1106, %dma_start3A_1107] : memref<100000x768xf32, #tpu.memory_space<hbm>> -> memref<100000x768xf32, #tpu.memory_space<hbm>>
    tpu.enqueue_indirect_dma source(%dma_start3A_1108 : memref<100000x768xf32, #tpu.memory_space<hbm>>) target(%dma_start3A_1102 : memref<8x768xf32, #tpu.memory_space<vmem>>) offsets(%dma_start3A_1105 : memref<8xi32, #tpu.memory_space<vmem>>) semaphore(%arg9 : memref<!tpu.dma_semaphore, #tpu.memory_space<semaphore_mem>>)
    %dma_start3A_1109 = arith.constant 2 : i32
    %dma_start3A_1110 = arith.constant 3 : i32
    %dma_start3A_1111 = arith.constant 2 : i32
    %dma_start3A_1112 = arith.constant 0 : i32
    %dma_start3A_1113 = arith.constant 0 : i32
    %dma_start3A_1114 = tpu.memref_slice %arg7[%dma_start3A_1110, %dma_start3A_1111, %dma_start3A_1112, %dma_start3A_1113] : memref<4x4x8x768xf32, #tpu.memory_space<vmem>> -> memref<1x1x8x768xf32, #tpu.memory_space<vmem>>
    %dma_start3A_1115 = tpu.memref_squeeze %dma_start3A_1114 : memref<1x1x8x768xf32, #tpu.memory_space<vmem>> -> memref<8x768xf32, #tpu.memory_space<vmem>>
    %dma_start3A_1116 = arith.constant 56 : i32
    %dma_start3A_1117 = tpu.memref_slice %arg6[%dma_start3A_1109, %dma_start3A_1116] : memref<4x64xi32, #tpu.memory_space<vmem>> -> memref<1x8xi32, #tpu.memory_space<vmem>>
    %dma_start3A_1118 = tpu.memref_squeeze %dma_start3A_1117 : memref<1x8xi32, #tpu.memory_space<vmem>> -> memref<8xi32, #tpu.memory_space<vmem>>
    %dma_start3A_1119 = arith.constant 0 : i32
    %dma_start3A_1120 = arith.constant 0 : i32
    %dma_start3A_1121 = tpu.memref_slice %arg3[%dma_start3A_1119, %dma_start3A_1120] : memref<100000x768xf32, #tpu.memory_space<hbm>> -> memref<100000x768xf32, #tpu.memory_space<hbm>>
    tpu.enqueue_indirect_dma source(%dma_start3A_1121 : memref<100000x768xf32, #tpu.memory_space<hbm>>) target(%dma_start3A_1115 : memref<8x768xf32, #tpu.memory_space<vmem>>) offsets(%dma_start3A_1118 : memref<8xi32, #tpu.memory_space<vmem>>) semaphore(%arg9 : memref<!tpu.dma_semaphore, #tpu.memory_space<semaphore_mem>>)
    %dma_start3A_1122 = arith.constant 3 : i32
    %dma_start3A_1123 = arith.constant 3 : i32
    %dma_start3A_1124 = arith.constant 3 : i32
    %dma_start3A_1125 = arith.constant 0 : i32
    %dma_start3A_1126 = arith.constant 0 : i32
    %dma_start3A_1127 = tpu.memref_slice %arg7[%dma_start3A_1123, %dma_start3A_1124, %dma_start3A_1125, %dma_start3A_1126] : memref<4x4x8x768xf32, #tpu.memory_space<vmem>> -> memref<1x1x8x768xf32, #tpu.memory_space<vmem>>
    %dma_start3A_1128 = tpu.memref_squeeze %dma_start3A_1127 : memref<1x1x8x768xf32, #tpu.memory_space<vmem>> -> memref<8x768xf32, #tpu.memory_space<vmem>>
    %dma_start3A_1129 = arith.constant 56 : i32
    %dma_start3A_1130 = tpu.memref_slice %arg6[%dma_start3A_1122, %dma_start3A_1129] : memref<4x64xi32, #tpu.memory_space<vmem>> -> memref<1x8xi32, #tpu.memory_space<vmem>>
    %dma_start3A_1131 = tpu.memref_squeeze %dma_start3A_1130 : memref<1x8xi32, #tpu.memory_space<vmem>> -> memref<8xi32, #tpu.memory_space<vmem>>
    %dma_start3A_1132 = arith.constant 0 : i32
    %dma_start3A_1133 = arith.constant 0 : i32
    %dma_start3A_1134 = tpu.memref_slice %arg3[%dma_start3A_1132, %dma_start3A_1133] : memref<100000x768xf32, #tpu.memory_space<hbm>> -> memref<100000x768xf32, #tpu.memory_space<hbm>>
    tpu.enqueue_indirect_dma source(%dma_start3A_1134 : memref<100000x768xf32, #tpu.memory_space<hbm>>) target(%dma_start3A_1128 : memref<8x768xf32, #tpu.memory_space<vmem>>) offsets(%dma_start3A_1131 : memref<8xi32, #tpu.memory_space<vmem>>) semaphore(%arg9 : memref<!tpu.dma_semaphore, #tpu.memory_space<semaphore_mem>>)
    %add3A_1135 = arith.constant 56 : i32
    %add3A_1136 = arith.addi %mul3A_2, %add3A_1135 : i32
    %dma_start3A_1137 = arith.constant 3 : i32
    %dma_start3A_1138 = arith.constant 0 : i32
    %dma_start3A_1139 = arith.constant 0 : i32
    %dma_start3A_1140 = tpu.memref_slice %arg8[%dma_start3A_1137, %dma_start3A_1138, %dma_start3A_1139] : memref<4x8x768xf32, #tpu.memory_space<vmem>> -> memref<1x8x768xf32, #tpu.memory_space<vmem>>
    %dma_start3A_1141 = tpu.memref_squeeze %dma_start3A_1140 : memref<1x8x768xf32, #tpu.memory_space<vmem>> -> memref<8x768xf32, #tpu.memory_space<vmem>>
    %dma_start3A_1142 = arith.constant 0 : i32
    %dma_start3A_1143 = tpu.memref_slice %arg4[%add3A_1136, %dma_start3A_1142] : memref<2048x768xf32, #tpu.memory_space<hbm>> -> memref<8x768xf32, #tpu.memory_space<hbm>>
    %dma_start3A_1144 = arith.constant 0 : i32
    %dma_start3A_1145 = arith.constant 0 : i32
    %dma_start3A_1146 = tpu.memref_slice %arg8[%dma_start3A_1137, %dma_start3A_1144, %dma_start3A_1145] : memref<4x8x768xf32, #tpu.memory_space<vmem>> -> memref<1x8x768xf32, #tpu.memory_space<vmem>>
    %dma_start3A_1147 = tpu.memref_squeeze %dma_start3A_1146 : memref<1x8x768xf32, #tpu.memory_space<vmem>> -> memref<8x768xf32, #tpu.memory_space<vmem>>
    %dma_start3A_1148 = arith.constant 0 : i32
    %dma_start3A_1149 = tpu.memref_slice %arg4[%add3A_1136, %dma_start3A_1148] : memref<2048x768xf32, #tpu.memory_space<hbm>> -> memref<8x768xf32, #tpu.memory_space<hbm>>
    tpu.enqueue_dma source(%dma_start3A_1149 : memref<8x768xf32, #tpu.memory_space<hbm>>) target(%dma_start3A_1147 : memref<8x768xf32, #tpu.memory_space<vmem>>) target_semaphore(%arg9 : memref<!tpu.dma_semaphore, #tpu.memory_space<semaphore_mem>>)
    %dma_wait3A_1150 = arith.constant 0 : i32
    %dma_wait3A_1151 = arith.constant 1 : i32
    %dma_wait3A_1152 = arith.constant 0 : i32
    %dma_wait3A_1153 = arith.constant 0 : i32
    %dma_wait3A_1154 = arith.constant 0 : i32
    %dma_wait3A_1155 = tpu.memref_slice %arg7[%dma_wait3A_1151, %dma_wait3A_1152, %dma_wait3A_1153, %dma_wait3A_1154] : memref<4x4x8x768xf32, #tpu.memory_space<vmem>> -> memref<1x1x8x768xf32, #tpu.memory_space<vmem>>
    %dma_wait3A_1156 = tpu.memref_squeeze %dma_wait3A_1155 : memref<1x1x8x768xf32, #tpu.memory_space<vmem>> -> memref<8x768xf32, #tpu.memory_space<vmem>>
    %dma_wait3A_1157 = arith.constant 40 : i32
    %dma_wait3A_1158 = tpu.memref_slice %arg6[%dma_wait3A_1150, %dma_wait3A_1157] : memref<4x64xi32, #tpu.memory_space<vmem>> -> memref<1x8xi32, #tpu.memory_space<vmem>>
    %dma_wait3A_1159 = tpu.memref_squeeze %dma_wait3A_1158 : memref<1x8xi32, #tpu.memory_space<vmem>> -> memref<8xi32, #tpu.memory_space<vmem>>
    %dma_wait3A_1160 = arith.constant 0 : i32
    %dma_wait3A_1161 = arith.constant 0 : i32
    %dma_wait3A_1162 = tpu.memref_slice %arg3[%dma_wait3A_1160, %dma_wait3A_1161] : memref<100000x768xf32, #tpu.memory_space<hbm>> -> memref<100000x768xf32, #tpu.memory_space<hbm>>
    tpu.wait_indirect_dma semaphore(%arg9 : memref<!tpu.dma_semaphore, #tpu.memory_space<semaphore_mem>>) src(%dma_wait3A_1162 : memref<100000x768xf32, #tpu.memory_space<hbm>>) dst(%dma_wait3A_1156 : memref<8x768xf32, #tpu.memory_space<vmem>>)
    %dma_wait3A_1163 = arith.constant 1 : i32
    %dma_wait3A_1164 = arith.constant 1 : i32
    %dma_wait3A_1165 = arith.constant 1 : i32
    %dma_wait3A_1166 = arith.constant 0 : i32
    %dma_wait3A_1167 = arith.constant 0 : i32
    %dma_wait3A_1168 = tpu.memref_slice %arg7[%dma_wait3A_1164, %dma_wait3A_1165, %dma_wait3A_1166, %dma_wait3A_1167] : memref<4x4x8x768xf32, #tpu.memory_space<vmem>> -> memref<1x1x8x768xf32, #tpu.memory_space<vmem>>
    %dma_wait3A_1169 = tpu.memref_squeeze %dma_wait3A_1168 : memref<1x1x8x768xf32, #tpu.memory_space<vmem>> -> memref<8x768xf32, #tpu.memory_space<vmem>>
    %dma_wait3A_1170 = arith.constant 40 : i32
    %dma_wait3A_1171 = tpu.memref_slice %arg6[%dma_wait3A_1163, %dma_wait3A_1170] : memref<4x64xi32, #tpu.memory_space<vmem>> -> memref<1x8xi32, #tpu.memory_space<vmem>>
    %dma_wait3A_1172 = tpu.memref_squeeze %dma_wait3A_1171 : memref<1x8xi32, #tpu.memory_space<vmem>> -> memref<8xi32, #tpu.memory_space<vmem>>
    %dma_wait3A_1173 = arith.constant 0 : i32
    %dma_wait3A_1174 = arith.constant 0 : i32
    %dma_wait3A_1175 = tpu.memref_slice %arg3[%dma_wait3A_1173, %dma_wait3A_1174] : memref<100000x768xf32, #tpu.memory_space<hbm>> -> memref<100000x768xf32, #tpu.memory_space<hbm>>
    tpu.wait_indirect_dma semaphore(%arg9 : memref<!tpu.dma_semaphore, #tpu.memory_space<semaphore_mem>>) src(%dma_wait3A_1175 : memref<100000x768xf32, #tpu.memory_space<hbm>>) dst(%dma_wait3A_1169 : memref<8x768xf32, #tpu.memory_space<vmem>>)
    %dma_wait3A_1176 = arith.constant 2 : i32
    %dma_wait3A_1177 = arith.constant 1 : i32
    %dma_wait3A_1178 = arith.constant 2 : i32
    %dma_wait3A_1179 = arith.constant 0 : i32
    %dma_wait3A_1180 = arith.constant 0 : i32
    %dma_wait3A_1181 = tpu.memref_slice %arg7[%dma_wait3A_1177, %dma_wait3A_1178, %dma_wait3A_1179, %dma_wait3A_1180] : memref<4x4x8x768xf32, #tpu.memory_space<vmem>> -> memref<1x1x8x768xf32, #tpu.memory_space<vmem>>
    %dma_wait3A_1182 = tpu.memref_squeeze %dma_wait3A_1181 : memref<1x1x8x768xf32, #tpu.memory_space<vmem>> -> memref<8x768xf32, #tpu.memory_space<vmem>>
    %dma_wait3A_1183 = arith.constant 40 : i32
    %dma_wait3A_1184 = tpu.memref_slice %arg6[%dma_wait3A_1176, %dma_wait3A_1183] : memref<4x64xi32, #tpu.memory_space<vmem>> -> memref<1x8xi32, #tpu.memory_space<vmem>>
    %dma_wait3A_1185 = tpu.memref_squeeze %dma_wait3A_1184 : memref<1x8xi32, #tpu.memory_space<vmem>> -> memref<8xi32, #tpu.memory_space<vmem>>
    %dma_wait3A_1186 = arith.constant 0 : i32
    %dma_wait3A_1187 = arith.constant 0 : i32
    %dma_wait3A_1188 = tpu.memref_slice %arg3[%dma_wait3A_1186, %dma_wait3A_1187] : memref<100000x768xf32, #tpu.memory_space<hbm>> -> memref<100000x768xf32, #tpu.memory_space<hbm>>
    tpu.wait_indirect_dma semaphore(%arg9 : memref<!tpu.dma_semaphore, #tpu.memory_space<semaphore_mem>>) src(%dma_wait3A_1188 : memref<100000x768xf32, #tpu.memory_space<hbm>>) dst(%dma_wait3A_1182 : memref<8x768xf32, #tpu.memory_space<vmem>>)
    %dma_wait3A_1189 = arith.constant 3 : i32
    %dma_wait3A_1190 = arith.constant 1 : i32
    %dma_wait3A_1191 = arith.constant 3 : i32
    %dma_wait3A_1192 = arith.constant 0 : i32
    %dma_wait3A_1193 = arith.constant 0 : i32
    %dma_wait3A_1194 = tpu.memref_slice %arg7[%dma_wait3A_1190, %dma_wait3A_1191, %dma_wait3A_1192, %dma_wait3A_1193] : memref<4x4x8x768xf32, #tpu.memory_space<vmem>> -> memref<1x1x8x768xf32, #tpu.memory_space<vmem>>
    %dma_wait3A_1195 = tpu.memref_squeeze %dma_wait3A_1194 : memref<1x1x8x768xf32, #tpu.memory_space<vmem>> -> memref<8x768xf32, #tpu.memory_space<vmem>>
    %dma_wait3A_1196 = arith.constant 40 : i32
    %dma_wait3A_1197 = tpu.memref_slice %arg6[%dma_wait3A_1189, %dma_wait3A_1196] : memref<4x64xi32, #tpu.memory_space<vmem>> -> memref<1x8xi32, #tpu.memory_space<vmem>>
    %dma_wait3A_1198 = tpu.memref_squeeze %dma_wait3A_1197 : memref<1x8xi32, #tpu.memory_space<vmem>> -> memref<8xi32, #tpu.memory_space<vmem>>
    %dma_wait3A_1199 = arith.constant 0 : i32
    %dma_wait3A_1200 = arith.constant 0 : i32
    %dma_wait3A_1201 = tpu.memref_slice %arg3[%dma_wait3A_1199, %dma_wait3A_1200] : memref<100000x768xf32, #tpu.memory_space<hbm>> -> memref<100000x768xf32, #tpu.memory_space<hbm>>
    tpu.wait_indirect_dma semaphore(%arg9 : memref<!tpu.dma_semaphore, #tpu.memory_space<semaphore_mem>>) src(%dma_wait3A_1201 : memref<100000x768xf32, #tpu.memory_space<hbm>>) dst(%dma_wait3A_1195 : memref<8x768xf32, #tpu.memory_space<vmem>>)
    %dma_wait3A_1202 = arith.constant 1 : i32
    %dma_wait3A_1203 = arith.constant 0 : i32
    %dma_wait3A_1204 = arith.constant 0 : i32
    %dma_wait3A_1205 = tpu.memref_slice %arg8[%dma_wait3A_1202, %dma_wait3A_1203, %dma_wait3A_1204] : memref<4x8x768xf32, #tpu.memory_space<vmem>> -> memref<1x8x768xf32, #tpu.memory_space<vmem>>
    %dma_wait3A_1206 = tpu.memref_squeeze %dma_wait3A_1205 : memref<1x8x768xf32, #tpu.memory_space<vmem>> -> memref<8x768xf32, #tpu.memory_space<vmem>>
    %dma_wait3A_1207 = arith.constant 0 : i32
    %dma_wait3A_1208 = tpu.memref_slice %arg4[%add3A_788, %dma_wait3A_1207] : memref<2048x768xf32, #tpu.memory_space<hbm>> -> memref<8x768xf32, #tpu.memory_space<hbm>>
    %dma_wait3A_1209 = arith.constant 0 : i32
    %dma_wait3A_1210 = arith.constant 0 : i32
    %dma_wait3A_1211 = tpu.memref_slice %arg8[%dma_wait3A_1202, %dma_wait3A_1209, %dma_wait3A_1210] : memref<4x8x768xf32, #tpu.memory_space<vmem>> -> memref<1x8x768xf32, #tpu.memory_space<vmem>>
    %dma_wait3A_1212 = tpu.memref_squeeze %dma_wait3A_1211 : memref<1x8x768xf32, #tpu.memory_space<vmem>> -> memref<8x768xf32, #tpu.memory_space<vmem>>
    %dma_wait3A_1213 = arith.constant 0 : i32
    %dma_wait3A_1214 = tpu.memref_slice %arg4[%add3A_788, %dma_wait3A_1213] : memref<2048x768xf32, #tpu.memory_space<hbm>> -> memref<8x768xf32, #tpu.memory_space<hbm>>
    tpu.wait_dma2 semaphore(%arg9 : memref<!tpu.dma_semaphore, #tpu.memory_space<semaphore_mem>>) src(%dma_wait3A_1214 : memref<8x768xf32, #tpu.memory_space<hbm>>) dst(%dma_wait3A_1212 : memref<8x768xf32, #tpu.memory_space<vmem>>)
    %scan3A_1215 = arith.constant 0 : i32
    %scan3A_1216 = arith.constant 0 : i32
    %scan3A_1217 = arith.constant 8 : i32
    %scan3A_1218 = arith.addi %scan3A_1216, %scan3A_1217 : i32
    %scan3A_1219 = arith.constant 1 : i32
    scf.for %scan3A_1488 = %scan3A_1216 to %scan3A_1218 step %scan3A_1219  : i32 {
      %parallel_loop3A = arith.constant 0 : i32
      %parallel_loop3A_1489 = arith.constant 48 : i32
      %parallel_loop3A_1490 = arith.constant 1 : i32
      scf.for %parallel_loop3A_1491 = %parallel_loop3A to %parallel_loop3A_1489 step %parallel_loop3A_1490  : i32 {
        %parallel_loop3A_1492 = arith.constant 16 : i32
        %parallel_loop3A_1493 = arith.muli %parallel_loop3A_1491, %parallel_loop3A_1492 : i32
        %parallel_loop3A_1494 = arith.constant 1 : i32
        %parallel_loop3A_1495 = arith.index_cast %parallel_loop3A_1494 : i32 to index
        %parallel_loop3A_1496 = arith.index_cast %scan3A_1488 : i32 to index
        %parallel_loop3A_1497 = arith.index_cast %parallel_loop3A_1493 : i32 to index
        %parallel_loop3A_1498 = tpu.vector_load %arg8[%parallel_loop3A_1495, %parallel_loop3A_1496, %parallel_loop3A_1497] {strides = array<i32>} : memref<4x8x768xf32, #tpu.memory_space<vmem>>, vector<1x1x16xf32>,
        %parallel_loop3A_1499 = vector.shape_cast %parallel_loop3A_1498 : vector<1x1x16xf32> to vector<16xf32>
        %parallel_loop3A_1500 = arith.constant 1 : i32
        %parallel_loop3A_1501 = arith.constant 0 : i32
        %parallel_loop3A_1502 = arith.index_cast %parallel_loop3A_1500 : i32 to index
        %parallel_loop3A_1503 = arith.index_cast %parallel_loop3A_1501 : i32 to index
        %parallel_loop3A_1504 = arith.index_cast %scan3A_1488 : i32 to index
        %parallel_loop3A_1505 = arith.index_cast %parallel_loop3A_1493 : i32 to index
        %parallel_loop3A_1506 = tpu.vector_load %arg7[%parallel_loop3A_1502, %parallel_loop3A_1503, %parallel_loop3A_1504, %parallel_loop3A_1505] {strides = array<i32>} : memref<4x4x8x768xf32, #tpu.memory_space<vmem>>, vector<1x1x1x16xf32>,
        %parallel_loop3A_1507 = vector.shape_cast %parallel_loop3A_1506 : vector<1x1x1x16xf32> to vector<16xf32>
        %parallel_loop3A_1508 = arith.addf %parallel_loop3A_1507, %parallel_loop3A_1499 : vector<16xf32>
        %parallel_loop3A_1509 = arith.constant 1 : i32
        %parallel_loop3A_1510 = arith.constant 0 : i32
        %parallel_loop3A_1511 = arith.index_cast %parallel_loop3A_1509 : i32 to index
        %parallel_loop3A_1512 = arith.index_cast %parallel_loop3A_1510 : i32 to index
        %parallel_loop3A_1513 = arith.index_cast %scan3A_1488 : i32 to index
        %parallel_loop3A_1514 = arith.index_cast %parallel_loop3A_1493 : i32 to index
        %parallel_loop3A_1515 = tpu.vector_load %arg7[%parallel_loop3A_1511, %parallel_loop3A_1512, %parallel_loop3A_1513, %parallel_loop3A_1514] {strides = array<i32>} : memref<4x4x8x768xf32, #tpu.memory_space<vmem>>, vector<1x1x1x16xf32>,
        %parallel_loop3A_1516 = vector.shape_cast %parallel_loop3A_1515 : vector<1x1x1x16xf32> to vector<16xf32>
        %parallel_loop3A_1517 = vector.shape_cast %parallel_loop3A_1508 : vector<16xf32> to vector<1x1x1x16xf32>
        tpu.vector_store %arg7[%parallel_loop3A_1511, %parallel_loop3A_1512, %parallel_loop3A_1513, %parallel_loop3A_1514], %parallel_loop3A_1517 {strides = array<i32>} : memref<4x4x8x768xf32, #tpu.memory_space<vmem>>, vector<1x1x1x16xf32>,
        %parallel_loop3A_1518 = arith.constant 1 : i32
        %parallel_loop3A_1519 = arith.constant 1 : i32
        %parallel_loop3A_1520 = arith.index_cast %parallel_loop3A_1518 : i32 to index
        %parallel_loop3A_1521 = arith.index_cast %parallel_loop3A_1519 : i32 to index
        %parallel_loop3A_1522 = arith.index_cast %scan3A_1488 : i32 to index
        %parallel_loop3A_1523 = arith.index_cast %parallel_loop3A_1493 : i32 to index
        %parallel_loop3A_1524 = tpu.vector_load %arg7[%parallel_loop3A_1520, %parallel_loop3A_1521, %parallel_loop3A_1522, %parallel_loop3A_1523] {strides = array<i32>} : memref<4x4x8x768xf32, #tpu.memory_space<vmem>>, vector<1x1x1x16xf32>,
        %parallel_loop3A_1525 = vector.shape_cast %parallel_loop3A_1524 : vector<1x1x1x16xf32> to vector<16xf32>
        %parallel_loop3A_1526 = arith.addf %parallel_loop3A_1525, %parallel_loop3A_1499 : vector<16xf32>
        %parallel_loop3A_1527 = arith.constant 1 : i32
        %parallel_loop3A_1528 = arith.constant 1 : i32
        %parallel_loop3A_1529 = arith.index_cast %parallel_loop3A_1527 : i32 to index
        %parallel_loop3A_1530 = arith.index_cast %parallel_loop3A_1528 : i32 to index
        %parallel_loop3A_1531 = arith.index_cast %scan3A_1488 : i32 to index
        %parallel_loop3A_1532 = arith.index_cast %parallel_loop3A_1493 : i32 to index
        %parallel_loop3A_1533 = tpu.vector_load %arg7[%parallel_loop3A_1529, %parallel_loop3A_1530, %parallel_loop3A_1531, %parallel_loop3A_1532] {strides = array<i32>} : memref<4x4x8x768xf32, #tpu.memory_space<vmem>>, vector<1x1x1x16xf32>,
        %parallel_loop3A_1534 = vector.shape_cast %parallel_loop3A_1533 : vector<1x1x1x16xf32> to vector<16xf32>
        %parallel_loop3A_1535 = vector.shape_cast %parallel_loop3A_1526 : vector<16xf32> to vector<1x1x1x16xf32>
        tpu.vector_store %arg7[%parallel_loop3A_1529, %parallel_loop3A_1530, %parallel_loop3A_1531, %parallel_loop3A_1532], %parallel_loop3A_1535 {strides = array<i32>} : memref<4x4x8x768xf32, #tpu.memory_space<vmem>>, vector<1x1x1x16xf32>,
        %parallel_loop3A_1536 = arith.constant 1 : i32
        %parallel_loop3A_1537 = arith.constant 2 : i32
        %parallel_loop3A_1538 = arith.index_cast %parallel_loop3A_1536 : i32 to index
        %parallel_loop3A_1539 = arith.index_cast %parallel_loop3A_1537 : i32 to index
        %parallel_loop3A_1540 = arith.index_cast %scan3A_1488 : i32 to index
        %parallel_loop3A_1541 = arith.index_cast %parallel_loop3A_1493 : i32 to index
        %parallel_loop3A_1542 = tpu.vector_load %arg7[%parallel_loop3A_1538, %parallel_loop3A_1539, %parallel_loop3A_1540, %parallel_loop3A_1541] {strides = array<i32>} : memref<4x4x8x768xf32, #tpu.memory_space<vmem>>, vector<1x1x1x16xf32>,
        %parallel_loop3A_1543 = vector.shape_cast %parallel_loop3A_1542 : vector<1x1x1x16xf32> to vector<16xf32>
        %parallel_loop3A_1544 = arith.addf %parallel_loop3A_1543, %parallel_loop3A_1499 : vector<16xf32>
        %parallel_loop3A_1545 = arith.constant 1 : i32
        %parallel_loop3A_1546 = arith.constant 2 : i32
        %parallel_loop3A_1547 = arith.index_cast %parallel_loop3A_1545 : i32 to index
        %parallel_loop3A_1548 = arith.index_cast %parallel_loop3A_1546 : i32 to index
        %parallel_loop3A_1549 = arith.index_cast %scan3A_1488 : i32 to index
        %parallel_loop3A_1550 = arith.index_cast %parallel_loop3A_1493 : i32 to index
        %parallel_loop3A_1551 = tpu.vector_load %arg7[%parallel_loop3A_1547, %parallel_loop3A_1548, %parallel_loop3A_1549, %parallel_loop3A_1550] {strides = array<i32>} : memref<4x4x8x768xf32, #tpu.memory_space<vmem>>, vector<1x1x1x16xf32>,
        %parallel_loop3A_1552 = vector.shape_cast %parallel_loop3A_1551 : vector<1x1x1x16xf32> to vector<16xf32>
        %parallel_loop3A_1553 = vector.shape_cast %parallel_loop3A_1544 : vector<16xf32> to vector<1x1x1x16xf32>
        tpu.vector_store %arg7[%parallel_loop3A_1547, %parallel_loop3A_1548, %parallel_loop3A_1549, %parallel_loop3A_1550], %parallel_loop3A_1553 {strides = array<i32>} : memref<4x4x8x768xf32, #tpu.memory_space<vmem>>, vector<1x1x1x16xf32>,
        %parallel_loop3A_1554 = arith.constant 1 : i32
        %parallel_loop3A_1555 = arith.constant 3 : i32
        %parallel_loop3A_1556 = arith.index_cast %parallel_loop3A_1554 : i32 to index
        %parallel_loop3A_1557 = arith.index_cast %parallel_loop3A_1555 : i32 to index
        %parallel_loop3A_1558 = arith.index_cast %scan3A_1488 : i32 to index
        %parallel_loop3A_1559 = arith.index_cast %parallel_loop3A_1493 : i32 to index
        %parallel_loop3A_1560 = tpu.vector_load %arg7[%parallel_loop3A_1556, %parallel_loop3A_1557, %parallel_loop3A_1558, %parallel_loop3A_1559] {strides = array<i32>} : memref<4x4x8x768xf32, #tpu.memory_space<vmem>>, vector<1x1x1x16xf32>,
        %parallel_loop3A_1561 = vector.shape_cast %parallel_loop3A_1560 : vector<1x1x1x16xf32> to vector<16xf32>
        %parallel_loop3A_1562 = arith.addf %parallel_loop3A_1561, %parallel_loop3A_1499 : vector<16xf32>
        %parallel_loop3A_1563 = arith.constant 1 : i32
        %parallel_loop3A_1564 = arith.constant 3 : i32
        %parallel_loop3A_1565 = arith.index_cast %parallel_loop3A_1563 : i32 to index
        %parallel_loop3A_1566 = arith.index_cast %parallel_loop3A_1564 : i32 to index
        %parallel_loop3A_1567 = arith.index_cast %scan3A_1488 : i32 to index
        %parallel_loop3A_1568 = arith.index_cast %parallel_loop3A_1493 : i32 to index
        %parallel_loop3A_1569 = tpu.vector_load %arg7[%parallel_loop3A_1565, %parallel_loop3A_1566, %parallel_loop3A_1567, %parallel_loop3A_1568] {strides = array<i32>} : memref<4x4x8x768xf32, #tpu.memory_space<vmem>>, vector<1x1x1x16xf32>,
        %parallel_loop3A_1570 = vector.shape_cast %parallel_loop3A_1569 : vector<1x1x1x16xf32> to vector<16xf32>
        %parallel_loop3A_1571 = vector.shape_cast %parallel_loop3A_1562 : vector<16xf32> to vector<1x1x1x16xf32>
        tpu.vector_store %arg7[%parallel_loop3A_1565, %parallel_loop3A_1566, %parallel_loop3A_1567, %parallel_loop3A_1568], %parallel_loop3A_1571 {strides = array<i32>} : memref<4x4x8x768xf32, #tpu.memory_space<vmem>>, vector<1x1x1x16xf32>,
      } {sc.loop_unroll_factor = 8 : i64, sc.parallel_access}
    }
    %scan3A_1220 = arith.constant 8 : i32
    %add3A_1221 = arith.constant 40 : i32
    %add3A_1222 = arith.addi %mul3A_2, %add3A_1221 : i32
    %dma_start3A_1223 = arith.constant 1 : i32
    %dma_start3A_1224 = arith.constant 0 : i32
    %dma_start3A_1225 = arith.constant 0 : i32
    %dma_start3A_1226 = arith.constant 0 : i32
    %dma_start3A_1227 = tpu.memref_slice %arg7[%dma_start3A_1223, %dma_start3A_1224, %dma_start3A_1225, %dma_start3A_1226] : memref<4x4x8x768xf32, #tpu.memory_space<vmem>> -> memref<1x4x8x768xf32, #tpu.memory_space<vmem>>
    %dma_start3A_1228 = tpu.memref_squeeze %dma_start3A_1227 : memref<1x4x8x768xf32, #tpu.memory_space<vmem>> -> memref<4x8x768xf32, #tpu.memory_space<vmem>>
    %dma_start3A_1229 = arith.constant 0 : i32
    %dma_start3A_1230 = arith.constant 0 : i32
    %dma_start3A_1231 = tpu.memref_slice %arg5[%dma_start3A_1229, %add3A_1222, %dma_start3A_1230] : memref<4x2048x768xf32, #tpu.memory_space<hbm>> -> memref<4x8x768xf32, #tpu.memory_space<hbm>>
    %dma_start3A_1232 = arith.constant 0 : i32
    %dma_start3A_1233 = arith.constant 0 : i32
    %dma_start3A_1234 = tpu.memref_slice %arg5[%dma_start3A_1232, %add3A_1222, %dma_start3A_1233] : memref<4x2048x768xf32, #tpu.memory_space<hbm>> -> memref<4x8x768xf32, #tpu.memory_space<hbm>>
    %dma_start3A_1235 = arith.constant 0 : i32
    %dma_start3A_1236 = arith.constant 0 : i32
    %dma_start3A_1237 = arith.constant 0 : i32
    %dma_start3A_1238 = tpu.memref_slice %arg7[%dma_start3A_1223, %dma_start3A_1235, %dma_start3A_1236, %dma_start3A_1237] : memref<4x4x8x768xf32, #tpu.memory_space<vmem>> -> memref<1x4x8x768xf32, #tpu.memory_space<vmem>>
    %dma_start3A_1239 = tpu.memref_squeeze %dma_start3A_1238 : memref<1x4x8x768xf32, #tpu.memory_space<vmem>> -> memref<4x8x768xf32, #tpu.memory_space<vmem>>
    tpu.enqueue_dma source(%dma_start3A_1239 : memref<4x8x768xf32, #tpu.memory_space<vmem>>) target(%dma_start3A_1234 : memref<4x8x768xf32, #tpu.memory_space<hbm>>) target_semaphore(%arg10 : memref<!tpu.dma_semaphore, #tpu.memory_space<semaphore_mem>>)
    %dma_wait3A_1240 = arith.constant 0 : i32
    %dma_wait3A_1241 = arith.constant 2 : i32
    %dma_wait3A_1242 = arith.constant 0 : i32
    %dma_wait3A_1243 = arith.constant 0 : i32
    %dma_wait3A_1244 = arith.constant 0 : i32
    %dma_wait3A_1245 = tpu.memref_slice %arg7[%dma_wait3A_1241, %dma_wait3A_1242, %dma_wait3A_1243, %dma_wait3A_1244] : memref<4x4x8x768xf32, #tpu.memory_space<vmem>> -> memref<1x1x8x768xf32, #tpu.memory_space<vmem>>
    %dma_wait3A_1246 = tpu.memref_squeeze %dma_wait3A_1245 : memref<1x1x8x768xf32, #tpu.memory_space<vmem>> -> memref<8x768xf32, #tpu.memory_space<vmem>>
    %dma_wait3A_1247 = arith.constant 48 : i32
    %dma_wait3A_1248 = tpu.memref_slice %arg6[%dma_wait3A_1240, %dma_wait3A_1247] : memref<4x64xi32, #tpu.memory_space<vmem>> -> memref<1x8xi32, #tpu.memory_space<vmem>>
    %dma_wait3A_1249 = tpu.memref_squeeze %dma_wait3A_1248 : memref<1x8xi32, #tpu.memory_space<vmem>> -> memref<8xi32, #tpu.memory_space<vmem>>
    %dma_wait3A_1250 = arith.constant 0 : i32
    %dma_wait3A_1251 = arith.constant 0 : i32
    %dma_wait3A_1252 = tpu.memref_slice %arg3[%dma_wait3A_1250, %dma_wait3A_1251] : memref<100000x768xf32, #tpu.memory_space<hbm>> -> memref<100000x768xf32, #tpu.memory_space<hbm>>
    tpu.wait_indirect_dma semaphore(%arg9 : memref<!tpu.dma_semaphore, #tpu.memory_space<semaphore_mem>>) src(%dma_wait3A_1252 : memref<100000x768xf32, #tpu.memory_space<hbm>>) dst(%dma_wait3A_1246 : memref<8x768xf32, #tpu.memory_space<vmem>>)
    %dma_wait3A_1253 = arith.constant 1 : i32
    %dma_wait3A_1254 = arith.constant 2 : i32
    %dma_wait3A_1255 = arith.constant 1 : i32
    %dma_wait3A_1256 = arith.constant 0 : i32
    %dma_wait3A_1257 = arith.constant 0 : i32
    %dma_wait3A_1258 = tpu.memref_slice %arg7[%dma_wait3A_1254, %dma_wait3A_1255, %dma_wait3A_1256, %dma_wait3A_1257] : memref<4x4x8x768xf32, #tpu.memory_space<vmem>> -> memref<1x1x8x768xf32, #tpu.memory_space<vmem>>
    %dma_wait3A_1259 = tpu.memref_squeeze %dma_wait3A_1258 : memref<1x1x8x768xf32, #tpu.memory_space<vmem>> -> memref<8x768xf32, #tpu.memory_space<vmem>>
    %dma_wait3A_1260 = arith.constant 48 : i32
    %dma_wait3A_1261 = tpu.memref_slice %arg6[%dma_wait3A_1253, %dma_wait3A_1260] : memref<4x64xi32, #tpu.memory_space<vmem>> -> memref<1x8xi32, #tpu.memory_space<vmem>>
    %dma_wait3A_1262 = tpu.memref_squeeze %dma_wait3A_1261 : memref<1x8xi32, #tpu.memory_space<vmem>> -> memref<8xi32, #tpu.memory_space<vmem>>
    %dma_wait3A_1263 = arith.constant 0 : i32
    %dma_wait3A_1264 = arith.constant 0 : i32
    %dma_wait3A_1265 = tpu.memref_slice %arg3[%dma_wait3A_1263, %dma_wait3A_1264] : memref<100000x768xf32, #tpu.memory_space<hbm>> -> memref<100000x768xf32, #tpu.memory_space<hbm>>
    tpu.wait_indirect_dma semaphore(%arg9 : memref<!tpu.dma_semaphore, #tpu.memory_space<semaphore_mem>>) src(%dma_wait3A_1265 : memref<100000x768xf32, #tpu.memory_space<hbm>>) dst(%dma_wait3A_1259 : memref<8x768xf32, #tpu.memory_space<vmem>>)
    %dma_wait3A_1266 = arith.constant 2 : i32
    %dma_wait3A_1267 = arith.constant 2 : i32
    %dma_wait3A_1268 = arith.constant 2 : i32
    %dma_wait3A_1269 = arith.constant 0 : i32
    %dma_wait3A_1270 = arith.constant 0 : i32
    %dma_wait3A_1271 = tpu.memref_slice %arg7[%dma_wait3A_1267, %dma_wait3A_1268, %dma_wait3A_1269, %dma_wait3A_1270] : memref<4x4x8x768xf32, #tpu.memory_space<vmem>> -> memref<1x1x8x768xf32, #tpu.memory_space<vmem>>
    %dma_wait3A_1272 = tpu.memref_squeeze %dma_wait3A_1271 : memref<1x1x8x768xf32, #tpu.memory_space<vmem>> -> memref<8x768xf32, #tpu.memory_space<vmem>>
    %dma_wait3A_1273 = arith.constant 48 : i32
    %dma_wait3A_1274 = tpu.memref_slice %arg6[%dma_wait3A_1266, %dma_wait3A_1273] : memref<4x64xi32, #tpu.memory_space<vmem>> -> memref<1x8xi32, #tpu.memory_space<vmem>>
    %dma_wait3A_1275 = tpu.memref_squeeze %dma_wait3A_1274 : memref<1x8xi32, #tpu.memory_space<vmem>> -> memref<8xi32, #tpu.memory_space<vmem>>
    %dma_wait3A_1276 = arith.constant 0 : i32
    %dma_wait3A_1277 = arith.constant 0 : i32
    %dma_wait3A_1278 = tpu.memref_slice %arg3[%dma_wait3A_1276, %dma_wait3A_1277] : memref<100000x768xf32, #tpu.memory_space<hbm>> -> memref<100000x768xf32, #tpu.memory_space<hbm>>
    tpu.wait_indirect_dma semaphore(%arg9 : memref<!tpu.dma_semaphore, #tpu.memory_space<semaphore_mem>>) src(%dma_wait3A_1278 : memref<100000x768xf32, #tpu.memory_space<hbm>>) dst(%dma_wait3A_1272 : memref<8x768xf32, #tpu.memory_space<vmem>>)
    %dma_wait3A_1279 = arith.constant 3 : i32
    %dma_wait3A_1280 = arith.constant 2 : i32
    %dma_wait3A_1281 = arith.constant 3 : i32
    %dma_wait3A_1282 = arith.constant 0 : i32
    %dma_wait3A_1283 = arith.constant 0 : i32
    %dma_wait3A_1284 = tpu.memref_slice %arg7[%dma_wait3A_1280, %dma_wait3A_1281, %dma_wait3A_1282, %dma_wait3A_1283] : memref<4x4x8x768xf32, #tpu.memory_space<vmem>> -> memref<1x1x8x768xf32, #tpu.memory_space<vmem>>
    %dma_wait3A_1285 = tpu.memref_squeeze %dma_wait3A_1284 : memref<1x1x8x768xf32, #tpu.memory_space<vmem>> -> memref<8x768xf32, #tpu.memory_space<vmem>>
    %dma_wait3A_1286 = arith.constant 48 : i32
    %dma_wait3A_1287 = tpu.memref_slice %arg6[%dma_wait3A_1279, %dma_wait3A_1286] : memref<4x64xi32, #tpu.memory_space<vmem>> -> memref<1x8xi32, #tpu.memory_space<vmem>>
    %dma_wait3A_1288 = tpu.memref_squeeze %dma_wait3A_1287 : memref<1x8xi32, #tpu.memory_space<vmem>> -> memref<8xi32, #tpu.memory_space<vmem>>
    %dma_wait3A_1289 = arith.constant 0 : i32
    %dma_wait3A_1290 = arith.constant 0 : i32
    %dma_wait3A_1291 = tpu.memref_slice %arg3[%dma_wait3A_1289, %dma_wait3A_1290] : memref<100000x768xf32, #tpu.memory_space<hbm>> -> memref<100000x768xf32, #tpu.memory_space<hbm>>
    tpu.wait_indirect_dma semaphore(%arg9 : memref<!tpu.dma_semaphore, #tpu.memory_space<semaphore_mem>>) src(%dma_wait3A_1291 : memref<100000x768xf32, #tpu.memory_space<hbm>>) dst(%dma_wait3A_1285 : memref<8x768xf32, #tpu.memory_space<vmem>>)
    %dma_wait3A_1292 = arith.constant 2 : i32
    %dma_wait3A_1293 = arith.constant 0 : i32
    %dma_wait3A_1294 = arith.constant 0 : i32
    %dma_wait3A_1295 = tpu.memref_slice %arg8[%dma_wait3A_1292, %dma_wait3A_1293, %dma_wait3A_1294] : memref<4x8x768xf32, #tpu.memory_space<vmem>> -> memref<1x8x768xf32, #tpu.memory_space<vmem>>
    %dma_wait3A_1296 = tpu.memref_squeeze %dma_wait3A_1295 : memref<1x8x768xf32, #tpu.memory_space<vmem>> -> memref<8x768xf32, #tpu.memory_space<vmem>>
    %dma_wait3A_1297 = arith.constant 0 : i32
    %dma_wait3A_1298 = tpu.memref_slice %arg4[%add3A_962, %dma_wait3A_1297] : memref<2048x768xf32, #tpu.memory_space<hbm>> -> memref<8x768xf32, #tpu.memory_space<hbm>>
    %dma_wait3A_1299 = arith.constant 0 : i32
    %dma_wait3A_1300 = arith.constant 0 : i32
    %dma_wait3A_1301 = tpu.memref_slice %arg8[%dma_wait3A_1292, %dma_wait3A_1299, %dma_wait3A_1300] : memref<4x8x768xf32, #tpu.memory_space<vmem>> -> memref<1x8x768xf32, #tpu.memory_space<vmem>>
    %dma_wait3A_1302 = tpu.memref_squeeze %dma_wait3A_1301 : memref<1x8x768xf32, #tpu.memory_space<vmem>> -> memref<8x768xf32, #tpu.memory_space<vmem>>
    %dma_wait3A_1303 = arith.constant 0 : i32
    %dma_wait3A_1304 = tpu.memref_slice %arg4[%add3A_962, %dma_wait3A_1303] : memref<2048x768xf32, #tpu.memory_space<hbm>> -> memref<8x768xf32, #tpu.memory_space<hbm>>
    tpu.wait_dma2 semaphore(%arg9 : memref<!tpu.dma_semaphore, #tpu.memory_space<semaphore_mem>>) src(%dma_wait3A_1304 : memref<8x768xf32, #tpu.memory_space<hbm>>) dst(%dma_wait3A_1302 : memref<8x768xf32, #tpu.memory_space<vmem>>)
    %scan3A_1305 = arith.constant 0 : i32
    %scan3A_1306 = arith.constant 0 : i32
    %scan3A_1307 = arith.constant 8 : i32
    %scan3A_1308 = arith.addi %scan3A_1306, %scan3A_1307 : i32
    %scan3A_1309 = arith.constant 1 : i32
    scf.for %scan3A_1488 = %scan3A_1306 to %scan3A_1308 step %scan3A_1309  : i32 {
      %parallel_loop3A = arith.constant 0 : i32
      %parallel_loop3A_1489 = arith.constant 48 : i32
      %parallel_loop3A_1490 = arith.constant 1 : i32
      scf.for %parallel_loop3A_1491 = %parallel_loop3A to %parallel_loop3A_1489 step %parallel_loop3A_1490  : i32 {
        %parallel_loop3A_1492 = arith.constant 16 : i32
        %parallel_loop3A_1493 = arith.muli %parallel_loop3A_1491, %parallel_loop3A_1492 : i32
        %parallel_loop3A_1494 = arith.constant 2 : i32
        %parallel_loop3A_1495 = arith.index_cast %parallel_loop3A_1494 : i32 to index
        %parallel_loop3A_1496 = arith.index_cast %scan3A_1488 : i32 to index
        %parallel_loop3A_1497 = arith.index_cast %parallel_loop3A_1493 : i32 to index
        %parallel_loop3A_1498 = tpu.vector_load %arg8[%parallel_loop3A_1495, %parallel_loop3A_1496, %parallel_loop3A_1497] {strides = array<i32>} : memref<4x8x768xf32, #tpu.memory_space<vmem>>, vector<1x1x16xf32>,
        %parallel_loop3A_1499 = vector.shape_cast %parallel_loop3A_1498 : vector<1x1x16xf32> to vector<16xf32>
        %parallel_loop3A_1500 = arith.constant 2 : i32
        %parallel_loop3A_1501 = arith.constant 0 : i32
        %parallel_loop3A_1502 = arith.index_cast %parallel_loop3A_1500 : i32 to index
        %parallel_loop3A_1503 = arith.index_cast %parallel_loop3A_1501 : i32 to index
        %parallel_loop3A_1504 = arith.index_cast %scan3A_1488 : i32 to index
        %parallel_loop3A_1505 = arith.index_cast %parallel_loop3A_1493 : i32 to index
        %parallel_loop3A_1506 = tpu.vector_load %arg7[%parallel_loop3A_1502, %parallel_loop3A_1503, %parallel_loop3A_1504, %parallel_loop3A_1505] {strides = array<i32>} : memref<4x4x8x768xf32, #tpu.memory_space<vmem>>, vector<1x1x1x16xf32>,
        %parallel_loop3A_1507 = vector.shape_cast %parallel_loop3A_1506 : vector<1x1x1x16xf32> to vector<16xf32>
        %parallel_loop3A_1508 = arith.addf %parallel_loop3A_1507, %parallel_loop3A_1499 : vector<16xf32>
        %parallel_loop3A_1509 = arith.constant 2 : i32
        %parallel_loop3A_1510 = arith.constant 0 : i32
        %parallel_loop3A_1511 = arith.index_cast %parallel_loop3A_1509 : i32 to index
        %parallel_loop3A_1512 = arith.index_cast %parallel_loop3A_1510 : i32 to index
        %parallel_loop3A_1513 = arith.index_cast %scan3A_1488 : i32 to index
        %parallel_loop3A_1514 = arith.index_cast %parallel_loop3A_1493 : i32 to index
        %parallel_loop3A_1515 = tpu.vector_load %arg7[%parallel_loop3A_1511, %parallel_loop3A_1512, %parallel_loop3A_1513, %parallel_loop3A_1514] {strides = array<i32>} : memref<4x4x8x768xf32, #tpu.memory_space<vmem>>, vector<1x1x1x16xf32>,
        %parallel_loop3A_1516 = vector.shape_cast %parallel_loop3A_1515 : vector<1x1x1x16xf32> to vector<16xf32>
        %parallel_loop3A_1517 = vector.shape_cast %parallel_loop3A_1508 : vector<16xf32> to vector<1x1x1x16xf32>
        tpu.vector_store %arg7[%parallel_loop3A_1511, %parallel_loop3A_1512, %parallel_loop3A_1513, %parallel_loop3A_1514], %parallel_loop3A_1517 {strides = array<i32>} : memref<4x4x8x768xf32, #tpu.memory_space<vmem>>, vector<1x1x1x16xf32>,
        %parallel_loop3A_1518 = arith.constant 2 : i32
        %parallel_loop3A_1519 = arith.constant 1 : i32
        %parallel_loop3A_1520 = arith.index_cast %parallel_loop3A_1518 : i32 to index
        %parallel_loop3A_1521 = arith.index_cast %parallel_loop3A_1519 : i32 to index
        %parallel_loop3A_1522 = arith.index_cast %scan3A_1488 : i32 to index
        %parallel_loop3A_1523 = arith.index_cast %parallel_loop3A_1493 : i32 to index
        %parallel_loop3A_1524 = tpu.vector_load %arg7[%parallel_loop3A_1520, %parallel_loop3A_1521, %parallel_loop3A_1522, %parallel_loop3A_1523] {strides = array<i32>} : memref<4x4x8x768xf32, #tpu.memory_space<vmem>>, vector<1x1x1x16xf32>,
        %parallel_loop3A_1525 = vector.shape_cast %parallel_loop3A_1524 : vector<1x1x1x16xf32> to vector<16xf32>
        %parallel_loop3A_1526 = arith.addf %parallel_loop3A_1525, %parallel_loop3A_1499 : vector<16xf32>
        %parallel_loop3A_1527 = arith.constant 2 : i32
        %parallel_loop3A_1528 = arith.constant 1 : i32
        %parallel_loop3A_1529 = arith.index_cast %parallel_loop3A_1527 : i32 to index
        %parallel_loop3A_1530 = arith.index_cast %parallel_loop3A_1528 : i32 to index
        %parallel_loop3A_1531 = arith.index_cast %scan3A_1488 : i32 to index
        %parallel_loop3A_1532 = arith.index_cast %parallel_loop3A_1493 : i32 to index
        %parallel_loop3A_1533 = tpu.vector_load %arg7[%parallel_loop3A_1529, %parallel_loop3A_1530, %parallel_loop3A_1531, %parallel_loop3A_1532] {strides = array<i32>} : memref<4x4x8x768xf32, #tpu.memory_space<vmem>>, vector<1x1x1x16xf32>,
        %parallel_loop3A_1534 = vector.shape_cast %parallel_loop3A_1533 : vector<1x1x1x16xf32> to vector<16xf32>
        %parallel_loop3A_1535 = vector.shape_cast %parallel_loop3A_1526 : vector<16xf32> to vector<1x1x1x16xf32>
        tpu.vector_store %arg7[%parallel_loop3A_1529, %parallel_loop3A_1530, %parallel_loop3A_1531, %parallel_loop3A_1532], %parallel_loop3A_1535 {strides = array<i32>} : memref<4x4x8x768xf32, #tpu.memory_space<vmem>>, vector<1x1x1x16xf32>,
        %parallel_loop3A_1536 = arith.constant 2 : i32
        %parallel_loop3A_1537 = arith.constant 2 : i32
        %parallel_loop3A_1538 = arith.index_cast %parallel_loop3A_1536 : i32 to index
        %parallel_loop3A_1539 = arith.index_cast %parallel_loop3A_1537 : i32 to index
        %parallel_loop3A_1540 = arith.index_cast %scan3A_1488 : i32 to index
        %parallel_loop3A_1541 = arith.index_cast %parallel_loop3A_1493 : i32 to index
        %parallel_loop3A_1542 = tpu.vector_load %arg7[%parallel_loop3A_1538, %parallel_loop3A_1539, %parallel_loop3A_1540, %parallel_loop3A_1541] {strides = array<i32>} : memref<4x4x8x768xf32, #tpu.memory_space<vmem>>, vector<1x1x1x16xf32>,
        %parallel_loop3A_1543 = vector.shape_cast %parallel_loop3A_1542 : vector<1x1x1x16xf32> to vector<16xf32>
        %parallel_loop3A_1544 = arith.addf %parallel_loop3A_1543, %parallel_loop3A_1499 : vector<16xf32>
        %parallel_loop3A_1545 = arith.constant 2 : i32
        %parallel_loop3A_1546 = arith.constant 2 : i32
        %parallel_loop3A_1547 = arith.index_cast %parallel_loop3A_1545 : i32 to index
        %parallel_loop3A_1548 = arith.index_cast %parallel_loop3A_1546 : i32 to index
        %parallel_loop3A_1549 = arith.index_cast %scan3A_1488 : i32 to index
        %parallel_loop3A_1550 = arith.index_cast %parallel_loop3A_1493 : i32 to index
        %parallel_loop3A_1551 = tpu.vector_load %arg7[%parallel_loop3A_1547, %parallel_loop3A_1548, %parallel_loop3A_1549, %parallel_loop3A_1550] {strides = array<i32>} : memref<4x4x8x768xf32, #tpu.memory_space<vmem>>, vector<1x1x1x16xf32>,
        %parallel_loop3A_1552 = vector.shape_cast %parallel_loop3A_1551 : vector<1x1x1x16xf32> to vector<16xf32>
        %parallel_loop3A_1553 = vector.shape_cast %parallel_loop3A_1544 : vector<16xf32> to vector<1x1x1x16xf32>
        tpu.vector_store %arg7[%parallel_loop3A_1547, %parallel_loop3A_1548, %parallel_loop3A_1549, %parallel_loop3A_1550], %parallel_loop3A_1553 {strides = array<i32>} : memref<4x4x8x768xf32, #tpu.memory_space<vmem>>, vector<1x1x1x16xf32>,
        %parallel_loop3A_1554 = arith.constant 2 : i32
        %parallel_loop3A_1555 = arith.constant 3 : i32
        %parallel_loop3A_1556 = arith.index_cast %parallel_loop3A_1554 : i32 to index
        %parallel_loop3A_1557 = arith.index_cast %parallel_loop3A_1555 : i32 to index
        %parallel_loop3A_1558 = arith.index_cast %scan3A_1488 : i32 to index
        %parallel_loop3A_1559 = arith.index_cast %parallel_loop3A_1493 : i32 to index
        %parallel_loop3A_1560 = tpu.vector_load %arg7[%parallel_loop3A_1556, %parallel_loop3A_1557, %parallel_loop3A_1558, %parallel_loop3A_1559] {strides = array<i32>} : memref<4x4x8x768xf32, #tpu.memory_space<vmem>>, vector<1x1x1x16xf32>,
        %parallel_loop3A_1561 = vector.shape_cast %parallel_loop3A_1560 : vector<1x1x1x16xf32> to vector<16xf32>
        %parallel_loop3A_1562 = arith.addf %parallel_loop3A_1561, %parallel_loop3A_1499 : vector<16xf32>
        %parallel_loop3A_1563 = arith.constant 2 : i32
        %parallel_loop3A_1564 = arith.constant 3 : i32
        %parallel_loop3A_1565 = arith.index_cast %parallel_loop3A_1563 : i32 to index
        %parallel_loop3A_1566 = arith.index_cast %parallel_loop3A_1564 : i32 to index
        %parallel_loop3A_1567 = arith.index_cast %scan3A_1488 : i32 to index
        %parallel_loop3A_1568 = arith.index_cast %parallel_loop3A_1493 : i32 to index
        %parallel_loop3A_1569 = tpu.vector_load %arg7[%parallel_loop3A_1565, %parallel_loop3A_1566, %parallel_loop3A_1567, %parallel_loop3A_1568] {strides = array<i32>} : memref<4x4x8x768xf32, #tpu.memory_space<vmem>>, vector<1x1x1x16xf32>,
        %parallel_loop3A_1570 = vector.shape_cast %parallel_loop3A_1569 : vector<1x1x1x16xf32> to vector<16xf32>
        %parallel_loop3A_1571 = vector.shape_cast %parallel_loop3A_1562 : vector<16xf32> to vector<1x1x1x16xf32>
        tpu.vector_store %arg7[%parallel_loop3A_1565, %parallel_loop3A_1566, %parallel_loop3A_1567, %parallel_loop3A_1568], %parallel_loop3A_1571 {strides = array<i32>} : memref<4x4x8x768xf32, #tpu.memory_space<vmem>>, vector<1x1x1x16xf32>,
      } {sc.loop_unroll_factor = 8 : i64, sc.parallel_access}
    }
    %scan3A_1310 = arith.constant 8 : i32
    %add3A_1311 = arith.constant 48 : i32
    %add3A_1312 = arith.addi %mul3A_2, %add3A_1311 : i32
    %dma_start3A_1313 = arith.constant 2 : i32
    %dma_start3A_1314 = arith.constant 0 : i32
    %dma_start3A_1315 = arith.constant 0 : i32
    %dma_start3A_1316 = arith.constant 0 : i32
    %dma_start3A_1317 = tpu.memref_slice %arg7[%dma_start3A_1313, %dma_start3A_1314, %dma_start3A_1315, %dma_start3A_1316] : memref<4x4x8x768xf32, #tpu.memory_space<vmem>> -> memref<1x4x8x768xf32, #tpu.memory_space<vmem>>
    %dma_start3A_1318 = tpu.memref_squeeze %dma_start3A_1317 : memref<1x4x8x768xf32, #tpu.memory_space<vmem>> -> memref<4x8x768xf32, #tpu.memory_space<vmem>>
    %dma_start3A_1319 = arith.constant 0 : i32
    %dma_start3A_1320 = arith.constant 0 : i32
    %dma_start3A_1321 = tpu.memref_slice %arg5[%dma_start3A_1319, %add3A_1312, %dma_start3A_1320] : memref<4x2048x768xf32, #tpu.memory_space<hbm>> -> memref<4x8x768xf32, #tpu.memory_space<hbm>>
    %dma_start3A_1322 = arith.constant 0 : i32
    %dma_start3A_1323 = arith.constant 0 : i32
    %dma_start3A_1324 = tpu.memref_slice %arg5[%dma_start3A_1322, %add3A_1312, %dma_start3A_1323] : memref<4x2048x768xf32, #tpu.memory_space<hbm>> -> memref<4x8x768xf32, #tpu.memory_space<hbm>>
    %dma_start3A_1325 = arith.constant 0 : i32
    %dma_start3A_1326 = arith.constant 0 : i32
    %dma_start3A_1327 = arith.constant 0 : i32
    %dma_start3A_1328 = tpu.memref_slice %arg7[%dma_start3A_1313, %dma_start3A_1325, %dma_start3A_1326, %dma_start3A_1327] : memref<4x4x8x768xf32, #tpu.memory_space<vmem>> -> memref<1x4x8x768xf32, #tpu.memory_space<vmem>>
    %dma_start3A_1329 = tpu.memref_squeeze %dma_start3A_1328 : memref<1x4x8x768xf32, #tpu.memory_space<vmem>> -> memref<4x8x768xf32, #tpu.memory_space<vmem>>
    tpu.enqueue_dma source(%dma_start3A_1329 : memref<4x8x768xf32, #tpu.memory_space<vmem>>) target(%dma_start3A_1324 : memref<4x8x768xf32, #tpu.memory_space<hbm>>) target_semaphore(%arg10 : memref<!tpu.dma_semaphore, #tpu.memory_space<semaphore_mem>>)
    %dma_wait3A_1330 = arith.constant 0 : i32
    %dma_wait3A_1331 = arith.constant 3 : i32
    %dma_wait3A_1332 = arith.constant 0 : i32
    %dma_wait3A_1333 = arith.constant 0 : i32
    %dma_wait3A_1334 = arith.constant 0 : i32
    %dma_wait3A_1335 = tpu.memref_slice %arg7[%dma_wait3A_1331, %dma_wait3A_1332, %dma_wait3A_1333, %dma_wait3A_1334] : memref<4x4x8x768xf32, #tpu.memory_space<vmem>> -> memref<1x1x8x768xf32, #tpu.memory_space<vmem>>
    %dma_wait3A_1336 = tpu.memref_squeeze %dma_wait3A_1335 : memref<1x1x8x768xf32, #tpu.memory_space<vmem>> -> memref<8x768xf32, #tpu.memory_space<vmem>>
    %dma_wait3A_1337 = arith.constant 56 : i32
    %dma_wait3A_1338 = tpu.memref_slice %arg6[%dma_wait3A_1330, %dma_wait3A_1337] : memref<4x64xi32, #tpu.memory_space<vmem>> -> memref<1x8xi32, #tpu.memory_space<vmem>>
    %dma_wait3A_1339 = tpu.memref_squeeze %dma_wait3A_1338 : memref<1x8xi32, #tpu.memory_space<vmem>> -> memref<8xi32, #tpu.memory_space<vmem>>
    %dma_wait3A_1340 = arith.constant 0 : i32
    %dma_wait3A_1341 = arith.constant 0 : i32
    %dma_wait3A_1342 = tpu.memref_slice %arg3[%dma_wait3A_1340, %dma_wait3A_1341] : memref<100000x768xf32, #tpu.memory_space<hbm>> -> memref<100000x768xf32, #tpu.memory_space<hbm>>
    tpu.wait_indirect_dma semaphore(%arg9 : memref<!tpu.dma_semaphore, #tpu.memory_space<semaphore_mem>>) src(%dma_wait3A_1342 : memref<100000x768xf32, #tpu.memory_space<hbm>>) dst(%dma_wait3A_1336 : memref<8x768xf32, #tpu.memory_space<vmem>>)
    %dma_wait3A_1343 = arith.constant 1 : i32
    %dma_wait3A_1344 = arith.constant 3 : i32
    %dma_wait3A_1345 = arith.constant 1 : i32
    %dma_wait3A_1346 = arith.constant 0 : i32
    %dma_wait3A_1347 = arith.constant 0 : i32
    %dma_wait3A_1348 = tpu.memref_slice %arg7[%dma_wait3A_1344, %dma_wait3A_1345, %dma_wait3A_1346, %dma_wait3A_1347] : memref<4x4x8x768xf32, #tpu.memory_space<vmem>> -> memref<1x1x8x768xf32, #tpu.memory_space<vmem>>
    %dma_wait3A_1349 = tpu.memref_squeeze %dma_wait3A_1348 : memref<1x1x8x768xf32, #tpu.memory_space<vmem>> -> memref<8x768xf32, #tpu.memory_space<vmem>>
    %dma_wait3A_1350 = arith.constant 56 : i32
    %dma_wait3A_1351 = tpu.memref_slice %arg6[%dma_wait3A_1343, %dma_wait3A_1350] : memref<4x64xi32, #tpu.memory_space<vmem>> -> memref<1x8xi32, #tpu.memory_space<vmem>>
    %dma_wait3A_1352 = tpu.memref_squeeze %dma_wait3A_1351 : memref<1x8xi32, #tpu.memory_space<vmem>> -> memref<8xi32, #tpu.memory_space<vmem>>
    %dma_wait3A_1353 = arith.constant 0 : i32
    %dma_wait3A_1354 = arith.constant 0 : i32
    %dma_wait3A_1355 = tpu.memref_slice %arg3[%dma_wait3A_1353, %dma_wait3A_1354] : memref<100000x768xf32, #tpu.memory_space<hbm>> -> memref<100000x768xf32, #tpu.memory_space<hbm>>
    tpu.wait_indirect_dma semaphore(%arg9 : memref<!tpu.dma_semaphore, #tpu.memory_space<semaphore_mem>>) src(%dma_wait3A_1355 : memref<100000x768xf32, #tpu.memory_space<hbm>>) dst(%dma_wait3A_1349 : memref<8x768xf32, #tpu.memory_space<vmem>>)
    %dma_wait3A_1356 = arith.constant 2 : i32
    %dma_wait3A_1357 = arith.constant 3 : i32
    %dma_wait3A_1358 = arith.constant 2 : i32
    %dma_wait3A_1359 = arith.constant 0 : i32
    %dma_wait3A_1360 = arith.constant 0 : i32
    %dma_wait3A_1361 = tpu.memref_slice %arg7[%dma_wait3A_1357, %dma_wait3A_1358, %dma_wait3A_1359, %dma_wait3A_1360] : memref<4x4x8x768xf32, #tpu.memory_space<vmem>> -> memref<1x1x8x768xf32, #tpu.memory_space<vmem>>
    %dma_wait3A_1362 = tpu.memref_squeeze %dma_wait3A_1361 : memref<1x1x8x768xf32, #tpu.memory_space<vmem>> -> memref<8x768xf32, #tpu.memory_space<vmem>>
    %dma_wait3A_1363 = arith.constant 56 : i32
    %dma_wait3A_1364 = tpu.memref_slice %arg6[%dma_wait3A_1356, %dma_wait3A_1363] : memref<4x64xi32, #tpu.memory_space<vmem>> -> memref<1x8xi32, #tpu.memory_space<vmem>>
    %dma_wait3A_1365 = tpu.memref_squeeze %dma_wait3A_1364 : memref<1x8xi32, #tpu.memory_space<vmem>> -> memref<8xi32, #tpu.memory_space<vmem>>
    %dma_wait3A_1366 = arith.constant 0 : i32
    %dma_wait3A_1367 = arith.constant 0 : i32
    %dma_wait3A_1368 = tpu.memref_slice %arg3[%dma_wait3A_1366, %dma_wait3A_1367] : memref<100000x768xf32, #tpu.memory_space<hbm>> -> memref<100000x768xf32, #tpu.memory_space<hbm>>
    tpu.wait_indirect_dma semaphore(%arg9 : memref<!tpu.dma_semaphore, #tpu.memory_space<semaphore_mem>>) src(%dma_wait3A_1368 : memref<100000x768xf32, #tpu.memory_space<hbm>>) dst(%dma_wait3A_1362 : memref<8x768xf32, #tpu.memory_space<vmem>>)
    %dma_wait3A_1369 = arith.constant 3 : i32
    %dma_wait3A_1370 = arith.constant 3 : i32
    %dma_wait3A_1371 = arith.constant 3 : i32
    %dma_wait3A_1372 = arith.constant 0 : i32
    %dma_wait3A_1373 = arith.constant 0 : i32
    %dma_wait3A_1374 = tpu.memref_slice %arg7[%dma_wait3A_1370, %dma_wait3A_1371, %dma_wait3A_1372, %dma_wait3A_1373] : memref<4x4x8x768xf32, #tpu.memory_space<vmem>> -> memref<1x1x8x768xf32, #tpu.memory_space<vmem>>
    %dma_wait3A_1375 = tpu.memref_squeeze %dma_wait3A_1374 : memref<1x1x8x768xf32, #tpu.memory_space<vmem>> -> memref<8x768xf32, #tpu.memory_space<vmem>>
    %dma_wait3A_1376 = arith.constant 56 : i32
    %dma_wait3A_1377 = tpu.memref_slice %arg6[%dma_wait3A_1369, %dma_wait3A_1376] : memref<4x64xi32, #tpu.memory_space<vmem>> -> memref<1x8xi32, #tpu.memory_space<vmem>>
    %dma_wait3A_1378 = tpu.memref_squeeze %dma_wait3A_1377 : memref<1x8xi32, #tpu.memory_space<vmem>> -> memref<8xi32, #tpu.memory_space<vmem>>
    %dma_wait3A_1379 = arith.constant 0 : i32
    %dma_wait3A_1380 = arith.constant 0 : i32
    %dma_wait3A_1381 = tpu.memref_slice %arg3[%dma_wait3A_1379, %dma_wait3A_1380] : memref<100000x768xf32, #tpu.memory_space<hbm>> -> memref<100000x768xf32, #tpu.memory_space<hbm>>
    tpu.wait_indirect_dma semaphore(%arg9 : memref<!tpu.dma_semaphore, #tpu.memory_space<semaphore_mem>>) src(%dma_wait3A_1381 : memref<100000x768xf32, #tpu.memory_space<hbm>>) dst(%dma_wait3A_1375 : memref<8x768xf32, #tpu.memory_space<vmem>>)
    %dma_wait3A_1382 = arith.constant 3 : i32
    %dma_wait3A_1383 = arith.constant 0 : i32
    %dma_wait3A_1384 = arith.constant 0 : i32
    %dma_wait3A_1385 = tpu.memref_slice %arg8[%dma_wait3A_1382, %dma_wait3A_1383, %dma_wait3A_1384] : memref<4x8x768xf32, #tpu.memory_space<vmem>> -> memref<1x8x768xf32, #tpu.memory_space<vmem>>
    %dma_wait3A_1386 = tpu.memref_squeeze %dma_wait3A_1385 : memref<1x8x768xf32, #tpu.memory_space<vmem>> -> memref<8x768xf32, #tpu.memory_space<vmem>>
    %dma_wait3A_1387 = arith.constant 0 : i32
    %dma_wait3A_1388 = tpu.memref_slice %arg4[%add3A_1136, %dma_wait3A_1387] : memref<2048x768xf32, #tpu.memory_space<hbm>> -> memref<8x768xf32, #tpu.memory_space<hbm>>
    %dma_wait3A_1389 = arith.constant 0 : i32
    %dma_wait3A_1390 = arith.constant 0 : i32
    %dma_wait3A_1391 = tpu.memref_slice %arg8[%dma_wait3A_1382, %dma_wait3A_1389, %dma_wait3A_1390] : memref<4x8x768xf32, #tpu.memory_space<vmem>> -> memref<1x8x768xf32, #tpu.memory_space<vmem>>
    %dma_wait3A_1392 = tpu.memref_squeeze %dma_wait3A_1391 : memref<1x8x768xf32, #tpu.memory_space<vmem>> -> memref<8x768xf32, #tpu.memory_space<vmem>>
    %dma_wait3A_1393 = arith.constant 0 : i32
    %dma_wait3A_1394 = tpu.memref_slice %arg4[%add3A_1136, %dma_wait3A_1393] : memref<2048x768xf32, #tpu.memory_space<hbm>> -> memref<8x768xf32, #tpu.memory_space<hbm>>
    tpu.wait_dma2 semaphore(%arg9 : memref<!tpu.dma_semaphore, #tpu.memory_space<semaphore_mem>>) src(%dma_wait3A_1394 : memref<8x768xf32, #tpu.memory_space<hbm>>) dst(%dma_wait3A_1392 : memref<8x768xf32, #tpu.memory_space<vmem>>)
    %scan3A_1395 = arith.constant 0 : i32
    %scan3A_1396 = arith.constant 0 : i32
    %scan3A_1397 = arith.constant 8 : i32
    %scan3A_1398 = arith.addi %scan3A_1396, %scan3A_1397 : i32
    %scan3A_1399 = arith.constant 1 : i32
    scf.for %scan3A_1488 = %scan3A_1396 to %scan3A_1398 step %scan3A_1399  : i32 {
      %parallel_loop3A = arith.constant 0 : i32
      %parallel_loop3A_1489 = arith.constant 48 : i32
      %parallel_loop3A_1490 = arith.constant 1 : i32
      scf.for %parallel_loop3A_1491 = %parallel_loop3A to %parallel_loop3A_1489 step %parallel_loop3A_1490  : i32 {
        %parallel_loop3A_1492 = arith.constant 16 : i32
        %parallel_loop3A_1493 = arith.muli %parallel_loop3A_1491, %parallel_loop3A_1492 : i32
        %parallel_loop3A_1494 = arith.constant 3 : i32
        %parallel_loop3A_1495 = arith.index_cast %parallel_loop3A_1494 : i32 to index
        %parallel_loop3A_1496 = arith.index_cast %scan3A_1488 : i32 to index
        %parallel_loop3A_1497 = arith.index_cast %parallel_loop3A_1493 : i32 to index
        %parallel_loop3A_1498 = tpu.vector_load %arg8[%parallel_loop3A_1495, %parallel_loop3A_1496, %parallel_loop3A_1497] {strides = array<i32>} : memref<4x8x768xf32, #tpu.memory_space<vmem>>, vector<1x1x16xf32>,
        %parallel_loop3A_1499 = vector.shape_cast %parallel_loop3A_1498 : vector<1x1x16xf32> to vector<16xf32>
        %parallel_loop3A_1500 = arith.constant 3 : i32
        %parallel_loop3A_1501 = arith.constant 0 : i32
        %parallel_loop3A_1502 = arith.index_cast %parallel_loop3A_1500 : i32 to index
        %parallel_loop3A_1503 = arith.index_cast %parallel_loop3A_1501 : i32 to index
        %parallel_loop3A_1504 = arith.index_cast %scan3A_1488 : i32 to index
        %parallel_loop3A_1505 = arith.index_cast %parallel_loop3A_1493 : i32 to index
        %parallel_loop3A_1506 = tpu.vector_load %arg7[%parallel_loop3A_1502, %parallel_loop3A_1503, %parallel_loop3A_1504, %parallel_loop3A_1505] {strides = array<i32>} : memref<4x4x8x768xf32, #tpu.memory_space<vmem>>, vector<1x1x1x16xf32>,
        %parallel_loop3A_1507 = vector.shape_cast %parallel_loop3A_1506 : vector<1x1x1x16xf32> to vector<16xf32>
        %parallel_loop3A_1508 = arith.addf %parallel_loop3A_1507, %parallel_loop3A_1499 : vector<16xf32>
        %parallel_loop3A_1509 = arith.constant 3 : i32
        %parallel_loop3A_1510 = arith.constant 0 : i32
        %parallel_loop3A_1511 = arith.index_cast %parallel_loop3A_1509 : i32 to index
        %parallel_loop3A_1512 = arith.index_cast %parallel_loop3A_1510 : i32 to index
        %parallel_loop3A_1513 = arith.index_cast %scan3A_1488 : i32 to index
        %parallel_loop3A_1514 = arith.index_cast %parallel_loop3A_1493 : i32 to index
        %parallel_loop3A_1515 = tpu.vector_load %arg7[%parallel_loop3A_1511, %parallel_loop3A_1512, %parallel_loop3A_1513, %parallel_loop3A_1514] {strides = array<i32>} : memref<4x4x8x768xf32, #tpu.memory_space<vmem>>, vector<1x1x1x16xf32>,
        %parallel_loop3A_1516 = vector.shape_cast %parallel_loop3A_1515 : vector<1x1x1x16xf32> to vector<16xf32>
        %parallel_loop3A_1517 = vector.shape_cast %parallel_loop3A_1508 : vector<16xf32> to vector<1x1x1x16xf32>
        tpu.vector_store %arg7[%parallel_loop3A_1511, %parallel_loop3A_1512, %parallel_loop3A_1513, %parallel_loop3A_1514], %parallel_loop3A_1517 {strides = array<i32>} : memref<4x4x8x768xf32, #tpu.memory_space<vmem>>, vector<1x1x1x16xf32>,
        %parallel_loop3A_1518 = arith.constant 3 : i32
        %parallel_loop3A_1519 = arith.constant 1 : i32
        %parallel_loop3A_1520 = arith.index_cast %parallel_loop3A_1518 : i32 to index
        %parallel_loop3A_1521 = arith.index_cast %parallel_loop3A_1519 : i32 to index
        %parallel_loop3A_1522 = arith.index_cast %scan3A_1488 : i32 to index
        %parallel_loop3A_1523 = arith.index_cast %parallel_loop3A_1493 : i32 to index
        %parallel_loop3A_1524 = tpu.vector_load %arg7[%parallel_loop3A_1520, %parallel_loop3A_1521, %parallel_loop3A_1522, %parallel_loop3A_1523] {strides = array<i32>} : memref<4x4x8x768xf32, #tpu.memory_space<vmem>>, vector<1x1x1x16xf32>,
        %parallel_loop3A_1525 = vector.shape_cast %parallel_loop3A_1524 : vector<1x1x1x16xf32> to vector<16xf32>
        %parallel_loop3A_1526 = arith.addf %parallel_loop3A_1525, %parallel_loop3A_1499 : vector<16xf32>
        %parallel_loop3A_1527 = arith.constant 3 : i32
        %parallel_loop3A_1528 = arith.constant 1 : i32
        %parallel_loop3A_1529 = arith.index_cast %parallel_loop3A_1527 : i32 to index
        %parallel_loop3A_1530 = arith.index_cast %parallel_loop3A_1528 : i32 to index
        %parallel_loop3A_1531 = arith.index_cast %scan3A_1488 : i32 to index
        %parallel_loop3A_1532 = arith.index_cast %parallel_loop3A_1493 : i32 to index
        %parallel_loop3A_1533 = tpu.vector_load %arg7[%parallel_loop3A_1529, %parallel_loop3A_1530, %parallel_loop3A_1531, %parallel_loop3A_1532] {strides = array<i32>} : memref<4x4x8x768xf32, #tpu.memory_space<vmem>>, vector<1x1x1x16xf32>,
        %parallel_loop3A_1534 = vector.shape_cast %parallel_loop3A_1533 : vector<1x1x1x16xf32> to vector<16xf32>
        %parallel_loop3A_1535 = vector.shape_cast %parallel_loop3A_1526 : vector<16xf32> to vector<1x1x1x16xf32>
        tpu.vector_store %arg7[%parallel_loop3A_1529, %parallel_loop3A_1530, %parallel_loop3A_1531, %parallel_loop3A_1532], %parallel_loop3A_1535 {strides = array<i32>} : memref<4x4x8x768xf32, #tpu.memory_space<vmem>>, vector<1x1x1x16xf32>,
        %parallel_loop3A_1536 = arith.constant 3 : i32
        %parallel_loop3A_1537 = arith.constant 2 : i32
        %parallel_loop3A_1538 = arith.index_cast %parallel_loop3A_1536 : i32 to index
        %parallel_loop3A_1539 = arith.index_cast %parallel_loop3A_1537 : i32 to index
        %parallel_loop3A_1540 = arith.index_cast %scan3A_1488 : i32 to index
        %parallel_loop3A_1541 = arith.index_cast %parallel_loop3A_1493 : i32 to index
        %parallel_loop3A_1542 = tpu.vector_load %arg7[%parallel_loop3A_1538, %parallel_loop3A_1539, %parallel_loop3A_1540, %parallel_loop3A_1541] {strides = array<i32>} : memref<4x4x8x768xf32, #tpu.memory_space<vmem>>, vector<1x1x1x16xf32>,
        %parallel_loop3A_1543 = vector.shape_cast %parallel_loop3A_1542 : vector<1x1x1x16xf32> to vector<16xf32>
        %parallel_loop3A_1544 = arith.addf %parallel_loop3A_1543, %parallel_loop3A_1499 : vector<16xf32>
        %parallel_loop3A_1545 = arith.constant 3 : i32
        %parallel_loop3A_1546 = arith.constant 2 : i32
        %parallel_loop3A_1547 = arith.index_cast %parallel_loop3A_1545 : i32 to index
        %parallel_loop3A_1548 = arith.index_cast %parallel_loop3A_1546 : i32 to index
        %parallel_loop3A_1549 = arith.index_cast %scan3A_1488 : i32 to index
        %parallel_loop3A_1550 = arith.index_cast %parallel_loop3A_1493 : i32 to index
        %parallel_loop3A_1551 = tpu.vector_load %arg7[%parallel_loop3A_1547, %parallel_loop3A_1548, %parallel_loop3A_1549, %parallel_loop3A_1550] {strides = array<i32>} : memref<4x4x8x768xf32, #tpu.memory_space<vmem>>, vector<1x1x1x16xf32>,
        %parallel_loop3A_1552 = vector.shape_cast %parallel_loop3A_1551 : vector<1x1x1x16xf32> to vector<16xf32>
        %parallel_loop3A_1553 = vector.shape_cast %parallel_loop3A_1544 : vector<16xf32> to vector<1x1x1x16xf32>
        tpu.vector_store %arg7[%parallel_loop3A_1547, %parallel_loop3A_1548, %parallel_loop3A_1549, %parallel_loop3A_1550], %parallel_loop3A_1553 {strides = array<i32>} : memref<4x4x8x768xf32, #tpu.memory_space<vmem>>, vector<1x1x1x16xf32>,
        %parallel_loop3A_1554 = arith.constant 3 : i32
        %parallel_loop3A_1555 = arith.constant 3 : i32
        %parallel_loop3A_1556 = arith.index_cast %parallel_loop3A_1554 : i32 to index
        %parallel_loop3A_1557 = arith.index_cast %parallel_loop3A_1555 : i32 to index
        %parallel_loop3A_1558 = arith.index_cast %scan3A_1488 : i32 to index
        %parallel_loop3A_1559 = arith.index_cast %parallel_loop3A_1493 : i32 to index
        %parallel_loop3A_1560 = tpu.vector_load %arg7[%parallel_loop3A_1556, %parallel_loop3A_1557, %parallel_loop3A_1558, %parallel_loop3A_1559] {strides = array<i32>} : memref<4x4x8x768xf32, #tpu.memory_space<vmem>>, vector<1x1x1x16xf32>,
        %parallel_loop3A_1561 = vector.shape_cast %parallel_loop3A_1560 : vector<1x1x1x16xf32> to vector<16xf32>
        %parallel_loop3A_1562 = arith.addf %parallel_loop3A_1561, %parallel_loop3A_1499 : vector<16xf32>
        %parallel_loop3A_1563 = arith.constant 3 : i32
        %parallel_loop3A_1564 = arith.constant 3 : i32
        %parallel_loop3A_1565 = arith.index_cast %parallel_loop3A_1563 : i32 to index
        %parallel_loop3A_1566 = arith.index_cast %parallel_loop3A_1564 : i32 to index
        %parallel_loop3A_1567 = arith.index_cast %scan3A_1488 : i32 to index
        %parallel_loop3A_1568 = arith.index_cast %parallel_loop3A_1493 : i32 to index
        %parallel_loop3A_1569 = tpu.vector_load %arg7[%parallel_loop3A_1565, %parallel_loop3A_1566, %parallel_loop3A_1567, %parallel_loop3A_1568] {strides = array<i32>} : memref<4x4x8x768xf32, #tpu.memory_space<vmem>>, vector<1x1x1x16xf32>,
        %parallel_loop3A_1570 = vector.shape_cast %parallel_loop3A_1569 : vector<1x1x1x16xf32> to vector<16xf32>
        %parallel_loop3A_1571 = vector.shape_cast %parallel_loop3A_1562 : vector<16xf32> to vector<1x1x1x16xf32>
        tpu.vector_store %arg7[%parallel_loop3A_1565, %parallel_loop3A_1566, %parallel_loop3A_1567, %parallel_loop3A_1568], %parallel_loop3A_1571 {strides = array<i32>} : memref<4x4x8x768xf32, #tpu.memory_space<vmem>>, vector<1x1x1x16xf32>,
      } {sc.loop_unroll_factor = 8 : i64, sc.parallel_access}
    }
    %scan3A_1400 = arith.constant 8 : i32
    %add3A_1401 = arith.constant 56 : i32
    %add3A_1402 = arith.addi %mul3A_2, %add3A_1401 : i32
    %dma_start3A_1403 = arith.constant 3 : i32
    %dma_start3A_1404 = arith.constant 0 : i32
    %dma_start3A_1405 = arith.constant 0 : i32
    %dma_start3A_1406 = arith.constant 0 : i32
    %dma_start3A_1407 = tpu.memref_slice %arg7[%dma_start3A_1403, %dma_start3A_1404, %dma_start3A_1405, %dma_start3A_1406] : memref<4x4x8x768xf32, #tpu.memory_space<vmem>> -> memref<1x4x8x768xf32, #tpu.memory_space<vmem>>
    %dma_start3A_1408 = tpu.memref_squeeze %dma_start3A_1407 : memref<1x4x8x768xf32, #tpu.memory_space<vmem>> -> memref<4x8x768xf32, #tpu.memory_space<vmem>>
    %dma_start3A_1409 = arith.constant 0 : i32
    %dma_start3A_1410 = arith.constant 0 : i32
    %dma_start3A_1411 = tpu.memref_slice %arg5[%dma_start3A_1409, %add3A_1402, %dma_start3A_1410] : memref<4x2048x768xf32, #tpu.memory_space<hbm>> -> memref<4x8x768xf32, #tpu.memory_space<hbm>>
    %dma_start3A_1412 = arith.constant 0 : i32
    %dma_start3A_1413 = arith.constant 0 : i32
    %dma_start3A_1414 = tpu.memref_slice %arg5[%dma_start3A_1412, %add3A_1402, %dma_start3A_1413] : memref<4x2048x768xf32, #tpu.memory_space<hbm>> -> memref<4x8x768xf32, #tpu.memory_space<hbm>>
    %dma_start3A_1415 = arith.constant 0 : i32
    %dma_start3A_1416 = arith.constant 0 : i32
    %dma_start3A_1417 = arith.constant 0 : i32
    %dma_start3A_1418 = tpu.memref_slice %arg7[%dma_start3A_1403, %dma_start3A_1415, %dma_start3A_1416, %dma_start3A_1417] : memref<4x4x8x768xf32, #tpu.memory_space<vmem>> -> memref<1x4x8x768xf32, #tpu.memory_space<vmem>>
    %dma_start3A_1419 = tpu.memref_squeeze %dma_start3A_1418 : memref<1x4x8x768xf32, #tpu.memory_space<vmem>> -> memref<4x8x768xf32, #tpu.memory_space<vmem>>
    tpu.enqueue_dma source(%dma_start3A_1419 : memref<4x8x768xf32, #tpu.memory_space<vmem>>) target(%dma_start3A_1414 : memref<4x8x768xf32, #tpu.memory_space<hbm>>) target_semaphore(%arg10 : memref<!tpu.dma_semaphore, #tpu.memory_space<semaphore_mem>>)
    %dma_wait3A_1420 = arith.constant 0 : i32
    %dma_wait3A_1421 = arith.constant 0 : i32
    %dma_wait3A_1422 = arith.constant 0 : i32
    %dma_wait3A_1423 = arith.constant 0 : i32
    %dma_wait3A_1424 = tpu.memref_slice %arg7[%dma_wait3A_1420, %dma_wait3A_1421, %dma_wait3A_1422, %dma_wait3A_1423] : memref<4x4x8x768xf32, #tpu.memory_space<vmem>> -> memref<1x4x8x768xf32, #tpu.memory_space<vmem>>
    %dma_wait3A_1425 = tpu.memref_squeeze %dma_wait3A_1424 : memref<1x4x8x768xf32, #tpu.memory_space<vmem>> -> memref<4x8x768xf32, #tpu.memory_space<vmem>>
    %dma_wait3A_1426 = arith.constant 0 : i32
    %dma_wait3A_1427 = arith.constant 0 : i32
    %dma_wait3A_1428 = tpu.memref_slice %arg5[%dma_wait3A_1426, %add3A_1048, %dma_wait3A_1427] : memref<4x2048x768xf32, #tpu.memory_space<hbm>> -> memref<4x8x768xf32, #tpu.memory_space<hbm>>
    %dma_wait3A_1429 = arith.constant 0 : i32
    %dma_wait3A_1430 = arith.constant 0 : i32
    %dma_wait3A_1431 = tpu.memref_slice %arg5[%dma_wait3A_1429, %add3A_1048, %dma_wait3A_1430] : memref<4x2048x768xf32, #tpu.memory_space<hbm>> -> memref<4x8x768xf32, #tpu.memory_space<hbm>>
    %dma_wait3A_1432 = arith.constant 0 : i32
    %dma_wait3A_1433 = arith.constant 0 : i32
    %dma_wait3A_1434 = arith.constant 0 : i32
    %dma_wait3A_1435 = tpu.memref_slice %arg7[%dma_wait3A_1420, %dma_wait3A_1432, %dma_wait3A_1433, %dma_wait3A_1434] : memref<4x4x8x768xf32, #tpu.memory_space<vmem>> -> memref<1x4x8x768xf32, #tpu.memory_space<vmem>>
    %dma_wait3A_1436 = tpu.memref_squeeze %dma_wait3A_1435 : memref<1x4x8x768xf32, #tpu.memory_space<vmem>> -> memref<4x8x768xf32, #tpu.memory_space<vmem>>
    tpu.wait_dma2 semaphore(%arg10 : memref<!tpu.dma_semaphore, #tpu.memory_space<semaphore_mem>>) src(%dma_wait3A_1436 : memref<4x8x768xf32, #tpu.memory_space<vmem>>) dst(%dma_wait3A_1431 : memref<4x8x768xf32, #tpu.memory_space<hbm>>)
    %dma_wait3A_1437 = arith.constant 1 : i32
    %dma_wait3A_1438 = arith.constant 0 : i32
    %dma_wait3A_1439 = arith.constant 0 : i32
    %dma_wait3A_1440 = arith.constant 0 : i32
    %dma_wait3A_1441 = tpu.memref_slice %arg7[%dma_wait3A_1437, %dma_wait3A_1438, %dma_wait3A_1439, %dma_wait3A_1440] : memref<4x4x8x768xf32, #tpu.memory_space<vmem>> -> memref<1x4x8x768xf32, #tpu.memory_space<vmem>>
    %dma_wait3A_1442 = tpu.memref_squeeze %dma_wait3A_1441 : memref<1x4x8x768xf32, #tpu.memory_space<vmem>> -> memref<4x8x768xf32, #tpu.memory_space<vmem>>
    %dma_wait3A_1443 = arith.constant 0 : i32
    %dma_wait3A_1444 = arith.constant 0 : i32
    %dma_wait3A_1445 = tpu.memref_slice %arg5[%dma_wait3A_1443, %add3A_1222, %dma_wait3A_1444] : memref<4x2048x768xf32, #tpu.memory_space<hbm>> -> memref<4x8x768xf32, #tpu.memory_space<hbm>>
    %dma_wait3A_1446 = arith.constant 0 : i32
    %dma_wait3A_1447 = arith.constant 0 : i32
    %dma_wait3A_1448 = tpu.memref_slice %arg5[%dma_wait3A_1446, %add3A_1222, %dma_wait3A_1447] : memref<4x2048x768xf32, #tpu.memory_space<hbm>> -> memref<4x8x768xf32, #tpu.memory_space<hbm>>
    %dma_wait3A_1449 = arith.constant 0 : i32
    %dma_wait3A_1450 = arith.constant 0 : i32
    %dma_wait3A_1451 = arith.constant 0 : i32
    %dma_wait3A_1452 = tpu.memref_slice %arg7[%dma_wait3A_1437, %dma_wait3A_1449, %dma_wait3A_1450, %dma_wait3A_1451] : memref<4x4x8x768xf32, #tpu.memory_space<vmem>> -> memref<1x4x8x768xf32, #tpu.memory_space<vmem>>
    %dma_wait3A_1453 = tpu.memref_squeeze %dma_wait3A_1452 : memref<1x4x8x768xf32, #tpu.memory_space<vmem>> -> memref<4x8x768xf32, #tpu.memory_space<vmem>>
    tpu.wait_dma2 semaphore(%arg10 : memref<!tpu.dma_semaphore, #tpu.memory_space<semaphore_mem>>) src(%dma_wait3A_1453 : memref<4x8x768xf32, #tpu.memory_space<vmem>>) dst(%dma_wait3A_1448 : memref<4x8x768xf32, #tpu.memory_space<hbm>>)
    %dma_wait3A_1454 = arith.constant 2 : i32
    %dma_wait3A_1455 = arith.constant 0 : i32
    %dma_wait3A_1456 = arith.constant 0 : i32
    %dma_wait3A_1457 = arith.constant 0 : i32
    %dma_wait3A_1458 = tpu.memref_slice %arg7[%dma_wait3A_1454, %dma_wait3A_1455, %dma_wait3A_1456, %dma_wait3A_1457] : memref<4x4x8x768xf32, #tpu.memory_space<vmem>> -> memref<1x4x8x768xf32, #tpu.memory_space<vmem>>
    %dma_wait3A_1459 = tpu.memref_squeeze %dma_wait3A_1458 : memref<1x4x8x768xf32, #tpu.memory_space<vmem>> -> memref<4x8x768xf32, #tpu.memory_space<vmem>>
    %dma_wait3A_1460 = arith.constant 0 : i32
    %dma_wait3A_1461 = arith.constant 0 : i32
    %dma_wait3A_1462 = tpu.memref_slice %arg5[%dma_wait3A_1460, %add3A_1312, %dma_wait3A_1461] : memref<4x2048x768xf32, #tpu.memory_space<hbm>> -> memref<4x8x768xf32, #tpu.memory_space<hbm>>
    %dma_wait3A_1463 = arith.constant 0 : i32
    %dma_wait3A_1464 = arith.constant 0 : i32
    %dma_wait3A_1465 = tpu.memref_slice %arg5[%dma_wait3A_1463, %add3A_1312, %dma_wait3A_1464] : memref<4x2048x768xf32, #tpu.memory_space<hbm>> -> memref<4x8x768xf32, #tpu.memory_space<hbm>>
    %dma_wait3A_1466 = arith.constant 0 : i32
    %dma_wait3A_1467 = arith.constant 0 : i32
    %dma_wait3A_1468 = arith.constant 0 : i32
    %dma_wait3A_1469 = tpu.memref_slice %arg7[%dma_wait3A_1454, %dma_wait3A_1466, %dma_wait3A_1467, %dma_wait3A_1468] : memref<4x4x8x768xf32, #tpu.memory_space<vmem>> -> memref<1x4x8x768xf32, #tpu.memory_space<vmem>>
    %dma_wait3A_1470 = tpu.memref_squeeze %dma_wait3A_1469 : memref<1x4x8x768xf32, #tpu.memory_space<vmem>> -> memref<4x8x768xf32, #tpu.memory_space<vmem>>
    tpu.wait_dma2 semaphore(%arg10 : memref<!tpu.dma_semaphore, #tpu.memory_space<semaphore_mem>>) src(%dma_wait3A_1470 : memref<4x8x768xf32, #tpu.memory_space<vmem>>) dst(%dma_wait3A_1465 : memref<4x8x768xf32, #tpu.memory_space<hbm>>)
    %dma_wait3A_1471 = arith.constant 3 : i32
    %dma_wait3A_1472 = arith.constant 0 : i32
    %dma_wait3A_1473 = arith.constant 0 : i32
    %dma_wait3A_1474 = arith.constant 0 : i32
    %dma_wait3A_1475 = tpu.memref_slice %arg7[%dma_wait3A_1471, %dma_wait3A_1472, %dma_wait3A_1473, %dma_wait3A_1474] : memref<4x4x8x768xf32, #tpu.memory_space<vmem>> -> memref<1x4x8x768xf32, #tpu.memory_space<vmem>>
    %dma_wait3A_1476 = tpu.memref_squeeze %dma_wait3A_1475 : memref<1x4x8x768xf32, #tpu.memory_space<vmem>> -> memref<4x8x768xf32, #tpu.memory_space<vmem>>
    %dma_wait3A_1477 = arith.constant 0 : i32
    %dma_wait3A_1478 = arith.constant 0 : i32
    %dma_wait3A_1479 = tpu.memref_slice %arg5[%dma_wait3A_1477, %add3A_1402, %dma_wait3A_1478] : memref<4x2048x768xf32, #tpu.memory_space<hbm>> -> memref<4x8x768xf32, #tpu.memory_space<hbm>>
    %dma_wait3A_1480 = arith.constant 0 : i32
    %dma_wait3A_1481 = arith.constant 0 : i32
    %dma_wait3A_1482 = tpu.memref_slice %arg5[%dma_wait3A_1480, %add3A_1402, %dma_wait3A_1481] : memref<4x2048x768xf32, #tpu.memory_space<hbm>> -> memref<4x8x768xf32, #tpu.memory_space<hbm>>
    %dma_wait3A_1483 = arith.constant 0 : i32
    %dma_wait3A_1484 = arith.constant 0 : i32
    %dma_wait3A_1485 = arith.constant 0 : i32
    %dma_wait3A_1486 = tpu.memref_slice %arg7[%dma_wait3A_1471, %dma_wait3A_1483, %dma_wait3A_1484, %dma_wait3A_1485] : memref<4x4x8x768xf32, #tpu.memory_space<vmem>> -> memref<1x4x8x768xf32, #tpu.memory_space<vmem>>
    %dma_wait3A_1487 = tpu.memref_squeeze %dma_wait3A_1486 : memref<1x4x8x768xf32, #tpu.memory_space<vmem>> -> memref<4x8x768xf32, #tpu.memory_space<vmem>>
    tpu.wait_dma2 semaphore(%arg10 : memref<!tpu.dma_semaphore, #tpu.memory_space<semaphore_mem>>) src(%dma_wait3A_1487 : memref<4x8x768xf32, #tpu.memory_space<vmem>>) dst(%dma_wait3A_1482 : memref<4x8x768xf32, #tpu.memory_space<hbm>>)
    return
  }
}

</mosaic_0001>

<sc_bundles>
// kernel: kernel.3.cloned.1.call-start
scs
__scs_entry_jumppad:
0x0: {  	(pc) =	sbr.rel $0x88, $3  }
0x1: {  	(tag) =	ssettag $0x0;
	lr =	simm.s32 $0x1  }
0x2: {  	[smem:$0x3F9E] =	sst lr;
	_ =	strace $0xD0000000  }
0x3: {  	_ = 	snop  }
0x4: {  	_ = 	snop  }
0x5: {  	_ = 	snop  }
0x6: {  	_ = 	snop  }
0x7: {  	_ = 	snop  }
__scs_overlays_trampoline_lowered:
0x8: {  	[smem:$0x3FAD] =	sst s0  }
0x9: {  	[smem:$0x3FAE] =	sst s1  }
0xa: {  	[smem:$0x3FAF] =	sst s2  }
0xb: {  	[smem:$0x3FB0] =	sst s3  }
0xc: {  	[smem:$0x3FB1] =	sst s4  }
0xd: {  	[smem:$0x3FB2] =	sst s5  }
0xe: {  	[smem:$0x3FB3] =	sst s6  }
0xf: {  	[smem:$0x3FB4] =	sst s7  }
0x10: {  	[smem:$0x3FB5] =	sst s8  }
0x11: {  	[smem:$0x3FB6] =	sst s9;
	s0 =	simm.s32 @!p0 $0x0  }
0x12: {  	s1 =	sld [smem:$0x3F9C];
	s0 =	simm.s32 @p0 $0x1  }
0x13: {  	[smem:$0x3FB7] =	sst s0;
	s0 =	simm.s32 @!p1 $0x0  }
0x14: {  	s2 =	sld [smem:$0x3F9B];
	s0 =	simm.s32 @p1 $0x1  }
0x15: {  	[smem:$0x3FB8] =	sst s0;
	s0 =	simm.s32 @!p2 $0x0  }
0x16: {  	s3 =	sld [smem:$0x3FDB];
	s0 =	simm.s32 @p2 $0x1  }
0x17: {  	s4 =	simm.s32 $0x1BF5;
	[smem:$0x3FBA] =	sst s0  }
0x18: {  	s0 =	sld [smem:$0x3F9D];
	_ =	swait.ge [sflag:s4], $0x0  }
0x19: {  	s7 =	sld [smem:$0x3F9E]  }
0x1a: {  	s8 =	sadd.s32 $0xFFFFE003, lr  }
0x1b: {  	s9 =	sadd.s32 $0xFFFFFEF7, lr;
	s5 =	simm.s32 $0xFFFFFFFF;
	p2 =	slt.u32 s8, $0xFFFFF086  }
0x1c: {  	p1 =	slt.u32 s9, $0xF7A;
	s5 =	simm.s32 @!p2 $0x0  }
0x1d: {  	s5 =	simm.s32 @p1 $0x1;
	p0 =	seq.s32 s7, s2  }
0x1e: {  	s7 =	smul.u32 @!p0 $0xF7A, s2;
	p2 =	seq.s32 @!p0 s5, $0x0  }
0x1f: {  	s9 =	smul.u32 $0xF7A, s1;
	s8 =	simm.s32 @!p0 $0x1BF5;
	p2 =	por !p2, p0  }
0x20: {  	[sflag:s8] =	ssyncset.s32 @!p0 $0xFFFFF086;
	s6 =	sadd.s32 @!p0 s3, s7;
	s7 =	simm.s32 @!p0 $0x108  }
0x21: {  	s3 =	sadd.s32 s3, s9;
	s6 =	sadd.s32 @!p0 $0x88, s6;
	s7 =	simm.s32 @p2 $0x1082  }
0x22: {  	[simem:s7], [sflag:s8] =	dma.local @!p0 [hbm:s6], $0xF7A  }
0x23: {  	s9 =	sor.u32 $0xD0000000, s2;
	s6 =	simm.s32 $0x108;
	_ =	swait.ge @!p0 [sflag:s8], $0x0  }
0x24: {  	s3 =	sadd.s32 $0x88, s3;
	s6 =	simm.s32 @!p1 $0x1082;
	[sflag:s4] =	ssyncset.s32 $0xFFFFF086  }
0x25: {  	[simem:s6], [sflag:s4] =	dma.local [hbm:s3], $0xF7A  }
0x26: {  	[smem:$0x3F9E] =	sst s1;
	(tag) =	ssettag s2;
	_ =	strace s9  }
0x27: {  	s1 =	sld [smem:$0x3FAE]  }
0x28: {  	s2 =	sld [smem:$0x3FAF]  }
0x29: {  	s4 =	sld [smem:$0x3FB1]  }
0x2a: {  	p0 =	seq.s32 s5, $0x0;
	s5 =	sld [smem:$0x3FB2]  }
0x2b: {  	s6 =	sld [smem:$0x3FB3]  }
0x2c: {  	s7 =	sld [smem:$0x3FB4]  }
0x2d: {  	s3 =	simm.s32 $0x108;
	s8 =	sld [smem:$0x3FB5]  }
0x2e: {  	s3 =	simm.s32 @!p0 $0x1082;
	s9 =	sld [smem:$0x3FB6]  }
0x2f: {  	lr =	sadd.s32 s0, s3;
	s0 =	sld [smem:$0x3FAD]  }
0x30: {  	s3 =	sld [smem:$0x3FB0]  }
0x31: {  	[smem:$0x3FB9] =	sst s10  }
0x32: {  	s10 =	sld [smem:$0x3FB7];
	_ =	sdelay $0x3  }
0x33: {  	p0 =	seq.s32 s10, $0x1;
	s10 =	sld [smem:$0x3FB9];
	_ =	sdelay $0x3  }
0x34: {  	[smem:$0x3FB9] =	sst s10  }
0x35: {  	s10 =	sld [smem:$0x3FB8];
	_ =	sdelay $0x3  }
0x36: {  	p1 =	seq.s32 s10, $0x1;
	s10 =	sld [smem:$0x3FB9];
	_ =	sdelay $0x3  }
0x37: {  	[smem:$0x3FB9] =	sst s10  }
0x38: {  	s10 =	sld [smem:$0x3FBA]  }
0x39: {  	_ = 	snop;
	(pc) =	sbr.ind lr, $3  }
0x3a: {  	_ = 	snop  }
0x3b: {  	_ = 	snop  }
0x3c: {  	p2 =	seq.s32 s10, $0x1;
	s10 =	sld [smem:$0x3FB9]  }
0x3d: {  	_ =	shalt  }
0x3e: {  	_ =	shalt  }
0x3f: {  	_ =	shalt  }
0x40: {  	_ =	shalt  }
0x41: {  	_ =	shalt  }
0x42: {  	_ =	shalt  }
0x43: {  	_ =	shalt  }
0x44: {  	_ =	shalt  }
0x45: {  	_ =	shalt  }
0x46: {  	_ =	shalt  }
0x47: {  	_ =	shalt  }
0x48: {  	_ =	shalt  }
0x49: {  	_ =	shalt  }
0x4a: {  	_ =	shalt  }
0x4b: {  	_ =	shalt  }
0x4c: {  	_ =	shalt  }
0x4d: {  	_ =	shalt  }
0x4e: {  	_ =	shalt  }
0x4f: {  	_ =	shalt  }
0x50: {  	_ =	shalt  }
0x51: {  	_ =	shalt  }
0x52: {  	_ =	shalt  }
0x53: {  	_ =	shalt  }
0x54: {  	_ =	shalt  }
0x55: {  	_ =	shalt  }
0x56: {  	_ =	shalt  }
0x57: {  	_ =	shalt  }
0x58: {  	_ =	shalt  }
0x59: {  	_ =	shalt  }
0x5a: {  	_ =	shalt  }
0x5b: {  	_ =	shalt  }
0x5c: {  	_ =	shalt  }
0x5d: {  	_ =	shalt  }
0x5e: {  	_ =	shalt  }
0x5f: {  	_ =	shalt  }
0x60: {  	_ =	shalt  }
0x61: {  	_ =	shalt  }
0x62: {  	_ =	shalt  }
0x63: {  	_ =	shalt  }
0x64: {  	_ =	shalt  }
0x65: {  	_ =	shalt  }
0x66: {  	_ =	shalt  }
0x67: {  	_ =	shalt  }
0x68: {  	_ =	shalt  }
0x69: {  	_ =	shalt  }
0x6a: {  	_ =	shalt  }
0x6b: {  	_ =	shalt  }
0x6c: {  	_ =	shalt  }
0x6d: {  	_ =	shalt  }
0x6e: {  	_ =	shalt  }
0x6f: {  	_ =	shalt  }
0x70: {  	_ =	shalt  }
0x71: {  	_ =	shalt  }
0x72: {  	_ =	shalt  }
0x73: {  	_ =	shalt  }
0x74: {  	_ =	shalt  }
0x75: {  	_ =	shalt  }
0x76: {  	_ =	shalt  }
0x77: {  	_ =	shalt  }
0x78: {  	_ =	shalt  }
0x79: {  	_ =	shalt  }
0x7a: {  	_ =	shalt  }
0x7b: {  	_ =	shalt  }
0x7c: {  	_ =	shalt  }
0x7d: {  	_ =	shalt  }
0x7e: {  	_ =	shalt  }
0x7f: {  	_ =	shalt  }
0x80: {  	_ =	shalt  }
0x81: {  	_ =	shalt  }
0x82: {  	_ =	shalt  }
0x83: {  	_ =	shalt  }
0x84: {  	_ =	shalt  }
0x85: {  	_ =	shalt  }
0x86: {  	_ =	shalt  }
0x87: {  	_ =	shalt  }
.Lfunc_end0:
.L_simem_size_0:
called_computation_lowered:
.L_overlay_start_0:
0x88: {  	s2 =	sld [smem:$0x3FD9]  }
0x89: {  	s3 =	sld [smem:$0x3FFE];
	_ =	sdelay $0x1  }
0x8a: {  	s1 =	srdreg.scid  }
0x8b: {  	s0 =	sand.u32 $0x1, s1  }
0x8c: {  	s18 =	sshll.u32 s0, $0xA;
	s2 =	sadd.s32 s3, s2  }
0x8d: {  	s2 =	sadd.s32 s2, s18  }
0x8e: {  	[smem:$0x3FC5] =	sst s2  }
0x8f: {  	_ = 	snop  }
0x90: {  	s2 =	sld [smem:$0x3FC9]  }
0x91: {  	s19 =	sld [smem:$0x3FC8]  }
0x92: {  	s4 =	sld [smem:$0x3FC7]  }
0x93: {  	s5 =	sld [smem:$0x3FD0];
	(tm) =	ssettm $0x1  }
0x94: {  	s6 =	sld [smem:$0x3FFB];
	_ =	sdelay $0x3  }
0x95: {  	_ =	strace s6  }
0x96: {  	s6 =	sld [smem:$0x3FFC];
	_ =	sdelay $0x3  }
0x97: {  	_ =	strace s6  }
0x98: {  	s6 =	sld [smem:$0x3FFD];
	_ =	sdelay $0x3  }
0x99: {  	_ =	strace s6  }
0x9a: {  	_ =	strace $0x8FFFFFFF  }
0x9b: {  	s20 =	sld [smem:$0x3FDB];
	_ =	sdelay $0x1  }
0x9c: {  	s7 =	simm.s32 $_scs_section_size  }
0x9d: {  	s8 =	simm.s32 $_size__tile_overlayer_lowered;
	s9 =	simm.s32 $_tile_overlayer_lowered  }
0x9e: {  	s23 =	simm.s32 $0x1BFF;
	s22 =	sshll.u32 s9, $0x1;
	s6 =	sadd.s32 s7, s20  }
0x9f: {  	s10 =	simm.s32 $0x0;
	s21 =	sshll.u32 s8, $0x1;
	s8 =	sadd.s32 s22, s6  }
0xa0: {  	[timem:s10], [sflag:s23] =	dma.local [hbm:s8], s21  }
0xa1: {  	_ =	swait.ge [sflag:s23], s21  }
0xa2: {  	s7 =	ssub.s32 $0x0, s21;
	[sflag:s23] =	ssyncset.done $0x0  }
0xa3: {  	[sflag:s23] =	ssyncadd.s32 s7;
	_ =	sdelay $0x1  }
0xa4: {  	s24 =	simm.s32 $0x1B8B  }
0xa5: {  	_ =	swait.ge [sflag:s24], $0x1  }
0xa6: {  	[sflag:s24] =	ssyncset.done $0x0  }
0xa7: {  	s25 =	simm.s32 $0x1B8E;
	[sflag:s24] =	ssyncadd.s32 $0xFFFFFFFF  }
0xa8: {  	s26 =	simm.s32 $execute0_lowered;
	[smem:$0x3FD2] =	sst s25  }
0xa9: {  	s7 =	sshll.u32 s26, $0x1;
	_ =	strace $0x80000046;
	[dreg:$0x1] =	wrdreg $0xFFFFFFFF  }
0xaa: {  	s28 =	simm.s32 $_size_execute0_lowered;
	s6 =	sadd.s32 s6, s7;
	[dreg:$0x0] =	wrdreg $0x0  }
0xab: {  	s7 =	sshll.u32 s28, $0x1;
	[dreg:$0x2] =	wrdreg s6  }
0xac: {  	[dreg:$0x3] =	wrdreg s7  }
0xad: {  	[dreg:$0x4] =	wrdreg $0xC0  }
0xae: {  	_ =	task [dreg:s10], $0x5FFFF  }
0xaf: {  	[dreg:$0x1] =	wrdreg $0xFFFFFFFF  }
0xb0: {  	[dreg:$0x0] =	wrdreg $0x60  }
0xb1: {  	[dreg:$0x2] =	wrdreg s2  }
0xb2: {  	[dreg:$0x3] =	wrdreg s19  }
0xb3: {  	[dreg:$0x4] =	wrdreg s4  }
0xb4: {  	[dreg:$0x5] =	wrdreg s5  }
0xb5: {  	[dreg:$0x6] =	wrdreg $0x9  }
0xb6: {  	_ =	task.clear_ibuf [dreg:s10], $0x7FFFF;
	_ =	strace $0x90000046  }
0xb7: {  	s29 =	simm.s32 $0x9;
	_ =	strace $0x80000048  }
0xb8: {  	_ =	swait.ge [sflag:s29], $0x1  }
0xb9: {  	[sflag:s29] =	ssyncadd.s32 $0xFFFFFFFF  }
0xba: {  	_ =	strace $0x90000048  }
0xbb: {  	_ =	sfence  }
0xbc: {  	s30 =	sld [smem:$0x0];
	_ =	sdelay $0x2  }
0xbd: {  	s31 =	sshll.u32 s1, $0xD;
	s1 =	sshrl.u32 s1, $0x2  }
0xbe: {  	s3 =	sand.u32 $0x4000, s31;
	s1 =	sadd.s32 s1, s30  }
0xbf: {  	s0 =	sor.u32 s3, s0;
	s1 =	sshll.u32 s1, $0x11  }
0xc0: {  	s0 =	sor.u32 s1, s0  }
0xc1: {  	s0 =	sadd.s32 $0x8F2B, s0  }
0xc2: {  	[sflag:s0] =	ssyncadd.remote.s32 $0x1  }
0xc3: {  	_ =	sfence.sel $0xFFFF  }
0xc4: {  	[dreg:$0x0] =	wrdreg $0xFFFFFFFF;
	(pc) =	sbr.abs _section_cstart, $3  }
0xc5: {  	[dreg:$0x1] =	wrdreg $0xFFFFFFFF  }
0xc6: {  	_ =	task.clear_ibuf [dreg:s10], $0x2FFFF;
	_ =	strace $0x9FFFFFFF  }
0xc7: {  	(tm) =	ssettm $0x7FFFFFFF  }
tec
execute0_lowered:
.L_overlay_start_1:
0x0: {  	(tag) =	ssettag $0x1  }
0x1: {  	s0 =	rddreg [dreg:$0x0]  }
0x2: {  	s1 =	rddreg [dreg:$0x1];
	s2 =	srdreg.scid  }
0x3: {  	s5 =	rddreg [dreg:$0x2];
	s3 =	stileid.u32  }
0x4: {  	s6 =	rddreg [dreg:$0x3];
	s31 =	simm.s32 $0x1;
	s2 =	sand.u32 $0x1, s2  }
0x5: {  	s29 =	simm.s32 $0x13200;
	s3 =	sshll.u32 s3, $0x7;
	s4 =	sshll.u32 s2, $0x6  }
0x6: {  	s30 =	simm.s32 $0x17200;
	s2 =	ssub.s32 $0x2, s2;
	s7 =	sor.u32 s4, s3  }
0x7: {  	s3 =	simm.s32 $0x0;
	s9 =	sshrl.u32 s2, $0x1;
	s8 =	sshll.u32 s7, $0x2  }
0x8: {  	[smem:$0x7FF] =	sst s3;
	s2 =	ssub.s32 s2, s9;
	s7 =	sshrl.u32 s7, $0x3  }
0x9: {  	s10 =	sand.u32 $0x1E00, s8;
	s8 =	sor.u32 s4, s8;
	s26 =	smul.u32 $0x300, s7  }
0xa: {  	s7 =	smul.u32 $0x1800, s7;
	s25 =	sor.u32 s4, s10;
	s8 =	sshrl.u32 s8, $0x3  }
0xb: {  	_ =	strace $0x80000047;
	s9 =	sshrl.u32 s25, $0x3;
	s28 =	sor.u32 $0x20, s8  }
0xc: {  	s8 =	sor.u32 $0x30, s8;
	s7 =	sshrl.u32 s7, $0x3;
	s10 =	sadd.s32 s0, s28  }
0xd: {  	s4 =	sadd.s32 s0, s9;
	s0 =	sadd.s32 s0, s8;
	[dreg:$0x6] =	wrdreg s10  }
0xe: {  	s12 =	sor.u32 $0x600, s26;
	s8 =	sadd.s32 s5, s26;
	[dreg:$0x7] =	wrdreg s0  }
0xf: {  	s13 =	sadd.s32 $0x900, s7;
	s14 =	sadd.s32 s5, s12;
	[dreg:$0x8] =	wrdreg s8  }
0x10: {  	s9 =	sadd.s32 s6, s26;
	s16 =	sadd.s32 $0xC00, s7;
	[dreg:$0xa] =	wrdreg s14  }
0x11: {  	s17 =	sadd.s32 $0xF00, s7;
	s28 =	smax.u32 s2, $0x1;
	[dreg:$0xb] =	wrdreg s9  }
0x12: {  	s21 =	sadd.s32 $0x1200, s7;
	s11 =	sadd.s32 $0x10, s4;
	[dreg:$0x18] =	wrdreg s28  }
0x13: {  	s7 =	sadd.s32 $0x1500, s7;
	s15 =	sadd.s32 s5, s13;
	[dreg:$0x5] =	wrdreg s11  }
0x14: {  	s2 =	simm.s32 $0x200;
	s18 =	sadd.s32 s5, s16;
	[dreg:$0xc] =	wrdreg s15  }
0x15: {  	s10 =	sor.u32 $0x300, s26;
	s8 =	sadd.s32 s6, s12;
	[dreg:$0xe] =	wrdreg s18  }
0x16: {  	s19 =	sadd.s32 s5, s17;
	s20 =	sadd.s32 s6, s13;
	[dreg:$0xf] =	wrdreg s8  }
0x17: {  	s22 =	sadd.s32 s5, s21;
	s23 =	sadd.s32 s5, s7;
	[dreg:$0x10] =	wrdreg s19  }
0x18: {  	s24 =	sadd.s32 s6, s17;
	s25 =	sadd.s32 s6, s21;
	[dreg:$0x11] =	wrdreg s20  }
0x19: {  	s26 =	sadd.s32 s6, s7;
	s7 =	simm.s32 $0xC200;
	[dreg:$0x12] =	wrdreg s22  }
0x1a: {  	s17 =	simm.s32 $0x12200;
	s12 =	simm.s32 $0x14200;
	[dreg:$0x14] =	wrdreg s23  }
0x1b: {  	s13 =	simm.s32 $0x16200;
	s21 =	simm.s32 $0x16A00;
	[dreg:$0x15] =	wrdreg s24  }
0x1c: {  	s9 =	simm.s32 $0x0;
	s11 =	sadd.s32 s5, s10;
	[dreg:$0x16] =	wrdreg s25  }
0x1d: {  	s0 =	sadd.s32 s6, s10;
	[dreg:$0x17] =	wrdreg s26;
	s24 =	sadd.s32 $0x100, s1  }
0x1e: {  	s26 =	sadd.s32 $0x200, s1;
	s5 =	simm.s32 $0x6200;
	s10 =	simm.s32 $0x180000  }
0x1f: {  	s18 =	simm.s32 $0x13A00;
	s19 =	simm.s32 $0x14A00;
	s8 =	simm.s32 $0x15200  }
0x20: {  	v0 =	vlaneseq.u32;
	s20 =	simm.s32 $0x15A00;
	s22 =	simm.s32 $0x17A00;
	[dreg:$0x9] =	wrdreg s11  }
0x21: {  	v1 =	vshrl.u32 v0, $0x3;
	s23 =	simm.s32 $0x2;
	[dreg:$0xd] =	wrdreg s0;
	s0 =	sadd.s32 s6, s16  }
0x22: {  	vm0 =	vmmov $0xffff;
	v0 =	vand.u32 $0x7, v0;
	v1 =	vmul.u32 $0x8, v1;
	s16 =	simm.s32 $0x1800;
	[dreg:$0x13] =	wrdreg s0;
	s0 =	simm.s32 $0x1CA00  }
.LBB2_1:
0x23: {  	[tilespmem:s3], [sflag:$0x1] =	stream.linear.gather [hbm4b:s4+s3], $0x40, $0x38;
	[tilespmem:$0x1E200] =	vst v63  }
0x24: {  	s6 =	rddreg [dreg:$0x5];
	s11 =	simm.s32 $0x80  }
0x25: {  	[tilespmem:s11], [sflag:$0x1] =	stream.linear.gather [hbm4b:s6+s3], $0x40, $0x38;
	[tilespmem:$0x1E200] =	vst v63  }
0x26: {  	s14 =	rddreg [dreg:$0x6];
	s15 =	simm.s32 $0x100  }
0x27: {  	[tilespmem:s15], [sflag:$0x1] =	stream.linear.gather [hbm4b:s14+s3], $0x40, $0x38;
	[tilespmem:$0x1E200] =	vst v63  }
0x28: {  	s25 =	rddreg [dreg:$0x7];
	s28 =	simm.s32 $0x180  }
0x29: {  	[tilespmem:s28], [sflag:$0x1] =	stream.linear.gather [hbm4b:s25+s3], $0x40, $0x38;
	[tilespmem:$0x1E200] =	vst v63  }
0x2a: {  	_ =	swait.ge [sflag:s31], $0x40  }
0x2b: {  	[sflag:s31] =	ssyncset.done $0x0  }
0x2c: {  	[sflag:s31] =	ssyncadd.s32 $0xFFFFFFC0  }
0x2d: {  	_ =	swait.ge [sflag:s31], $0x40  }
0x2e: {  	[sflag:s31] =	ssyncset.done $0x0  }
0x2f: {  	[sflag:s31] =	ssyncadd.s32 $0xFFFFFFC0  }
0x30: {  	_ =	swait.ge [sflag:s31], $0x40  }
0x31: {  	[sflag:s31] =	ssyncset.done $0x0  }
0x32: {  	[sflag:s31] =	ssyncadd.s32 $0xFFFFFFC0  }
0x33: {  	_ =	swait.ge [sflag:s31], $0x40  }
0x34: {  	[sflag:s31] =	ssyncset.done $0x0  }
0x35: {  	[sflag:s31] =	ssyncadd.s32 $0xFFFFFFC0  }
0x36: {  	v2 =	vld.msk [tilespmem:$0x0], $0xff;
	_ =	sdelay $0x4  }
0x37: {  	v3 =	vshrl.u32 v2, $0x3  }
0x38: {  	v3 =	vmul.u32 $0x30, v3  }
0x39: {  	v2 =	vand.u32 $0x7, v2  }
0x3a: {  	v2 =	vor.u32 v2, v3  }
0x3b: {  	v2 =	vperm.xlane v2, v0;
	_ =	sdelay $0x1  }
0x3c: {  	v2 =	vadd.s32 v1, v2;
	_ =	sdelay $0x4  }
0x3d: {  	[tilespmem:s2], [sflag:$0x1] =	stream.indirect_vreg.gather [hbm4b:s1+s3], $0x80, v2, vm0, $0xb8;
	[tilespmem:$0x1E200] =	vst v63  }
0x3e: {  	s14 =	simm.s32 $0xA00  }
0x3f: {  	[tilespmem:s14], [sflag:$0x1] =	stream.indirect_vreg.gather [hbm4b:s24+s3], $0x80, v2, vm0, $0xb8;
	[tilespmem:$0x1E200] =	vst v63  }
0x40: {  	s15 =	simm.s32 $0x1200  }
0x41: {  	[tilespmem:s15], [sflag:$0x1] =	stream.indirect_vreg.gather [hbm4b:s26+s3], $0x80, v2, vm0, $0xb8;
	[tilespmem:$0x1E200] =	vst v63  }
0x42: {  	v2 =	vld.msk [tilespmem:$0x80], $0xff;
	_ =	sdelay $0x4  }
0x43: {  	v3 =	vshrl.u32 v2, $0x3  }
0x44: {  	v3 =	vmul.u32 $0x30, v3  }
0x45: {  	v2 =	vand.u32 $0x7, v2  }
0x46: {  	v2 =	vor.u32 v2, v3  }
0x47: {  	v2 =	vperm.xlane v2, v0;
	_ =	sdelay $0x1  }
0x48: {  	v2 =	vadd.s32 v1, v2;
	_ =	sdelay $0x3  }
0x49: {  	s25 =	simm.s32 $0x1A00  }
0x4a: {  	[tilespmem:s25], [sflag:$0x1] =	stream.indirect_vreg.gather [hbm4b:s1+s3], $0x80, v2, vm0, $0xb8;
	[tilespmem:$0x1E200] =	vst v63  }
0x4b: {  	s28 =	simm.s32 $0x2200  }
0x4c: {  	[tilespmem:s28], [sflag:$0x1] =	stream.indirect_vreg.gather [hbm4b:s24+s3], $0x80, v2, vm0, $0xb8;
	[tilespmem:$0x1E200] =	vst v63  }
0x4d: {  	s11 =	simm.s32 $0x2A00  }
0x4e: {  	[tilespmem:s11], [sflag:$0x1] =	stream.indirect_vreg.gather [hbm4b:s26+s3], $0x80, v2, vm0, $0xb8;
	[tilespmem:$0x1E200] =	vst v63  }
0x4f: {  	v2 =	vld.msk [tilespmem:$0x100], $0xff;
	_ =	sdelay $0x4  }
0x50: {  	v3 =	vshrl.u32 v2, $0x3  }
0x51: {  	v3 =	vmul.u32 $0x30, v3  }
0x52: {  	v2 =	vand.u32 $0x7, v2  }
0x53: {  	v2 =	vor.u32 v2, v3  }
0x54: {  	v2 =	vperm.xlane v2, v0;
	_ =	sdelay $0x1  }
0x55: {  	v2 =	vadd.s32 v1, v2;
	_ =	sdelay $0x3  }
0x56: {  	s14 =	simm.s32 $0x3200  }
0x57: {  	[tilespmem:s14], [sflag:$0x1] =	stream.indirect_vreg.gather [hbm4b:s1+s3], $0x80, v2, vm0, $0xb8;
	[tilespmem:$0x1E200] =	vst v63  }
0x58: {  	s15 =	simm.s32 $0x3A00  }
0x59: {  	[tilespmem:s15], [sflag:$0x1] =	stream.indirect_vreg.gather [hbm4b:s24+s3], $0x80, v2, vm0, $0xb8;
	[tilespmem:$0x1E200] =	vst v63  }
0x5a: {  	s25 =	simm.s32 $0x4200  }
0x5b: {  	[tilespmem:s25], [sflag:$0x1] =	stream.indirect_vreg.gather [hbm4b:s26+s3], $0x80, v2, vm0, $0xb8;
	[tilespmem:$0x1E200] =	vst v63  }
0x5c: {  	v2 =	vld.msk [tilespmem:$0x180], $0xff;
	_ =	sdelay $0x4  }
0x5d: {  	v3 =	vshrl.u32 v2, $0x3  }
0x5e: {  	v3 =	vmul.u32 $0x30, v3  }
0x5f: {  	v2 =	vand.u32 $0x7, v2  }
0x60: {  	v2 =	vor.u32 v2, v3  }
0x61: {  	v2 =	vperm.xlane v2, v0;
	_ =	sdelay $0x1  }
0x62: {  	v2 =	vadd.s32 v1, v2;
	_ =	sdelay $0x3  }
0x63: {  	s28 =	simm.s32 $0x4A00  }
0x64: {  	[tilespmem:s28], [sflag:$0x1] =	stream.indirect_vreg.gather [hbm4b:s1+s3], $0x80, v2, vm0, $0xb8;
	[tilespmem:$0x1E200] =	vst v63  }
0x65: {  	s11 =	simm.s32 $0x5200  }
0x66: {  	[tilespmem:s11], [sflag:$0x1] =	stream.indirect_vreg.gather [hbm4b:s24+s3], $0x80, v2, vm0, $0xb8;
	[tilespmem:$0x1E200] =	vst v63  }
0x67: {  	s14 =	simm.s32 $0x5A00  }
0x68: {  	[tilespmem:s14], [sflag:$0x1] =	stream.indirect_vreg.gather [hbm4b:s26+s3], $0x80, v2, vm0, $0xb8;
	[tilespmem:$0x1E200] =	vst v63  }
0x69: {  	s15 =	rddreg [dreg:$0x8];
	s25 =	simm.s32 $0x18200  }
0x6a: {  	[tilespmem:s25], [sflag:$0x1] =	stream.linear.gather [hbm4b:s15+s3], $0x1800, $0x38;
	[tilespmem:$0x1E200] =	vst v63  }
0x6b: {  	v2 =	vld.msk [tilespmem:$0x8], $0xff;
	_ =	sdelay $0x4  }
0x6c: {  	v3 =	vshrl.u32 v2, $0x3  }
0x6d: {  	v3 =	vmul.u32 $0x30, v3  }
0x6e: {  	v2 =	vand.u32 $0x7, v2  }
0x6f: {  	v2 =	vor.u32 v2, v3  }
0x70: {  	v2 =	vperm.xlane v2, v0;
	_ =	sdelay $0x1  }
0x71: {  	v2 =	vadd.s32 v1, v2;
	_ =	sdelay $0x4  }
0x72: {  	[tilespmem:s5], [sflag:$0x1] =	stream.indirect_vreg.gather [hbm4b:s1+s3], $0x80, v2, vm0, $0xb8;
	[tilespmem:$0x1E200] =	vst v63  }
0x73: {  	s28 =	simm.s32 $0x6A00  }
0x74: {  	[tilespmem:s28], [sflag:$0x1] =	stream.indirect_vreg.gather [hbm4b:s24+s3], $0x80, v2, vm0, $0xb8;
	[tilespmem:$0x1E200] =	vst v63  }
0x75: {  	s11 =	simm.s32 $0x7200  }
0x76: {  	[tilespmem:s11], [sflag:$0x1] =	stream.indirect_vreg.gather [hbm4b:s26+s3], $0x80, v2, vm0, $0xb8;
	[tilespmem:$0x1E200] =	vst v63  }
0x77: {  	v2 =	vld.msk [tilespmem:$0x88], $0xff;
	_ =	sdelay $0x4  }
0x78: {  	v3 =	vshrl.u32 v2, $0x3  }
0x79: {  	v3 =	vmul.u32 $0x30, v3  }
0x7a: {  	v2 =	vand.u32 $0x7, v2  }
0x7b: {  	v2 =	vor.u32 v2, v3  }
0x7c: {  	v2 =	vperm.xlane v2, v0;
	_ =	sdelay $0x1  }
0x7d: {  	v2 =	vadd.s32 v1, v2;
	_ =	sdelay $0x3  }
0x7e: {  	s14 =	simm.s32 $0x7A00  }
0x7f: {  	[tilespmem:s14], [sflag:$0x1] =	stream.indirect_vreg.gather [hbm4b:s1+s3], $0x80, v2, vm0, $0xb8;
	[tilespmem:$0x1E200] =	vst v63  }
0x80: {  	s15 =	simm.s32 $0x8200  }
0x81: {  	[tilespmem:s15], [sflag:$0x1] =	stream.indirect_vreg.gather [hbm4b:s24+s3], $0x80, v2, vm0, $0xb8;
	[tilespmem:$0x1E200] =	vst v63  }
0x82: {  	s25 =	simm.s32 $0x8A00  }
0x83: {  	[tilespmem:s25], [sflag:$0x1] =	stream.indirect_vreg.gather [hbm4b:s26+s3], $0x80, v2, vm0, $0xb8;
	[tilespmem:$0x1E200] =	vst v63  }
0x84: {  	v2 =	vld.msk [tilespmem:$0x108], $0xff;
	_ =	sdelay $0x4  }
0x85: {  	v3 =	vshrl.u32 v2, $0x3  }
0x86: {  	v3 =	vmul.u32 $0x30, v3  }
0x87: {  	v2 =	vand.u32 $0x7, v2  }
0x88: {  	v2 =	vor.u32 v2, v3  }
0x89: {  	v2 =	vperm.xlane v2, v0;
	_ =	sdelay $0x1  }
0x8a: {  	v2 =	vadd.s32 v1, v2;
	_ =	sdelay $0x3  }
0x8b: {  	s28 =	simm.s32 $0x9200  }
0x8c: {  	[tilespmem:s28], [sflag:$0x1] =	stream.indirect_vreg.gather [hbm4b:s1+s3], $0x80, v2, vm0, $0xb8;
	[tilespmem:$0x1E200] =	vst v63  }
0x8d: {  	s11 =	simm.s32 $0x9A00  }
0x8e: {  	[tilespmem:s11], [sflag:$0x1] =	stream.indirect_vreg.gather [hbm4b:s24+s3], $0x80, v2, vm0, $0xb8;
	[tilespmem:$0x1E200] =	vst v63  }
0x8f: {  	s14 =	simm.s32 $0xA200  }
0x90: {  	[tilespmem:s14], [sflag:$0x1] =	stream.indirect_vreg.gather [hbm4b:s26+s3], $0x80, v2, vm0, $0xb8;
	[tilespmem:$0x1E200] =	vst v63  }
0x91: {  	v2 =	vld.msk [tilespmem:$0x188], $0xff;
	_ =	sdelay $0x4  }
0x92: {  	v3 =	vshrl.u32 v2, $0x3  }
0x93: {  	v3 =	vmul.u32 $0x30, v3  }
0x94: {  	v2 =	vand.u32 $0x7, v2  }
0x95: {  	v2 =	vor.u32 v2, v3  }
0x96: {  	v2 =	vperm.xlane v2, v0;
	_ =	sdelay $0x1  }
0x97: {  	v2 =	vadd.s32 v1, v2;
	_ =	sdelay $0x3  }
0x98: {  	s15 =	simm.s32 $0xAA00  }
0x99: {  	[tilespmem:s15], [sflag:$0x1] =	stream.indirect_vreg.gather [hbm4b:s1+s3], $0x80, v2, vm0, $0xb8;
	[tilespmem:$0x1E200] =	vst v63  }
0x9a: {  	s25 =	simm.s32 $0xB200  }
0x9b: {  	[tilespmem:s25], [sflag:$0x1] =	stream.indirect_vreg.gather [hbm4b:s24+s3], $0x80, v2, vm0, $0xb8;
	[tilespmem:$0x1E200] =	vst v63  }
0x9c: {  	s28 =	simm.s32 $0xBA00  }
0x9d: {  	[tilespmem:s28], [sflag:$0x1] =	stream.indirect_vreg.gather [hbm4b:s26+s3], $0x80, v2, vm0, $0xb8;
	[tilespmem:$0x1E200] =	vst v63  }
0x9e: {  	s11 =	rddreg [dreg:$0x9];
	s14 =	simm.s32 $0x19A00  }
0x9f: {  	[tilespmem:s14], [sflag:$0x1] =	stream.linear.gather [hbm4b:s11+s3], $0x1800, $0x38;
	[tilespmem:$0x1E200] =	vst v63  }
0xa0: {  	v2 =	vld.msk [tilespmem:$0x10], $0xff;
	_ =	sdelay $0x4  }
0xa1: {  	v3 =	vshrl.u32 v2, $0x3  }
0xa2: {  	v3 =	vmul.u32 $0x30, v3  }
0xa3: {  	v2 =	vand.u32 $0x7, v2  }
0xa4: {  	v2 =	vor.u32 v2, v3  }
0xa5: {  	v2 =	vperm.xlane v2, v0;
	_ =	sdelay $0x1  }
0xa6: {  	v2 =	vadd.s32 v1, v2;
	_ =	sdelay $0x4  }
0xa7: {  	[tilespmem:s7], [sflag:$0x1] =	stream.indirect_vreg.gather [hbm4b:s1+s3], $0x80, v2, vm0, $0xb8;
	[tilespmem:$0x1E200] =	vst v63  }
0xa8: {  	s15 =	simm.s32 $0xCA00  }
0xa9: {  	[tilespmem:s15], [sflag:$0x1] =	stream.indirect_vreg.gather [hbm4b:s24+s3], $0x80, v2, vm0, $0xb8;
	[tilespmem:$0x1E200] =	vst v63  }
0xaa: {  	s25 =	simm.s32 $0xD200  }
0xab: {  	[tilespmem:s25], [sflag:$0x1] =	stream.indirect_vreg.gather [hbm4b:s26+s3], $0x80, v2, vm0, $0xb8;
	[tilespmem:$0x1E200] =	vst v63  }
0xac: {  	v2 =	vld.msk [tilespmem:$0x90], $0xff;
	_ =	sdelay $0x4  }
0xad: {  	v3 =	vshrl.u32 v2, $0x3  }
0xae: {  	v3 =	vmul.u32 $0x30, v3  }
0xaf: {  	v2 =	vand.u32 $0x7, v2  }
0xb0: {  	v2 =	vor.u32 v2, v3  }
0xb1: {  	v2 =	vperm.xlane v2, v0;
	_ =	sdelay $0x1  }
0xb2: {  	v2 =	vadd.s32 v1, v2;
	_ =	sdelay $0x3  }
0xb3: {  	s28 =	simm.s32 $0xDA00  }
0xb4: {  	[tilespmem:s28], [sflag:$0x1] =	stream.indirect_vreg.gather [hbm4b:s1+s3], $0x80, v2, vm0, $0xb8;
	[tilespmem:$0x1E200] =	vst v63  }
0xb5: {  	s11 =	simm.s32 $0xE200  }
0xb6: {  	[tilespmem:s11], [sflag:$0x1] =	stream.indirect_vreg.gather [hbm4b:s24+s3], $0x80, v2, vm0, $0xb8;
	[tilespmem:$0x1E200] =	vst v63  }
0xb7: {  	s14 =	simm.s32 $0xEA00  }
0xb8: {  	[tilespmem:s14], [sflag:$0x1] =	stream.indirect_vreg.gather [hbm4b:s26+s3], $0x80, v2, vm0, $0xb8;
	[tilespmem:$0x1E200] =	vst v63  }
0xb9: {  	v2 =	vld.msk [tilespmem:$0x110], $0xff;
	_ =	sdelay $0x4  }
0xba: {  	v3 =	vshrl.u32 v2, $0x3  }
0xbb: {  	v3 =	vmul.u32 $0x30, v3  }
0xbc: {  	v2 =	vand.u32 $0x7, v2  }
0xbd: {  	v2 =	vor.u32 v2, v3  }
0xbe: {  	v2 =	vperm.xlane v2, v0;
	_ =	sdelay $0x1  }
0xbf: {  	v2 =	vadd.s32 v1, v2;
	_ =	sdelay $0x3  }
0xc0: {  	s15 =	simm.s32 $0xF200  }
0xc1: {  	[tilespmem:s15], [sflag:$0x1] =	stream.indirect_vreg.gather [hbm4b:s1+s3], $0x80, v2, vm0, $0xb8;
	[tilespmem:$0x1E200] =	vst v63  }
0xc2: {  	s25 =	simm.s32 $0xFA00  }
0xc3: {  	[tilespmem:s25], [sflag:$0x1] =	stream.indirect_vreg.gather [hbm4b:s24+s3], $0x80, v2, vm0, $0xb8;
	[tilespmem:$0x1E200] =	vst v63  }
0xc4: {  	s28 =	simm.s32 $0x10200  }
0xc5: {  	[tilespmem:s28], [sflag:$0x1] =	stream.indirect_vreg.gather [hbm4b:s26+s3], $0x80, v2, vm0, $0xb8;
	[tilespmem:$0x1E200] =	vst v63  }
0xc6: {  	v2 =	vld.msk [tilespmem:$0x190], $0xff;
	_ =	sdelay $0x4  }
0xc7: {  	v3 =	vshrl.u32 v2, $0x3  }
0xc8: {  	v3 =	vmul.u32 $0x30, v3  }
0xc9: {  	v2 =	vand.u32 $0x7, v2  }
0xca: {  	v2 =	vor.u32 v2, v3  }
0xcb: {  	v2 =	vperm.xlane v2, v0;
	_ =	sdelay $0x1  }
0xcc: {  	v2 =	vadd.s32 v1, v2;
	_ =	sdelay $0x3  }
0xcd: {  	s11 =	simm.s32 $0x10A00  }
0xce: {  	[tilespmem:s11], [sflag:$0x1] =	stream.indirect_vreg.gather [hbm4b:s1+s3], $0x80, v2, vm0, $0xb8;
	[tilespmem:$0x1E200] =	vst v63  }
0xcf: {  	s14 =	simm.s32 $0x11200  }
0xd0: {  	[tilespmem:s14], [sflag:$0x1] =	stream.indirect_vreg.gather [hbm4b:s24+s3], $0x80, v2, vm0, $0xb8;
	[tilespmem:$0x1E200] =	vst v63  }
0xd1: {  	s15 =	simm.s32 $0x11A00  }
0xd2: {  	[tilespmem:s15], [sflag:$0x1] =	stream.indirect_vreg.gather [hbm4b:s26+s3], $0x80, v2, vm0, $0xb8;
	[tilespmem:$0x1E200] =	vst v63  }
0xd3: {  	s25 =	rddreg [dreg:$0xa];
	s28 =	simm.s32 $0x1B200  }
0xd4: {  	[tilespmem:s28], [sflag:$0x1] =	stream.linear.gather [hbm4b:s25+s3], $0x1800, $0x38;
	[tilespmem:$0x1E200] =	vst v63  }
0xd5: {  	_ =	swait.ge [sflag:s31], $0x1800  }
0xd6: {  	[sflag:s31] =	ssyncset.done $0x0  }
0xd7: {  	[sflag:s31] =	ssyncadd.s32 $0xFFFFE800  }
0xd8: {  	_ =	swait.ge [sflag:s31], $0x1800  }
0xd9: {  	[sflag:s31] =	ssyncset.done $0x0  }
0xda: {  	[sflag:s31] =	ssyncadd.s32 $0xFFFFE800  }
0xdb: {  	_ =	swait.ge [sflag:s31], $0x1800  }
0xdc: {  	[sflag:s31] =	ssyncset.done $0x0  }
0xdd: {  	[sflag:s31] =	ssyncadd.s32 $0xFFFFE800  }
0xde: {  	_ =	swait.ge [sflag:s31], $0x1800  }
0xdf: {  	[sflag:s31] =	ssyncset.done $0x0  }
0xe0: {  	[sflag:s31] =	ssyncadd.s32 $0xFFFFE800  }
0xe1: {  	_ =	swait.ge [sflag:s31], $0x1800  }
0xe2: {  	[sflag:s31] =	ssyncset.done $0x0  }
0xe3: {  	s14 =	simm.s32 $0x0;
	s25 =	simm.s32 $0x0;
	[sflag:s31] =	ssyncadd.s32 $0xFFFFE800  }
.LBB2_2:
0xe4: {  	s6 =	sshra.s32 s14, $0x2  }
0xe5: {  	v2 =	vld [tilespmem:s6+$0x18270]  }
0xe6: {  	v3 =	vld [tilespmem:s6+$0x4A70]  }
0xe7: {  	v4 =	vld [tilespmem:s6+$0x18200]  }
0xe8: {  	v5 =	vld [tilespmem:s6+$0x200]  }
0xe9: {  	v6 =	vld [tilespmem:s6+$0x1A00]  }
0xea: {  	v7 =	vld [tilespmem:s6+$0x3200]  }
0xeb: {  	v8 =	vld [tilespmem:s6+$0x4A00]  }
0xec: {  	v9 =	vld [tilespmem:s6+$0x18210]  }
0xed: {  	v10 =	vld [tilespmem:s6+$0x210]  }
0xee: {  	v11 =	vld [tilespmem:s6+$0x1A10]  }
0xef: {  	v12 =	vld [tilespmem:s6+$0x3210]  }
0xf0: {  	v13 =	vld [tilespmem:s6+$0x4A10]  }
0xf1: {  	v14 =	vld [tilespmem:s6+$0x18220];
	v3 =	vadd.f32 v3, v2  }
0xf2: {  	v15 =	vld [tilespmem:s6+$0x220];
	v5 =	vadd.f32 v5, v4  }
0xf3: {  	v63 =	vld [tilespmem:s6+$0x4A30];
	[tilespmem:s6+$0x4A70] =	vst v3;
	v3 =	vadd.f32 v6, v4  }
0xf4: {  	v6 =	vld [tilespmem:s6+$0x1A20];
	[tilespmem:s6+$0x200] =	vst v5;
	v5 =	vadd.f32 v7, v4  }
0xf5: {  	v7 =	vld [tilespmem:s6+$0x3220];
	[tilespmem:s6+$0x1A00] =	vst v3;
	v3 =	vadd.f32 v8, v4  }
0xf6: {  	v4 =	vld [tilespmem:s6+$0x4A20];
	[tilespmem:s6+$0x3200] =	vst v5;
	v5 =	vadd.f32 v10, v9  }
0xf7: {  	v8 =	vld [tilespmem:s6+$0x18230];
	[tilespmem:s6+$0x4A00] =	vst v3;
	v3 =	vadd.f32 v11, v9  }
0xf8: {  	v10 =	vld [tilespmem:s6+$0x230];
	[tilespmem:s6+$0x210] =	vst v5;
	v5 =	vadd.f32 v12, v9  }
0xf9: {  	v11 =	vld [tilespmem:s6+$0x1A30];
	[tilespmem:s6+$0x1A10] =	vst v3;
	v3 =	vadd.f32 v13, v9  }
0xfa: {  	v9 =	vld [tilespmem:s6+$0x3230];
	[tilespmem:s6+$0x3210] =	vst v5;
	v5 =	vadd.f32 v15, v14  }
0xfb: {  	[tilespmem:s6+$0x4A10] =	vst v3;
	v3 =	vadd.f32 v6, v14;
	v6 =	vld [tilespmem:s6+$0x18240]  }
0xfc: {  	[tilespmem:s6+$0x220] =	vst v5;
	v5 =	vadd.f32 v7, v14;
	v7 =	vld [tilespmem:s6+$0x240]  }
0xfd: {  	[tilespmem:s6+$0x1A20] =	vst v3;
	v3 =	vadd.f32 v4, v14;
	v4 =	vld [tilespmem:s6+$0x1A40]  }
0xfe: {  	[tilespmem:s6+$0x3220] =	vst v5;
	v5 =	vadd.f32 v10, v8;
	v10 =	vld [tilespmem:s6+$0x3240]  }
0xff: {  	[tilespmem:s6+$0x4A20] =	vst v3;
	v3 =	vadd.f32 v11, v8;
	v11 =	vld [tilespmem:s6+$0x4A40]  }
0x100: {  	[tilespmem:s6+$0x230] =	vst v5;
	v5 =	vadd.f32 v9, v8;
	v9 =	vld [tilespmem:s6+$0x18250]  }
0x101: {  	[tilespmem:s6+$0x1A30] =	vst v3;
	v3 =	vadd.f32 v63, v8;
	v8 =	vld [tilespmem:s6+$0x250]  }
0x102: {  	[tilespmem:s6+$0x3230] =	vst v5;
	v5 =	vadd.f32 v7, v6;
	v7 =	vld [tilespmem:s6+$0x1A50]  }
0x103: {  	[tilespmem:s6+$0x4A30] =	vst v3;
	v3 =	vadd.f32 v4, v6;
	v4 =	vld [tilespmem:s6+$0x3250]  }
0x104: {  	[tilespmem:s6+$0x240] =	vst v5;
	v5 =	vadd.f32 v10, v6;
	v10 =	vld [tilespmem:s6+$0x4A50]  }
0x105: {  	v6 =	vadd.f32 v11, v6;
	v11 =	vld [tilespmem:s6+$0x260];
	[tilespmem:s6+$0x1A40] =	vst v3  }
0x106: {  	v3 =	vld [tilespmem:s6+$0x18260];
	[tilespmem:s6+$0x3240] =	vst v5;
	v5 =	vadd.f32 v8, v9  }
0x107: {  	[tilespmem:s6+$0x4A40] =	vst v6;
	v6 =	vadd.f32 v7, v9;
	v8 =	vld [tilespmem:s6+$0x1A60]  }
0x108: {  	[tilespmem:s6+$0x250] =	vst v5;
	v4 =	vadd.f32 v4, v9;
	v5 =	vld [tilespmem:s6+$0x3260]  }
0x109: {  	[tilespmem:s6+$0x1A50] =	vst v6;
	v7 =	vadd.f32 v10, v9;
	v6 =	vld [tilespmem:s6+$0x4A60]  }
0x10a: {  	[tilespmem:s6+$0x3250] =	vst v4;
	v4 =	vld [tilespmem:s6+$0x270]  }
0x10b: {  	s15 =	simm.s32 $0x0;
	s28 =	sadd.s32 $0x1000, s14;
	[tilespmem:s6+$0x4A50] =	vst v7;
	v9 =	vadd.f32 v11, v3;
	v7 =	vld [tilespmem:s6+$0x1A70]  }
.LBB2_3:
0x10c: {  	s11 =	sshra.s32 s28, $0x2;
	v8 =	vadd.f32 v8, v3;
	v10 =	vld [tilespmem:s6+$0x3270]  }
0x10d: {  	s15 =	sadd.s32 $0x8, s15;
	v11 =	vld [tilespmem:s11+$0x18270];
	[tilespmem:s6+$0x260] =	vst v9;
	v5 =	vadd.f32 v5, v3  }
0x10e: {  	p0 =	slt.u32 s15, $0x28;
	v9 =	vld [tilespmem:s11+$0x4A70];
	[tilespmem:s6+$0x1A60] =	vst v8;
	v3 =	vadd.f32 v6, v3  }
0x10f: {  	v6 =	vld [tilespmem:s11+$0x18200];
	[tilespmem:s6+$0x3260] =	vst v5;
	v4 =	vadd.f32 v4, v2  }
0x110: {  	v5 =	vld [tilespmem:s11+$0x200];
	[tilespmem:s6+$0x4A60] =	vst v3;
	v3 =	vadd.f32 v7, v2  }
0x111: {  	v7 =	vld [tilespmem:s11+$0x1A00];
	[tilespmem:s6+$0x270] =	vst v4;
	v4 =	vadd.f32 v10, v2  }
0x112: {  	v8 =	vld [tilespmem:s11+$0x3200];
	[tilespmem:s6+$0x1A70] =	vst v3;
	v2 =	vmov v11  }
0x113: {  	v3 =	vld [tilespmem:s11+$0x4A00];
	v9 =	vadd.f32 v9, v2;
	[tilespmem:s6+$0x3270] =	vst v4;
	s6 =	smov.u32 s11  }
0x114: {  	v4 =	vld [tilespmem:s6+$0x18210]  }
0x115: {  	v5 =	vadd.f32 v5, v6;
	v10 =	vld [tilespmem:s6+$0x210];
	[tilespmem:s6+$0x4A70] =	vst v9  }
0x116: {  	v7 =	vadd.f32 v7, v6;
	v9 =	vld [tilespmem:s6+$0x1A10]  }
0x117: {  	[tilespmem:s6+$0x200] =	vst v5;
	v5 =	vadd.f32 v8, v6;
	v8 =	vld [tilespmem:s6+$0x3210]  }
0x118: {  	[tilespmem:s6+$0x1A00] =	vst v7;
	v3 =	vadd.f32 v3, v6;
	v6 =	vld [tilespmem:s6+$0x4A10]  }
0x119: {  	[tilespmem:s6+$0x3200] =	vst v5;
	v5 =	vld [tilespmem:s6+$0x18220]  }
0x11a: {  	[tilespmem:s6+$0x4A00] =	vst v3;
	v3 =	vadd.f32 v10, v4;
	v7 =	vld [tilespmem:s6+$0x220]  }
0x11b: {  	v9 =	vadd.f32 v9, v4;
	v10 =	vld [tilespmem:s6+$0x1A20]  }
0x11c: {  	[tilespmem:s6+$0x210] =	vst v3;
	v3 =	vadd.f32 v8, v4;
	v8 =	vld [tilespmem:s6+$0x3220]  }
0x11d: {  	[tilespmem:s6+$0x1A10] =	vst v9;
	v4 =	vadd.f32 v6, v4;
	v6 =	vld [tilespmem:s6+$0x4A20]  }
0x11e: {  	[tilespmem:s6+$0x3210] =	vst v3;
	v3 =	vld [tilespmem:s6+$0x18230]  }
0x11f: {  	[tilespmem:s6+$0x4A10] =	vst v4;
	v4 =	vadd.f32 v7, v5;
	v7 =	vld [tilespmem:s6+$0x230]  }
0x120: {  	v9 =	vadd.f32 v10, v5;
	v10 =	vld [tilespmem:s6+$0x1A30]  }
0x121: {  	[tilespmem:s6+$0x220] =	vst v4;
	v4 =	vadd.f32 v8, v5;
	v8 =	vld [tilespmem:s6+$0x3230]  }
0x122: {  	[tilespmem:s6+$0x1A20] =	vst v9;
	v5 =	vadd.f32 v6, v5;
	v6 =	vld [tilespmem:s6+$0x4A30]  }
0x123: {  	[tilespmem:s6+$0x3220] =	vst v4;
	v4 =	vld [tilespmem:s6+$0x18240]  }
0x124: {  	[tilespmem:s6+$0x4A20] =	vst v5;
	v5 =	vadd.f32 v7, v3;
	v7 =	vld [tilespmem:s6+$0x240]  }
0x125: {  	v9 =	vadd.f32 v10, v3;
	v10 =	vld [tilespmem:s6+$0x1A40]  }
0x126: {  	[tilespmem:s6+$0x230] =	vst v5;
	v5 =	vadd.f32 v8, v3;
	v8 =	vld [tilespmem:s6+$0x3240]  }
0x127: {  	[tilespmem:s6+$0x1A30] =	vst v9;
	v3 =	vadd.f32 v6, v3;
	v6 =	vld [tilespmem:s6+$0x4A40]  }
0x128: {  	[tilespmem:s6+$0x3230] =	vst v5;
	v9 =	vld [tilespmem:s6+$0x18250]  }
0x129: {  	[tilespmem:s6+$0x4A30] =	vst v3;
	v3 =	vadd.f32 v7, v4;
	v5 =	vld [tilespmem:s6+$0x250]  }
0x12a: {  	v7 =	vadd.f32 v10, v4;
	v10 =	vld [tilespmem:s6+$0x1A50]  }
0x12b: {  	[tilespmem:s6+$0x240] =	vst v3;
	v3 =	vadd.f32 v8, v4;
	v11 =	vld [tilespmem:s6+$0x3250]  }
0x12c: {  	[tilespmem:s6+$0x1A40] =	vst v7;
	v4 =	vadd.f32 v6, v4;
	v6 =	vld [tilespmem:s6+$0x4A50]  }
0x12d: {  	[tilespmem:s6+$0x3240] =	vst v3;
	v3 =	vld [tilespmem:s6+$0x18260]  }
0x12e: {  	[tilespmem:s6+$0x4A40] =	vst v4;
	v4 =	vadd.f32 v5, v9;
	v7 =	vld [tilespmem:s6+$0x260]  }
.Ltmp0:
0x12f: {  	v10 =	vadd.f32 v10, v9;
	v8 =	vld [tilespmem:s6+$0x1A60];
	(pc) =	sbr.rel @p0 .LBB2_3-.Ltmp0, $4  }
0x130: {  	[tilespmem:s6+$0x250] =	vst v4;
	v4 =	vadd.f32 v11, v9;
	v5 =	vld [tilespmem:s6+$0x3260]  }
0x131: {  	[tilespmem:s6+$0x1A50] =	vst v10;
	v9 =	vadd.f32 v6, v9;
	v6 =	vld [tilespmem:s6+$0x4A60]  }
0x132: {  	[tilespmem:s6+$0x3250] =	vst v4;
	v4 =	vld [tilespmem:s6+$0x270]  }
0x133: {  	s28 =	sadd.s32 $0x1000, s28;
	[tilespmem:s6+$0x4A50] =	vst v9;
	v9 =	vadd.f32 v7, v3;
	v7 =	vld [tilespmem:s6+$0x1A70]  }
0x134: {  	v8 =	vadd.f32 v8, v3;
	v10 =	vld [tilespmem:s6+$0x3270]  }
0x135: {  	s25 =	sadd.s32 $0x1, s25;
	[tilespmem:s6+$0x260] =	vst v9;
	v5 =	vadd.f32 v5, v3  }
0x136: {  	p0 =	sne.s32 s25, $0x8;
	[tilespmem:s6+$0x1A60] =	vst v8;
	v3 =	vadd.f32 v6, v3  }
.Ltmp1:
0x137: {  	[tilespmem:s6+$0x3260] =	vst v5;
	v4 =	vadd.f32 v4, v2;
	(pc) =	sbr.rel @p0 .LBB2_2-.Ltmp1, $4  }
0x138: {  	[tilespmem:s6+$0x4A60] =	vst v3;
	v3 =	vadd.f32 v7, v2  }
0x139: {  	[tilespmem:s6+$0x270] =	vst v4;
	v2 =	vadd.f32 v10, v2  }
0x13a: {  	[tilespmem:s6+$0x1A70] =	vst v3  }
0x13b: {  	s14 =	sadd.s32 $0x200, s14;
	[tilespmem:s6+$0x3270] =	vst v2  }
0x13c: {  	s6 =	rddreg [dreg:$0xb]  }
0x13d: {  	[hbm4b:s6+s16] =	stream.strided.scatter [tilespmem:s2], [sflag:$0x2], $0x6000, s10, s16, $0x38;
	[tilespmem:$0x1E200] =	vst v63  }
0x13e: {  	v2 =	vld.msk [tilespmem:$0x18], $0xff;
	_ =	sdelay $0x4  }
0x13f: {  	v3 =	vshrl.u32 v2, $0x3  }
0x140: {  	v3 =	vmul.u32 $0x30, v3  }
0x141: {  	v2 =	vand.u32 $0x7, v2  }
0x142: {  	v2 =	vor.u32 v2, v3  }
0x143: {  	v2 =	vperm.xlane v2, v0;
	_ =	sdelay $0x1  }
0x144: {  	v2 =	vadd.s32 v1, v2;
	_ =	sdelay $0x3  }
0x145: {  	s14 =	simm.s32 $0x0  }
0x146: {  	[tilespmem:s17], [sflag:$0x1] =	stream.indirect_vreg.gather [hbm4b:s1+s14], $0x80, v2, vm0, $0xb8;
	[tilespmem:$0x1E200] =	vst v63  }
0x147: {  	s25 =	simm.s32 $0x12A00  }
0x148: {  	[tilespmem:s25], [sflag:$0x1] =	stream.indirect_vreg.gather [hbm4b:s24+s14], $0x80, v2, vm0, $0xb8;
	[tilespmem:$0x1E200] =	vst v63  }
0x149: {  	_ = 	snop  }
0x14a: {  	[tilespmem:s29], [sflag:$0x1] =	stream.indirect_vreg.gather [hbm4b:s26+s14], $0x80, v2, vm0, $0xb8;
	[tilespmem:$0x1E200] =	vst v63  }
0x14b: {  	v2 =	vld.msk [tilespmem:$0x98], $0xff;
	_ =	sdelay $0x4  }
0x14c: {  	v3 =	vshrl.u32 v2, $0x3  }
0x14d: {  	v3 =	vmul.u32 $0x30, v3  }
0x14e: {  	v2 =	vand.u32 $0x7, v2  }
0x14f: {  	v2 =	vor.u32 v2, v3  }
0x150: {  	v2 =	vperm.xlane v2, v0;
	_ =	sdelay $0x1  }
0x151: {  	v2 =	vadd.s32 v1, v2;
	_ =	sdelay $0x4  }
0x152: {  	[tilespmem:s18], [sflag:$0x1] =	stream.indirect_vreg.gather [hbm4b:s1+s14], $0x80, v2, vm0, $0xb8;
	[tilespmem:$0x1E200] =	vst v63  }
0x153: {  	_ = 	snop  }
0x154: {  	[tilespmem:s12], [sflag:$0x1] =	stream.indirect_vreg.gather [hbm4b:s24+s14], $0x80, v2, vm0, $0xb8;
	[tilespmem:$0x1E200] =	vst v63  }
0x155: {  	_ = 	snop  }
0x156: {  	[tilespmem:s19], [sflag:$0x1] =	stream.indirect_vreg.gather [hbm4b:s26+s14], $0x80, v2, vm0, $0xb8;
	[tilespmem:$0x1E200] =	vst v63  }
0x157: {  	v2 =	vld.msk [tilespmem:$0x118], $0xff;
	_ =	sdelay $0x4  }
0x158: {  	v3 =	vshrl.u32 v2, $0x3  }
0x159: {  	v3 =	vmul.u32 $0x30, v3  }
0x15a: {  	v2 =	vand.u32 $0x7, v2  }
0x15b: {  	v2 =	vor.u32 v2, v3  }
0x15c: {  	v2 =	vperm.xlane v2, v0;
	_ =	sdelay $0x1  }
0x15d: {  	v2 =	vadd.s32 v1, v2;
	_ =	sdelay $0x4  }
0x15e: {  	[tilespmem:s8], [sflag:$0x1] =	stream.indirect_vreg.gather [hbm4b:s1+s14], $0x80, v2, vm0, $0xb8;
	[tilespmem:$0x1E200] =	vst v63  }
0x15f: {  	_ = 	snop  }
0x160: {  	[tilespmem:s20], [sflag:$0x1] =	stream.indirect_vreg.gather [hbm4b:s24+s14], $0x80, v2, vm0, $0xb8;
	[tilespmem:$0x1E200] =	vst v63  }
0x161: {  	_ = 	snop  }
0x162: {  	[tilespmem:s13], [sflag:$0x1] =	stream.indirect_vreg.gather [hbm4b:s26+s14], $0x80, v2, vm0, $0xb8;
	[tilespmem:$0x1E200] =	vst v63  }
0x163: {  	v2 =	vld.msk [tilespmem:$0x198], $0xff;
	_ =	sdelay $0x4  }
0x164: {  	v3 =	vshrl.u32 v2, $0x3  }
0x165: {  	v3 =	vmul.u32 $0x30, v3  }
0x166: {  	v2 =	vand.u32 $0x7, v2  }
0x167: {  	v2 =	vor.u32 v2, v3  }
0x168: {  	v2 =	vperm.xlane v2, v0;
	_ =	sdelay $0x1  }
0x169: {  	v2 =	vadd.s32 v1, v2;
	_ =	sdelay $0x4  }
0x16a: {  	[tilespmem:s21], [sflag:$0x1] =	stream.indirect_vreg.gather [hbm4b:s1+s14], $0x80, v2, vm0, $0xb8;
	[tilespmem:$0x1E200] =	vst v63  }
0x16b: {  	_ = 	snop  }
0x16c: {  	[tilespmem:s30], [sflag:$0x1] =	stream.indirect_vreg.gather [hbm4b:s24+s14], $0x80, v2, vm0, $0xb8;
	[tilespmem:$0x1E200] =	vst v63  }
0x16d: {  	_ = 	snop  }
0x16e: {  	[tilespmem:s22], [sflag:$0x1] =	stream.indirect_vreg.gather [hbm4b:s26+s14], $0x80, v2, vm0, $0xb8;
	[tilespmem:$0x1E200] =	vst v63  }
0x16f: {  	s28 =	rddreg [dreg:$0xc]  }
0x170: {  	[tilespmem:s0], [sflag:$0x1] =	stream.linear.gather [hbm4b:s28+s14], $0x1800, $0x38;
	[tilespmem:$0x1E200] =	vst v63  }
0x171: {  	_ =	swait.ge [sflag:s31], $0x1800  }
0x172: {  	[sflag:s31] =	ssyncset.done $0x0  }
0x173: {  	[sflag:s31] =	ssyncadd.s32 $0xFFFFE800  }
0x174: {  	_ =	swait.ge [sflag:s31], $0x1800  }
0x175: {  	[sflag:s31] =	ssyncset.done $0x0  }
0x176: {  	[sflag:s31] =	ssyncadd.s32 $0xFFFFE800  }
0x177: {  	_ =	swait.ge [sflag:s31], $0x1800  }
0x178: {  	[sflag:s31] =	ssyncset.done $0x0  }
0x179: {  	[sflag:s31] =	ssyncadd.s32 $0xFFFFE800  }
0x17a: {  	_ =	swait.ge [sflag:s31], $0x1800  }
0x17b: {  	[sflag:s31] =	ssyncset.done $0x0  }
0x17c: {  	[sflag:s31] =	ssyncadd.s32 $0xFFFFE800  }
0x17d: {  	_ =	swait.ge [sflag:s31], $0x1800  }
0x17e: {  	[sflag:s31] =	ssyncset.done $0x0  }
0x17f: {  	s25 =	simm.s32 $0x0;
	[sflag:s31] =	ssyncadd.s32 $0xFFFFE800  }
.LBB2_6:
0x180: {  	s6 =	sshra.s32 s14, $0x2  }
0x181: {  	v2 =	vld [tilespmem:s6+$0x19A70]  }
0x182: {  	v3 =	vld [tilespmem:s6+$0xAA70]  }
0x183: {  	v4 =	vld [tilespmem:s6+$0x19A00]  }
0x184: {  	v5 =	vld [tilespmem:s6+$0x6200]  }
0x185: {  	v6 =	vld [tilespmem:s6+$0x7A00]  }
0x186: {  	v7 =	vld [tilespmem:s6+$0x9200]  }
0x187: {  	v8 =	vld [tilespmem:s6+$0xAA00]  }
0x188: {  	v9 =	vld [tilespmem:s6+$0x19A10]  }
0x189: {  	v10 =	vld [tilespmem:s6+$0x6210]  }
0x18a: {  	v11 =	vld [tilespmem:s6+$0x7A10]  }
0x18b: {  	v12 =	vld [tilespmem:s6+$0x9210]  }
0x18c: {  	v13 =	vld [tilespmem:s6+$0xAA10]  }
0x18d: {  	v14 =	vld [tilespmem:s6+$0x19A20];
	v3 =	vadd.f32 v3, v2  }
0x18e: {  	v15 =	vld [tilespmem:s6+$0x6220];
	v5 =	vadd.f32 v5, v4  }
0x18f: {  	v63 =	vld [tilespmem:s6+$0xAA30];
	[tilespmem:s6+$0xAA70] =	vst v3;
	v3 =	vadd.f32 v6, v4  }
0x190: {  	v6 =	vld [tilespmem:s6+$0x7A20];
	[tilespmem:s6+$0x6200] =	vst v5;
	v5 =	vadd.f32 v7, v4  }
0x191: {  	v7 =	vld [tilespmem:s6+$0x9220];
	[tilespmem:s6+$0x7A00] =	vst v3;
	v3 =	vadd.f32 v8, v4  }
0x192: {  	v4 =	vld [tilespmem:s6+$0xAA20];
	[tilespmem:s6+$0x9200] =	vst v5;
	v5 =	vadd.f32 v10, v9  }
0x193: {  	v8 =	vld [tilespmem:s6+$0x19A30];
	[tilespmem:s6+$0xAA00] =	vst v3;
	v3 =	vadd.f32 v11, v9  }
0x194: {  	v10 =	vld [tilespmem:s6+$0x6230];
	[tilespmem:s6+$0x6210] =	vst v5;
	v5 =	vadd.f32 v12, v9  }
0x195: {  	v11 =	vld [tilespmem:s6+$0x7A30];
	[tilespmem:s6+$0x7A10] =	vst v3;
	v3 =	vadd.f32 v13, v9  }
0x196: {  	v9 =	vld [tilespmem:s6+$0x9230];
	[tilespmem:s6+$0x9210] =	vst v5;
	v5 =	vadd.f32 v15, v14  }
0x197: {  	[tilespmem:s6+$0xAA10] =	vst v3;
	v3 =	vadd.f32 v6, v14;
	v6 =	vld [tilespmem:s6+$0x19A40]  }
0x198: {  	[tilespmem:s6+$0x6220] =	vst v5;
	v5 =	vadd.f32 v7, v14;
	v7 =	vld [tilespmem:s6+$0x6240]  }
0x199: {  	[tilespmem:s6+$0x7A20] =	vst v3;
	v3 =	vadd.f32 v4, v14;
	v4 =	vld [tilespmem:s6+$0x7A40]  }
0x19a: {  	[tilespmem:s6+$0x9220] =	vst v5;
	v5 =	vadd.f32 v10, v8;
	v10 =	vld [tilespmem:s6+$0x9240]  }
0x19b: {  	[tilespmem:s6+$0xAA20] =	vst v3;
	v3 =	vadd.f32 v11, v8;
	v11 =	vld [tilespmem:s6+$0xAA40]  }
0x19c: {  	[tilespmem:s6+$0x6230] =	vst v5;
	v5 =	vadd.f32 v9, v8;
	v9 =	vld [tilespmem:s6+$0x19A50]  }
0x19d: {  	[tilespmem:s6+$0x7A30] =	vst v3;
	v3 =	vadd.f32 v63, v8;
	v8 =	vld [tilespmem:s6+$0x6250]  }
0x19e: {  	[tilespmem:s6+$0x9230] =	vst v5;
	v5 =	vadd.f32 v7, v6;
	v7 =	vld [tilespmem:s6+$0x7A50]  }
0x19f: {  	[tilespmem:s6+$0xAA30] =	vst v3;
	v3 =	vadd.f32 v4, v6;
	v4 =	vld [tilespmem:s6+$0x9250]  }
0x1a0: {  	[tilespmem:s6+$0x6240] =	vst v5;
	v5 =	vadd.f32 v10, v6;
	v10 =	vld [tilespmem:s6+$0xAA50]  }
0x1a1: {  	v6 =	vadd.f32 v11, v6;
	v11 =	vld [tilespmem:s6+$0x6260];
	[tilespmem:s6+$0x7A40] =	vst v3  }
0x1a2: {  	v3 =	vld [tilespmem:s6+$0x19A60];
	[tilespmem:s6+$0x9240] =	vst v5;
	v5 =	vadd.f32 v8, v9  }
0x1a3: {  	[tilespmem:s6+$0xAA40] =	vst v6;
	v6 =	vadd.f32 v7, v9;
	v8 =	vld [tilespmem:s6+$0x7A60]  }
0x1a4: {  	[tilespmem:s6+$0x6250] =	vst v5;
	v4 =	vadd.f32 v4, v9;
	v5 =	vld [tilespmem:s6+$0x9260]  }
0x1a5: {  	[tilespmem:s6+$0x7A50] =	vst v6;
	v7 =	vadd.f32 v10, v9;
	v6 =	vld [tilespmem:s6+$0xAA60]  }
0x1a6: {  	[tilespmem:s6+$0x9250] =	vst v4;
	v4 =	vld [tilespmem:s6+$0x6270]  }
0x1a7: {  	s15 =	simm.s32 $0x0;
	s28 =	sadd.s32 $0x1000, s14;
	[tilespmem:s6+$0xAA50] =	vst v7;
	v9 =	vadd.f32 v11, v3;
	v7 =	vld [tilespmem:s6+$0x7A70]  }
.LBB2_7:
0x1a8: {  	s11 =	sshra.s32 s28, $0x2;
	v8 =	vadd.f32 v8, v3;
	v10 =	vld [tilespmem:s6+$0x9270]  }
0x1a9: {  	s15 =	sadd.s32 $0x8, s15;
	v11 =	vld [tilespmem:s11+$0x19A70];
	[tilespmem:s6+$0x6260] =	vst v9;
	v5 =	vadd.f32 v5, v3  }
0x1aa: {  	p0 =	slt.u32 s15, $0x28;
	v9 =	vld [tilespmem:s11+$0xAA70];
	[tilespmem:s6+$0x7A60] =	vst v8;
	v3 =	vadd.f32 v6, v3  }
0x1ab: {  	v6 =	vld [tilespmem:s11+$0x19A00];
	[tilespmem:s6+$0x9260] =	vst v5;
	v4 =	vadd.f32 v4, v2  }
0x1ac: {  	v5 =	vld [tilespmem:s11+$0x6200];
	[tilespmem:s6+$0xAA60] =	vst v3;
	v3 =	vadd.f32 v7, v2  }
0x1ad: {  	v7 =	vld [tilespmem:s11+$0x7A00];
	[tilespmem:s6+$0x6270] =	vst v4;
	v4 =	vadd.f32 v10, v2  }
0x1ae: {  	v8 =	vld [tilespmem:s11+$0x9200];
	[tilespmem:s6+$0x7A70] =	vst v3;
	v2 =	vmov v11  }
0x1af: {  	v3 =	vld [tilespmem:s11+$0xAA00];
	v9 =	vadd.f32 v9, v2;
	[tilespmem:s6+$0x9270] =	vst v4;
	s6 =	smov.u32 s11  }
0x1b0: {  	v4 =	vld [tilespmem:s6+$0x19A10]  }
0x1b1: {  	v5 =	vadd.f32 v5, v6;
	v10 =	vld [tilespmem:s6+$0x6210];
	[tilespmem:s6+$0xAA70] =	vst v9  }
0x1b2: {  	v7 =	vadd.f32 v7, v6;
	v9 =	vld [tilespmem:s6+$0x7A10]  }
0x1b3: {  	[tilespmem:s6+$0x6200] =	vst v5;
	v5 =	vadd.f32 v8, v6;
	v8 =	vld [tilespmem:s6+$0x9210]  }
0x1b4: {  	[tilespmem:s6+$0x7A00] =	vst v7;
	v3 =	vadd.f32 v3, v6;
	v6 =	vld [tilespmem:s6+$0xAA10]  }
0x1b5: {  	[tilespmem:s6+$0x9200] =	vst v5;
	v5 =	vld [tilespmem:s6+$0x19A20]  }
0x1b6: {  	[tilespmem:s6+$0xAA00] =	vst v3;
	v3 =	vadd.f32 v10, v4;
	v7 =	vld [tilespmem:s6+$0x6220]  }
0x1b7: {  	v9 =	vadd.f32 v9, v4;
	v10 =	vld [tilespmem:s6+$0x7A20]  }
0x1b8: {  	[tilespmem:s6+$0x6210] =	vst v3;
	v3 =	vadd.f32 v8, v4;
	v8 =	vld [tilespmem:s6+$0x9220]  }
0x1b9: {  	[tilespmem:s6+$0x7A10] =	vst v9;
	v4 =	vadd.f32 v6, v4;
	v6 =	vld [tilespmem:s6+$0xAA20]  }
0x1ba: {  	[tilespmem:s6+$0x9210] =	vst v3;
	v3 =	vld [tilespmem:s6+$0x19A30]  }
0x1bb: {  	[tilespmem:s6+$0xAA10] =	vst v4;
	v4 =	vadd.f32 v7, v5;
	v7 =	vld [tilespmem:s6+$0x6230]  }
0x1bc: {  	v9 =	vadd.f32 v10, v5;
	v10 =	vld [tilespmem:s6+$0x7A30]  }
0x1bd: {  	[tilespmem:s6+$0x6220] =	vst v4;
	v4 =	vadd.f32 v8, v5;
	v8 =	vld [tilespmem:s6+$0x9230]  }
0x1be: {  	[tilespmem:s6+$0x7A20] =	vst v9;
	v5 =	vadd.f32 v6, v5;
	v6 =	vld [tilespmem:s6+$0xAA30]  }
0x1bf: {  	[tilespmem:s6+$0x9220] =	vst v4;
	v4 =	vld [tilespmem:s6+$0x19A40]  }
0x1c0: {  	[tilespmem:s6+$0xAA20] =	vst v5;
	v5 =	vadd.f32 v7, v3;
	v7 =	vld [tilespmem:s6+$0x6240]  }
0x1c1: {  	v9 =	vadd.f32 v10, v3;
	v10 =	vld [tilespmem:s6+$0x7A40]  }
0x1c2: {  	[tilespmem:s6+$0x6230] =	vst v5;
	v5 =	vadd.f32 v8, v3;
	v8 =	vld [tilespmem:s6+$0x9240]  }
0x1c3: {  	[tilespmem:s6+$0x7A30] =	vst v9;
	v3 =	vadd.f32 v6, v3;
	v6 =	vld [tilespmem:s6+$0xAA40]  }
0x1c4: {  	[tilespmem:s6+$0x9230] =	vst v5;
	v9 =	vld [tilespmem:s6+$0x19A50]  }
0x1c5: {  	[tilespmem:s6+$0xAA30] =	vst v3;
	v3 =	vadd.f32 v7, v4;
	v5 =	vld [tilespmem:s6+$0x6250]  }
0x1c6: {  	v7 =	vadd.f32 v10, v4;
	v10 =	vld [tilespmem:s6+$0x7A50]  }
0x1c7: {  	[tilespmem:s6+$0x6240] =	vst v3;
	v3 =	vadd.f32 v8, v4;
	v11 =	vld [tilespmem:s6+$0x9250]  }
0x1c8: {  	[tilespmem:s6+$0x7A40] =	vst v7;
	v4 =	vadd.f32 v6, v4;
	v6 =	vld [tilespmem:s6+$0xAA50]  }
0x1c9: {  	[tilespmem:s6+$0x9240] =	vst v3;
	v3 =	vld [tilespmem:s6+$0x19A60]  }
0x1ca: {  	[tilespmem:s6+$0xAA40] =	vst v4;
	v4 =	vadd.f32 v5, v9;
	v7 =	vld [tilespmem:s6+$0x6260]  }
.Ltmp2:
0x1cb: {  	v10 =	vadd.f32 v10, v9;
	v8 =	vld [tilespmem:s6+$0x7A60];
	(pc) =	sbr.rel @p0 .LBB2_7-.Ltmp2, $4  }
0x1cc: {  	[tilespmem:s6+$0x6250] =	vst v4;
	v4 =	vadd.f32 v11, v9;
	v5 =	vld [tilespmem:s6+$0x9260]  }
0x1cd: {  	[tilespmem:s6+$0x7A50] =	vst v10;
	v9 =	vadd.f32 v6, v9;
	v6 =	vld [tilespmem:s6+$0xAA60]  }
0x1ce: {  	[tilespmem:s6+$0x9250] =	vst v4;
	v4 =	vld [tilespmem:s6+$0x6270]  }
0x1cf: {  	s28 =	sadd.s32 $0x1000, s28;
	[tilespmem:s6+$0xAA50] =	vst v9;
	v9 =	vadd.f32 v7, v3;
	v7 =	vld [tilespmem:s6+$0x7A70]  }
0x1d0: {  	v8 =	vadd.f32 v8, v3;
	v10 =	vld [tilespmem:s6+$0x9270]  }
0x1d1: {  	s25 =	sadd.s32 $0x1, s25;
	[tilespmem:s6+$0x6260] =	vst v9;
	v5 =	vadd.f32 v5, v3  }
0x1d2: {  	p0 =	sne.s32 s25, $0x8;
	[tilespmem:s6+$0x7A60] =	vst v8;
	v3 =	vadd.f32 v6, v3  }
.Ltmp3:
0x1d3: {  	[tilespmem:s6+$0x9260] =	vst v5;
	v4 =	vadd.f32 v4, v2;
	(pc) =	sbr.rel @p0 .LBB2_6-.Ltmp3, $4  }
0x1d4: {  	[tilespmem:s6+$0xAA60] =	vst v3;
	v3 =	vadd.f32 v7, v2  }
0x1d5: {  	[tilespmem:s6+$0x6270] =	vst v4;
	v2 =	vadd.f32 v10, v2  }
0x1d6: {  	[tilespmem:s6+$0x7A70] =	vst v3  }
0x1d7: {  	s14 =	sadd.s32 $0x200, s14;
	[tilespmem:s6+$0x9270] =	vst v2  }
0x1d8: {  	s6 =	rddreg [dreg:$0xd]  }
0x1d9: {  	[hbm4b:s6+s16] =	stream.strided.scatter [tilespmem:s5], [sflag:$0x2], $0x6000, s10, s16, $0x38;
	[tilespmem:$0x1E200] =	vst v63  }
0x1da: {  	_ =	swait.ge [sflag:s23], $0x6000  }
0x1db: {  	[sflag:s23] =	ssyncset.done $0x0  }
0x1dc: {  	[sflag:s23] =	ssyncadd.s32 $0xFFFFA000  }
0x1dd: {  	v2 =	vld.msk [tilespmem:$0x20], $0xff;
	_ =	sdelay $0x4  }
0x1de: {  	v3 =	vshrl.u32 v2, $0x3  }
0x1df: {  	v3 =	vmul.u32 $0x30, v3  }
0x1e0: {  	v2 =	vand.u32 $0x7, v2  }
0x1e1: {  	v2 =	vor.u32 v2, v3  }
0x1e2: {  	v2 =	vperm.xlane v2, v0;
	_ =	sdelay $0x1  }
0x1e3: {  	v2 =	vadd.s32 v1, v2;
	_ =	sdelay $0x3  }
0x1e4: {  	s14 =	simm.s32 $0x0  }
0x1e5: {  	[tilespmem:s2], [sflag:$0x1] =	stream.indirect_vreg.gather [hbm4b:s1+s14], $0x80, v2, vm0, $0xb8;
	[tilespmem:$0x1E200] =	vst v63  }
0x1e6: {  	s11 =	simm.s32 $0xA00  }
0x1e7: {  	[tilespmem:s11], [sflag:$0x1] =	stream.indirect_vreg.gather [hbm4b:s24+s14], $0x80, v2, vm0, $0xb8;
	[tilespmem:$0x1E200] =	vst v63  }
0x1e8: {  	s15 =	simm.s32 $0x1200  }
0x1e9: {  	[tilespmem:s15], [sflag:$0x1] =	stream.indirect_vreg.gather [hbm4b:s26+s14], $0x80, v2, vm0, $0xb8;
	[tilespmem:$0x1E200] =	vst v63  }
0x1ea: {  	v2 =	vld.msk [tilespmem:$0xA0], $0xff;
	_ =	sdelay $0x4  }
0x1eb: {  	v3 =	vshrl.u32 v2, $0x3  }
0x1ec: {  	v3 =	vmul.u32 $0x30, v3  }
0x1ed: {  	v2 =	vand.u32 $0x7, v2  }
0x1ee: {  	v2 =	vor.u32 v2, v3  }
0x1ef: {  	v2 =	vperm.xlane v2, v0;
	_ =	sdelay $0x1  }
0x1f0: {  	v2 =	vadd.s32 v1, v2;
	_ =	sdelay $0x3  }
0x1f1: {  	s25 =	simm.s32 $0x1A00  }
0x1f2: {  	[tilespmem:s25], [sflag:$0x1] =	stream.indirect_vreg.gather [hbm4b:s1+s14], $0x80, v2, vm0, $0xb8;
	[tilespmem:$0x1E200] =	vst v63  }
0x1f3: {  	s28 =	simm.s32 $0x2200  }
0x1f4: {  	[tilespmem:s28], [sflag:$0x1] =	stream.indirect_vreg.gather [hbm4b:s24+s14], $0x80, v2, vm0, $0xb8;
	[tilespmem:$0x1E200] =	vst v63  }
0x1f5: {  	s11 =	simm.s32 $0x2A00  }
0x1f6: {  	[tilespmem:s11], [sflag:$0x1] =	stream.indirect_vreg.gather [hbm4b:s26+s14], $0x80, v2, vm0, $0xb8;
	[tilespmem:$0x1E200] =	vst v63  }
0x1f7: {  	v2 =	vld.msk [tilespmem:$0x120], $0xff;
	_ =	sdelay $0x4  }
0x1f8: {  	v3 =	vshrl.u32 v2, $0x3  }
0x1f9: {  	v3 =	vmul.u32 $0x30, v3  }
0x1fa: {  	v2 =	vand.u32 $0x7, v2  }
0x1fb: {  	v2 =	vor.u32 v2, v3  }
0x1fc: {  	v2 =	vperm.xlane v2, v0;
	_ =	sdelay $0x1  }
0x1fd: {  	v2 =	vadd.s32 v1, v2;
	_ =	sdelay $0x3  }
0x1fe: {  	s15 =	simm.s32 $0x3200  }
0x1ff: {  	[tilespmem:s15], [sflag:$0x1] =	stream.indirect_vreg.gather [hbm4b:s1+s14], $0x80, v2, vm0, $0xb8;
	[tilespmem:$0x1E200] =	vst v63  }
0x200: {  	s25 =	simm.s32 $0x3A00  }
0x201: {  	[tilespmem:s25], [sflag:$0x1] =	stream.indirect_vreg.gather [hbm4b:s24+s14], $0x80, v2, vm0, $0xb8;
	[tilespmem:$0x1E200] =	vst v63  }
0x202: {  	s28 =	simm.s32 $0x4200  }
0x203: {  	[tilespmem:s28], [sflag:$0x1] =	stream.indirect_vreg.gather [hbm4b:s26+s14], $0x80, v2, vm0, $0xb8;
	[tilespmem:$0x1E200] =	vst v63  }
0x204: {  	v2 =	vld.msk [tilespmem:$0x1A0], $0xff;
	_ =	sdelay $0x4  }
0x205: {  	v3 =	vshrl.u32 v2, $0x3  }
0x206: {  	v3 =	vmul.u32 $0x30, v3  }
0x207: {  	v2 =	vand.u32 $0x7, v2  }
0x208: {  	v2 =	vor.u32 v2, v3  }
0x209: {  	v2 =	vperm.xlane v2, v0;
	_ =	sdelay $0x1  }
0x20a: {  	v2 =	vadd.s32 v1, v2;
	_ =	sdelay $0x3  }
0x20b: {  	s11 =	simm.s32 $0x4A00  }
0x20c: {  	[tilespmem:s11], [sflag:$0x1] =	stream.indirect_vreg.gather [hbm4b:s1+s14], $0x80, v2, vm0, $0xb8;
	[tilespmem:$0x1E200] =	vst v63  }
0x20d: {  	s15 =	simm.s32 $0x5200  }
0x20e: {  	[tilespmem:s15], [sflag:$0x1] =	stream.indirect_vreg.gather [hbm4b:s24+s14], $0x80, v2, vm0, $0xb8;
	[tilespmem:$0x1E200] =	vst v63  }
0x20f: {  	s25 =	simm.s32 $0x5A00  }
0x210: {  	[tilespmem:s25], [sflag:$0x1] =	stream.indirect_vreg.gather [hbm4b:s26+s14], $0x80, v2, vm0, $0xb8;
	[tilespmem:$0x1E200] =	vst v63  }
0x211: {  	s28 =	rddreg [dreg:$0xe];
	s11 =	simm.s32 $0x18200  }
0x212: {  	[tilespmem:s11], [sflag:$0x1] =	stream.linear.gather [hbm4b:s28+s14], $0x1800, $0x38;
	[tilespmem:$0x1E200] =	vst v63  }
0x213: {  	_ =	swait.ge [sflag:s31], $0x1800  }
0x214: {  	[sflag:s31] =	ssyncset.done $0x0  }
0x215: {  	[sflag:s31] =	ssyncadd.s32 $0xFFFFE800  }
0x216: {  	_ =	swait.ge [sflag:s31], $0x1800  }
0x217: {  	[sflag:s31] =	ssyncset.done $0x0  }
0x218: {  	[sflag:s31] =	ssyncadd.s32 $0xFFFFE800  }
0x219: {  	_ =	swait.ge [sflag:s31], $0x1800  }
0x21a: {  	[sflag:s31] =	ssyncset.done $0x0  }
0x21b: {  	[sflag:s31] =	ssyncadd.s32 $0xFFFFE800  }
0x21c: {  	_ =	swait.ge [sflag:s31], $0x1800  }
0x21d: {  	[sflag:s31] =	ssyncset.done $0x0  }
0x21e: {  	[sflag:s31] =	ssyncadd.s32 $0xFFFFE800  }
0x21f: {  	_ =	swait.ge [sflag:s31], $0x1800  }
0x220: {  	[sflag:s31] =	ssyncset.done $0x0  }
0x221: {  	s25 =	simm.s32 $0x0;
	[sflag:s31] =	ssyncadd.s32 $0xFFFFE800  }
.LBB2_10:
0x222: {  	s6 =	sshra.s32 s14, $0x2  }
0x223: {  	v2 =	vld [tilespmem:s6+$0x1B270]  }
0x224: {  	v3 =	vld [tilespmem:s6+$0x10A70]  }
0x225: {  	v4 =	vld [tilespmem:s6+$0x1B200]  }
0x226: {  	v5 =	vld [tilespmem:s6+$0xC200]  }
0x227: {  	v6 =	vld [tilespmem:s6+$0xDA00]  }
0x228: {  	v7 =	vld [tilespmem:s6+$0xF200]  }
0x229: {  	v8 =	vld [tilespmem:s6+$0x10A00]  }
0x22a: {  	v9 =	vld [tilespmem:s6+$0x1B210]  }
0x22b: {  	v10 =	vld [tilespmem:s6+$0xC210]  }
0x22c: {  	v11 =	vld [tilespmem:s6+$0xDA10]  }
0x22d: {  	v12 =	vld [tilespmem:s6+$0xF210]  }
0x22e: {  	v13 =	vld [tilespmem:s6+$0x10A10]  }
0x22f: {  	v14 =	vld [tilespmem:s6+$0x1B220];
	v3 =	vadd.f32 v3, v2  }
0x230: {  	v15 =	vld [tilespmem:s6+$0xC220];
	v5 =	vadd.f32 v5, v4  }
0x231: {  	v63 =	vld [tilespmem:s6+$0x10A30];
	[tilespmem:s6+$0x10A70] =	vst v3;
	v3 =	vadd.f32 v6, v4  }
0x232: {  	v6 =	vld [tilespmem:s6+$0xDA20];
	[tilespmem:s6+$0xC200] =	vst v5;
	v5 =	vadd.f32 v7, v4  }
0x233: {  	v7 =	vld [tilespmem:s6+$0xF220];
	[tilespmem:s6+$0xDA00] =	vst v3;
	v3 =	vadd.f32 v8, v4  }
0x234: {  	v4 =	vld [tilespmem:s6+$0x10A20];
	[tilespmem:s6+$0xF200] =	vst v5;
	v5 =	vadd.f32 v10, v9  }
0x235: {  	v8 =	vld [tilespmem:s6+$0x1B230];
	[tilespmem:s6+$0x10A00] =	vst v3;
	v3 =	vadd.f32 v11, v9  }
0x236: {  	v10 =	vld [tilespmem:s6+$0xC230];
	[tilespmem:s6+$0xC210] =	vst v5;
	v5 =	vadd.f32 v12, v9  }
0x237: {  	v11 =	vld [tilespmem:s6+$0xDA30];
	[tilespmem:s6+$0xDA10] =	vst v3;
	v3 =	vadd.f32 v13, v9  }
0x238: {  	v9 =	vld [tilespmem:s6+$0xF230];
	[tilespmem:s6+$0xF210] =	vst v5;
	v5 =	vadd.f32 v15, v14  }
0x239: {  	[tilespmem:s6+$0x10A10] =	vst v3;
	v3 =	vadd.f32 v6, v14;
	v6 =	vld [tilespmem:s6+$0x1B240]  }
0x23a: {  	[tilespmem:s6+$0xC220] =	vst v5;
	v5 =	vadd.f32 v7, v14;
	v7 =	vld [tilespmem:s6+$0xC240]  }
0x23b: {  	[tilespmem:s6+$0xDA20] =	vst v3;
	v3 =	vadd.f32 v4, v14;
	v4 =	vld [tilespmem:s6+$0xDA40]  }
0x23c: {  	[tilespmem:s6+$0xF220] =	vst v5;
	v5 =	vadd.f32 v10, v8;
	v10 =	vld [tilespmem:s6+$0xF240]  }
0x23d: {  	[tilespmem:s6+$0x10A20] =	vst v3;
	v3 =	vadd.f32 v11, v8;
	v11 =	vld [tilespmem:s6+$0x10A40]  }
0x23e: {  	[tilespmem:s6+$0xC230] =	vst v5;
	v5 =	vadd.f32 v9, v8;
	v9 =	vld [tilespmem:s6+$0x1B250]  }
0x23f: {  	[tilespmem:s6+$0xDA30] =	vst v3;
	v3 =	vadd.f32 v63, v8;
	v8 =	vld [tilespmem:s6+$0xC250]  }
0x240: {  	[tilespmem:s6+$0xF230] =	vst v5;
	v5 =	vadd.f32 v7, v6;
	v7 =	vld [tilespmem:s6+$0xDA50]  }
0x241: {  	[tilespmem:s6+$0x10A30] =	vst v3;
	v3 =	vadd.f32 v4, v6;
	v4 =	vld [tilespmem:s6+$0xF250]  }
0x242: {  	[tilespmem:s6+$0xC240] =	vst v5;
	v5 =	vadd.f32 v10, v6;
	v10 =	vld [tilespmem:s6+$0x10A50]  }
0x243: {  	v6 =	vadd.f32 v11, v6;
	v11 =	vld [tilespmem:s6+$0xC260];
	[tilespmem:s6+$0xDA40] =	vst v3  }
0x244: {  	v3 =	vld [tilespmem:s6+$0x1B260];
	[tilespmem:s6+$0xF240] =	vst v5;
	v5 =	vadd.f32 v8, v9  }
0x245: {  	[tilespmem:s6+$0x10A40] =	vst v6;
	v6 =	vadd.f32 v7, v9;
	v8 =	vld [tilespmem:s6+$0xDA60]  }
0x246: {  	[tilespmem:s6+$0xC250] =	vst v5;
	v4 =	vadd.f32 v4, v9;
	v5 =	vld [tilespmem:s6+$0xF260]  }
0x247: {  	[tilespmem:s6+$0xDA50] =	vst v6;
	v7 =	vadd.f32 v10, v9;
	v6 =	vld [tilespmem:s6+$0x10A60]  }
0x248: {  	[tilespmem:s6+$0xF250] =	vst v4;
	v4 =	vld [tilespmem:s6+$0xC270]  }
0x249: {  	s15 =	simm.s32 $0x0;
	s28 =	sadd.s32 $0x1000, s14;
	[tilespmem:s6+$0x10A50] =	vst v7;
	v9 =	vadd.f32 v11, v3;
	v7 =	vld [tilespmem:s6+$0xDA70]  }
.LBB2_11:
0x24a: {  	s11 =	sshra.s32 s28, $0x2;
	v8 =	vadd.f32 v8, v3;
	v10 =	vld [tilespmem:s6+$0xF270]  }
0x24b: {  	s15 =	sadd.s32 $0x8, s15;
	v11 =	vld [tilespmem:s11+$0x1B270];
	[tilespmem:s6+$0xC260] =	vst v9;
	v5 =	vadd.f32 v5, v3  }
0x24c: {  	p0 =	slt.u32 s15, $0x28;
	v9 =	vld [tilespmem:s11+$0x10A70];
	[tilespmem:s6+$0xDA60] =	vst v8;
	v3 =	vadd.f32 v6, v3  }
0x24d: {  	v6 =	vld [tilespmem:s11+$0x1B200];
	[tilespmem:s6+$0xF260] =	vst v5;
	v4 =	vadd.f32 v4, v2  }
0x24e: {  	v5 =	vld [tilespmem:s11+$0xC200];
	[tilespmem:s6+$0x10A60] =	vst v3;
	v3 =	vadd.f32 v7, v2  }
0x24f: {  	v7 =	vld [tilespmem:s11+$0xDA00];
	[tilespmem:s6+$0xC270] =	vst v4;
	v4 =	vadd.f32 v10, v2  }
0x250: {  	v8 =	vld [tilespmem:s11+$0xF200];
	[tilespmem:s6+$0xDA70] =	vst v3;
	v2 =	vmov v11  }
0x251: {  	v3 =	vld [tilespmem:s11+$0x10A00];
	v9 =	vadd.f32 v9, v2;
	[tilespmem:s6+$0xF270] =	vst v4;
	s6 =	smov.u32 s11  }
0x252: {  	v4 =	vld [tilespmem:s6+$0x1B210]  }
0x253: {  	v5 =	vadd.f32 v5, v6;
	v10 =	vld [tilespmem:s6+$0xC210];
	[tilespmem:s6+$0x10A70] =	vst v9  }
0x254: {  	v7 =	vadd.f32 v7, v6;
	v9 =	vld [tilespmem:s6+$0xDA10]  }
0x255: {  	[tilespmem:s6+$0xC200] =	vst v5;
	v5 =	vadd.f32 v8, v6;
	v8 =	vld [tilespmem:s6+$0xF210]  }
0x256: {  	[tilespmem:s6+$0xDA00] =	vst v7;
	v3 =	vadd.f32 v3, v6;
	v6 =	vld [tilespmem:s6+$0x10A10]  }
0x257: {  	[tilespmem:s6+$0xF200] =	vst v5;
	v5 =	vld [tilespmem:s6+$0x1B220]  }
0x258: {  	[tilespmem:s6+$0x10A00] =	vst v3;
	v3 =	vadd.f32 v10, v4;
	v7 =	vld [tilespmem:s6+$0xC220]  }
0x259: {  	v9 =	vadd.f32 v9, v4;
	v10 =	vld [tilespmem:s6+$0xDA20]  }
0x25a: {  	[tilespmem:s6+$0xC210] =	vst v3;
	v3 =	vadd.f32 v8, v4;
	v8 =	vld [tilespmem:s6+$0xF220]  }
0x25b: {  	[tilespmem:s6+$0xDA10] =	vst v9;
	v4 =	vadd.f32 v6, v4;
	v6 =	vld [tilespmem:s6+$0x10A20]  }
0x25c: {  	[tilespmem:s6+$0xF210] =	vst v3;
	v3 =	vld [tilespmem:s6+$0x1B230]  }
0x25d: {  	[tilespmem:s6+$0x10A10] =	vst v4;
	v4 =	vadd.f32 v7, v5;
	v7 =	vld [tilespmem:s6+$0xC230]  }
0x25e: {  	v9 =	vadd.f32 v10, v5;
	v10 =	vld [tilespmem:s6+$0xDA30]  }
0x25f: {  	[tilespmem:s6+$0xC220] =	vst v4;
	v4 =	vadd.f32 v8, v5;
	v8 =	vld [tilespmem:s6+$0xF230]  }
0x260: {  	[tilespmem:s6+$0xDA20] =	vst v9;
	v5 =	vadd.f32 v6, v5;
	v6 =	vld [tilespmem:s6+$0x10A30]  }
0x261: {  	[tilespmem:s6+$0xF220] =	vst v4;
	v4 =	vld [tilespmem:s6+$0x1B240]  }
0x262: {  	[tilespmem:s6+$0x10A20] =	vst v5;
	v5 =	vadd.f32 v7, v3;
	v7 =	vld [tilespmem:s6+$0xC240]  }
0x263: {  	v9 =	vadd.f32 v10, v3;
	v10 =	vld [tilespmem:s6+$0xDA40]  }
0x264: {  	[tilespmem:s6+$0xC230] =	vst v5;
	v5 =	vadd.f32 v8, v3;
	v8 =	vld [tilespmem:s6+$0xF240]  }
0x265: {  	[tilespmem:s6+$0xDA30] =	vst v9;
	v3 =	vadd.f32 v6, v3;
	v6 =	vld [tilespmem:s6+$0x10A40]  }
0x266: {  	[tilespmem:s6+$0xF230] =	vst v5;
	v9 =	vld [tilespmem:s6+$0x1B250]  }
0x267: {  	[tilespmem:s6+$0x10A30] =	vst v3;
	v3 =	vadd.f32 v7, v4;
	v5 =	vld [tilespmem:s6+$0xC250]  }
0x268: {  	v7 =	vadd.f32 v10, v4;
	v10 =	vld [tilespmem:s6+$0xDA50]  }
0x269: {  	[tilespmem:s6+$0xC240] =	vst v3;
	v3 =	vadd.f32 v8, v4;
	v11 =	vld [tilespmem:s6+$0xF250]  }
0x26a: {  	[tilespmem:s6+$0xDA40] =	vst v7;
	v4 =	vadd.f32 v6, v4;
	v6 =	vld [tilespmem:s6+$0x10A50]  }
0x26b: {  	[tilespmem:s6+$0xF240] =	vst v3;
	v3 =	vld [tilespmem:s6+$0x1B260]  }
0x26c: {  	[tilespmem:s6+$0x10A40] =	vst v4;
	v4 =	vadd.f32 v5, v9;
	v7 =	vld [tilespmem:s6+$0xC260]  }
.Ltmp4:
0x26d: {  	v10 =	vadd.f32 v10, v9;
	v8 =	vld [tilespmem:s6+$0xDA60];
	(pc) =	sbr.rel @p0 .LBB2_11-.Ltmp4, $4  }
0x26e: {  	[tilespmem:s6+$0xC250] =	vst v4;
	v4 =	vadd.f32 v11, v9;
	v5 =	vld [tilespmem:s6+$0xF260]  }
0x26f: {  	[tilespmem:s6+$0xDA50] =	vst v10;
	v9 =	vadd.f32 v6, v9;
	v6 =	vld [tilespmem:s6+$0x10A60]  }
0x270: {  	[tilespmem:s6+$0xF250] =	vst v4;
	v4 =	vld [tilespmem:s6+$0xC270]  }
0x271: {  	s28 =	sadd.s32 $0x1000, s28;
	[tilespmem:s6+$0x10A50] =	vst v9;
	v9 =	vadd.f32 v7, v3;
	v7 =	vld [tilespmem:s6+$0xDA70]  }
0x272: {  	v8 =	vadd.f32 v8, v3;
	v10 =	vld [tilespmem:s6+$0xF270]  }
0x273: {  	s25 =	sadd.s32 $0x1, s25;
	[tilespmem:s6+$0xC260] =	vst v9;
	v5 =	vadd.f32 v5, v3  }
0x274: {  	p0 =	sne.s32 s25, $0x8;
	[tilespmem:s6+$0xDA60] =	vst v8;
	v3 =	vadd.f32 v6, v3  }
.Ltmp5:
0x275: {  	[tilespmem:s6+$0xF260] =	vst v5;
	v4 =	vadd.f32 v4, v2;
	(pc) =	sbr.rel @p0 .LBB2_10-.Ltmp5, $4  }
0x276: {  	[tilespmem:s6+$0x10A60] =	vst v3;
	v3 =	vadd.f32 v7, v2  }
0x277: {  	[tilespmem:s6+$0xC270] =	vst v4;
	v2 =	vadd.f32 v10, v2  }
0x278: {  	[tilespmem:s6+$0xDA70] =	vst v3  }
0x279: {  	s14 =	sadd.s32 $0x200, s14;
	[tilespmem:s6+$0xF270] =	vst v2  }
0x27a: {  	s6 =	rddreg [dreg:$0xf]  }
0x27b: {  	[hbm4b:s6+s16] =	stream.strided.scatter [tilespmem:s7], [sflag:$0x2], $0x6000, s10, s16, $0x38;
	[tilespmem:$0x1E200] =	vst v63  }
0x27c: {  	_ =	swait.ge [sflag:s23], $0x6000  }
0x27d: {  	[sflag:s23] =	ssyncset.done $0x0  }
0x27e: {  	[sflag:s23] =	ssyncadd.s32 $0xFFFFA000  }
0x27f: {  	v2 =	vld.msk [tilespmem:$0x28], $0xff;
	_ =	sdelay $0x4  }
0x280: {  	v3 =	vshrl.u32 v2, $0x3  }
0x281: {  	v3 =	vmul.u32 $0x30, v3  }
0x282: {  	v2 =	vand.u32 $0x7, v2  }
0x283: {  	v2 =	vor.u32 v2, v3  }
0x284: {  	v2 =	vperm.xlane v2, v0;
	_ =	sdelay $0x1  }
0x285: {  	v2 =	vadd.s32 v1, v2;
	_ =	sdelay $0x3  }
0x286: {  	s14 =	simm.s32 $0x0  }
0x287: {  	[tilespmem:s5], [sflag:$0x1] =	stream.indirect_vreg.gather [hbm4b:s1+s14], $0x80, v2, vm0, $0xb8;
	[tilespmem:$0x1E200] =	vst v63  }
0x288: {  	s11 =	simm.s32 $0x6A00  }
0x289: {  	[tilespmem:s11], [sflag:$0x1] =	stream.indirect_vreg.gather [hbm4b:s24+s14], $0x80, v2, vm0, $0xb8;
	[tilespmem:$0x1E200] =	vst v63  }
0x28a: {  	s15 =	simm.s32 $0x7200  }
0x28b: {  	[tilespmem:s15], [sflag:$0x1] =	stream.indirect_vreg.gather [hbm4b:s26+s14], $0x80, v2, vm0, $0xb8;
	[tilespmem:$0x1E200] =	vst v63  }
0x28c: {  	v2 =	vld.msk [tilespmem:$0xA8], $0xff;
	_ =	sdelay $0x4  }
0x28d: {  	v3 =	vshrl.u32 v2, $0x3  }
0x28e: {  	v3 =	vmul.u32 $0x30, v3  }
0x28f: {  	v2 =	vand.u32 $0x7, v2  }
0x290: {  	v2 =	vor.u32 v2, v3  }
0x291: {  	v2 =	vperm.xlane v2, v0;
	_ =	sdelay $0x1  }
0x292: {  	v2 =	vadd.s32 v1, v2;
	_ =	sdelay $0x3  }
0x293: {  	s25 =	simm.s32 $0x7A00  }
0x294: {  	[tilespmem:s25], [sflag:$0x1] =	stream.indirect_vreg.gather [hbm4b:s1+s14], $0x80, v2, vm0, $0xb8;
	[tilespmem:$0x1E200] =	vst v63  }
0x295: {  	s28 =	simm.s32 $0x8200  }
0x296: {  	[tilespmem:s28], [sflag:$0x1] =	stream.indirect_vreg.gather [hbm4b:s24+s14], $0x80, v2, vm0, $0xb8;
	[tilespmem:$0x1E200] =	vst v63  }
0x297: {  	s11 =	simm.s32 $0x8A00  }
0x298: {  	[tilespmem:s11], [sflag:$0x1] =	stream.indirect_vreg.gather [hbm4b:s26+s14], $0x80, v2, vm0, $0xb8;
	[tilespmem:$0x1E200] =	vst v63  }
0x299: {  	v2 =	vld.msk [tilespmem:$0x128], $0xff;
	_ =	sdelay $0x4  }
0x29a: {  	v3 =	vshrl.u32 v2, $0x3  }
0x29b: {  	v3 =	vmul.u32 $0x30, v3  }
0x29c: {  	v2 =	vand.u32 $0x7, v2  }
0x29d: {  	v2 =	vor.u32 v2, v3  }
0x29e: {  	v2 =	vperm.xlane v2, v0;
	_ =	sdelay $0x1  }
0x29f: {  	v2 =	vadd.s32 v1, v2;
	_ =	sdelay $0x3  }
0x2a0: {  	s15 =	simm.s32 $0x9200  }
0x2a1: {  	[tilespmem:s15], [sflag:$0x1] =	stream.indirect_vreg.gather [hbm4b:s1+s14], $0x80, v2, vm0, $0xb8;
	[tilespmem:$0x1E200] =	vst v63  }
0x2a2: {  	s25 =	simm.s32 $0x9A00  }
0x2a3: {  	[tilespmem:s25], [sflag:$0x1] =	stream.indirect_vreg.gather [hbm4b:s24+s14], $0x80, v2, vm0, $0xb8;
	[tilespmem:$0x1E200] =	vst v63  }
0x2a4: {  	s28 =	simm.s32 $0xA200  }
0x2a5: {  	[tilespmem:s28], [sflag:$0x1] =	stream.indirect_vreg.gather [hbm4b:s26+s14], $0x80, v2, vm0, $0xb8;
	[tilespmem:$0x1E200] =	vst v63  }
0x2a6: {  	v2 =	vld.msk [tilespmem:$0x1A8], $0xff;
	_ =	sdelay $0x4  }
0x2a7: {  	v3 =	vshrl.u32 v2, $0x3  }
0x2a8: {  	v3 =	vmul.u32 $0x30, v3  }
0x2a9: {  	v2 =	vand.u32 $0x7, v2  }
0x2aa: {  	v2 =	vor.u32 v2, v3  }
0x2ab: {  	v2 =	vperm.xlane v2, v0;
	_ =	sdelay $0x1  }
0x2ac: {  	v2 =	vadd.s32 v1, v2;
	_ =	sdelay $0x3  }
0x2ad: {  	s11 =	simm.s32 $0xAA00  }
0x2ae: {  	[tilespmem:s11], [sflag:$0x1] =	stream.indirect_vreg.gather [hbm4b:s1+s14], $0x80, v2, vm0, $0xb8;
	[tilespmem:$0x1E200] =	vst v63  }
0x2af: {  	s15 =	simm.s32 $0xB200  }
0x2b0: {  	[tilespmem:s15], [sflag:$0x1] =	stream.indirect_vreg.gather [hbm4b:s24+s14], $0x80, v2, vm0, $0xb8;
	[tilespmem:$0x1E200] =	vst v63  }
0x2b1: {  	s25 =	simm.s32 $0xBA00  }
0x2b2: {  	[tilespmem:s25], [sflag:$0x1] =	stream.indirect_vreg.gather [hbm4b:s26+s14], $0x80, v2, vm0, $0xb8;
	[tilespmem:$0x1E200] =	vst v63  }
0x2b3: {  	s28 =	rddreg [dreg:$0x10];
	s11 =	simm.s32 $0x19A00  }
0x2b4: {  	[tilespmem:s11], [sflag:$0x1] =	stream.linear.gather [hbm4b:s28+s14], $0x1800, $0x38;
	[tilespmem:$0x1E200] =	vst v63  }
0x2b5: {  	_ =	swait.ge [sflag:s31], $0x1800  }
0x2b6: {  	[sflag:s31] =	ssyncset.done $0x0  }
0x2b7: {  	[sflag:s31] =	ssyncadd.s32 $0xFFFFE800  }
0x2b8: {  	_ =	swait.ge [sflag:s31], $0x1800  }
0x2b9: {  	[sflag:s31] =	ssyncset.done $0x0  }
0x2ba: {  	[sflag:s31] =	ssyncadd.s32 $0xFFFFE800  }
0x2bb: {  	_ =	swait.ge [sflag:s31], $0x1800  }
0x2bc: {  	[sflag:s31] =	ssyncset.done $0x0  }
0x2bd: {  	[sflag:s31] =	ssyncadd.s32 $0xFFFFE800  }
0x2be: {  	_ =	swait.ge [sflag:s31], $0x1800  }
0x2bf: {  	[sflag:s31] =	ssyncset.done $0x0  }
0x2c0: {  	[sflag:s31] =	ssyncadd.s32 $0xFFFFE800  }
0x2c1: {  	_ =	swait.ge [sflag:s31], $0x1800  }
0x2c2: {  	[sflag:s31] =	ssyncset.done $0x0  }
0x2c3: {  	s25 =	simm.s32 $0x0;
	[sflag:s31] =	ssyncadd.s32 $0xFFFFE800  }
.LBB2_14:
0x2c4: {  	s6 =	sshra.s32 s14, $0x2  }
0x2c5: {  	v2 =	vld [tilespmem:s6+$0x1CA70]  }
0x2c6: {  	v3 =	vld [tilespmem:s6+$0x16A70]  }
0x2c7: {  	v4 =	vld [tilespmem:s6+$0x1CA00]  }
0x2c8: {  	v5 =	vld [tilespmem:s6+$0x12200]  }
0x2c9: {  	v6 =	vld [tilespmem:s6+$0x13A00]  }
0x2ca: {  	v7 =	vld [tilespmem:s6+$0x15200]  }
0x2cb: {  	v8 =	vld [tilespmem:s6+$0x16A00]  }
0x2cc: {  	v9 =	vld [tilespmem:s6+$0x1CA10]  }
0x2cd: {  	v10 =	vld [tilespmem:s6+$0x12210]  }
0x2ce: {  	v11 =	vld [tilespmem:s6+$0x13A10]  }
0x2cf: {  	v12 =	vld [tilespmem:s6+$0x15210]  }
0x2d0: {  	v13 =	vld [tilespmem:s6+$0x16A10]  }
0x2d1: {  	v14 =	vld [tilespmem:s6+$0x1CA20];
	v3 =	vadd.f32 v3, v2  }
0x2d2: {  	v15 =	vld [tilespmem:s6+$0x12220];
	v5 =	vadd.f32 v5, v4  }
0x2d3: {  	v63 =	vld [tilespmem:s6+$0x16A30];
	[tilespmem:s6+$0x16A70] =	vst v3;
	v3 =	vadd.f32 v6, v4  }
0x2d4: {  	v6 =	vld [tilespmem:s6+$0x13A20];
	[tilespmem:s6+$0x12200] =	vst v5;
	v5 =	vadd.f32 v7, v4  }
0x2d5: {  	v7 =	vld [tilespmem:s6+$0x15220];
	[tilespmem:s6+$0x13A00] =	vst v3;
	v3 =	vadd.f32 v8, v4  }
0x2d6: {  	v4 =	vld [tilespmem:s6+$0x16A20];
	[tilespmem:s6+$0x15200] =	vst v5;
	v5 =	vadd.f32 v10, v9  }
0x2d7: {  	v8 =	vld [tilespmem:s6+$0x1CA30];
	[tilespmem:s6+$0x16A00] =	vst v3;
	v3 =	vadd.f32 v11, v9  }
0x2d8: {  	v10 =	vld [tilespmem:s6+$0x12230];
	[tilespmem:s6+$0x12210] =	vst v5;
	v5 =	vadd.f32 v12, v9  }
0x2d9: {  	v11 =	vld [tilespmem:s6+$0x13A30];
	[tilespmem:s6+$0x13A10] =	vst v3;
	v3 =	vadd.f32 v13, v9  }
0x2da: {  	v9 =	vld [tilespmem:s6+$0x15230];
	[tilespmem:s6+$0x15210] =	vst v5;
	v5 =	vadd.f32 v15, v14  }
0x2db: {  	[tilespmem:s6+$0x16A10] =	vst v3;
	v3 =	vadd.f32 v6, v14;
	v6 =	vld [tilespmem:s6+$0x1CA40]  }
0x2dc: {  	[tilespmem:s6+$0x12220] =	vst v5;
	v5 =	vadd.f32 v7, v14;
	v7 =	vld [tilespmem:s6+$0x12240]  }
0x2dd: {  	[tilespmem:s6+$0x13A20] =	vst v3;
	v3 =	vadd.f32 v4, v14;
	v4 =	vld [tilespmem:s6+$0x13A40]  }
0x2de: {  	[tilespmem:s6+$0x15220] =	vst v5;
	v5 =	vadd.f32 v10, v8;
	v10 =	vld [tilespmem:s6+$0x15240]  }
0x2df: {  	[tilespmem:s6+$0x16A20] =	vst v3;
	v3 =	vadd.f32 v11, v8;
	v11 =	vld [tilespmem:s6+$0x16A40]  }
0x2e0: {  	[tilespmem:s6+$0x12230] =	vst v5;
	v5 =	vadd.f32 v9, v8;
	v9 =	vld [tilespmem:s6+$0x1CA50]  }
0x2e1: {  	[tilespmem:s6+$0x13A30] =	vst v3;
	v3 =	vadd.f32 v63, v8;
	v8 =	vld [tilespmem:s6+$0x12250]  }
0x2e2: {  	[tilespmem:s6+$0x15230] =	vst v5;
	v5 =	vadd.f32 v7, v6;
	v7 =	vld [tilespmem:s6+$0x13A50]  }
0x2e3: {  	[tilespmem:s6+$0x16A30] =	vst v3;
	v3 =	vadd.f32 v4, v6;
	v4 =	vld [tilespmem:s6+$0x15250]  }
0x2e4: {  	[tilespmem:s6+$0x12240] =	vst v5;
	v5 =	vadd.f32 v10, v6;
	v10 =	vld [tilespmem:s6+$0x16A50]  }
0x2e5: {  	v6 =	vadd.f32 v11, v6;
	v11 =	vld [tilespmem:s6+$0x12260];
	[tilespmem:s6+$0x13A40] =	vst v3  }
0x2e6: {  	v3 =	vld [tilespmem:s6+$0x1CA60];
	[tilespmem:s6+$0x15240] =	vst v5;
	v5 =	vadd.f32 v8, v9  }
0x2e7: {  	[tilespmem:s6+$0x16A40] =	vst v6;
	v6 =	vadd.f32 v7, v9;
	v8 =	vld [tilespmem:s6+$0x13A60]  }
0x2e8: {  	[tilespmem:s6+$0x12250] =	vst v5;
	v4 =	vadd.f32 v4, v9;
	v5 =	vld [tilespmem:s6+$0x15260]  }
0x2e9: {  	[tilespmem:s6+$0x13A50] =	vst v6;
	v7 =	vadd.f32 v10, v9;
	v6 =	vld [tilespmem:s6+$0x16A60]  }
0x2ea: {  	[tilespmem:s6+$0x15250] =	vst v4;
	v4 =	vld [tilespmem:s6+$0x12270]  }
0x2eb: {  	s15 =	simm.s32 $0x0;
	s28 =	sadd.s32 $0x1000, s14;
	[tilespmem:s6+$0x16A50] =	vst v7;
	v9 =	vadd.f32 v11, v3;
	v7 =	vld [tilespmem:s6+$0x13A70]  }
.LBB2_15:
0x2ec: {  	s11 =	sshra.s32 s28, $0x2;
	v8 =	vadd.f32 v8, v3;
	v10 =	vld [tilespmem:s6+$0x15270]  }
0x2ed: {  	s15 =	sadd.s32 $0x8, s15;
	v11 =	vld [tilespmem:s11+$0x1CA70];
	[tilespmem:s6+$0x12260] =	vst v9;
	v5 =	vadd.f32 v5, v3  }
0x2ee: {  	p0 =	slt.u32 s15, $0x28;
	v9 =	vld [tilespmem:s11+$0x16A70];
	[tilespmem:s6+$0x13A60] =	vst v8;
	v3 =	vadd.f32 v6, v3  }
0x2ef: {  	v6 =	vld [tilespmem:s11+$0x1CA00];
	[tilespmem:s6+$0x15260] =	vst v5;
	v4 =	vadd.f32 v4, v2  }
0x2f0: {  	v5 =	vld [tilespmem:s11+$0x12200];
	[tilespmem:s6+$0x16A60] =	vst v3;
	v3 =	vadd.f32 v7, v2  }
0x2f1: {  	v7 =	vld [tilespmem:s11+$0x13A00];
	[tilespmem:s6+$0x12270] =	vst v4;
	v4 =	vadd.f32 v10, v2  }
0x2f2: {  	v8 =	vld [tilespmem:s11+$0x15200];
	[tilespmem:s6+$0x13A70] =	vst v3;
	v2 =	vmov v11  }
0x2f3: {  	v3 =	vld [tilespmem:s11+$0x16A00];
	v9 =	vadd.f32 v9, v2;
	[tilespmem:s6+$0x15270] =	vst v4;
	s6 =	smov.u32 s11  }
0x2f4: {  	v4 =	vld [tilespmem:s6+$0x1CA10]  }
0x2f5: {  	v5 =	vadd.f32 v5, v6;
	v10 =	vld [tilespmem:s6+$0x12210];
	[tilespmem:s6+$0x16A70] =	vst v9  }
0x2f6: {  	v7 =	vadd.f32 v7, v6;
	v9 =	vld [tilespmem:s6+$0x13A10]  }
0x2f7: {  	[tilespmem:s6+$0x12200] =	vst v5;
	v5 =	vadd.f32 v8, v6;
	v8 =	vld [tilespmem:s6+$0x15210]  }
0x2f8: {  	[tilespmem:s6+$0x13A00] =	vst v7;
	v3 =	vadd.f32 v3, v6;
	v6 =	vld [tilespmem:s6+$0x16A10]  }
0x2f9: {  	[tilespmem:s6+$0x15200] =	vst v5;
	v5 =	vld [tilespmem:s6+$0x1CA20]  }
0x2fa: {  	[tilespmem:s6+$0x16A00] =	vst v3;
	v3 =	vadd.f32 v10, v4;
	v7 =	vld [tilespmem:s6+$0x12220]  }
0x2fb: {  	v9 =	vadd.f32 v9, v4;
	v10 =	vld [tilespmem:s6+$0x13A20]  }
0x2fc: {  	[tilespmem:s6+$0x12210] =	vst v3;
	v3 =	vadd.f32 v8, v4;
	v8 =	vld [tilespmem:s6+$0x15220]  }
0x2fd: {  	[tilespmem:s6+$0x13A10] =	vst v9;
	v4 =	vadd.f32 v6, v4;
	v6 =	vld [tilespmem:s6+$0x16A20]  }
0x2fe: {  	[tilespmem:s6+$0x15210] =	vst v3;
	v3 =	vld [tilespmem:s6+$0x1CA30]  }
0x2ff: {  	[tilespmem:s6+$0x16A10] =	vst v4;
	v4 =	vadd.f32 v7, v5;
	v7 =	vld [tilespmem:s6+$0x12230]  }
0x300: {  	v9 =	vadd.f32 v10, v5;
	v10 =	vld [tilespmem:s6+$0x13A30]  }
0x301: {  	[tilespmem:s6+$0x12220] =	vst v4;
	v4 =	vadd.f32 v8, v5;
	v8 =	vld [tilespmem:s6+$0x15230]  }
0x302: {  	[tilespmem:s6+$0x13A20] =	vst v9;
	v5 =	vadd.f32 v6, v5;
	v6 =	vld [tilespmem:s6+$0x16A30]  }
0x303: {  	[tilespmem:s6+$0x15220] =	vst v4;
	v4 =	vld [tilespmem:s6+$0x1CA40]  }
0x304: {  	[tilespmem:s6+$0x16A20] =	vst v5;
	v5 =	vadd.f32 v7, v3;
	v7 =	vld [tilespmem:s6+$0x12240]  }
0x305: {  	v9 =	vadd.f32 v10, v3;
	v10 =	vld [tilespmem:s6+$0x13A40]  }
0x306: {  	[tilespmem:s6+$0x12230] =	vst v5;
	v5 =	vadd.f32 v8, v3;
	v8 =	vld [tilespmem:s6+$0x15240]  }
0x307: {  	[tilespmem:s6+$0x13A30] =	vst v9;
	v3 =	vadd.f32 v6, v3;
	v6 =	vld [tilespmem:s6+$0x16A40]  }
0x308: {  	[tilespmem:s6+$0x15230] =	vst v5;
	v9 =	vld [tilespmem:s6+$0x1CA50]  }
0x309: {  	[tilespmem:s6+$0x16A30] =	vst v3;
	v3 =	vadd.f32 v7, v4;
	v5 =	vld [tilespmem:s6+$0x12250]  }
0x30a: {  	v7 =	vadd.f32 v10, v4;
	v10 =	vld [tilespmem:s6+$0x13A50]  }
0x30b: {  	[tilespmem:s6+$0x12240] =	vst v3;
	v3 =	vadd.f32 v8, v4;
	v11 =	vld [tilespmem:s6+$0x15250]  }
0x30c: {  	[tilespmem:s6+$0x13A40] =	vst v7;
	v4 =	vadd.f32 v6, v4;
	v6 =	vld [tilespmem:s6+$0x16A50]  }
0x30d: {  	[tilespmem:s6+$0x15240] =	vst v3;
	v3 =	vld [tilespmem:s6+$0x1CA60]  }
0x30e: {  	[tilespmem:s6+$0x16A40] =	vst v4;
	v4 =	vadd.f32 v5, v9;
	v7 =	vld [tilespmem:s6+$0x12260]  }
.Ltmp6:
0x30f: {  	v10 =	vadd.f32 v10, v9;
	v8 =	vld [tilespmem:s6+$0x13A60];
	(pc) =	sbr.rel @p0 .LBB2_15-.Ltmp6, $4  }
0x310: {  	[tilespmem:s6+$0x12250] =	vst v4;
	v4 =	vadd.f32 v11, v9;
	v5 =	vld [tilespmem:s6+$0x15260]  }
0x311: {  	[tilespmem:s6+$0x13A50] =	vst v10;
	v9 =	vadd.f32 v6, v9;
	v6 =	vld [tilespmem:s6+$0x16A60]  }
0x312: {  	[tilespmem:s6+$0x15250] =	vst v4;
	v4 =	vld [tilespmem:s6+$0x12270]  }
0x313: {  	s28 =	sadd.s32 $0x1000, s28;
	[tilespmem:s6+$0x16A50] =	vst v9;
	v9 =	vadd.f32 v7, v3;
	v7 =	vld [tilespmem:s6+$0x13A70]  }
0x314: {  	v8 =	vadd.f32 v8, v3;
	v10 =	vld [tilespmem:s6+$0x15270]  }
0x315: {  	s25 =	sadd.s32 $0x1, s25;
	[tilespmem:s6+$0x12260] =	vst v9;
	v5 =	vadd.f32 v5, v3  }
0x316: {  	p0 =	sne.s32 s25, $0x8;
	[tilespmem:s6+$0x13A60] =	vst v8;
	v3 =	vadd.f32 v6, v3  }
.Ltmp7:
0x317: {  	[tilespmem:s6+$0x15260] =	vst v5;
	v4 =	vadd.f32 v4, v2;
	(pc) =	sbr.rel @p0 .LBB2_14-.Ltmp7, $4  }
0x318: {  	[tilespmem:s6+$0x16A60] =	vst v3;
	v3 =	vadd.f32 v7, v2  }
0x319: {  	[tilespmem:s6+$0x12270] =	vst v4;
	v2 =	vadd.f32 v10, v2  }
0x31a: {  	[tilespmem:s6+$0x13A70] =	vst v3  }
0x31b: {  	s14 =	sadd.s32 $0x200, s14;
	[tilespmem:s6+$0x15270] =	vst v2  }
0x31c: {  	s6 =	rddreg [dreg:$0x11]  }
0x31d: {  	[hbm4b:s6+s16] =	stream.strided.scatter [tilespmem:s17], [sflag:$0x2], $0x6000, s10, s16, $0x38;
	[tilespmem:$0x1E200] =	vst v63  }
0x31e: {  	_ =	swait.ge [sflag:s23], $0x6000  }
0x31f: {  	[sflag:s23] =	ssyncset.done $0x0  }
0x320: {  	[sflag:s23] =	ssyncadd.s32 $0xFFFFA000  }
0x321: {  	v2 =	vld.msk [tilespmem:$0x30], $0xff;
	_ =	sdelay $0x4  }
0x322: {  	v3 =	vshrl.u32 v2, $0x3  }
0x323: {  	v3 =	vmul.u32 $0x30, v3  }
0x324: {  	v2 =	vand.u32 $0x7, v2  }
0x325: {  	v2 =	vor.u32 v2, v3  }
0x326: {  	v2 =	vperm.xlane v2, v0;
	_ =	sdelay $0x1  }
0x327: {  	v2 =	vadd.s32 v1, v2;
	_ =	sdelay $0x3  }
0x328: {  	s14 =	simm.s32 $0x0  }
0x329: {  	[tilespmem:s7], [sflag:$0x1] =	stream.indirect_vreg.gather [hbm4b:s1+s14], $0x80, v2, vm0, $0xb8;
	[tilespmem:$0x1E200] =	vst v63  }
0x32a: {  	s11 =	simm.s32 $0xCA00  }
0x32b: {  	[tilespmem:s11], [sflag:$0x1] =	stream.indirect_vreg.gather [hbm4b:s24+s14], $0x80, v2, vm0, $0xb8;
	[tilespmem:$0x1E200] =	vst v63  }
0x32c: {  	s15 =	simm.s32 $0xD200  }
0x32d: {  	[tilespmem:s15], [sflag:$0x1] =	stream.indirect_vreg.gather [hbm4b:s26+s14], $0x80, v2, vm0, $0xb8;
	[tilespmem:$0x1E200] =	vst v63  }
0x32e: {  	v2 =	vld.msk [tilespmem:$0xB0], $0xff;
	_ =	sdelay $0x4  }
0x32f: {  	v3 =	vshrl.u32 v2, $0x3  }
0x330: {  	v3 =	vmul.u32 $0x30, v3  }
0x331: {  	v2 =	vand.u32 $0x7, v2  }
0x332: {  	v2 =	vor.u32 v2, v3  }
0x333: {  	v2 =	vperm.xlane v2, v0;
	_ =	sdelay $0x1  }
0x334: {  	v2 =	vadd.s32 v1, v2;
	_ =	sdelay $0x3  }
0x335: {  	s25 =	simm.s32 $0xDA00  }
0x336: {  	[tilespmem:s25], [sflag:$0x1] =	stream.indirect_vreg.gather [hbm4b:s1+s14], $0x80, v2, vm0, $0xb8;
	[tilespmem:$0x1E200] =	vst v63  }
0x337: {  	s28 =	simm.s32 $0xE200  }
0x338: {  	[tilespmem:s28], [sflag:$0x1] =	stream.indirect_vreg.gather [hbm4b:s24+s14], $0x80, v2, vm0, $0xb8;
	[tilespmem:$0x1E200] =	vst v63  }
0x339: {  	s11 =	simm.s32 $0xEA00  }
0x33a: {  	[tilespmem:s11], [sflag:$0x1] =	stream.indirect_vreg.gather [hbm4b:s26+s14], $0x80, v2, vm0, $0xb8;
	[tilespmem:$0x1E200] =	vst v63  }
0x33b: {  	v2 =	vld.msk [tilespmem:$0x130], $0xff;
	_ =	sdelay $0x4  }
0x33c: {  	v3 =	vshrl.u32 v2, $0x3  }
0x33d: {  	v3 =	vmul.u32 $0x30, v3  }
0x33e: {  	v2 =	vand.u32 $0x7, v2  }
0x33f: {  	v2 =	vor.u32 v2, v3  }
0x340: {  	v2 =	vperm.xlane v2, v0;
	_ =	sdelay $0x1  }
0x341: {  	v2 =	vadd.s32 v1, v2;
	_ =	sdelay $0x3  }
0x342: {  	s15 =	simm.s32 $0xF200  }
0x343: {  	[tilespmem:s15], [sflag:$0x1] =	stream.indirect_vreg.gather [hbm4b:s1+s14], $0x80, v2, vm0, $0xb8;
	[tilespmem:$0x1E200] =	vst v63  }
0x344: {  	s25 =	simm.s32 $0xFA00  }
0x345: {  	[tilespmem:s25], [sflag:$0x1] =	stream.indirect_vreg.gather [hbm4b:s24+s14], $0x80, v2, vm0, $0xb8;
	[tilespmem:$0x1E200] =	vst v63  }
0x346: {  	s28 =	simm.s32 $0x10200  }
0x347: {  	[tilespmem:s28], [sflag:$0x1] =	stream.indirect_vreg.gather [hbm4b:s26+s14], $0x80, v2, vm0, $0xb8;
	[tilespmem:$0x1E200] =	vst v63  }
0x348: {  	v2 =	vld.msk [tilespmem:$0x1B0], $0xff;
	_ =	sdelay $0x4  }
0x349: {  	v3 =	vshrl.u32 v2, $0x3  }
0x34a: {  	v3 =	vmul.u32 $0x30, v3  }
0x34b: {  	v2 =	vand.u32 $0x7, v2  }
0x34c: {  	v2 =	vor.u32 v2, v3  }
0x34d: {  	v2 =	vperm.xlane v2, v0;
	_ =	sdelay $0x1  }
0x34e: {  	v2 =	vadd.s32 v1, v2;
	_ =	sdelay $0x3  }
0x34f: {  	s11 =	simm.s32 $0x10A00  }
0x350: {  	[tilespmem:s11], [sflag:$0x1] =	stream.indirect_vreg.gather [hbm4b:s1+s14], $0x80, v2, vm0, $0xb8;
	[tilespmem:$0x1E200] =	vst v63  }
0x351: {  	s15 =	simm.s32 $0x11200  }
0x352: {  	[tilespmem:s15], [sflag:$0x1] =	stream.indirect_vreg.gather [hbm4b:s24+s14], $0x80, v2, vm0, $0xb8;
	[tilespmem:$0x1E200] =	vst v63  }
0x353: {  	s25 =	simm.s32 $0x11A00  }
0x354: {  	[tilespmem:s25], [sflag:$0x1] =	stream.indirect_vreg.gather [hbm4b:s26+s14], $0x80, v2, vm0, $0xb8;
	[tilespmem:$0x1E200] =	vst v63  }
0x355: {  	s28 =	rddreg [dreg:$0x12];
	s11 =	simm.s32 $0x1B200  }
0x356: {  	[tilespmem:s11], [sflag:$0x1] =	stream.linear.gather [hbm4b:s28+s14], $0x1800, $0x38;
	[tilespmem:$0x1E200] =	vst v63  }
0x357: {  	_ =	swait.ge [sflag:s31], $0x1800  }
0x358: {  	[sflag:s31] =	ssyncset.done $0x0  }
0x359: {  	[sflag:s31] =	ssyncadd.s32 $0xFFFFE800  }
0x35a: {  	_ =	swait.ge [sflag:s31], $0x1800  }
0x35b: {  	[sflag:s31] =	ssyncset.done $0x0  }
0x35c: {  	[sflag:s31] =	ssyncadd.s32 $0xFFFFE800  }
0x35d: {  	_ =	swait.ge [sflag:s31], $0x1800  }
0x35e: {  	[sflag:s31] =	ssyncset.done $0x0  }
0x35f: {  	[sflag:s31] =	ssyncadd.s32 $0xFFFFE800  }
0x360: {  	_ =	swait.ge [sflag:s31], $0x1800  }
0x361: {  	[sflag:s31] =	ssyncset.done $0x0  }
0x362: {  	[sflag:s31] =	ssyncadd.s32 $0xFFFFE800  }
0x363: {  	_ =	swait.ge [sflag:s31], $0x1800  }
0x364: {  	[sflag:s31] =	ssyncset.done $0x0  }
0x365: {  	s25 =	simm.s32 $0x0;
	[sflag:s31] =	ssyncadd.s32 $0xFFFFE800  }
.LBB2_18:
0x366: {  	s6 =	sshra.s32 s14, $0x2  }
0x367: {  	v2 =	vld [tilespmem:s6+$0x18270]  }
0x368: {  	v3 =	vld [tilespmem:s6+$0x4A70]  }
0x369: {  	v4 =	vld [tilespmem:s6+$0x18200]  }
0x36a: {  	v5 =	vld [tilespmem:s6+$0x200]  }
0x36b: {  	v6 =	vld [tilespmem:s6+$0x1A00]  }
0x36c: {  	v7 =	vld [tilespmem:s6+$0x3200]  }
0x36d: {  	v8 =	vld [tilespmem:s6+$0x4A00]  }
0x36e: {  	v9 =	vld [tilespmem:s6+$0x18210]  }
0x36f: {  	v10 =	vld [tilespmem:s6+$0x210]  }
0x370: {  	v11 =	vld [tilespmem:s6+$0x1A10]  }
0x371: {  	v12 =	vld [tilespmem:s6+$0x3210]  }
0x372: {  	v13 =	vld [tilespmem:s6+$0x4A10]  }
0x373: {  	v14 =	vld [tilespmem:s6+$0x18220];
	v3 =	vadd.f32 v3, v2  }
0x374: {  	v15 =	vld [tilespmem:s6+$0x220];
	v5 =	vadd.f32 v5, v4  }
0x375: {  	v63 =	vld [tilespmem:s6+$0x4A30];
	[tilespmem:s6+$0x4A70] =	vst v3;
	v3 =	vadd.f32 v6, v4  }
0x376: {  	v6 =	vld [tilespmem:s6+$0x1A20];
	[tilespmem:s6+$0x200] =	vst v5;
	v5 =	vadd.f32 v7, v4  }
0x377: {  	v7 =	vld [tilespmem:s6+$0x3220];
	[tilespmem:s6+$0x1A00] =	vst v3;
	v3 =	vadd.f32 v8, v4  }
0x378: {  	v4 =	vld [tilespmem:s6+$0x4A20];
	[tilespmem:s6+$0x3200] =	vst v5;
	v5 =	vadd.f32 v10, v9  }
0x379: {  	v8 =	vld [tilespmem:s6+$0x18230];
	[tilespmem:s6+$0x4A00] =	vst v3;
	v3 =	vadd.f32 v11, v9  }
0x37a: {  	v10 =	vld [tilespmem:s6+$0x230];
	[tilespmem:s6+$0x210] =	vst v5;
	v5 =	vadd.f32 v12, v9  }
0x37b: {  	v11 =	vld [tilespmem:s6+$0x1A30];
	[tilespmem:s6+$0x1A10] =	vst v3;
	v3 =	vadd.f32 v13, v9  }
0x37c: {  	v9 =	vld [tilespmem:s6+$0x3230];
	[tilespmem:s6+$0x3210] =	vst v5;
	v5 =	vadd.f32 v15, v14  }
0x37d: {  	[tilespmem:s6+$0x4A10] =	vst v3;
	v3 =	vadd.f32 v6, v14;
	v6 =	vld [tilespmem:s6+$0x18240]  }
0x37e: {  	[tilespmem:s6+$0x220] =	vst v5;
	v5 =	vadd.f32 v7, v14;
	v7 =	vld [tilespmem:s6+$0x240]  }
0x37f: {  	[tilespmem:s6+$0x1A20] =	vst v3;
	v3 =	vadd.f32 v4, v14;
	v4 =	vld [tilespmem:s6+$0x1A40]  }
0x380: {  	[tilespmem:s6+$0x3220] =	vst v5;
	v5 =	vadd.f32 v10, v8;
	v10 =	vld [tilespmem:s6+$0x3240]  }
0x381: {  	[tilespmem:s6+$0x4A20] =	vst v3;
	v3 =	vadd.f32 v11, v8;
	v11 =	vld [tilespmem:s6+$0x4A40]  }
0x382: {  	[tilespmem:s6+$0x230] =	vst v5;
	v5 =	vadd.f32 v9, v8;
	v9 =	vld [tilespmem:s6+$0x18250]  }
0x383: {  	[tilespmem:s6+$0x1A30] =	vst v3;
	v3 =	vadd.f32 v63, v8;
	v8 =	vld [tilespmem:s6+$0x250]  }
0x384: {  	[tilespmem:s6+$0x3230] =	vst v5;
	v5 =	vadd.f32 v7, v6;
	v7 =	vld [tilespmem:s6+$0x1A50]  }
0x385: {  	[tilespmem:s6+$0x4A30] =	vst v3;
	v3 =	vadd.f32 v4, v6;
	v4 =	vld [tilespmem:s6+$0x3250]  }
0x386: {  	[tilespmem:s6+$0x240] =	vst v5;
	v5 =	vadd.f32 v10, v6;
	v10 =	vld [tilespmem:s6+$0x4A50]  }
0x387: {  	v6 =	vadd.f32 v11, v6;
	v11 =	vld [tilespmem:s6+$0x260];
	[tilespmem:s6+$0x1A40] =	vst v3  }
0x388: {  	v3 =	vld [tilespmem:s6+$0x18260];
	[tilespmem:s6+$0x3240] =	vst v5;
	v5 =	vadd.f32 v8, v9  }
0x389: {  	[tilespmem:s6+$0x4A40] =	vst v6;
	v6 =	vadd.f32 v7, v9;
	v8 =	vld [tilespmem:s6+$0x1A60]  }
0x38a: {  	[tilespmem:s6+$0x250] =	vst v5;
	v4 =	vadd.f32 v4, v9;
	v5 =	vld [tilespmem:s6+$0x3260]  }
0x38b: {  	[tilespmem:s6+$0x1A50] =	vst v6;
	v7 =	vadd.f32 v10, v9;
	v6 =	vld [tilespmem:s6+$0x4A60]  }
0x38c: {  	[tilespmem:s6+$0x3250] =	vst v4;
	v4 =	vld [tilespmem:s6+$0x270]  }
0x38d: {  	s15 =	simm.s32 $0x0;
	s28 =	sadd.s32 $0x1000, s14;
	[tilespmem:s6+$0x4A50] =	vst v7;
	v9 =	vadd.f32 v11, v3;
	v7 =	vld [tilespmem:s6+$0x1A70]  }
.LBB2_19:
0x38e: {  	s11 =	sshra.s32 s28, $0x2;
	v8 =	vadd.f32 v8, v3;
	v10 =	vld [tilespmem:s6+$0x3270]  }
0x38f: {  	s15 =	sadd.s32 $0x8, s15;
	v11 =	vld [tilespmem:s11+$0x18270];
	[tilespmem:s6+$0x260] =	vst v9;
	v5 =	vadd.f32 v5, v3  }
0x390: {  	p0 =	slt.u32 s15, $0x28;
	v9 =	vld [tilespmem:s11+$0x4A70];
	[tilespmem:s6+$0x1A60] =	vst v8;
	v3 =	vadd.f32 v6, v3  }
0x391: {  	v6 =	vld [tilespmem:s11+$0x18200];
	[tilespmem:s6+$0x3260] =	vst v5;
	v4 =	vadd.f32 v4, v2  }
0x392: {  	v5 =	vld [tilespmem:s11+$0x200];
	[tilespmem:s6+$0x4A60] =	vst v3;
	v3 =	vadd.f32 v7, v2  }
0x393: {  	v7 =	vld [tilespmem:s11+$0x1A00];
	[tilespmem:s6+$0x270] =	vst v4;
	v4 =	vadd.f32 v10, v2  }
0x394: {  	v8 =	vld [tilespmem:s11+$0x3200];
	[tilespmem:s6+$0x1A70] =	vst v3;
	v2 =	vmov v11  }
0x395: {  	v3 =	vld [tilespmem:s11+$0x4A00];
	v9 =	vadd.f32 v9, v2;
	[tilespmem:s6+$0x3270] =	vst v4;
	s6 =	smov.u32 s11  }
0x396: {  	v4 =	vld [tilespmem:s6+$0x18210]  }
0x397: {  	v5 =	vadd.f32 v5, v6;
	v10 =	vld [tilespmem:s6+$0x210];
	[tilespmem:s6+$0x4A70] =	vst v9  }
0x398: {  	v7 =	vadd.f32 v7, v6;
	v9 =	vld [tilespmem:s6+$0x1A10]  }
0x399: {  	[tilespmem:s6+$0x200] =	vst v5;
	v5 =	vadd.f32 v8, v6;
	v8 =	vld [tilespmem:s6+$0x3210]  }
0x39a: {  	[tilespmem:s6+$0x1A00] =	vst v7;
	v3 =	vadd.f32 v3, v6;
	v6 =	vld [tilespmem:s6+$0x4A10]  }
0x39b: {  	[tilespmem:s6+$0x3200] =	vst v5;
	v5 =	vld [tilespmem:s6+$0x18220]  }
0x39c: {  	[tilespmem:s6+$0x4A00] =	vst v3;
	v3 =	vadd.f32 v10, v4;
	v7 =	vld [tilespmem:s6+$0x220]  }
0x39d: {  	v9 =	vadd.f32 v9, v4;
	v10 =	vld [tilespmem:s6+$0x1A20]  }
0x39e: {  	[tilespmem:s6+$0x210] =	vst v3;
	v3 =	vadd.f32 v8, v4;
	v8 =	vld [tilespmem:s6+$0x3220]  }
0x39f: {  	[tilespmem:s6+$0x1A10] =	vst v9;
	v4 =	vadd.f32 v6, v4;
	v6 =	vld [tilespmem:s6+$0x4A20]  }
0x3a0: {  	[tilespmem:s6+$0x3210] =	vst v3;
	v3 =	vld [tilespmem:s6+$0x18230]  }
0x3a1: {  	[tilespmem:s6+$0x4A10] =	vst v4;
	v4 =	vadd.f32 v7, v5;
	v7 =	vld [tilespmem:s6+$0x230]  }
0x3a2: {  	v9 =	vadd.f32 v10, v5;
	v10 =	vld [tilespmem:s6+$0x1A30]  }
0x3a3: {  	[tilespmem:s6+$0x220] =	vst v4;
	v4 =	vadd.f32 v8, v5;
	v8 =	vld [tilespmem:s6+$0x3230]  }
0x3a4: {  	[tilespmem:s6+$0x1A20] =	vst v9;
	v5 =	vadd.f32 v6, v5;
	v6 =	vld [tilespmem:s6+$0x4A30]  }
0x3a5: {  	[tilespmem:s6+$0x3220] =	vst v4;
	v4 =	vld [tilespmem:s6+$0x18240]  }
0x3a6: {  	[tilespmem:s6+$0x4A20] =	vst v5;
	v5 =	vadd.f32 v7, v3;
	v7 =	vld [tilespmem:s6+$0x240]  }
0x3a7: {  	v9 =	vadd.f32 v10, v3;
	v10 =	vld [tilespmem:s6+$0x1A40]  }
0x3a8: {  	[tilespmem:s6+$0x230] =	vst v5;
	v5 =	vadd.f32 v8, v3;
	v8 =	vld [tilespmem:s6+$0x3240]  }
0x3a9: {  	[tilespmem:s6+$0x1A30] =	vst v9;
	v3 =	vadd.f32 v6, v3;
	v6 =	vld [tilespmem:s6+$0x4A40]  }
0x3aa: {  	[tilespmem:s6+$0x3230] =	vst v5;
	v9 =	vld [tilespmem:s6+$0x18250]  }
0x3ab: {  	[tilespmem:s6+$0x4A30] =	vst v3;
	v3 =	vadd.f32 v7, v4;
	v5 =	vld [tilespmem:s6+$0x250]  }
0x3ac: {  	v7 =	vadd.f32 v10, v4;
	v10 =	vld [tilespmem:s6+$0x1A50]  }
0x3ad: {  	[tilespmem:s6+$0x240] =	vst v3;
	v3 =	vadd.f32 v8, v4;
	v11 =	vld [tilespmem:s6+$0x3250]  }
0x3ae: {  	[tilespmem:s6+$0x1A40] =	vst v7;
	v4 =	vadd.f32 v6, v4;
	v6 =	vld [tilespmem:s6+$0x4A50]  }
0x3af: {  	[tilespmem:s6+$0x3240] =	vst v3;
	v3 =	vld [tilespmem:s6+$0x18260]  }
0x3b0: {  	[tilespmem:s6+$0x4A40] =	vst v4;
	v4 =	vadd.f32 v5, v9;
	v7 =	vld [tilespmem:s6+$0x260]  }
.Ltmp8:
0x3b1: {  	v10 =	vadd.f32 v10, v9;
	v8 =	vld [tilespmem:s6+$0x1A60];
	(pc) =	sbr.rel @p0 .LBB2_19-.Ltmp8, $4  }
0x3b2: {  	[tilespmem:s6+$0x250] =	vst v4;
	v4 =	vadd.f32 v11, v9;
	v5 =	vld [tilespmem:s6+$0x3260]  }
0x3b3: {  	[tilespmem:s6+$0x1A50] =	vst v10;
	v9 =	vadd.f32 v6, v9;
	v6 =	vld [tilespmem:s6+$0x4A60]  }
0x3b4: {  	[tilespmem:s6+$0x3250] =	vst v4;
	v4 =	vld [tilespmem:s6+$0x270]  }
0x3b5: {  	s28 =	sadd.s32 $0x1000, s28;
	[tilespmem:s6+$0x4A50] =	vst v9;
	v9 =	vadd.f32 v7, v3;
	v7 =	vld [tilespmem:s6+$0x1A70]  }
0x3b6: {  	v8 =	vadd.f32 v8, v3;
	v10 =	vld [tilespmem:s6+$0x3270]  }
0x3b7: {  	s25 =	sadd.s32 $0x1, s25;
	[tilespmem:s6+$0x260] =	vst v9;
	v5 =	vadd.f32 v5, v3  }
0x3b8: {  	p0 =	sne.s32 s25, $0x8;
	[tilespmem:s6+$0x1A60] =	vst v8;
	v3 =	vadd.f32 v6, v3  }
.Ltmp9:
0x3b9: {  	[tilespmem:s6+$0x3260] =	vst v5;
	v4 =	vadd.f32 v4, v2;
	(pc) =	sbr.rel @p0 .LBB2_18-.Ltmp9, $4  }
0x3ba: {  	[tilespmem:s6+$0x4A60] =	vst v3;
	v3 =	vadd.f32 v7, v2  }
0x3bb: {  	[tilespmem:s6+$0x270] =	vst v4;
	v2 =	vadd.f32 v10, v2  }
0x3bc: {  	[tilespmem:s6+$0x1A70] =	vst v3  }
0x3bd: {  	s14 =	sadd.s32 $0x200, s14;
	[tilespmem:s6+$0x3270] =	vst v2  }
0x3be: {  	s6 =	rddreg [dreg:$0x13]  }
0x3bf: {  	[hbm4b:s6+s16] =	stream.strided.scatter [tilespmem:s2], [sflag:$0x2], $0x6000, s10, s16, $0x38;
	[tilespmem:$0x1E200] =	vst v63  }
0x3c0: {  	_ =	swait.ge [sflag:s23], $0x6000  }
0x3c1: {  	[sflag:s23] =	ssyncset.done $0x0  }
0x3c2: {  	[sflag:s23] =	ssyncadd.s32 $0xFFFFA000  }
0x3c3: {  	v2 =	vld.msk [tilespmem:$0x38], $0xff;
	_ =	sdelay $0x4  }
0x3c4: {  	v3 =	vshrl.u32 v2, $0x3  }
0x3c5: {  	v3 =	vmul.u32 $0x30, v3  }
0x3c6: {  	v2 =	vand.u32 $0x7, v2  }
0x3c7: {  	v2 =	vor.u32 v2, v3  }
0x3c8: {  	v2 =	vperm.xlane v2, v0;
	_ =	sdelay $0x1  }
0x3c9: {  	v2 =	vadd.s32 v1, v2;
	_ =	sdelay $0x3  }
0x3ca: {  	s14 =	simm.s32 $0x0  }
0x3cb: {  	[tilespmem:s17], [sflag:$0x1] =	stream.indirect_vreg.gather [hbm4b:s1+s14], $0x80, v2, vm0, $0xb8;
	[tilespmem:$0x1E200] =	vst v63  }
0x3cc: {  	s25 =	simm.s32 $0x12A00  }
0x3cd: {  	[tilespmem:s25], [sflag:$0x1] =	stream.indirect_vreg.gather [hbm4b:s24+s14], $0x80, v2, vm0, $0xb8;
	[tilespmem:$0x1E200] =	vst v63  }
0x3ce: {  	_ = 	snop  }
0x3cf: {  	[tilespmem:s29], [sflag:$0x1] =	stream.indirect_vreg.gather [hbm4b:s26+s14], $0x80, v2, vm0, $0xb8;
	[tilespmem:$0x1E200] =	vst v63  }
0x3d0: {  	v2 =	vld.msk [tilespmem:$0xB8], $0xff;
	_ =	sdelay $0x4  }
0x3d1: {  	v3 =	vshrl.u32 v2, $0x3  }
0x3d2: {  	v3 =	vmul.u32 $0x30, v3  }
0x3d3: {  	v2 =	vand.u32 $0x7, v2  }
0x3d4: {  	v2 =	vor.u32 v2, v3  }
0x3d5: {  	v2 =	vperm.xlane v2, v0;
	_ =	sdelay $0x1  }
0x3d6: {  	v2 =	vadd.s32 v1, v2;
	_ =	sdelay $0x4  }
0x3d7: {  	[tilespmem:s18], [sflag:$0x1] =	stream.indirect_vreg.gather [hbm4b:s1+s14], $0x80, v2, vm0, $0xb8;
	[tilespmem:$0x1E200] =	vst v63  }
0x3d8: {  	_ = 	snop  }
0x3d9: {  	[tilespmem:s12], [sflag:$0x1] =	stream.indirect_vreg.gather [hbm4b:s24+s14], $0x80, v2, vm0, $0xb8;
	[tilespmem:$0x1E200] =	vst v63  }
0x3da: {  	_ = 	snop  }
0x3db: {  	[tilespmem:s19], [sflag:$0x1] =	stream.indirect_vreg.gather [hbm4b:s26+s14], $0x80, v2, vm0, $0xb8;
	[tilespmem:$0x1E200] =	vst v63  }
0x3dc: {  	v2 =	vld.msk [tilespmem:$0x138], $0xff;
	_ =	sdelay $0x4  }
0x3dd: {  	v3 =	vshrl.u32 v2, $0x3  }
0x3de: {  	v3 =	vmul.u32 $0x30, v3  }
0x3df: {  	v2 =	vand.u32 $0x7, v2  }
0x3e0: {  	v2 =	vor.u32 v2, v3  }
0x3e1: {  	v2 =	vperm.xlane v2, v0;
	_ =	sdelay $0x1  }
0x3e2: {  	v2 =	vadd.s32 v1, v2;
	_ =	sdelay $0x4  }
0x3e3: {  	[tilespmem:s8], [sflag:$0x1] =	stream.indirect_vreg.gather [hbm4b:s1+s14], $0x80, v2, vm0, $0xb8;
	[tilespmem:$0x1E200] =	vst v63  }
0x3e4: {  	_ = 	snop  }
0x3e5: {  	[tilespmem:s20], [sflag:$0x1] =	stream.indirect_vreg.gather [hbm4b:s24+s14], $0x80, v2, vm0, $0xb8;
	[tilespmem:$0x1E200] =	vst v63  }
0x3e6: {  	_ = 	snop  }
0x3e7: {  	[tilespmem:s13], [sflag:$0x1] =	stream.indirect_vreg.gather [hbm4b:s26+s14], $0x80, v2, vm0, $0xb8;
	[tilespmem:$0x1E200] =	vst v63  }
0x3e8: {  	v2 =	vld.msk [tilespmem:$0x1B8], $0xff;
	_ =	sdelay $0x4  }
0x3e9: {  	v3 =	vshrl.u32 v2, $0x3  }
0x3ea: {  	v3 =	vmul.u32 $0x30, v3  }
0x3eb: {  	v2 =	vand.u32 $0x7, v2  }
0x3ec: {  	v2 =	vor.u32 v2, v3  }
0x3ed: {  	v2 =	vperm.xlane v2, v0;
	_ =	sdelay $0x1  }
0x3ee: {  	v2 =	vadd.s32 v1, v2;
	_ =	sdelay $0x4  }
0x3ef: {  	[tilespmem:s21], [sflag:$0x1] =	stream.indirect_vreg.gather [hbm4b:s1+s14], $0x80, v2, vm0, $0xb8;
	[tilespmem:$0x1E200] =	vst v63  }
0x3f0: {  	_ = 	snop  }
0x3f1: {  	[tilespmem:s30], [sflag:$0x1] =	stream.indirect_vreg.gather [hbm4b:s24+s14], $0x80, v2, vm0, $0xb8;
	[tilespmem:$0x1E200] =	vst v63  }
0x3f2: {  	_ = 	snop  }
0x3f3: {  	[tilespmem:s22], [sflag:$0x1] =	stream.indirect_vreg.gather [hbm4b:s26+s14], $0x80, v2, vm0, $0xb8;
	[tilespmem:$0x1E200] =	vst v63  }
0x3f4: {  	s28 =	rddreg [dreg:$0x14]  }
0x3f5: {  	[tilespmem:s0], [sflag:$0x1] =	stream.linear.gather [hbm4b:s28+s14], $0x1800, $0x38;
	[tilespmem:$0x1E200] =	vst v63  }
0x3f6: {  	_ =	swait.ge [sflag:s31], $0x1800  }
0x3f7: {  	[sflag:s31] =	ssyncset.done $0x0  }
0x3f8: {  	[sflag:s31] =	ssyncadd.s32 $0xFFFFE800  }
0x3f9: {  	_ =	swait.ge [sflag:s31], $0x1800  }
0x3fa: {  	[sflag:s31] =	ssyncset.done $0x0  }
0x3fb: {  	[sflag:s31] =	ssyncadd.s32 $0xFFFFE800  }
0x3fc: {  	_ =	swait.ge [sflag:s31], $0x1800  }
0x3fd: {  	[sflag:s31] =	ssyncset.done $0x0  }
0x3fe: {  	[sflag:s31] =	ssyncadd.s32 $0xFFFFE800  }
0x3ff: {  	_ =	swait.ge [sflag:s31], $0x1800  }
0x400: {  	[sflag:s31] =	ssyncset.done $0x0  }
0x401: {  	[sflag:s31] =	ssyncadd.s32 $0xFFFFE800  }
0x402: {  	_ =	swait.ge [sflag:s31], $0x1800  }
0x403: {  	[sflag:s31] =	ssyncset.done $0x0  }
0x404: {  	s25 =	simm.s32 $0x0;
	[sflag:s31] =	ssyncadd.s32 $0xFFFFE800  }
.LBB2_22:
0x405: {  	s6 =	sshra.s32 s14, $0x2  }
0x406: {  	v2 =	vld [tilespmem:s6+$0x19A70]  }
0x407: {  	v3 =	vld [tilespmem:s6+$0xAA70]  }
0x408: {  	v4 =	vld [tilespmem:s6+$0x19A00]  }
0x409: {  	v5 =	vld [tilespmem:s6+$0x6200]  }
0x40a: {  	v6 =	vld [tilespmem:s6+$0x7A00]  }
0x40b: {  	v7 =	vld [tilespmem:s6+$0x9200]  }
0x40c: {  	v8 =	vld [tilespmem:s6+$0xAA00]  }
0x40d: {  	v9 =	vld [tilespmem:s6+$0x19A10]  }
0x40e: {  	v10 =	vld [tilespmem:s6+$0x6210]  }
0x40f: {  	v11 =	vld [tilespmem:s6+$0x7A10]  }
0x410: {  	v12 =	vld [tilespmem:s6+$0x9210]  }
0x411: {  	v13 =	vld [tilespmem:s6+$0xAA10]  }
0x412: {  	v14 =	vld [tilespmem:s6+$0x19A20];
	v3 =	vadd.f32 v3, v2  }
0x413: {  	v15 =	vld [tilespmem:s6+$0x6220];
	v5 =	vadd.f32 v5, v4  }
0x414: {  	v63 =	vld [tilespmem:s6+$0xAA30];
	[tilespmem:s6+$0xAA70] =	vst v3;
	v3 =	vadd.f32 v6, v4  }
0x415: {  	v6 =	vld [tilespmem:s6+$0x7A20];
	[tilespmem:s6+$0x6200] =	vst v5;
	v5 =	vadd.f32 v7, v4  }
0x416: {  	v7 =	vld [tilespmem:s6+$0x9220];
	[tilespmem:s6+$0x7A00] =	vst v3;
	v3 =	vadd.f32 v8, v4  }
0x417: {  	v4 =	vld [tilespmem:s6+$0xAA20];
	[tilespmem:s6+$0x9200] =	vst v5;
	v5 =	vadd.f32 v10, v9  }
0x418: {  	v8 =	vld [tilespmem:s6+$0x19A30];
	[tilespmem:s6+$0xAA00] =	vst v3;
	v3 =	vadd.f32 v11, v9  }
0x419: {  	v10 =	vld [tilespmem:s6+$0x6230];
	[tilespmem:s6+$0x6210] =	vst v5;
	v5 =	vadd.f32 v12, v9  }
0x41a: {  	v11 =	vld [tilespmem:s6+$0x7A30];
	[tilespmem:s6+$0x7A10] =	vst v3;
	v3 =	vadd.f32 v13, v9  }
0x41b: {  	v9 =	vld [tilespmem:s6+$0x9230];
	[tilespmem:s6+$0x9210] =	vst v5;
	v5 =	vadd.f32 v15, v14  }
0x41c: {  	[tilespmem:s6+$0xAA10] =	vst v3;
	v3 =	vadd.f32 v6, v14;
	v6 =	vld [tilespmem:s6+$0x19A40]  }
0x41d: {  	[tilespmem:s6+$0x6220] =	vst v5;
	v5 =	vadd.f32 v7, v14;
	v7 =	vld [tilespmem:s6+$0x6240]  }
0x41e: {  	[tilespmem:s6+$0x7A20] =	vst v3;
	v3 =	vadd.f32 v4, v14;
	v4 =	vld [tilespmem:s6+$0x7A40]  }
0x41f: {  	[tilespmem:s6+$0x9220] =	vst v5;
	v5 =	vadd.f32 v10, v8;
	v10 =	vld [tilespmem:s6+$0x9240]  }
0x420: {  	[tilespmem:s6+$0xAA20] =	vst v3;
	v3 =	vadd.f32 v11, v8;
	v11 =	vld [tilespmem:s6+$0xAA40]  }
0x421: {  	[tilespmem:s6+$0x6230] =	vst v5;
	v5 =	vadd.f32 v9, v8;
	v9 =	vld [tilespmem:s6+$0x19A50]  }
0x422: {  	[tilespmem:s6+$0x7A30] =	vst v3;
	v3 =	vadd.f32 v63, v8;
	v8 =	vld [tilespmem:s6+$0x6250]  }
0x423: {  	[tilespmem:s6+$0x9230] =	vst v5;
	v5 =	vadd.f32 v7, v6;
	v7 =	vld [tilespmem:s6+$0x7A50]  }
0x424: {  	[tilespmem:s6+$0xAA30] =	vst v3;
	v3 =	vadd.f32 v4, v6;
	v4 =	vld [tilespmem:s6+$0x9250]  }
0x425: {  	[tilespmem:s6+$0x6240] =	vst v5;
	v5 =	vadd.f32 v10, v6;
	v10 =	vld [tilespmem:s6+$0xAA50]  }
0x426: {  	v6 =	vadd.f32 v11, v6;
	v11 =	vld [tilespmem:s6+$0x6260];
	[tilespmem:s6+$0x7A40] =	vst v3  }
0x427: {  	v3 =	vld [tilespmem:s6+$0x19A60];
	[tilespmem:s6+$0x9240] =	vst v5;
	v5 =	vadd.f32 v8, v9  }
0x428: {  	[tilespmem:s6+$0xAA40] =	vst v6;
	v6 =	vadd.f32 v7, v9;
	v8 =	vld [tilespmem:s6+$0x7A60]  }
0x429: {  	[tilespmem:s6+$0x6250] =	vst v5;
	v4 =	vadd.f32 v4, v9;
	v5 =	vld [tilespmem:s6+$0x9260]  }
0x42a: {  	[tilespmem:s6+$0x7A50] =	vst v6;
	v7 =	vadd.f32 v10, v9;
	v6 =	vld [tilespmem:s6+$0xAA60]  }
0x42b: {  	[tilespmem:s6+$0x9250] =	vst v4;
	v4 =	vld [tilespmem:s6+$0x6270]  }
0x42c: {  	s15 =	simm.s32 $0x0;
	s28 =	sadd.s32 $0x1000, s14;
	[tilespmem:s6+$0xAA50] =	vst v7;
	v9 =	vadd.f32 v11, v3;
	v7 =	vld [tilespmem:s6+$0x7A70]  }
.LBB2_23:
0x42d: {  	s11 =	sshra.s32 s28, $0x2;
	v8 =	vadd.f32 v8, v3;
	v10 =	vld [tilespmem:s6+$0x9270]  }
0x42e: {  	s15 =	sadd.s32 $0x8, s15;
	v11 =	vld [tilespmem:s11+$0x19A70];
	[tilespmem:s6+$0x6260] =	vst v9;
	v5 =	vadd.f32 v5, v3  }
0x42f: {  	p0 =	slt.u32 s15, $0x28;
	v9 =	vld [tilespmem:s11+$0xAA70];
	[tilespmem:s6+$0x7A60] =	vst v8;
	v3 =	vadd.f32 v6, v3  }
0x430: {  	v6 =	vld [tilespmem:s11+$0x19A00];
	[tilespmem:s6+$0x9260] =	vst v5;
	v4 =	vadd.f32 v4, v2  }
0x431: {  	v5 =	vld [tilespmem:s11+$0x6200];
	[tilespmem:s6+$0xAA60] =	vst v3;
	v3 =	vadd.f32 v7, v2  }
0x432: {  	v7 =	vld [tilespmem:s11+$0x7A00];
	[tilespmem:s6+$0x6270] =	vst v4;
	v4 =	vadd.f32 v10, v2  }
0x433: {  	v8 =	vld [tilespmem:s11+$0x9200];
	[tilespmem:s6+$0x7A70] =	vst v3;
	v2 =	vmov v11  }
0x434: {  	v3 =	vld [tilespmem:s11+$0xAA00];
	v9 =	vadd.f32 v9, v2;
	[tilespmem:s6+$0x9270] =	vst v4;
	s6 =	smov.u32 s11  }
0x435: {  	v4 =	vld [tilespmem:s6+$0x19A10]  }
0x436: {  	v5 =	vadd.f32 v5, v6;
	v10 =	vld [tilespmem:s6+$0x6210];
	[tilespmem:s6+$0xAA70] =	vst v9  }
0x437: {  	v7 =	vadd.f32 v7, v6;
	v9 =	vld [tilespmem:s6+$0x7A10]  }
0x438: {  	[tilespmem:s6+$0x6200] =	vst v5;
	v5 =	vadd.f32 v8, v6;
	v8 =	vld [tilespmem:s6+$0x9210]  }
0x439: {  	[tilespmem:s6+$0x7A00] =	vst v7;
	v3 =	vadd.f32 v3, v6;
	v6 =	vld [tilespmem:s6+$0xAA10]  }
0x43a: {  	[tilespmem:s6+$0x9200] =	vst v5;
	v5 =	vld [tilespmem:s6+$0x19A20]  }
0x43b: {  	[tilespmem:s6+$0xAA00] =	vst v3;
	v3 =	vadd.f32 v10, v4;
	v7 =	vld [tilespmem:s6+$0x6220]  }
0x43c: {  	v9 =	vadd.f32 v9, v4;
	v10 =	vld [tilespmem:s6+$0x7A20]  }
0x43d: {  	[tilespmem:s6+$0x6210] =	vst v3;
	v3 =	vadd.f32 v8, v4;
	v8 =	vld [tilespmem:s6+$0x9220]  }
0x43e: {  	[tilespmem:s6+$0x7A10] =	vst v9;
	v4 =	vadd.f32 v6, v4;
	v6 =	vld [tilespmem:s6+$0xAA20]  }
0x43f: {  	[tilespmem:s6+$0x9210] =	vst v3;
	v3 =	vld [tilespmem:s6+$0x19A30]  }
0x440: {  	[tilespmem:s6+$0xAA10] =	vst v4;
	v4 =	vadd.f32 v7, v5;
	v7 =	vld [tilespmem:s6+$0x6230]  }
0x441: {  	v9 =	vadd.f32 v10, v5;
	v10 =	vld [tilespmem:s6+$0x7A30]  }
0x442: {  	[tilespmem:s6+$0x6220] =	vst v4;
	v4 =	vadd.f32 v8, v5;
	v8 =	vld [tilespmem:s6+$0x9230]  }
0x443: {  	[tilespmem:s6+$0x7A20] =	vst v9;
	v5 =	vadd.f32 v6, v5;
	v6 =	vld [tilespmem:s6+$0xAA30]  }
0x444: {  	[tilespmem:s6+$0x9220] =	vst v4;
	v4 =	vld [tilespmem:s6+$0x19A40]  }
0x445: {  	[tilespmem:s6+$0xAA20] =	vst v5;
	v5 =	vadd.f32 v7, v3;
	v7 =	vld [tilespmem:s6+$0x6240]  }
0x446: {  	v9 =	vadd.f32 v10, v3;
	v10 =	vld [tilespmem:s6+$0x7A40]  }
0x447: {  	[tilespmem:s6+$0x6230] =	vst v5;
	v5 =	vadd.f32 v8, v3;
	v8 =	vld [tilespmem:s6+$0x9240]  }
0x448: {  	[tilespmem:s6+$0x7A30] =	vst v9;
	v3 =	vadd.f32 v6, v3;
	v6 =	vld [tilespmem:s6+$0xAA40]  }
0x449: {  	[tilespmem:s6+$0x9230] =	vst v5;
	v9 =	vld [tilespmem:s6+$0x19A50]  }
0x44a: {  	[tilespmem:s6+$0xAA30] =	vst v3;
	v3 =	vadd.f32 v7, v4;
	v5 =	vld [tilespmem:s6+$0x6250]  }
0x44b: {  	v7 =	vadd.f32 v10, v4;
	v10 =	vld [tilespmem:s6+$0x7A50]  }
0x44c: {  	[tilespmem:s6+$0x6240] =	vst v3;
	v3 =	vadd.f32 v8, v4;
	v11 =	vld [tilespmem:s6+$0x9250]  }
0x44d: {  	[tilespmem:s6+$0x7A40] =	vst v7;
	v4 =	vadd.f32 v6, v4;
	v6 =	vld [tilespmem:s6+$0xAA50]  }
0x44e: {  	[tilespmem:s6+$0x9240] =	vst v3;
	v3 =	vld [tilespmem:s6+$0x19A60]  }
0x44f: {  	[tilespmem:s6+$0xAA40] =	vst v4;
	v4 =	vadd.f32 v5, v9;
	v7 =	vld [tilespmem:s6+$0x6260]  }
.Ltmp10:
0x450: {  	v10 =	vadd.f32 v10, v9;
	v8 =	vld [tilespmem:s6+$0x7A60];
	(pc) =	sbr.rel @p0 .LBB2_23-.Ltmp10, $4  }
0x451: {  	[tilespmem:s6+$0x6250] =	vst v4;
	v4 =	vadd.f32 v11, v9;
	v5 =	vld [tilespmem:s6+$0x9260]  }
0x452: {  	[tilespmem:s6+$0x7A50] =	vst v10;
	v9 =	vadd.f32 v6, v9;
	v6 =	vld [tilespmem:s6+$0xAA60]  }
0x453: {  	[tilespmem:s6+$0x9250] =	vst v4;
	v4 =	vld [tilespmem:s6+$0x6270]  }
0x454: {  	s28 =	sadd.s32 $0x1000, s28;
	[tilespmem:s6+$0xAA50] =	vst v9;
	v9 =	vadd.f32 v7, v3;
	v7 =	vld [tilespmem:s6+$0x7A70]  }
0x455: {  	v8 =	vadd.f32 v8, v3;
	v10 =	vld [tilespmem:s6+$0x9270]  }
0x456: {  	s25 =	sadd.s32 $0x1, s25;
	[tilespmem:s6+$0x6260] =	vst v9;
	v5 =	vadd.f32 v5, v3  }
0x457: {  	p0 =	sne.s32 s25, $0x8;
	[tilespmem:s6+$0x7A60] =	vst v8;
	v3 =	vadd.f32 v6, v3  }
.Ltmp11:
0x458: {  	[tilespmem:s6+$0x9260] =	vst v5;
	v4 =	vadd.f32 v4, v2;
	(pc) =	sbr.rel @p0 .LBB2_22-.Ltmp11, $4  }
0x459: {  	[tilespmem:s6+$0xAA60] =	vst v3;
	v3 =	vadd.f32 v7, v2  }
0x45a: {  	[tilespmem:s6+$0x6270] =	vst v4;
	v2 =	vadd.f32 v10, v2  }
0x45b: {  	[tilespmem:s6+$0x7A70] =	vst v3  }
0x45c: {  	s14 =	sadd.s32 $0x200, s14;
	[tilespmem:s6+$0x9270] =	vst v2  }
0x45d: {  	s6 =	rddreg [dreg:$0x15]  }
0x45e: {  	[hbm4b:s6+s16] =	stream.strided.scatter [tilespmem:s5], [sflag:$0x2], $0x6000, s10, s16, $0x38;
	[tilespmem:$0x1E200] =	vst v63  }
0x45f: {  	_ =	swait.ge [sflag:s31], $0x1800  }
0x460: {  	[sflag:s31] =	ssyncset.done $0x0  }
0x461: {  	[sflag:s31] =	ssyncadd.s32 $0xFFFFE800  }
0x462: {  	_ =	swait.ge [sflag:s31], $0x1800  }
0x463: {  	[sflag:s31] =	ssyncset.done $0x0  }
0x464: {  	[sflag:s31] =	ssyncadd.s32 $0xFFFFE800  }
0x465: {  	_ =	swait.ge [sflag:s31], $0x1800  }
0x466: {  	[sflag:s31] =	ssyncset.done $0x0  }
0x467: {  	[sflag:s31] =	ssyncadd.s32 $0xFFFFE800  }
0x468: {  	_ =	swait.ge [sflag:s31], $0x1800  }
0x469: {  	[sflag:s31] =	ssyncset.done $0x0  }
0x46a: {  	[sflag:s31] =	ssyncadd.s32 $0xFFFFE800  }
0x46b: {  	_ =	swait.ge [sflag:s31], $0x1800  }
0x46c: {  	[sflag:s31] =	ssyncset.done $0x0  }
0x46d: {  	s14 =	simm.s32 $0x0;
	s25 =	simm.s32 $0x0;
	[sflag:s31] =	ssyncadd.s32 $0xFFFFE800  }
.LBB2_26:
0x46e: {  	s6 =	sshra.s32 s14, $0x2  }
0x46f: {  	v2 =	vld [tilespmem:s6+$0x1B270]  }
0x470: {  	v3 =	vld [tilespmem:s6+$0x10A70]  }
0x471: {  	v4 =	vld [tilespmem:s6+$0x1B200]  }
0x472: {  	v5 =	vld [tilespmem:s6+$0xC200]  }
0x473: {  	v6 =	vld [tilespmem:s6+$0xDA00]  }
0x474: {  	v7 =	vld [tilespmem:s6+$0xF200]  }
0x475: {  	v8 =	vld [tilespmem:s6+$0x10A00]  }
0x476: {  	v9 =	vld [tilespmem:s6+$0x1B210]  }
0x477: {  	v10 =	vld [tilespmem:s6+$0xC210]  }
0x478: {  	v11 =	vld [tilespmem:s6+$0xDA10]  }
0x479: {  	v12 =	vld [tilespmem:s6+$0xF210]  }
0x47a: {  	v13 =	vld [tilespmem:s6+$0x10A10]  }
0x47b: {  	v14 =	vld [tilespmem:s6+$0x1B220];
	v3 =	vadd.f32 v3, v2  }
0x47c: {  	v15 =	vld [tilespmem:s6+$0xC220];
	v5 =	vadd.f32 v5, v4  }
0x47d: {  	v63 =	vld [tilespmem:s6+$0x10A30];
	[tilespmem:s6+$0x10A70] =	vst v3;
	v3 =	vadd.f32 v6, v4  }
0x47e: {  	v6 =	vld [tilespmem:s6+$0xDA20];
	[tilespmem:s6+$0xC200] =	vst v5;
	v5 =	vadd.f32 v7, v4  }
0x47f: {  	v7 =	vld [tilespmem:s6+$0xF220];
	[tilespmem:s6+$0xDA00] =	vst v3;
	v3 =	vadd.f32 v8, v4  }
0x480: {  	v4 =	vld [tilespmem:s6+$0x10A20];
	[tilespmem:s6+$0xF200] =	vst v5;
	v5 =	vadd.f32 v10, v9  }
0x481: {  	v8 =	vld [tilespmem:s6+$0x1B230];
	[tilespmem:s6+$0x10A00] =	vst v3;
	v3 =	vadd.f32 v11, v9  }
0x482: {  	v10 =	vld [tilespmem:s6+$0xC230];
	[tilespmem:s6+$0xC210] =	vst v5;
	v5 =	vadd.f32 v12, v9  }
0x483: {  	v11 =	vld [tilespmem:s6+$0xDA30];
	[tilespmem:s6+$0xDA10] =	vst v3;
	v3 =	vadd.f32 v13, v9  }
0x484: {  	v9 =	vld [tilespmem:s6+$0xF230];
	[tilespmem:s6+$0xF210] =	vst v5;
	v5 =	vadd.f32 v15, v14  }
0x485: {  	[tilespmem:s6+$0x10A10] =	vst v3;
	v3 =	vadd.f32 v6, v14;
	v6 =	vld [tilespmem:s6+$0x1B240]  }
0x486: {  	[tilespmem:s6+$0xC220] =	vst v5;
	v5 =	vadd.f32 v7, v14;
	v7 =	vld [tilespmem:s6+$0xC240]  }
0x487: {  	[tilespmem:s6+$0xDA20] =	vst v3;
	v3 =	vadd.f32 v4, v14;
	v4 =	vld [tilespmem:s6+$0xDA40]  }
0x488: {  	[tilespmem:s6+$0xF220] =	vst v5;
	v5 =	vadd.f32 v10, v8;
	v10 =	vld [tilespmem:s6+$0xF240]  }
0x489: {  	[tilespmem:s6+$0x10A20] =	vst v3;
	v3 =	vadd.f32 v11, v8;
	v11 =	vld [tilespmem:s6+$0x10A40]  }
0x48a: {  	[tilespmem:s6+$0xC230] =	vst v5;
	v5 =	vadd.f32 v9, v8;
	v9 =	vld [tilespmem:s6+$0x1B250]  }
0x48b: {  	[tilespmem:s6+$0xDA30] =	vst v3;
	v3 =	vadd.f32 v63, v8;
	v8 =	vld [tilespmem:s6+$0xC250]  }
0x48c: {  	[tilespmem:s6+$0xF230] =	vst v5;
	v5 =	vadd.f32 v7, v6;
	v7 =	vld [tilespmem:s6+$0xDA50]  }
0x48d: {  	[tilespmem:s6+$0x10A30] =	vst v3;
	v3 =	vadd.f32 v4, v6;
	v4 =	vld [tilespmem:s6+$0xF250]  }
0x48e: {  	[tilespmem:s6+$0xC240] =	vst v5;
	v5 =	vadd.f32 v10, v6;
	v10 =	vld [tilespmem:s6+$0x10A50]  }
0x48f: {  	v6 =	vadd.f32 v11, v6;
	v11 =	vld [tilespmem:s6+$0xC260];
	[tilespmem:s6+$0xDA40] =	vst v3  }
0x490: {  	v3 =	vld [tilespmem:s6+$0x1B260];
	[tilespmem:s6+$0xF240] =	vst v5;
	v5 =	vadd.f32 v8, v9  }
0x491: {  	[tilespmem:s6+$0x10A40] =	vst v6;
	v6 =	vadd.f32 v7, v9;
	v8 =	vld [tilespmem:s6+$0xDA60]  }
0x492: {  	[tilespmem:s6+$0xC250] =	vst v5;
	v4 =	vadd.f32 v4, v9;
	v5 =	vld [tilespmem:s6+$0xF260]  }
0x493: {  	[tilespmem:s6+$0xDA50] =	vst v6;
	v7 =	vadd.f32 v10, v9;
	v6 =	vld [tilespmem:s6+$0x10A60]  }
0x494: {  	[tilespmem:s6+$0xF250] =	vst v4;
	v4 =	vld [tilespmem:s6+$0xC270]  }
0x495: {  	s15 =	simm.s32 $0x0;
	s28 =	sadd.s32 $0x1000, s14;
	[tilespmem:s6+$0x10A50] =	vst v7;
	v9 =	vadd.f32 v11, v3;
	v7 =	vld [tilespmem:s6+$0xDA70]  }
.LBB2_27:
0x496: {  	s11 =	sshra.s32 s28, $0x2;
	v8 =	vadd.f32 v8, v3;
	v10 =	vld [tilespmem:s6+$0xF270]  }
0x497: {  	s15 =	sadd.s32 $0x8, s15;
	v11 =	vld [tilespmem:s11+$0x1B270];
	[tilespmem:s6+$0xC260] =	vst v9;
	v5 =	vadd.f32 v5, v3  }
0x498: {  	p0 =	slt.u32 s15, $0x28;
	v9 =	vld [tilespmem:s11+$0x10A70];
	[tilespmem:s6+$0xDA60] =	vst v8;
	v3 =	vadd.f32 v6, v3  }
0x499: {  	v6 =	vld [tilespmem:s11+$0x1B200];
	[tilespmem:s6+$0xF260] =	vst v5;
	v4 =	vadd.f32 v4, v2  }
0x49a: {  	v5 =	vld [tilespmem:s11+$0xC200];
	[tilespmem:s6+$0x10A60] =	vst v3;
	v3 =	vadd.f32 v7, v2  }
0x49b: {  	v7 =	vld [tilespmem:s11+$0xDA00];
	[tilespmem:s6+$0xC270] =	vst v4;
	v4 =	vadd.f32 v10, v2  }
0x49c: {  	v8 =	vld [tilespmem:s11+$0xF200];
	[tilespmem:s6+$0xDA70] =	vst v3;
	v2 =	vmov v11  }
0x49d: {  	v3 =	vld [tilespmem:s11+$0x10A00];
	v9 =	vadd.f32 v9, v2;
	[tilespmem:s6+$0xF270] =	vst v4;
	s6 =	smov.u32 s11  }
0x49e: {  	v4 =	vld [tilespmem:s6+$0x1B210]  }
0x49f: {  	v5 =	vadd.f32 v5, v6;
	v10 =	vld [tilespmem:s6+$0xC210];
	[tilespmem:s6+$0x10A70] =	vst v9  }
0x4a0: {  	v7 =	vadd.f32 v7, v6;
	v9 =	vld [tilespmem:s6+$0xDA10]  }
0x4a1: {  	[tilespmem:s6+$0xC200] =	vst v5;
	v5 =	vadd.f32 v8, v6;
	v8 =	vld [tilespmem:s6+$0xF210]  }
0x4a2: {  	[tilespmem:s6+$0xDA00] =	vst v7;
	v3 =	vadd.f32 v3, v6;
	v6 =	vld [tilespmem:s6+$0x10A10]  }
0x4a3: {  	[tilespmem:s6+$0xF200] =	vst v5;
	v5 =	vld [tilespmem:s6+$0x1B220]  }
0x4a4: {  	[tilespmem:s6+$0x10A00] =	vst v3;
	v3 =	vadd.f32 v10, v4;
	v7 =	vld [tilespmem:s6+$0xC220]  }
0x4a5: {  	v9 =	vadd.f32 v9, v4;
	v10 =	vld [tilespmem:s6+$0xDA20]  }
0x4a6: {  	[tilespmem:s6+$0xC210] =	vst v3;
	v3 =	vadd.f32 v8, v4;
	v8 =	vld [tilespmem:s6+$0xF220]  }
0x4a7: {  	[tilespmem:s6+$0xDA10] =	vst v9;
	v4 =	vadd.f32 v6, v4;
	v6 =	vld [tilespmem:s6+$0x10A20]  }
0x4a8: {  	[tilespmem:s6+$0xF210] =	vst v3;
	v3 =	vld [tilespmem:s6+$0x1B230]  }
0x4a9: {  	[tilespmem:s6+$0x10A10] =	vst v4;
	v4 =	vadd.f32 v7, v5;
	v7 =	vld [tilespmem:s6+$0xC230]  }
0x4aa: {  	v9 =	vadd.f32 v10, v5;
	v10 =	vld [tilespmem:s6+$0xDA30]  }
0x4ab: {  	[tilespmem:s6+$0xC220] =	vst v4;
	v4 =	vadd.f32 v8, v5;
	v8 =	vld [tilespmem:s6+$0xF230]  }
0x4ac: {  	[tilespmem:s6+$0xDA20] =	vst v9;
	v5 =	vadd.f32 v6, v5;
	v6 =	vld [tilespmem:s6+$0x10A30]  }
0x4ad: {  	[tilespmem:s6+$0xF220] =	vst v4;
	v4 =	vld [tilespmem:s6+$0x1B240]  }
0x4ae: {  	[tilespmem:s6+$0x10A20] =	vst v5;
	v5 =	vadd.f32 v7, v3;
	v7 =	vld [tilespmem:s6+$0xC240]  }
0x4af: {  	v9 =	vadd.f32 v10, v3;
	v10 =	vld [tilespmem:s6+$0xDA40]  }
0x4b0: {  	[tilespmem:s6+$0xC230] =	vst v5;
	v5 =	vadd.f32 v8, v3;
	v8 =	vld [tilespmem:s6+$0xF240]  }
0x4b1: {  	[tilespmem:s6+$0xDA30] =	vst v9;
	v3 =	vadd.f32 v6, v3;
	v6 =	vld [tilespmem:s6+$0x10A40]  }
0x4b2: {  	[tilespmem:s6+$0xF230] =	vst v5;
	v9 =	vld [tilespmem:s6+$0x1B250]  }
0x4b3: {  	[tilespmem:s6+$0x10A30] =	vst v3;
	v3 =	vadd.f32 v7, v4;
	v5 =	vld [tilespmem:s6+$0xC250]  }
0x4b4: {  	v7 =	vadd.f32 v10, v4;
	v10 =	vld [tilespmem:s6+$0xDA50]  }
0x4b5: {  	[tilespmem:s6+$0xC240] =	vst v3;
	v3 =	vadd.f32 v8, v4;
	v11 =	vld [tilespmem:s6+$0xF250]  }
0x4b6: {  	[tilespmem:s6+$0xDA40] =	vst v7;
	v4 =	vadd.f32 v6, v4;
	v6 =	vld [tilespmem:s6+$0x10A50]  }
0x4b7: {  	[tilespmem:s6+$0xF240] =	vst v3;
	v3 =	vld [tilespmem:s6+$0x1B260]  }
0x4b8: {  	[tilespmem:s6+$0x10A40] =	vst v4;
	v4 =	vadd.f32 v5, v9;
	v7 =	vld [tilespmem:s6+$0xC260]  }
.Ltmp12:
0x4b9: {  	v10 =	vadd.f32 v10, v9;
	v8 =	vld [tilespmem:s6+$0xDA60];
	(pc) =	sbr.rel @p0 .LBB2_27-.Ltmp12, $4  }
0x4ba: {  	[tilespmem:s6+$0xC250] =	vst v4;
	v4 =	vadd.f32 v11, v9;
	v5 =	vld [tilespmem:s6+$0xF260]  }
0x4bb: {  	[tilespmem:s6+$0xDA50] =	vst v10;
	v9 =	vadd.f32 v6, v9;
	v6 =	vld [tilespmem:s6+$0x10A60]  }
0x4bc: {  	[tilespmem:s6+$0xF250] =	vst v4;
	v4 =	vld [tilespmem:s6+$0xC270]  }
0x4bd: {  	s28 =	sadd.s32 $0x1000, s28;
	[tilespmem:s6+$0x10A50] =	vst v9;
	v9 =	vadd.f32 v7, v3;
	v7 =	vld [tilespmem:s6+$0xDA70]  }
0x4be: {  	v8 =	vadd.f32 v8, v3;
	v10 =	vld [tilespmem:s6+$0xF270]  }
0x4bf: {  	s25 =	sadd.s32 $0x1, s25;
	[tilespmem:s6+$0xC260] =	vst v9;
	v5 =	vadd.f32 v5, v3  }
0x4c0: {  	p0 =	sne.s32 s25, $0x8;
	[tilespmem:s6+$0xDA60] =	vst v8;
	v3 =	vadd.f32 v6, v3  }
.Ltmp13:
0x4c1: {  	[tilespmem:s6+$0xF260] =	vst v5;
	v4 =	vadd.f32 v4, v2;
	(pc) =	sbr.rel @p0 .LBB2_26-.Ltmp13, $4  }
0x4c2: {  	[tilespmem:s6+$0x10A60] =	vst v3;
	v3 =	vadd.f32 v7, v2  }
0x4c3: {  	[tilespmem:s6+$0xC270] =	vst v4;
	v2 =	vadd.f32 v10, v2  }
0x4c4: {  	[tilespmem:s6+$0xDA70] =	vst v3  }
0x4c5: {  	s14 =	sadd.s32 $0x200, s14;
	[tilespmem:s6+$0xF270] =	vst v2  }
0x4c6: {  	s6 =	rddreg [dreg:$0x16]  }
0x4c7: {  	[hbm4b:s6+s16] =	stream.strided.scatter [tilespmem:s7], [sflag:$0x2], $0x6000, s10, s16, $0x38;
	[tilespmem:$0x1E200] =	vst v63  }
0x4c8: {  	_ =	swait.ge [sflag:s31], $0x1800  }
0x4c9: {  	[sflag:s31] =	ssyncset.done $0x0  }
0x4ca: {  	[sflag:s31] =	ssyncadd.s32 $0xFFFFE800  }
0x4cb: {  	_ =	swait.ge [sflag:s31], $0x1800  }
0x4cc: {  	[sflag:s31] =	ssyncset.done $0x0  }
0x4cd: {  	[sflag:s31] =	ssyncadd.s32 $0xFFFFE800  }
0x4ce: {  	_ =	swait.ge [sflag:s31], $0x1800  }
0x4cf: {  	[sflag:s31] =	ssyncset.done $0x0  }
0x4d0: {  	[sflag:s31] =	ssyncadd.s32 $0xFFFFE800  }
0x4d1: {  	_ =	swait.ge [sflag:s31], $0x1800  }
0x4d2: {  	[sflag:s31] =	ssyncset.done $0x0  }
0x4d3: {  	[sflag:s31] =	ssyncadd.s32 $0xFFFFE800  }
0x4d4: {  	_ =	swait.ge [sflag:s31], $0x1800  }
0x4d5: {  	[sflag:s31] =	ssyncset.done $0x0  }
0x4d6: {  	s14 =	simm.s32 $0x0;
	s25 =	simm.s32 $0x0;
	[sflag:s31] =	ssyncadd.s32 $0xFFFFE800  }
.LBB2_30:
0x4d7: {  	s6 =	sshra.s32 s14, $0x2  }
0x4d8: {  	v2 =	vld [tilespmem:s6+$0x1CA70]  }
0x4d9: {  	v3 =	vld [tilespmem:s6+$0x16A70]  }
0x4da: {  	v4 =	vld [tilespmem:s6+$0x1CA00]  }
0x4db: {  	v5 =	vld [tilespmem:s6+$0x12200]  }
0x4dc: {  	v6 =	vld [tilespmem:s6+$0x13A00]  }
0x4dd: {  	v7 =	vld [tilespmem:s6+$0x15200]  }
0x4de: {  	v8 =	vld [tilespmem:s6+$0x16A00]  }
0x4df: {  	v9 =	vld [tilespmem:s6+$0x1CA10]  }
0x4e0: {  	v10 =	vld [tilespmem:s6+$0x12210]  }
0x4e1: {  	v11 =	vld [tilespmem:s6+$0x13A10]  }
0x4e2: {  	v12 =	vld [tilespmem:s6+$0x15210]  }
0x4e3: {  	v13 =	vld [tilespmem:s6+$0x16A10]  }
0x4e4: {  	v14 =	vld [tilespmem:s6+$0x1CA20];
	v3 =	vadd.f32 v3, v2  }
0x4e5: {  	v15 =	vld [tilespmem:s6+$0x12220];
	v5 =	vadd.f32 v5, v4  }
0x4e6: {  	v63 =	vld [tilespmem:s6+$0x16A30];
	[tilespmem:s6+$0x16A70] =	vst v3;
	v3 =	vadd.f32 v6, v4  }
0x4e7: {  	v6 =	vld [tilespmem:s6+$0x13A20];
	[tilespmem:s6+$0x12200] =	vst v5;
	v5 =	vadd.f32 v7, v4  }
0x4e8: {  	v7 =	vld [tilespmem:s6+$0x15220];
	[tilespmem:s6+$0x13A00] =	vst v3;
	v3 =	vadd.f32 v8, v4  }
0x4e9: {  	v4 =	vld [tilespmem:s6+$0x16A20];
	[tilespmem:s6+$0x15200] =	vst v5;
	v5 =	vadd.f32 v10, v9  }
0x4ea: {  	v8 =	vld [tilespmem:s6+$0x1CA30];
	[tilespmem:s6+$0x16A00] =	vst v3;
	v3 =	vadd.f32 v11, v9  }
0x4eb: {  	v10 =	vld [tilespmem:s6+$0x12230];
	[tilespmem:s6+$0x12210] =	vst v5;
	v5 =	vadd.f32 v12, v9  }
0x4ec: {  	v11 =	vld [tilespmem:s6+$0x13A30];
	[tilespmem:s6+$0x13A10] =	vst v3;
	v3 =	vadd.f32 v13, v9  }
0x4ed: {  	v9 =	vld [tilespmem:s6+$0x15230];
	[tilespmem:s6+$0x15210] =	vst v5;
	v5 =	vadd.f32 v15, v14  }
0x4ee: {  	[tilespmem:s6+$0x16A10] =	vst v3;
	v3 =	vadd.f32 v6, v14;
	v6 =	vld [tilespmem:s6+$0x1CA40]  }
0x4ef: {  	[tilespmem:s6+$0x12220] =	vst v5;
	v5 =	vadd.f32 v7, v14;
	v7 =	vld [tilespmem:s6+$0x12240]  }
0x4f0: {  	[tilespmem:s6+$0x13A20] =	vst v3;
	v3 =	vadd.f32 v4, v14;
	v4 =	vld [tilespmem:s6+$0x13A40]  }
0x4f1: {  	[tilespmem:s6+$0x15220] =	vst v5;
	v5 =	vadd.f32 v10, v8;
	v10 =	vld [tilespmem:s6+$0x15240]  }
0x4f2: {  	[tilespmem:s6+$0x16A20] =	vst v3;
	v3 =	vadd.f32 v11, v8;
	v11 =	vld [tilespmem:s6+$0x16A40]  }
0x4f3: {  	[tilespmem:s6+$0x12230] =	vst v5;
	v5 =	vadd.f32 v9, v8;
	v9 =	vld [tilespmem:s6+$0x1CA50]  }
0x4f4: {  	[tilespmem:s6+$0x13A30] =	vst v3;
	v3 =	vadd.f32 v63, v8;
	v8 =	vld [tilespmem:s6+$0x12250]  }
0x4f5: {  	[tilespmem:s6+$0x15230] =	vst v5;
	v5 =	vadd.f32 v7, v6;
	v7 =	vld [tilespmem:s6+$0x13A50]  }
0x4f6: {  	[tilespmem:s6+$0x16A30] =	vst v3;
	v3 =	vadd.f32 v4, v6;
	v4 =	vld [tilespmem:s6+$0x15250]  }
0x4f7: {  	[tilespmem:s6+$0x12240] =	vst v5;
	v5 =	vadd.f32 v10, v6;
	v10 =	vld [tilespmem:s6+$0x16A50]  }
0x4f8: {  	v6 =	vadd.f32 v11, v6;
	v11 =	vld [tilespmem:s6+$0x12260];
	[tilespmem:s6+$0x13A40] =	vst v3  }
0x4f9: {  	v3 =	vld [tilespmem:s6+$0x1CA60];
	[tilespmem:s6+$0x15240] =	vst v5;
	v5 =	vadd.f32 v8, v9  }
0x4fa: {  	[tilespmem:s6+$0x16A40] =	vst v6;
	v6 =	vadd.f32 v7, v9;
	v8 =	vld [tilespmem:s6+$0x13A60]  }
0x4fb: {  	[tilespmem:s6+$0x12250] =	vst v5;
	v4 =	vadd.f32 v4, v9;
	v5 =	vld [tilespmem:s6+$0x15260]  }
0x4fc: {  	[tilespmem:s6+$0x13A50] =	vst v6;
	v7 =	vadd.f32 v10, v9;
	v6 =	vld [tilespmem:s6+$0x16A60]  }
0x4fd: {  	[tilespmem:s6+$0x15250] =	vst v4;
	v4 =	vld [tilespmem:s6+$0x12270]  }
0x4fe: {  	s15 =	simm.s32 $0x0;
	s28 =	sadd.s32 $0x1000, s14;
	[tilespmem:s6+$0x16A50] =	vst v7;
	v9 =	vadd.f32 v11, v3;
	v7 =	vld [tilespmem:s6+$0x13A70]  }
.LBB2_31:
0x4ff: {  	s11 =	sshra.s32 s28, $0x2;
	v8 =	vadd.f32 v8, v3;
	v10 =	vld [tilespmem:s6+$0x15270]  }
0x500: {  	s15 =	sadd.s32 $0x8, s15;
	v11 =	vld [tilespmem:s11+$0x1CA70];
	[tilespmem:s6+$0x12260] =	vst v9;
	v5 =	vadd.f32 v5, v3  }
0x501: {  	p0 =	slt.u32 s15, $0x28;
	v9 =	vld [tilespmem:s11+$0x16A70];
	[tilespmem:s6+$0x13A60] =	vst v8;
	v3 =	vadd.f32 v6, v3  }
0x502: {  	v6 =	vld [tilespmem:s11+$0x1CA00];
	[tilespmem:s6+$0x15260] =	vst v5;
	v4 =	vadd.f32 v4, v2  }
0x503: {  	v5 =	vld [tilespmem:s11+$0x12200];
	[tilespmem:s6+$0x16A60] =	vst v3;
	v3 =	vadd.f32 v7, v2  }
0x504: {  	v7 =	vld [tilespmem:s11+$0x13A00];
	[tilespmem:s6+$0x12270] =	vst v4;
	v4 =	vadd.f32 v10, v2  }
0x505: {  	v8 =	vld [tilespmem:s11+$0x15200];
	[tilespmem:s6+$0x13A70] =	vst v3;
	v2 =	vmov v11  }
0x506: {  	v3 =	vld [tilespmem:s11+$0x16A00];
	v9 =	vadd.f32 v9, v2;
	[tilespmem:s6+$0x15270] =	vst v4;
	s6 =	smov.u32 s11  }
0x507: {  	v4 =	vld [tilespmem:s6+$0x1CA10]  }
0x508: {  	v5 =	vadd.f32 v5, v6;
	v10 =	vld [tilespmem:s6+$0x12210];
	[tilespmem:s6+$0x16A70] =	vst v9  }
0x509: {  	v7 =	vadd.f32 v7, v6;
	v9 =	vld [tilespmem:s6+$0x13A10]  }
0x50a: {  	[tilespmem:s6+$0x12200] =	vst v5;
	v5 =	vadd.f32 v8, v6;
	v8 =	vld [tilespmem:s6+$0x15210]  }
0x50b: {  	[tilespmem:s6+$0x13A00] =	vst v7;
	v3 =	vadd.f32 v3, v6;
	v6 =	vld [tilespmem:s6+$0x16A10]  }
0x50c: {  	[tilespmem:s6+$0x15200] =	vst v5;
	v5 =	vld [tilespmem:s6+$0x1CA20]  }
0x50d: {  	[tilespmem:s6+$0x16A00] =	vst v3;
	v3 =	vadd.f32 v10, v4;
	v7 =	vld [tilespmem:s6+$0x12220]  }
0x50e: {  	v9 =	vadd.f32 v9, v4;
	v10 =	vld [tilespmem:s6+$0x13A20]  }
0x50f: {  	[tilespmem:s6+$0x12210] =	vst v3;
	v3 =	vadd.f32 v8, v4;
	v8 =	vld [tilespmem:s6+$0x15220]  }
0x510: {  	[tilespmem:s6+$0x13A10] =	vst v9;
	v4 =	vadd.f32 v6, v4;
	v6 =	vld [tilespmem:s6+$0x16A20]  }
0x511: {  	[tilespmem:s6+$0x15210] =	vst v3;
	v3 =	vld [tilespmem:s6+$0x1CA30]  }
0x512: {  	[tilespmem:s6+$0x16A10] =	vst v4;
	v4 =	vadd.f32 v7, v5;
	v7 =	vld [tilespmem:s6+$0x12230]  }
0x513: {  	v9 =	vadd.f32 v10, v5;
	v10 =	vld [tilespmem:s6+$0x13A30]  }
0x514: {  	[tilespmem:s6+$0x12220] =	vst v4;
	v4 =	vadd.f32 v8, v5;
	v8 =	vld [tilespmem:s6+$0x15230]  }
0x515: {  	[tilespmem:s6+$0x13A20] =	vst v9;
	v5 =	vadd.f32 v6, v5;
	v6 =	vld [tilespmem:s6+$0x16A30]  }
0x516: {  	[tilespmem:s6+$0x15220] =	vst v4;
	v4 =	vld [tilespmem:s6+$0x1CA40]  }
0x517: {  	[tilespmem:s6+$0x16A20] =	vst v5;
	v5 =	vadd.f32 v7, v3;
	v7 =	vld [tilespmem:s6+$0x12240]  }
0x518: {  	v9 =	vadd.f32 v10, v3;
	v10 =	vld [tilespmem:s6+$0x13A40]  }
0x519: {  	[tilespmem:s6+$0x12230] =	vst v5;
	v5 =	vadd.f32 v8, v3;
	v8 =	vld [tilespmem:s6+$0x15240]  }
0x51a: {  	[tilespmem:s6+$0x13A30] =	vst v9;
	v3 =	vadd.f32 v6, v3;
	v6 =	vld [tilespmem:s6+$0x16A40]  }
0x51b: {  	[tilespmem:s6+$0x15230] =	vst v5;
	v9 =	vld [tilespmem:s6+$0x1CA50]  }
0x51c: {  	[tilespmem:s6+$0x16A30] =	vst v3;
	v3 =	vadd.f32 v7, v4;
	v5 =	vld [tilespmem:s6+$0x12250]  }
0x51d: {  	v7 =	vadd.f32 v10, v4;
	v10 =	vld [tilespmem:s6+$0x13A50]  }
0x51e: {  	[tilespmem:s6+$0x12240] =	vst v3;
	v3 =	vadd.f32 v8, v4;
	v11 =	vld [tilespmem:s6+$0x15250]  }
0x51f: {  	[tilespmem:s6+$0x13A40] =	vst v7;
	v4 =	vadd.f32 v6, v4;
	v6 =	vld [tilespmem:s6+$0x16A50]  }
0x520: {  	[tilespmem:s6+$0x15240] =	vst v3;
	v3 =	vld [tilespmem:s6+$0x1CA60]  }
0x521: {  	[tilespmem:s6+$0x16A40] =	vst v4;
	v4 =	vadd.f32 v5, v9;
	v7 =	vld [tilespmem:s6+$0x12260]  }
.Ltmp14:
0x522: {  	v10 =	vadd.f32 v10, v9;
	v8 =	vld [tilespmem:s6+$0x13A60];
	(pc) =	sbr.rel @p0 .LBB2_31-.Ltmp14, $4  }
0x523: {  	[tilespmem:s6+$0x12250] =	vst v4;
	v4 =	vadd.f32 v11, v9;
	v5 =	vld [tilespmem:s6+$0x15260]  }
0x524: {  	[tilespmem:s6+$0x13A50] =	vst v10;
	v9 =	vadd.f32 v6, v9;
	v6 =	vld [tilespmem:s6+$0x16A60]  }
0x525: {  	[tilespmem:s6+$0x15250] =	vst v4;
	v4 =	vld [tilespmem:s6+$0x12270]  }
0x526: {  	s28 =	sadd.s32 $0x1000, s28;
	[tilespmem:s6+$0x16A50] =	vst v9;
	v9 =	vadd.f32 v7, v3;
	v7 =	vld [tilespmem:s6+$0x13A70]  }
0x527: {  	v8 =	vadd.f32 v8, v3;
	v10 =	vld [tilespmem:s6+$0x15270]  }
0x528: {  	s25 =	sadd.s32 $0x1, s25;
	[tilespmem:s6+$0x12260] =	vst v9;
	v5 =	vadd.f32 v5, v3  }
0x529: {  	p0 =	sne.s32 s25, $0x8;
	[tilespmem:s6+$0x13A60] =	vst v8;
	v3 =	vadd.f32 v6, v3  }
.Ltmp15:
0x52a: {  	[tilespmem:s6+$0x15260] =	vst v5;
	v4 =	vadd.f32 v4, v2;
	(pc) =	sbr.rel @p0 .LBB2_30-.Ltmp15, $4  }
0x52b: {  	[tilespmem:s6+$0x16A60] =	vst v3;
	v3 =	vadd.f32 v7, v2  }
0x52c: {  	[tilespmem:s6+$0x12270] =	vst v4;
	v2 =	vadd.f32 v10, v2  }
0x52d: {  	[tilespmem:s6+$0x13A70] =	vst v3  }
0x52e: {  	s14 =	sadd.s32 $0x200, s14;
	[tilespmem:s6+$0x15270] =	vst v2  }
0x52f: {  	s6 =	rddreg [dreg:$0x17]  }
0x530: {  	[hbm4b:s6+s16] =	stream.strided.scatter [tilespmem:s17], [sflag:$0x2], $0x6000, s10, s16, $0x38;
	[tilespmem:$0x1E200] =	vst v63  }
0x531: {  	_ =	swait.ge [sflag:s23], $0x6000  }
0x532: {  	[sflag:s23] =	ssyncset.done $0x0  }
0x533: {  	[sflag:s23] =	ssyncadd.s32 $0xFFFFA000  }
0x534: {  	_ =	swait.ge [sflag:s23], $0x6000  }
0x535: {  	[sflag:s23] =	ssyncset.done $0x0  }
0x536: {  	[sflag:s23] =	ssyncadd.s32 $0xFFFFA000  }
0x537: {  	_ =	swait.ge [sflag:s23], $0x6000  }
0x538: {  	[sflag:s23] =	ssyncset.done $0x0  }
0x539: {  	[sflag:s23] =	ssyncadd.s32 $0xFFFFA000  }
0x53a: {  	_ =	swait.ge [sflag:s23], $0x6000  }
0x53b: {  	s9 =	sadd.s32 $0x1, s9;
	s28 =	rddreg [dreg:$0x18]  }
0x53c: {  	p0 =	sne.s32 s9, s28  }
.Ltmp16:
0x53d: {  	_ = 	snop;
	(pc) =	sbr.rel @p0 .LBB2_1-.Ltmp16, $3  }
0x53e: {  	_ =	sdelay $0x1  }
0x53f: {  	[sflag:s23] =	ssyncset.done $0x0  }
0x540: {  	[sflag:s23] =	ssyncadd.s32 $0xFFFFA000  }
0x541: {  	_ =	sfence.sel $0x180000  }
0x542: {  	[bflag:$0x0] =	sbarrier.arrive $0xFFFF  }
0x543: {  	_ =	strace $0x90000047  }
0x544: {  	s0 =	stileid.u32;
	[bflag:$0x2] =	sbarrier.arrive $0xFFFF  }
0x545: {  	p0 =	sne.s32 s0, $0x0;
	s0 =	rddreg [dreg:$0x4]  }
0x546: {  	s0 =	sadd.s32 @!p0 $0x100000, s0  }
0x547: {  	[sflag:s0] =	ssyncadd.tile.s32 @!p0 $0x1;
	_ =	shalt  }
.Lfunc_end2:
_tile_overlayer_lowered:
.L_overlay_start_2:
0x548: {  	(tag) =	ssettag $0x2  }
0x549: {  	s0 =	rddreg [dreg:$0x0];
	s2 =	stileid.u32  }
0x54a: {  	s1 =	rddreg [dreg:$0x1];
	p0 =	sne.s32 s2, $0x0  }
0x54b: {  	s3 =	rddreg [dreg:$0x2];
	[bflag:$0x3] =	sbarrier.arrive $0xFFFF;
	s2 =	simm.s32 @!p0 $0x1C03  }
0x54c: {  	[timem:s3], [sflag:s2] =	dma.local @!p0 [hbm:s0], s1  }
0x54d: {  	s0 =	simm.s32 @!p0 $0x3  }
0x54e: {  	_ =	swait.ge @!p0 [sflag:s0], s1  }
0x54f: {  	s1 =	ssub.s32 @!p0 $0x0, s1;
	[sflag:s0] =	ssyncset.done @!p0 $0x0  }
0x550: {  	[sflag:s0] =	ssyncadd.s32 @!p0 s1  }
0x551: {  	[bflag:$0x3] =	sbarrier.arrive $0xFFFF  }
0x552: {  	_ =	shalt  }

</sc_bundles>
